<compile_context>
chip_gen: v7x
topology: tpu7x:2x2x1
jax: 0.10.2.dev20260603
libtpu: 0.0.44.dev20260713+nightly
codegen_flags: <defaults>
</compile_context>

<pallas_src>
import functools

import numpy as np
import jax
import jax.numpy as jnp
from jax import lax
from jax.experimental import pallas as pl
from jax.experimental.pallas import tpu as pltpu
from jax.experimental.pallas import tpu_sc as plsc

D = 256
HF = 128
_HIGH = jax.lax.Precision.HIGHEST

_Feye = np.fft.rfft(np.eye(D), axis=-1)
_H_NP = np.concatenate([_Feye.real, _Feye.imag[:, 1:HF]], axis=1).astype(np.float32)


def _unpack_np(p):
    re = p[..., 0:HF + 1]
    z = np.zeros(p.shape[:-1] + (1,))
    im = np.concatenate([z, p[..., HF + 1:D], z], axis=-1)
    return re + 1j * im


_G_NP = np.fft.irfft(_unpack_np(np.eye(D)), n=D, axis=-1).astype(np.float32)
_M_NP = (np.arange(HF) != 0).astype(np.float32)

NC = 2
NS = 16
NW = NC * NS


def _pack_bf16_pair(a, b):
    ua = jax.lax.bitcast_convert_type(a, jnp.uint32)
    ub = jax.lax.bitcast_convert_type(b, jnp.uint32)
    ra = (ua + jnp.uint32(0x7FFF) + ((ua >> 16) & jnp.uint32(1)))
    rb = (ub + jnp.uint32(0x7FFF) + ((ub >> 16) & jnp.uint32(1)))
    w = (ra & jnp.uint32(0xFFFF0000)) | (rb >> 16)
    return jax.lax.bitcast_convert_type(w, jnp.int32)


def _unpack_bf16_pair(w):
    uw = jax.lax.bitcast_convert_type(w, jnp.uint32)
    a = jax.lax.bitcast_convert_type(uw & jnp.uint32(0xFFFF0000), jnp.float32)
    b = jax.lax.bitcast_convert_type(uw << 16, jnp.float32)
    return a, b


def _prep_body(x_ref, pel_ref, fxa_ref, xloop_ref):
    xw = jnp.dot(x_ref[...], pel_ref[...], precision=_HIGH,
                 preferred_element_type=jnp.float32)
    fxa_ref[...] = _pack_bf16_pair(xw[:, :HF], xw[:, HF:D])
    xloop_ref[...] = xw[:, D:]


def _rel_body(rel_ref, prw_ref, frb_ref, relout_ref):
    rw = jnp.dot(rel_ref[...], prw_ref[...], precision=_HIGH,
                 preferred_element_type=jnp.float32)
    frb_ref[...] = _pack_bf16_pair(rw[:, :HF], rw[:, HF:D])
    relout_ref[...] = rw[:, D:]


GCH = 40


NB = 5


def _gather_body(fxa_hbm, frb_hbm, src_hbm, et_hbm, ga_hbm, gb_hbm,
                 src_v, et_v, *bufs, e_per_w, eoff):
    ra = bufs[0:NB]
    rb = bufs[NB:2 * NB]
    gsa = bufs[2 * NB:3 * NB]
    gsb = bufs[3 * NB:4 * NB]
    wsa = bufs[4 * NB:5 * NB]
    wsb = bufs[5 * NB:6 * NB]
    wid = lax.axis_index("s") * NC + lax.axis_index("c")
    base = wid * e_per_w
    nch = e_per_w // GCH
    pltpu.sync_copy(src_hbm.at[pl.ds(eoff + base, e_per_w)], src_v)
    pltpu.sync_copy(et_hbm.at[pl.ds(eoff + base, e_per_w)], et_v)

    def issue_gather(c, b):
        sl = pl.ds(c * GCH, GCH)
        pltpu.async_copy(fxa_hbm.at[src_v.at[sl]], ra[b], gsa[b])
        pltpu.async_copy(frb_hbm.at[et_v.at[sl]], rb[b], gsb[b])

    def wait_gather(c, b):
        sl = pl.ds(c * GCH, GCH)
        pltpu.make_async_copy(fxa_hbm.at[src_v.at[sl]], ra[b], gsa[b]).wait()
        pltpu.make_async_copy(frb_hbm.at[et_v.at[sl]], rb[b], gsb[b]).wait()

    def issue_write(c, b):
        sl = pl.ds(base + c * GCH, GCH)
        pltpu.async_copy(ra[b], ga_hbm.at[sl], wsa[b])
        pltpu.async_copy(rb[b], gb_hbm.at[sl], wsb[b])

    def drain_write(b):
        sl = pl.ds(base, GCH)
        pltpu.make_async_copy(ra[b], ga_hbm.at[sl], wsa[b]).wait()
        pltpu.make_async_copy(rb[b], gb_hbm.at[sl], wsb[b]).wait()

    for b in range(NB):
        issue_gather(b, b)

    def group(g, carry):
        c0 = g * NB
        for b in range(NB):
            wait_gather(c0 + b, b)
            issue_write(c0 + b, b)
        for b in range(NB):
            drain_write(b)

            @pl.when(c0 + NB + b < nch)
            def _():
                issue_gather(c0 + NB + b, b)

        return carry

    lax.fori_loop(0, nch // NB, group, 0)


def _edge_body(time_ref, ga_ref, gb_ref, norm_ref, whi_ref, wlo_ref,
               cst_ref, out_ref):
    th = time_ref[...].astype(jnp.bfloat16)
    dot16 = functools.partial(jnp.dot, preferred_element_type=jnp.float32)
    tf = dot16(th, whi_ref[...]) + dot16(th, wlo_ref[...])
    cst = cst_ref[...]
    gal, gah = _unpack_bf16_pair(ga_ref[...])
    gbl, gbh = _unpack_bf16_pair(gb_ref[...])
    ul = gal + tf[:, 0:HF] + cst[:, 0:HF]
    uh = gah + tf[:, HF:D] + cst[:, HF:D]
    vl = gbl + tf[:, D:D + HF] + cst[:, D:D + HF]
    vh = gbh + tf[:, D + HF:] + cst[:, D + HF:]
    s_lo = ul * vl
    s_hi = uh * vh
    lane = lax.broadcasted_iota(jnp.int32, (1, HF), 1)
    m = lane != 0
    p_lo = s_lo + jnp.where(m, s_hi, 0.0)
    p_hi = jnp.where(m, ul * vh - uh * vl, s_hi)
    out_ref[...] = jnp.concatenate([p_lo, p_hi], axis=1) * norm_ref[...]


SCH = 40


def _scatter_body(p_hbm, dst_hbm, zero_hbm, out_hbm, *bufs,
                  e_per_s, n_rows, eoff):
    dv = bufs[0:NB]
    rv = bufs[NB:2 * NB]
    dsem = bufs[2 * NB:3 * NB]
    psem = bufs[3 * NB:4 * NB]
    shared = bufs[4 * NB]
    c = lax.axis_index("c")
    s = lax.axis_index("s")
    rows_per_s = n_rows // NS
    nch = e_per_s // SCH
    pltpu.sync_copy(zero_hbm, shared.at[pl.ds(s * rows_per_s, rows_per_s)])
    plsc.subcore_barrier()

    def issue_load(g, b):
        e0 = s * e_per_s + g * SCH
        pltpu.async_copy(dst_hbm.at[pl.ds(eoff + e0, SCH)], dv[b], dsem[b])
        pltpu.async_copy(p_hbm.at[pl.ds(e0, SCH), pl.ds(c * HF, HF)],
                         rv[b], psem[b])

    def do_chunk(g, b):
        e0 = s * e_per_s + g * SCH
        pltpu.make_async_copy(dst_hbm.at[pl.ds(eoff + e0, SCH)], dv[b],
                              dsem[b]).wait()
        pltpu.make_async_copy(p_hbm.at[pl.ds(e0, SCH), pl.ds(c * HF, HF)],
                              rv[b], psem[b]).wait()
        pltpu.sync_copy(rv[b], shared.at[dv[b]], add=True)

    for b in range(NB):
        issue_load(b, b)

    def group(g, carry):
        c0 = g * NB
        for b in range(NB):
            do_chunk(c0 + b, b)

            @pl.when(c0 + NB + b < nch)
            def _():
                issue_load(c0 + NB + b, b)

        return carry

    lax.fori_loop(0, nch // NB, group, 0)
    plsc.subcore_barrier()
    pltpu.sync_copy(shared.at[pl.ds(s * rows_per_s, rows_per_s)],
                    out_hbm.at[pl.ds(s * rows_per_s, rows_per_s),
                               pl.ds(c * HF, HF)])


def _post_body(h1_ref, h2_ref, xloop_ref, a_ref, pre_ref):
    h = h1_ref[...] + h2_ref[...]
    pre_ref[...] = jnp.dot(h, a_ref[...], precision=_HIGH,
                           preferred_element_type=jnp.float32) + xloop_ref[...]


def _bn_body(pre_ref, gamma_ref, beta_ref, out_ref):
    pre = pre_ref[...]
    n = pre.shape[0]
    mean = jnp.sum(pre, axis=0, keepdims=True) / n
    cen = pre - mean
    var = jnp.sum(cen * cen, axis=0, keepdims=True) / n
    out = cen * lax.rsqrt(var + 1e-5) * gamma_ref[...] + beta_ref[...]
    out_ref[...] = jnp.maximum(out, 0.0)


def kernel(x, rel_repr, edge_index, edge_type, edge_norm, time_emd,
           in_w, loop_w, w_rel, loop_rel, W_e, b_e, W_r, b_r, gamma, beta):
    N, _ = x.shape
    R, _ = rel_repr.shape
    E = edge_type.shape[0]
    src = edge_index[0]
    dst = edge_index[1]

    H = jnp.asarray(_H_NP)
    G = jnp.asarray(_G_NP)
    dot = functools.partial(jnp.dot, precision=_HIGH,
                            preferred_element_type=jnp.float32)
    P_e = dot(W_e[:D], H)
    Ce = dot(W_e[D:], H)
    P_r = dot(W_r[:D], H)
    Cr = dot(W_r[D:], H)
    cst = jnp.concatenate([dot(b_e, H), dot(b_r, H)]).reshape(1, 2 * D)
    A = dot(G, in_w) * 0.5
    v = dot(loop_rel, H)[0]
    va, vb = v[:HF], v[HF:]
    m = jnp.asarray(_M_NP)
    Dv = jnp.concatenate(
        [jnp.concatenate([jnp.diag(va), jnp.diag(m * vb)], axis=1),
         jnp.concatenate([jnp.diag(m * vb), jnp.diag((1 - m) * vb - m * va)],
                         axis=1)], axis=0)
    Lc = dot(H, dot(Dv, dot(G, loop_w))) * 0.5
    PeL = jnp.concatenate([P_e, Lc], axis=1)
    PrW = jnp.concatenate([P_r, w_rel], axis=1)
    CeCr = jnp.concatenate([Ce, Cr], axis=1)

    f32 = jnp.float32
    BN = 2000
    fxa, xloop = pl.pallas_call(
        _prep_body,
        grid=(N // BN,),
        in_specs=[pl.BlockSpec((BN, D), lambda i: (i, 0)),
                  pl.BlockSpec((D, 2 * D), lambda i: (0, 0))],
        out_specs=[pl.BlockSpec((BN, HF), lambda i: (i, 0)),
                   pl.BlockSpec((BN, D), lambda i: (i, 0))],
        out_shape=[jax.ShapeDtypeStruct((N, HF), jnp.int32),
                   jax.ShapeDtypeStruct((N, D), f32)],
    )(x, PeL)
    frb, rel_out = pl.pallas_call(
        _rel_body,
        out_shape=[jax.ShapeDtypeStruct((R, HF), jnp.int32),
                   jax.ShapeDtypeStruct((R, D), f32)],
    )(rel_repr, PrW)

    E1 = 70400
    halves = [(0, E1), (E1, E - E1)]
    BE = 3200
    npad = ((N + 8 * NS - 1) // (8 * NS)) * (8 * NS)
    zero = jnp.zeros((npad // NS, HF), f32)
    cecr_hi = CeCr.astype(jnp.bfloat16)
    cecr_lo = (CeCr - cecr_hi.astype(f32)).astype(jnp.bfloat16)
    norm2d = edge_norm.reshape(E, 1)
    mesh = plsc.VectorSubcoreMesh(core_axis_name="c", subcore_axis_name="s")

    gas, gbs, hs = [], [], []
    for eoff, esz in halves:
        e_per_w = esz // NW
        gather = functools.partial(
            pl.kernel,
            mesh=mesh,
            out_type=[jax.ShapeDtypeStruct((esz, HF), jnp.int32),
                      jax.ShapeDtypeStruct((esz, HF), jnp.int32)],
            scratch_types=[pltpu.VMEM((e_per_w,), jnp.int32),
                           pltpu.VMEM((e_per_w,), jnp.int32)]
                          + [pltpu.VMEM((GCH, HF), jnp.int32)] * (2 * NB)
                          + [pltpu.SemaphoreType.DMA] * (4 * NB),
        )(functools.partial(_gather_body, e_per_w=e_per_w, eoff=eoff))
        ga, gb = gather(fxa, frb, src, edge_type)
        gas.append(ga)
        gbs.append(gb)

    ps = []
    for k, (eoff, esz) in enumerate(halves):
        offb = eoff // BE
        P = pl.pallas_call(
            _edge_body,
            grid=(esz // BE,),
            in_specs=[
                pl.BlockSpec((BE, D), lambda i, o=offb: (i + o, 0)),
                pl.BlockSpec((BE, HF), lambda i: (i, 0)),
                pl.BlockSpec((BE, HF), lambda i: (i, 0)),
                pl.BlockSpec((BE, 1), lambda i, o=offb: (i + o, 0)),
                pl.BlockSpec((D, 2 * D), lambda i: (0, 0)),
                pl.BlockSpec((D, 2 * D), lambda i: (0, 0)),
                pl.BlockSpec((1, 2 * D), lambda i: (0, 0)),
            ],
            out_specs=pl.BlockSpec((BE, D), lambda i: (i, 0)),
            out_shape=jax.ShapeDtypeStruct((esz, D), f32),
        )(time_emd, gas[k], gbs[k], norm2d, cecr_hi, cecr_lo, cst)
        ps.append(P)

    for k, (eoff, esz) in enumerate(halves):
        e_per_s = esz // NS
        scatter = functools.partial(
            pl.kernel,
            mesh=mesh,
            out_type=jax.ShapeDtypeStruct((npad, D), f32),
            scratch_types=[pltpu.VMEM((SCH,), jnp.int32)] * NB
                          + [pltpu.VMEM((SCH, HF), f32)] * NB
                          + [pltpu.SemaphoreType.DMA] * (2 * NB)
                          + [pltpu.VMEM_SHARED((npad, HF), f32)],
        )(functools.partial(_scatter_body, e_per_s=e_per_s, n_rows=npad,
                            eoff=eoff))
        hs.append(scatter(ps[k], dst, zero))

    pre = pl.pallas_call(
        _post_body,
        grid=(N // BN,),
        in_specs=[pl.BlockSpec((BN, D), lambda i: (i, 0)),
                  pl.BlockSpec((BN, D), lambda i: (i, 0)),
                  pl.BlockSpec((BN, D), lambda i: (i, 0)),
                  pl.BlockSpec((D, D), lambda i: (0, 0))],
        out_specs=pl.BlockSpec((BN, D), lambda i: (i, 0)),
        out_shape=jax.ShapeDtypeStruct((N, D), f32),
    )(hs[0], hs[1], xloop, A)
    BC = 128
    out = pl.pallas_call(
        _bn_body,
        grid=(D // BC,),
        in_specs=[pl.BlockSpec((N, BC), lambda j: (0, j)),
                  pl.BlockSpec((1, BC), lambda j: (0, j)),
                  pl.BlockSpec((1, BC), lambda j: (0, j))],
        out_specs=pl.BlockSpec((N, BC), lambda j: (0, j)),
        out_shape=jax.ShapeDtypeStruct((N, D), f32),
    )(pre, gamma.reshape(1, D), beta.reshape(1, D))

    return out, rel_out

# --- scband reference (transcript-rebuilt; emitter-appended) ---
"""Pipeline reference for scband-comp-gcncov-25477746000401 (READ-ONLY COPY).

The authoritative reference and input builder live on the scoring server;
editing this copy changes nothing except your own understanding.
"""

import jax, jax.numpy as jnp
import numpy as np

N = 10000
E = 160000
D = 256
DO = 256
R = 400

def _ccorr(a, b):
    # circular correlation: irfft(conj(rfft(a)) * rfft(b))
    fa = jnp.fft.rfft(a, axis=-1)
    fb = jnp.fft.rfft(b, axis=-1)
    return jnp.fft.irfft(jnp.conj(fa) * fb, n=a.shape[-1], axis=-1)

def setup_inputs(seed: int = 0):
    key = jax.random.key(seed)
    k = lambda i: jax.random.fold_in(key, i)
    x = jax.random.normal(k(0), (N, D), jnp.float32)
    rel_repr = jax.random.normal(k(1), (R, D), jnp.float32)
    edge_index = jax.random.randint(k(2), (2, E), 0, N, jnp.int32)
    edge_type = jax.random.randint(k(3), (E,), 0, R, jnp.int32)
    edge_norm = jax.random.uniform(k(4), (E,), jnp.float32)
    time_emd = jax.random.normal(k(5), (E, D), jnp.float32)
    s = 1.0 / np.sqrt(D)
    in_w = jax.random.normal(k(6), (D, DO), jnp.float32) * s
    loop_w = jax.random.normal(k(7), (D, DO), jnp.float32) * s
    w_rel = jax.random.normal(k(8), (D, DO), jnp.float32) * s
    loop_rel = jax.random.normal(k(9), (1, D), jnp.float32) * s
    s2 = 1.0 / np.sqrt(2 * D)
    W_e = jax.random.normal(k(10), (2 * D, D), jnp.float32) * s2
    b_e = jnp.zeros((D,), jnp.float32)
    W_r = jax.random.normal(k(11), (2 * D, D), jnp.float32) * s2
    b_r = jnp.zeros((D,), jnp.float32)
    gamma = jnp.ones((DO,), jnp.float32)
    beta = jnp.zeros((DO,), jnp.float32)
    return {"x": x, "rel_repr": rel_repr, "edge_index": edge_index, "edge_type": edge_type,
            "edge_norm": edge_norm, "time_emd": time_emd, "in_w": in_w, "loop_w": loop_w,
            "w_rel": w_rel, "loop_rel": loop_rel, "W_e": W_e, "b_e": b_e, "W_r": W_r,
            "b_r": b_r, "gamma": gamma, "beta": beta}

def reference(x, rel_repr, edge_index, edge_type, edge_norm, time_emd,
              in_w, loop_w, w_rel, loop_rel, W_e, b_e, W_r, b_r, gamma, beta):
    src = edge_index[0]
    dst = edge_index[1]
    # message_func
    rel_emd = rel_repr[edge_type]
    head = jnp.concatenate([x[src], time_emd], axis=-1) @ W_e + b_e
    rele = jnp.concatenate([rel_emd, time_emd], axis=-1) @ W_r + b_r
    msg = _ccorr(head, rele) @ in_w
    msg = msg * edge_norm[:, None]
    # fn.sum aggregation + reduce_func (dropout in eval mode = identity, then /2)
    h = jax.ops.segment_sum(msg, dst, num_segments=x.shape[0]) / 2.0
    # self-loop term
    loop = (_ccorr(x, jnp.broadcast_to(loop_rel, x.shape)) @ loop_w) / 2.0
    out = h + loop
    # BatchNorm1d in training mode (batch statistics, biased variance, eps=1e-5)
    mean = jnp.mean(out, axis=0)
    var = jnp.var(out, axis=0)
    out = (out - mean) / jnp.sqrt(var + 1e-5) * gamma + beta
    return (jax.nn.relu(out), rel_repr @ w_rel)

if __name__ == "__main__":
    import jax
    _d = setup_inputs()
    print(jax.jit(kernel)(*tuple(_d.values())))

</pallas_src>

<mosaic_0001>
#map = affine_map<(d0, d1) -> (0, 0)>
#map1 = affine_map<(d0, d1) -> (0)>
module attributes {stable_mosaic.version = 14 : i64} {
  func.func @_scatter_body(%arg0: i32, %arg1: i32, %arg2: memref<89600x256xf32, #tpu.memory_space<hbm>>, %arg3: memref<160000xi32, #tpu.memory_space<hbm>>, %arg4: memref<632x128xf32, #tpu.memory_space<hbm>>, %arg5: memref<10112x256xf32, #tpu.memory_space<hbm>>, %arg6: memref<40xi32, #tpu.memory_space<vmem>>, %arg7: memref<40xi32, #tpu.memory_space<vmem>>, %arg8: memref<40xi32, #tpu.memory_space<vmem>>, %arg9: memref<40xi32, #tpu.memory_space<vmem>>, %arg10: memref<40xi32, #tpu.memory_space<vmem>>, %arg11: memref<40x128xf32, #tpu.memory_space<vmem>>, %arg12: memref<40x128xf32, #tpu.memory_space<vmem>>, %arg13: memref<40x128xf32, #tpu.memory_space<vmem>>, %arg14: memref<40x128xf32, #tpu.memory_space<vmem>>, %arg15: memref<40x128xf32, #tpu.memory_space<vmem>>, %arg16: memref<!tpu.dma_semaphore, #tpu.memory_space<semaphore_mem>>, %arg17: memref<!tpu.dma_semaphore, #tpu.memory_space<semaphore_mem>>, %arg18: memref<!tpu.dma_semaphore, #tpu.memory_space<semaphore_mem>>, %arg19: memref<!tpu.dma_semaphore, #tpu.memory_space<semaphore_mem>>, %arg20: memref<!tpu.dma_semaphore, #tpu.memory_space<semaphore_mem>>, %arg21: memref<!tpu.dma_semaphore, #tpu.memory_space<semaphore_mem>>, %arg22: memref<!tpu.dma_semaphore, #tpu.memory_space<semaphore_mem>>, %arg23: memref<!tpu.dma_semaphore, #tpu.memory_space<semaphore_mem>>, %arg24: memref<!tpu.dma_semaphore, #tpu.memory_space<semaphore_mem>>, %arg25: memref<!tpu.dma_semaphore, #tpu.memory_space<semaphore_mem>>, %arg26: memref<10112x128xf32, #tpu.memory_space<vmem_shared>>) attributes {dimension_semantics = [#tpu.dimension_semantics<core_parallel>, #tpu.dimension_semantics<subcore_parallel>], iteration_bounds = array<i64: 2, 16>, scalar_prefetch = 0 : i64, scratch_operands = 21 : i64, tpu.core_type = #tpu.core_type<sc_vector_subcore>, window_params = [{transform_indices = #map}, {transform_indices = #map1}, {transform_indices = #map}, {transform_indices = #map}]} {
    %mul3A = arith.constant 632 : i32
    %mul3A_0 = arith.muli %arg1, %mul3A : i32
    "tpu.region"() ({
      %run_scoped3A = tpu.sem_alloc : memref<!tpu.dma_semaphore, #tpu.memory_space<semaphore_mem>>
      %dma_start3A_71 = arith.constant 0 : i32
      %dma_start3A_72 = tpu.memref_slice %arg26[%mul3A_0, %dma_start3A_71] : memref<10112x128xf32, #tpu.memory_space<vmem_shared>> -> memref<632x128xf32, #tpu.memory_space<vmem_shared>>
      tpu.enqueue_dma source(%arg4 : memref<632x128xf32, #tpu.memory_space<hbm>>) target(%dma_start3A_72 : memref<632x128xf32, #tpu.memory_space<vmem_shared>>) target_semaphore(%run_scoped3A : memref<!tpu.dma_semaphore, #tpu.memory_space<semaphore_mem>>)
      %dma_wait3A = arith.constant 0 : i32
      %dma_wait3A_73 = tpu.memref_slice %arg26[%mul3A_0, %dma_wait3A] : memref<10112x128xf32, #tpu.memory_space<vmem_shared>> -> memref<632x128xf32, #tpu.memory_space<vmem_shared>>
      tpu.wait_dma2 semaphore(%run_scoped3A : memref<!tpu.dma_semaphore, #tpu.memory_space<semaphore_mem>>) src(%arg4 : memref<632x128xf32, #tpu.memory_space<hbm>>) dst(%dma_wait3A_73 : memref<632x128xf32, #tpu.memory_space<vmem_shared>>)
      tpu.yield
    }) : () -> ()
    %barrier3A = arith.constant 0 : index
    tpu.barrier barrier_id(%barrier3A)
    %mul3A_1 = arith.constant 5600 : i32
    %mul3A_2 = arith.muli %arg1, %mul3A_1 : i32
    %add3A = arith.constant 0 : i32
    %add3A_3 = arith.addi %mul3A_2, %add3A : i32
    %add3A_4 = arith.constant 70400 : i32
    %add3A_5 = arith.addi %add3A_4, %add3A_3 : i32
    %dma_start3A = tpu.memref_slice %arg3[%add3A_5] : memref<160000xi32, #tpu.memory_space<hbm>> -> memref<40xi32, #tpu.memory_space<hbm>>
    %dma_start3A_6 = tpu.memref_slice %arg3[%add3A_5] : memref<160000xi32, #tpu.memory_space<hbm>> -> memref<40xi32, #tpu.memory_space<hbm>>
    tpu.enqueue_dma source(%dma_start3A_6 : memref<40xi32, #tpu.memory_space<hbm>>) target(%arg6 : memref<40xi32, #tpu.memory_space<vmem>>) target_semaphore(%arg16 : memref<!tpu.dma_semaphore, #tpu.memory_space<semaphore_mem>>)
    %mul3A_7 = arith.constant 128 : i32
    %mul3A_8 = arith.muli %arg0, %mul3A_7 : i32
    %dma_start3A_9 = tpu.memref_slice %arg2[%add3A_3, %mul3A_8] : memref<89600x256xf32, #tpu.memory_space<hbm>> -> memref<40x128xf32, #tpu.memory_space<hbm>>
    %dma_start3A_10 = tpu.memref_slice %arg2[%add3A_3, %mul3A_8] : memref<89600x256xf32, #tpu.memory_space<hbm>> -> memref<40x128xf32, #tpu.memory_space<hbm>>
    tpu.enqueue_dma source(%dma_start3A_10 : memref<40x128xf32, #tpu.memory_space<hbm>>) target(%arg11 : memref<40x128xf32, #tpu.memory_space<vmem>>) target_semaphore(%arg21 : memref<!tpu.dma_semaphore, #tpu.memory_space<semaphore_mem>>)
    %mul3A_11 = arith.constant 5600 : i32
    %mul3A_12 = arith.muli %arg1, %mul3A_11 : i32
    %add3A_13 = arith.constant 40 : i32
    %add3A_14 = arith.addi %mul3A_12, %add3A_13 : i32
    %add3A_15 = arith.constant 70400 : i32
    %add3A_16 = arith.addi %add3A_15, %add3A_14 : i32
    %dma_start3A_17 = tpu.memref_slice %arg3[%add3A_16] : memref<160000xi32, #tpu.memory_space<hbm>> -> memref<40xi32, #tpu.memory_space<hbm>>
    %dma_start3A_18 = tpu.memref_slice %arg3[%add3A_16] : memref<160000xi32, #tpu.memory_space<hbm>> -> memref<40xi32, #tpu.memory_space<hbm>>
    tpu.enqueue_dma source(%dma_start3A_18 : memref<40xi32, #tpu.memory_space<hbm>>) target(%arg7 : memref<40xi32, #tpu.memory_space<vmem>>) target_semaphore(%arg17 : memref<!tpu.dma_semaphore, #tpu.memory_space<semaphore_mem>>)
    %mul3A_19 = arith.constant 128 : i32
    %mul3A_20 = arith.muli %arg0, %mul3A_19 : i32
    %dma_start3A_21 = tpu.memref_slice %arg2[%add3A_14, %mul3A_20] : memref<89600x256xf32, #tpu.memory_space<hbm>> -> memref<40x128xf32, #tpu.memory_space<hbm>>
    %dma_start3A_22 = tpu.memref_slice %arg2[%add3A_14, %mul3A_20] : memref<89600x256xf32, #tpu.memory_space<hbm>> -> memref<40x128xf32, #tpu.memory_space<hbm>>
    tpu.enqueue_dma source(%dma_start3A_22 : memref<40x128xf32, #tpu.memory_space<hbm>>) target(%arg12 : memref<40x128xf32, #tpu.memory_space<vmem>>) target_semaphore(%arg22 : memref<!tpu.dma_semaphore, #tpu.memory_space<semaphore_mem>>)
    %mul3A_23 = arith.constant 5600 : i32
    %mul3A_24 = arith.muli %arg1, %mul3A_23 : i32
    %add3A_25 = arith.constant 80 : i32
    %add3A_26 = arith.addi %mul3A_24, %add3A_25 : i32
    %add3A_27 = arith.constant 70400 : i32
    %add3A_28 = arith.addi %add3A_27, %add3A_26 : i32
    %dma_start3A_29 = tpu.memref_slice %arg3[%add3A_28] : memref<160000xi32, #tpu.memory_space<hbm>> -> memref<40xi32, #tpu.memory_space<hbm>>
    %dma_start3A_30 = tpu.memref_slice %arg3[%add3A_28] : memref<160000xi32, #tpu.memory_space<hbm>> -> memref<40xi32, #tpu.memory_space<hbm>>
    tpu.enqueue_dma source(%dma_start3A_30 : memref<40xi32, #tpu.memory_space<hbm>>) target(%arg8 : memref<40xi32, #tpu.memory_space<vmem>>) target_semaphore(%arg18 : memref<!tpu.dma_semaphore, #tpu.memory_space<semaphore_mem>>)
    %mul3A_31 = arith.constant 128 : i32
    %mul3A_32 = arith.muli %arg0, %mul3A_31 : i32
    %dma_start3A_33 = tpu.memref_slice %arg2[%add3A_26, %mul3A_32] : memref<89600x256xf32, #tpu.memory_space<hbm>> -> memref<40x128xf32, #tpu.memory_space<hbm>>
    %dma_start3A_34 = tpu.memref_slice %arg2[%add3A_26, %mul3A_32] : memref<89600x256xf32, #tpu.memory_space<hbm>> -> memref<40x128xf32, #tpu.memory_space<hbm>>
    tpu.enqueue_dma source(%dma_start3A_34 : memref<40x128xf32, #tpu.memory_space<hbm>>) target(%arg13 : memref<40x128xf32, #tpu.memory_space<vmem>>) target_semaphore(%arg23 : memref<!tpu.dma_semaphore, #tpu.memory_space<semaphore_mem>>)
    %mul3A_35 = arith.constant 5600 : i32
    %mul3A_36 = arith.muli %arg1, %mul3A_35 : i32
    %add3A_37 = arith.constant 120 : i32
    %add3A_38 = arith.addi %mul3A_36, %add3A_37 : i32
    %add3A_39 = arith.constant 70400 : i32
    %add3A_40 = arith.addi %add3A_39, %add3A_38 : i32
    %dma_start3A_41 = tpu.memref_slice %arg3[%add3A_40] : memref<160000xi32, #tpu.memory_space<hbm>> -> memref<40xi32, #tpu.memory_space<hbm>>
    %dma_start3A_42 = tpu.memref_slice %arg3[%add3A_40] : memref<160000xi32, #tpu.memory_space<hbm>> -> memref<40xi32, #tpu.memory_space<hbm>>
    tpu.enqueue_dma source(%dma_start3A_42 : memref<40xi32, #tpu.memory_space<hbm>>) target(%arg9 : memref<40xi32, #tpu.memory_space<vmem>>) target_semaphore(%arg19 : memref<!tpu.dma_semaphore, #tpu.memory_space<semaphore_mem>>)
    %mul3A_43 = arith.constant 128 : i32
    %mul3A_44 = arith.muli %arg0, %mul3A_43 : i32
    %dma_start3A_45 = tpu.memref_slice %arg2[%add3A_38, %mul3A_44] : memref<89600x256xf32, #tpu.memory_space<hbm>> -> memref<40x128xf32, #tpu.memory_space<hbm>>
    %dma_start3A_46 = tpu.memref_slice %arg2[%add3A_38, %mul3A_44] : memref<89600x256xf32, #tpu.memory_space<hbm>> -> memref<40x128xf32, #tpu.memory_space<hbm>>
    tpu.enqueue_dma source(%dma_start3A_46 : memref<40x128xf32, #tpu.memory_space<hbm>>) target(%arg14 : memref<40x128xf32, #tpu.memory_space<vmem>>) target_semaphore(%arg24 : memref<!tpu.dma_semaphore, #tpu.memory_space<semaphore_mem>>)
    %mul3A_47 = arith.constant 5600 : i32
    %mul3A_48 = arith.muli %arg1, %mul3A_47 : i32
    %add3A_49 = arith.constant 160 : i32
    %add3A_50 = arith.addi %mul3A_48, %add3A_49 : i32
    %add3A_51 = arith.constant 70400 : i32
    %add3A_52 = arith.addi %add3A_51, %add3A_50 : i32
    %dma_start3A_53 = tpu.memref_slice %arg3[%add3A_52] : memref<160000xi32, #tpu.memory_space<hbm>> -> memref<40xi32, #tpu.memory_space<hbm>>
    %dma_start3A_54 = tpu.memref_slice %arg3[%add3A_52] : memref<160000xi32, #tpu.memory_space<hbm>> -> memref<40xi32, #tpu.memory_space<hbm>>
    tpu.enqueue_dma source(%dma_start3A_54 : memref<40xi32, #tpu.memory_space<hbm>>) target(%arg10 : memref<40xi32, #tpu.memory_space<vmem>>) target_semaphore(%arg20 : memref<!tpu.dma_semaphore, #tpu.memory_space<semaphore_mem>>)
    %mul3A_55 = arith.constant 128 : i32
    %mul3A_56 = arith.muli %arg0, %mul3A_55 : i32
    %dma_start3A_57 = tpu.memref_slice %arg2[%add3A_50, %mul3A_56] : memref<89600x256xf32, #tpu.memory_space<hbm>> -> memref<40x128xf32, #tpu.memory_space<hbm>>
    %dma_start3A_58 = tpu.memref_slice %arg2[%add3A_50, %mul3A_56] : memref<89600x256xf32, #tpu.memory_space<hbm>> -> memref<40x128xf32, #tpu.memory_space<hbm>>
    tpu.enqueue_dma source(%dma_start3A_58 : memref<40x128xf32, #tpu.memory_space<hbm>>) target(%arg15 : memref<40x128xf32, #tpu.memory_space<vmem>>) target_semaphore(%arg25 : memref<!tpu.dma_semaphore, #tpu.memory_space<semaphore_mem>>)
    %scan3A = arith.constant 0 : i32
    %scan3A_59 = arith.constant 0 : i32
    %scan3A_60 = arith.constant 28 : i32
    %scan3A_61 = arith.addi %scan3A_59, %scan3A_60 : i32
    %scan3A_62 = arith.constant 1 : i32
    scf.for %scan3A_71 = %scan3A_59 to %scan3A_61 step %scan3A_62  : i32 {
      %mul3A_72 = arith.constant 5 : i32
      %mul3A_73 = arith.muli %scan3A_71, %mul3A_72 : i32
      %add3A_74 = arith.constant 0 : i32
      %add3A_75 = arith.addi %mul3A_73, %add3A_74 : i32
      %mul3A_76 = arith.constant 5600 : i32
      %mul3A_77 = arith.muli %arg1, %mul3A_76 : i32
      %mul3A_78 = arith.constant 40 : i32
      %mul3A_79 = arith.muli %add3A_75, %mul3A_78 : i32
      %add3A_80 = arith.addi %mul3A_77, %mul3A_79 : i32
      %add3A_81 = arith.constant 70400 : i32
      %add3A_82 = arith.addi %add3A_81, %add3A_80 : i32
      %dma_wait3A = tpu.memref_slice %arg3[%add3A_82] : memref<160000xi32, #tpu.memory_space<hbm>> -> memref<40xi32, #tpu.memory_space<hbm>>
      %dma_wait3A_83 = tpu.memref_slice %arg3[%add3A_82] : memref<160000xi32, #tpu.memory_space<hbm>> -> memref<40xi32, #tpu.memory_space<hbm>>
      tpu.wait_dma2 semaphore(%arg16 : memref<!tpu.dma_semaphore, #tpu.memory_space<semaphore_mem>>) src(%dma_wait3A_83 : memref<40xi32, #tpu.memory_space<hbm>>) dst(%arg6 : memref<40xi32, #tpu.memory_space<vmem>>)
      %mul3A_84 = arith.constant 128 : i32
      %mul3A_85 = arith.muli %arg0, %mul3A_84 : i32
      %dma_wait3A_86 = tpu.memref_slice %arg2[%add3A_80, %mul3A_85] : memref<89600x256xf32, #tpu.memory_space<hbm>> -> memref<40x128xf32, #tpu.memory_space<hbm>>
      %dma_wait3A_87 = tpu.memref_slice %arg2[%add3A_80, %mul3A_85] : memref<89600x256xf32, #tpu.memory_space<hbm>> -> memref<40x128xf32, #tpu.memory_space<hbm>>
      tpu.wait_dma2 semaphore(%arg21 : memref<!tpu.dma_semaphore, #tpu.memory_space<semaphore_mem>>) src(%dma_wait3A_87 : memref<40x128xf32, #tpu.memory_space<hbm>>) dst(%arg11 : memref<40x128xf32, #tpu.memory_space<vmem>>)
      "tpu.region"() ({
        %run_scoped3A = tpu.sem_alloc : memref<!tpu.dma_semaphore, #tpu.memory_space<semaphore_mem>>
        %dma_start3A_190 = arith.constant 0 : i32
        %dma_start3A_191 = arith.constant 0 : i32
        %dma_start3A_192 = tpu.memref_slice %arg26[%dma_start3A_190, %dma_start3A_191] : memref<10112x128xf32, #tpu.memory_space<vmem_shared>> -> memref<10112x128xf32, #tpu.memory_space<vmem_shared>>
        tpu.enqueue_indirect_dma source(%arg11 : memref<40x128xf32, #tpu.memory_space<vmem>>) target(%dma_start3A_192 : memref<10112x128xf32, #tpu.memory_space<vmem_shared>>) offsets(%arg6 : memref<40xi32, #tpu.memory_space<vmem>>) semaphore(%run_scoped3A : memref<!tpu.dma_semaphore, #tpu.memory_space<semaphore_mem>>) {add = true}
        %dma_wait3A_193 = arith.constant 0 : i32
        %dma_wait3A_194 = arith.constant 0 : i32
        %dma_wait3A_195 = tpu.memref_slice %arg26[%dma_wait3A_193, %dma_wait3A_194] : memref<10112x128xf32, #tpu.memory_space<vmem_shared>> -> memref<10112x128xf32, #tpu.memory_space<vmem_shared>>
        tpu.wait_indirect_dma semaphore(%run_scoped3A : memref<!tpu.dma_semaphore, #tpu.memory_space<semaphore_mem>>) src(%arg11 : memref<40x128xf32, #tpu.memory_space<vmem>>) dst(%dma_wait3A_195 : memref<10112x128xf32, #tpu.memory_space<vmem_shared>>)
        tpu.yield
      }) : () -> ()
      %add3A_88 = arith.constant 5 : i32
      %add3A_89 = arith.addi %mul3A_73, %add3A_88 : i32
      %add3A_90 = arith.constant 0 : i32
      %add3A_91 = arith.addi %add3A_89, %add3A_90 : i32
      %lt3A = arith.constant 140 : i32
      %lt3A_92 = arith.cmpi slt, %add3A_91, %lt3A : i32
      %convert_element_type3A = arith.extui %lt3A_92 : i1 to i32
      %cond3A = arith.constant 0 : i32
      %cond3A_93 = arith.cmpi ne, %convert_element_type3A, %cond3A : i32
      scf.if %cond3A_93 {
        %add3A_190 = arith.constant 5 : i32
        %add3A_191 = arith.addi %mul3A_73, %add3A_190 : i32
        %add3A_192 = arith.constant 0 : i32
        %add3A_193 = arith.addi %add3A_191, %add3A_192 : i32
        %mul3A_194 = arith.constant 5600 : i32
        %mul3A_195 = arith.muli %arg1, %mul3A_194 : i32
        %mul3A_196 = arith.constant 40 : i32
        %mul3A_197 = arith.muli %add3A_193, %mul3A_196 : i32
        %add3A_198 = arith.addi %mul3A_195, %mul3A_197 : i32
        %add3A_199 = arith.constant 70400 : i32
        %add3A_200 = arith.addi %add3A_199, %add3A_198 : i32
        %dma_start3A_201 = tpu.memref_slice %arg3[%add3A_200] : memref<160000xi32, #tpu.memory_space<hbm>> -> memref<40xi32, #tpu.memory_space<hbm>>
        %dma_start3A_202 = tpu.memref_slice %arg3[%add3A_200] : memref<160000xi32, #tpu.memory_space<hbm>> -> memref<40xi32, #tpu.memory_space<hbm>>
        tpu.enqueue_dma source(%dma_start3A_202 : memref<40xi32, #tpu.memory_space<hbm>>) target(%arg6 : memref<40xi32, #tpu.memory_space<vmem>>) target_semaphore(%arg16 : memref<!tpu.dma_semaphore, #tpu.memory_space<semaphore_mem>>)
        %mul3A_203 = arith.constant 128 : i32
        %mul3A_204 = arith.muli %arg0, %mul3A_203 : i32
        %dma_start3A_205 = tpu.memref_slice %arg2[%add3A_198, %mul3A_204] : memref<89600x256xf32, #tpu.memory_space<hbm>> -> memref<40x128xf32, #tpu.memory_space<hbm>>
        %dma_start3A_206 = tpu.memref_slice %arg2[%add3A_198, %mul3A_204] : memref<89600x256xf32, #tpu.memory_space<hbm>> -> memref<40x128xf32, #tpu.memory_space<hbm>>
        tpu.enqueue_dma source(%dma_start3A_206 : memref<40x128xf32, #tpu.memory_space<hbm>>) target(%arg11 : memref<40x128xf32, #tpu.memory_space<vmem>>) target_semaphore(%arg21 : memref<!tpu.dma_semaphore, #tpu.memory_space<semaphore_mem>>)
      } else {
      }
      %add3A_94 = arith.constant 1 : i32
      %add3A_95 = arith.addi %mul3A_73, %add3A_94 : i32
      %mul3A_96 = arith.constant 5600 : i32
      %mul3A_97 = arith.muli %arg1, %mul3A_96 : i32
      %mul3A_98 = arith.constant 40 : i32
      %mul3A_99 = arith.muli %add3A_95, %mul3A_98 : i32
      %add3A_100 = arith.addi %mul3A_97, %mul3A_99 : i32
      %add3A_101 = arith.constant 70400 : i32
      %add3A_102 = arith.addi %add3A_101, %add3A_100 : i32
      %dma_wait3A_103 = tpu.memref_slice %arg3[%add3A_102] : memref<160000xi32, #tpu.memory_space<hbm>> -> memref<40xi32, #tpu.memory_space<hbm>>
      %dma_wait3A_104 = tpu.memref_slice %arg3[%add3A_102] : memref<160000xi32, #tpu.memory_space<hbm>> -> memref<40xi32, #tpu.memory_space<hbm>>
      tpu.wait_dma2 semaphore(%arg17 : memref<!tpu.dma_semaphore, #tpu.memory_space<semaphore_mem>>) src(%dma_wait3A_104 : memref<40xi32, #tpu.memory_space<hbm>>) dst(%arg7 : memref<40xi32, #tpu.memory_space<vmem>>)
      %mul3A_105 = arith.constant 128 : i32
      %mul3A_106 = arith.muli %arg0, %mul3A_105 : i32
      %dma_wait3A_107 = tpu.memref_slice %arg2[%add3A_100, %mul3A_106] : memref<89600x256xf32, #tpu.memory_space<hbm>> -> memref<40x128xf32, #tpu.memory_space<hbm>>
      %dma_wait3A_108 = tpu.memref_slice %arg2[%add3A_100, %mul3A_106] : memref<89600x256xf32, #tpu.memory_space<hbm>> -> memref<40x128xf32, #tpu.memory_space<hbm>>
      tpu.wait_dma2 semaphore(%arg22 : memref<!tpu.dma_semaphore, #tpu.memory_space<semaphore_mem>>) src(%dma_wait3A_108 : memref<40x128xf32, #tpu.memory_space<hbm>>) dst(%arg12 : memref<40x128xf32, #tpu.memory_space<vmem>>)
      "tpu.region"() ({
        %run_scoped3A = tpu.sem_alloc : memref<!tpu.dma_semaphore, #tpu.memory_space<semaphore_mem>>
        %dma_start3A_190 = arith.constant 0 : i32
        %dma_start3A_191 = arith.constant 0 : i32
        %dma_start3A_192 = tpu.memref_slice %arg26[%dma_start3A_190, %dma_start3A_191] : memref<10112x128xf32, #tpu.memory_space<vmem_shared>> -> memref<10112x128xf32, #tpu.memory_space<vmem_shared>>
        tpu.enqueue_indirect_dma source(%arg12 : memref<40x128xf32, #tpu.memory_space<vmem>>) target(%dma_start3A_192 : memref<10112x128xf32, #tpu.memory_space<vmem_shared>>) offsets(%arg7 : memref<40xi32, #tpu.memory_space<vmem>>) semaphore(%run_scoped3A : memref<!tpu.dma_semaphore, #tpu.memory_space<semaphore_mem>>) {add = true}
        %dma_wait3A_193 = arith.constant 0 : i32
        %dma_wait3A_194 = arith.constant 0 : i32
        %dma_wait3A_195 = tpu.memref_slice %arg26[%dma_wait3A_193, %dma_wait3A_194] : memref<10112x128xf32, #tpu.memory_space<vmem_shared>> -> memref<10112x128xf32, #tpu.memory_space<vmem_shared>>
        tpu.wait_indirect_dma semaphore(%run_scoped3A : memref<!tpu.dma_semaphore, #tpu.memory_space<semaphore_mem>>) src(%arg12 : memref<40x128xf32, #tpu.memory_space<vmem>>) dst(%dma_wait3A_195 : memref<10112x128xf32, #tpu.memory_space<vmem_shared>>)
        tpu.yield
      }) : () -> ()
      %add3A_109 = arith.constant 5 : i32
      %add3A_110 = arith.addi %mul3A_73, %add3A_109 : i32
      %add3A_111 = arith.constant 1 : i32
      %add3A_112 = arith.addi %add3A_110, %add3A_111 : i32
      %lt3A_113 = arith.constant 140 : i32
      %lt3A_114 = arith.cmpi slt, %add3A_112, %lt3A_113 : i32
      %convert_element_type3A_115 = arith.extui %lt3A_114 : i1 to i32
      %cond3A_116 = arith.constant 0 : i32
      %cond3A_117 = arith.cmpi ne, %convert_element_type3A_115, %cond3A_116 : i32
      scf.if %cond3A_117 {
        %add3A_190 = arith.constant 5 : i32
        %add3A_191 = arith.addi %mul3A_73, %add3A_190 : i32
        %add3A_192 = arith.constant 1 : i32
        %add3A_193 = arith.addi %add3A_191, %add3A_192 : i32
        %mul3A_194 = arith.constant 5600 : i32
        %mul3A_195 = arith.muli %arg1, %mul3A_194 : i32
        %mul3A_196 = arith.constant 40 : i32
        %mul3A_197 = arith.muli %add3A_193, %mul3A_196 : i32
        %add3A_198 = arith.addi %mul3A_195, %mul3A_197 : i32
        %add3A_199 = arith.constant 70400 : i32
        %add3A_200 = arith.addi %add3A_199, %add3A_198 : i32
        %dma_start3A_201 = tpu.memref_slice %arg3[%add3A_200] : memref<160000xi32, #tpu.memory_space<hbm>> -> memref<40xi32, #tpu.memory_space<hbm>>
        %dma_start3A_202 = tpu.memref_slice %arg3[%add3A_200] : memref<160000xi32, #tpu.memory_space<hbm>> -> memref<40xi32, #tpu.memory_space<hbm>>
        tpu.enqueue_dma source(%dma_start3A_202 : memref<40xi32, #tpu.memory_space<hbm>>) target(%arg7 : memref<40xi32, #tpu.memory_space<vmem>>) target_semaphore(%arg17 : memref<!tpu.dma_semaphore, #tpu.memory_space<semaphore_mem>>)
        %mul3A_203 = arith.constant 128 : i32
        %mul3A_204 = arith.muli %arg0, %mul3A_203 : i32
        %dma_start3A_205 = tpu.memref_slice %arg2[%add3A_198, %mul3A_204] : memref<89600x256xf32, #tpu.memory_space<hbm>> -> memref<40x128xf32, #tpu.memory_space<hbm>>
        %dma_start3A_206 = tpu.memref_slice %arg2[%add3A_198, %mul3A_204] : memref<89600x256xf32, #tpu.memory_space<hbm>> -> memref<40x128xf32, #tpu.memory_space<hbm>>
        tpu.enqueue_dma source(%dma_start3A_206 : memref<40x128xf32, #tpu.memory_space<hbm>>) target(%arg12 : memref<40x128xf32, #tpu.memory_space<vmem>>) target_semaphore(%arg22 : memref<!tpu.dma_semaphore, #tpu.memory_space<semaphore_mem>>)
      } else {
      }
      %add3A_118 = arith.constant 2 : i32
      %add3A_119 = arith.addi %mul3A_73, %add3A_118 : i32
      %mul3A_120 = arith.constant 5600 : i32
      %mul3A_121 = arith.muli %arg1, %mul3A_120 : i32
      %mul3A_122 = arith.constant 40 : i32
      %mul3A_123 = arith.muli %add3A_119, %mul3A_122 : i32
      %add3A_124 = arith.addi %mul3A_121, %mul3A_123 : i32
      %add3A_125 = arith.constant 70400 : i32
      %add3A_126 = arith.addi %add3A_125, %add3A_124 : i32
      %dma_wait3A_127 = tpu.memref_slice %arg3[%add3A_126] : memref<160000xi32, #tpu.memory_space<hbm>> -> memref<40xi32, #tpu.memory_space<hbm>>
      %dma_wait3A_128 = tpu.memref_slice %arg3[%add3A_126] : memref<160000xi32, #tpu.memory_space<hbm>> -> memref<40xi32, #tpu.memory_space<hbm>>
      tpu.wait_dma2 semaphore(%arg18 : memref<!tpu.dma_semaphore, #tpu.memory_space<semaphore_mem>>) src(%dma_wait3A_128 : memref<40xi32, #tpu.memory_space<hbm>>) dst(%arg8 : memref<40xi32, #tpu.memory_space<vmem>>)
      %mul3A_129 = arith.constant 128 : i32
      %mul3A_130 = arith.muli %arg0, %mul3A_129 : i32
      %dma_wait3A_131 = tpu.memref_slice %arg2[%add3A_124, %mul3A_130] : memref<89600x256xf32, #tpu.memory_space<hbm>> -> memref<40x128xf32, #tpu.memory_space<hbm>>
      %dma_wait3A_132 = tpu.memref_slice %arg2[%add3A_124, %mul3A_130] : memref<89600x256xf32, #tpu.memory_space<hbm>> -> memref<40x128xf32, #tpu.memory_space<hbm>>
      tpu.wait_dma2 semaphore(%arg23 : memref<!tpu.dma_semaphore, #tpu.memory_space<semaphore_mem>>) src(%dma_wait3A_132 : memref<40x128xf32, #tpu.memory_space<hbm>>) dst(%arg13 : memref<40x128xf32, #tpu.memory_space<vmem>>)
      "tpu.region"() ({
        %run_scoped3A = tpu.sem_alloc : memref<!tpu.dma_semaphore, #tpu.memory_space<semaphore_mem>>
        %dma_start3A_190 = arith.constant 0 : i32
        %dma_start3A_191 = arith.constant 0 : i32
        %dma_start3A_192 = tpu.memref_slice %arg26[%dma_start3A_190, %dma_start3A_191] : memref<10112x128xf32, #tpu.memory_space<vmem_shared>> -> memref<10112x128xf32, #tpu.memory_space<vmem_shared>>
        tpu.enqueue_indirect_dma source(%arg13 : memref<40x128xf32, #tpu.memory_space<vmem>>) target(%dma_start3A_192 : memref<10112x128xf32, #tpu.memory_space<vmem_shared>>) offsets(%arg8 : memref<40xi32, #tpu.memory_space<vmem>>) semaphore(%run_scoped3A : memref<!tpu.dma_semaphore, #tpu.memory_space<semaphore_mem>>) {add = true}
        %dma_wait3A_193 = arith.constant 0 : i32
        %dma_wait3A_194 = arith.constant 0 : i32
        %dma_wait3A_195 = tpu.memref_slice %arg26[%dma_wait3A_193, %dma_wait3A_194] : memref<10112x128xf32, #tpu.memory_space<vmem_shared>> -> memref<10112x128xf32, #tpu.memory_space<vmem_shared>>
        tpu.wait_indirect_dma semaphore(%run_scoped3A : memref<!tpu.dma_semaphore, #tpu.memory_space<semaphore_mem>>) src(%arg13 : memref<40x128xf32, #tpu.memory_space<vmem>>) dst(%dma_wait3A_195 : memref<10112x128xf32, #tpu.memory_space<vmem_shared>>)
        tpu.yield
      }) : () -> ()
      %add3A_133 = arith.constant 5 : i32
      %add3A_134 = arith.addi %mul3A_73, %add3A_133 : i32
      %add3A_135 = arith.constant 2 : i32
      %add3A_136 = arith.addi %add3A_134, %add3A_135 : i32
      %lt3A_137 = arith.constant 140 : i32
      %lt3A_138 = arith.cmpi slt, %add3A_136, %lt3A_137 : i32
      %convert_element_type3A_139 = arith.extui %lt3A_138 : i1 to i32
      %cond3A_140 = arith.constant 0 : i32
      %cond3A_141 = arith.cmpi ne, %convert_element_type3A_139, %cond3A_140 : i32
      scf.if %cond3A_141 {
        %add3A_190 = arith.constant 5 : i32
        %add3A_191 = arith.addi %mul3A_73, %add3A_190 : i32
        %add3A_192 = arith.constant 2 : i32
        %add3A_193 = arith.addi %add3A_191, %add3A_192 : i32
        %mul3A_194 = arith.constant 5600 : i32
        %mul3A_195 = arith.muli %arg1, %mul3A_194 : i32
        %mul3A_196 = arith.constant 40 : i32
        %mul3A_197 = arith.muli %add3A_193, %mul3A_196 : i32
        %add3A_198 = arith.addi %mul3A_195, %mul3A_197 : i32
        %add3A_199 = arith.constant 70400 : i32
        %add3A_200 = arith.addi %add3A_199, %add3A_198 : i32
        %dma_start3A_201 = tpu.memref_slice %arg3[%add3A_200] : memref<160000xi32, #tpu.memory_space<hbm>> -> memref<40xi32, #tpu.memory_space<hbm>>
        %dma_start3A_202 = tpu.memref_slice %arg3[%add3A_200] : memref<160000xi32, #tpu.memory_space<hbm>> -> memref<40xi32, #tpu.memory_space<hbm>>
        tpu.enqueue_dma source(%dma_start3A_202 : memref<40xi32, #tpu.memory_space<hbm>>) target(%arg8 : memref<40xi32, #tpu.memory_space<vmem>>) target_semaphore(%arg18 : memref<!tpu.dma_semaphore, #tpu.memory_space<semaphore_mem>>)
        %mul3A_203 = arith.constant 128 : i32
        %mul3A_204 = arith.muli %arg0, %mul3A_203 : i32
        %dma_start3A_205 = tpu.memref_slice %arg2[%add3A_198, %mul3A_204] : memref<89600x256xf32, #tpu.memory_space<hbm>> -> memref<40x128xf32, #tpu.memory_space<hbm>>
        %dma_start3A_206 = tpu.memref_slice %arg2[%add3A_198, %mul3A_204] : memref<89600x256xf32, #tpu.memory_space<hbm>> -> memref<40x128xf32, #tpu.memory_space<hbm>>
        tpu.enqueue_dma source(%dma_start3A_206 : memref<40x128xf32, #tpu.memory_space<hbm>>) target(%arg13 : memref<40x128xf32, #tpu.memory_space<vmem>>) target_semaphore(%arg23 : memref<!tpu.dma_semaphore, #tpu.memory_space<semaphore_mem>>)
      } else {
      }
      %add3A_142 = arith.constant 3 : i32
      %add3A_143 = arith.addi %mul3A_73, %add3A_142 : i32
      %mul3A_144 = arith.constant 5600 : i32
      %mul3A_145 = arith.muli %arg1, %mul3A_144 : i32
      %mul3A_146 = arith.constant 40 : i32
      %mul3A_147 = arith.muli %add3A_143, %mul3A_146 : i32
      %add3A_148 = arith.addi %mul3A_145, %mul3A_147 : i32
      %add3A_149 = arith.constant 70400 : i32
      %add3A_150 = arith.addi %add3A_149, %add3A_148 : i32
      %dma_wait3A_151 = tpu.memref_slice %arg3[%add3A_150] : memref<160000xi32, #tpu.memory_space<hbm>> -> memref<40xi32, #tpu.memory_space<hbm>>
      %dma_wait3A_152 = tpu.memref_slice %arg3[%add3A_150] : memref<160000xi32, #tpu.memory_space<hbm>> -> memref<40xi32, #tpu.memory_space<hbm>>
      tpu.wait_dma2 semaphore(%arg19 : memref<!tpu.dma_semaphore, #tpu.memory_space<semaphore_mem>>) src(%dma_wait3A_152 : memref<40xi32, #tpu.memory_space<hbm>>) dst(%arg9 : memref<40xi32, #tpu.memory_space<vmem>>)
      %mul3A_153 = arith.constant 128 : i32
      %mul3A_154 = arith.muli %arg0, %mul3A_153 : i32
      %dma_wait3A_155 = tpu.memref_slice %arg2[%add3A_148, %mul3A_154] : memref<89600x256xf32, #tpu.memory_space<hbm>> -> memref<40x128xf32, #tpu.memory_space<hbm>>
      %dma_wait3A_156 = tpu.memref_slice %arg2[%add3A_148, %mul3A_154] : memref<89600x256xf32, #tpu.memory_space<hbm>> -> memref<40x128xf32, #tpu.memory_space<hbm>>
      tpu.wait_dma2 semaphore(%arg24 : memref<!tpu.dma_semaphore, #tpu.memory_space<semaphore_mem>>) src(%dma_wait3A_156 : memref<40x128xf32, #tpu.memory_space<hbm>>) dst(%arg14 : memref<40x128xf32, #tpu.memory_space<vmem>>)
      "tpu.region"() ({
        %run_scoped3A = tpu.sem_alloc : memref<!tpu.dma_semaphore, #tpu.memory_space<semaphore_mem>>
        %dma_start3A_190 = arith.constant 0 : i32
        %dma_start3A_191 = arith.constant 0 : i32
        %dma_start3A_192 = tpu.memref_slice %arg26[%dma_start3A_190, %dma_start3A_191] : memref<10112x128xf32, #tpu.memory_space<vmem_shared>> -> memref<10112x128xf32, #tpu.memory_space<vmem_shared>>
        tpu.enqueue_indirect_dma source(%arg14 : memref<40x128xf32, #tpu.memory_space<vmem>>) target(%dma_start3A_192 : memref<10112x128xf32, #tpu.memory_space<vmem_shared>>) offsets(%arg9 : memref<40xi32, #tpu.memory_space<vmem>>) semaphore(%run_scoped3A : memref<!tpu.dma_semaphore, #tpu.memory_space<semaphore_mem>>) {add = true}
        %dma_wait3A_193 = arith.constant 0 : i32
        %dma_wait3A_194 = arith.constant 0 : i32
        %dma_wait3A_195 = tpu.memref_slice %arg26[%dma_wait3A_193, %dma_wait3A_194] : memref<10112x128xf32, #tpu.memory_space<vmem_shared>> -> memref<10112x128xf32, #tpu.memory_space<vmem_shared>>
        tpu.wait_indirect_dma semaphore(%run_scoped3A : memref<!tpu.dma_semaphore, #tpu.memory_space<semaphore_mem>>) src(%arg14 : memref<40x128xf32, #tpu.memory_space<vmem>>) dst(%dma_wait3A_195 : memref<10112x128xf32, #tpu.memory_space<vmem_shared>>)
        tpu.yield
      }) : () -> ()
      %add3A_157 = arith.constant 5 : i32
      %add3A_158 = arith.addi %mul3A_73, %add3A_157 : i32
      %add3A_159 = arith.constant 3 : i32
      %add3A_160 = arith.addi %add3A_158, %add3A_159 : i32
      %lt3A_161 = arith.constant 140 : i32
      %lt3A_162 = arith.cmpi slt, %add3A_160, %lt3A_161 : i32
      %convert_element_type3A_163 = arith.extui %lt3A_162 : i1 to i32
      %cond3A_164 = arith.constant 0 : i32
      %cond3A_165 = arith.cmpi ne, %convert_element_type3A_163, %cond3A_164 : i32
      scf.if %cond3A_165 {
        %add3A_190 = arith.constant 5 : i32
        %add3A_191 = arith.addi %mul3A_73, %add3A_190 : i32
        %add3A_192 = arith.constant 3 : i32
        %add3A_193 = arith.addi %add3A_191, %add3A_192 : i32
        %mul3A_194 = arith.constant 5600 : i32
        %mul3A_195 = arith.muli %arg1, %mul3A_194 : i32
        %mul3A_196 = arith.constant 40 : i32
        %mul3A_197 = arith.muli %add3A_193, %mul3A_196 : i32
        %add3A_198 = arith.addi %mul3A_195, %mul3A_197 : i32
        %add3A_199 = arith.constant 70400 : i32
        %add3A_200 = arith.addi %add3A_199, %add3A_198 : i32
        %dma_start3A_201 = tpu.memref_slice %arg3[%add3A_200] : memref<160000xi32, #tpu.memory_space<hbm>> -> memref<40xi32, #tpu.memory_space<hbm>>
        %dma_start3A_202 = tpu.memref_slice %arg3[%add3A_200] : memref<160000xi32, #tpu.memory_space<hbm>> -> memref<40xi32, #tpu.memory_space<hbm>>
        tpu.enqueue_dma source(%dma_start3A_202 : memref<40xi32, #tpu.memory_space<hbm>>) target(%arg9 : memref<40xi32, #tpu.memory_space<vmem>>) target_semaphore(%arg19 : memref<!tpu.dma_semaphore, #tpu.memory_space<semaphore_mem>>)
        %mul3A_203 = arith.constant 128 : i32
        %mul3A_204 = arith.muli %arg0, %mul3A_203 : i32
        %dma_start3A_205 = tpu.memref_slice %arg2[%add3A_198, %mul3A_204] : memref<89600x256xf32, #tpu.memory_space<hbm>> -> memref<40x128xf32, #tpu.memory_space<hbm>>
        %dma_start3A_206 = tpu.memref_slice %arg2[%add3A_198, %mul3A_204] : memref<89600x256xf32, #tpu.memory_space<hbm>> -> memref<40x128xf32, #tpu.memory_space<hbm>>
        tpu.enqueue_dma source(%dma_start3A_206 : memref<40x128xf32, #tpu.memory_space<hbm>>) target(%arg14 : memref<40x128xf32, #tpu.memory_space<vmem>>) target_semaphore(%arg24 : memref<!tpu.dma_semaphore, #tpu.memory_space<semaphore_mem>>)
      } else {
      }
      %add3A_166 = arith.constant 4 : i32
      %add3A_167 = arith.addi %mul3A_73, %add3A_166 : i32
      %mul3A_168 = arith.constant 5600 : i32
      %mul3A_169 = arith.muli %arg1, %mul3A_168 : i32
      %mul3A_170 = arith.constant 40 : i32
      %mul3A_171 = arith.muli %add3A_167, %mul3A_170 : i32
      %add3A_172 = arith.addi %mul3A_169, %mul3A_171 : i32
      %add3A_173 = arith.constant 70400 : i32
      %add3A_174 = arith.addi %add3A_173, %add3A_172 : i32
      %dma_wait3A_175 = tpu.memref_slice %arg3[%add3A_174] : memref<160000xi32, #tpu.memory_space<hbm>> -> memref<40xi32, #tpu.memory_space<hbm>>
      %dma_wait3A_176 = tpu.memref_slice %arg3[%add3A_174] : memref<160000xi32, #tpu.memory_space<hbm>> -> memref<40xi32, #tpu.memory_space<hbm>>
      tpu.wait_dma2 semaphore(%arg20 : memref<!tpu.dma_semaphore, #tpu.memory_space<semaphore_mem>>) src(%dma_wait3A_176 : memref<40xi32, #tpu.memory_space<hbm>>) dst(%arg10 : memref<40xi32, #tpu.memory_space<vmem>>)
      %mul3A_177 = arith.constant 128 : i32
      %mul3A_178 = arith.muli %arg0, %mul3A_177 : i32
      %dma_wait3A_179 = tpu.memref_slice %arg2[%add3A_172, %mul3A_178] : memref<89600x256xf32, #tpu.memory_space<hbm>> -> memref<40x128xf32, #tpu.memory_space<hbm>>
      %dma_wait3A_180 = tpu.memref_slice %arg2[%add3A_172, %mul3A_178] : memref<89600x256xf32, #tpu.memory_space<hbm>> -> memref<40x128xf32, #tpu.memory_space<hbm>>
      tpu.wait_dma2 semaphore(%arg25 : memref<!tpu.dma_semaphore, #tpu.memory_space<semaphore_mem>>) src(%dma_wait3A_180 : memref<40x128xf32, #tpu.memory_space<hbm>>) dst(%arg15 : memref<40x128xf32, #tpu.memory_space<vmem>>)
      "tpu.region"() ({
        %run_scoped3A = tpu.sem_alloc : memref<!tpu.dma_semaphore, #tpu.memory_space<semaphore_mem>>
        %dma_start3A_190 = arith.constant 0 : i32
        %dma_start3A_191 = arith.constant 0 : i32
        %dma_start3A_192 = tpu.memref_slice %arg26[%dma_start3A_190, %dma_start3A_191] : memref<10112x128xf32, #tpu.memory_space<vmem_shared>> -> memref<10112x128xf32, #tpu.memory_space<vmem_shared>>
        tpu.enqueue_indirect_dma source(%arg15 : memref<40x128xf32, #tpu.memory_space<vmem>>) target(%dma_start3A_192 : memref<10112x128xf32, #tpu.memory_space<vmem_shared>>) offsets(%arg10 : memref<40xi32, #tpu.memory_space<vmem>>) semaphore(%run_scoped3A : memref<!tpu.dma_semaphore, #tpu.memory_space<semaphore_mem>>) {add = true}
        %dma_wait3A_193 = arith.constant 0 : i32
        %dma_wait3A_194 = arith.constant 0 : i32
        %dma_wait3A_195 = tpu.memref_slice %arg26[%dma_wait3A_193, %dma_wait3A_194] : memref<10112x128xf32, #tpu.memory_space<vmem_shared>> -> memref<10112x128xf32, #tpu.memory_space<vmem_shared>>
        tpu.wait_indirect_dma semaphore(%run_scoped3A : memref<!tpu.dma_semaphore, #tpu.memory_space<semaphore_mem>>) src(%arg15 : memref<40x128xf32, #tpu.memory_space<vmem>>) dst(%dma_wait3A_195 : memref<10112x128xf32, #tpu.memory_space<vmem_shared>>)
        tpu.yield
      }) : () -> ()
      %add3A_181 = arith.constant 5 : i32
      %add3A_182 = arith.addi %mul3A_73, %add3A_181 : i32
      %add3A_183 = arith.constant 4 : i32
      %add3A_184 = arith.addi %add3A_182, %add3A_183 : i32
      %lt3A_185 = arith.constant 140 : i32
      %lt3A_186 = arith.cmpi slt, %add3A_184, %lt3A_185 : i32
      %convert_element_type3A_187 = arith.extui %lt3A_186 : i1 to i32
      %cond3A_188 = arith.constant 0 : i32
      %cond3A_189 = arith.cmpi ne, %convert_element_type3A_187, %cond3A_188 : i32
      scf.if %cond3A_189 {
        %add3A_190 = arith.constant 5 : i32
        %add3A_191 = arith.addi %mul3A_73, %add3A_190 : i32
        %add3A_192 = arith.constant 4 : i32
        %add3A_193 = arith.addi %add3A_191, %add3A_192 : i32
        %mul3A_194 = arith.constant 5600 : i32
        %mul3A_195 = arith.muli %arg1, %mul3A_194 : i32
        %mul3A_196 = arith.constant 40 : i32
        %mul3A_197 = arith.muli %add3A_193, %mul3A_196 : i32
        %add3A_198 = arith.addi %mul3A_195, %mul3A_197 : i32
        %add3A_199 = arith.constant 70400 : i32
        %add3A_200 = arith.addi %add3A_199, %add3A_198 : i32
        %dma_start3A_201 = tpu.memref_slice %arg3[%add3A_200] : memref<160000xi32, #tpu.memory_space<hbm>> -> memref<40xi32, #tpu.memory_space<hbm>>
        %dma_start3A_202 = tpu.memref_slice %arg3[%add3A_200] : memref<160000xi32, #tpu.memory_space<hbm>> -> memref<40xi32, #tpu.memory_space<hbm>>
        tpu.enqueue_dma source(%dma_start3A_202 : memref<40xi32, #tpu.memory_space<hbm>>) target(%arg10 : memref<40xi32, #tpu.memory_space<vmem>>) target_semaphore(%arg20 : memref<!tpu.dma_semaphore, #tpu.memory_space<semaphore_mem>>)
        %mul3A_203 = arith.constant 128 : i32
        %mul3A_204 = arith.muli %arg0, %mul3A_203 : i32
        %dma_start3A_205 = tpu.memref_slice %arg2[%add3A_198, %mul3A_204] : memref<89600x256xf32, #tpu.memory_space<hbm>> -> memref<40x128xf32, #tpu.memory_space<hbm>>
        %dma_start3A_206 = tpu.memref_slice %arg2[%add3A_198, %mul3A_204] : memref<89600x256xf32, #tpu.memory_space<hbm>> -> memref<40x128xf32, #tpu.memory_space<hbm>>
        tpu.enqueue_dma source(%dma_start3A_206 : memref<40x128xf32, #tpu.memory_space<hbm>>) target(%arg15 : memref<40x128xf32, #tpu.memory_space<vmem>>) target_semaphore(%arg25 : memref<!tpu.dma_semaphore, #tpu.memory_space<semaphore_mem>>)
      } else {
      }
    }
    %scan3A_63 = arith.constant 28 : i32
    %barrier3A_64 = arith.constant 0 : index
    tpu.barrier barrier_id(%barrier3A_64)
    %mul3A_65 = arith.constant 632 : i32
    %mul3A_66 = arith.muli %arg1, %mul3A_65 : i32
    %mul3A_67 = arith.constant 632 : i32
    %mul3A_68 = arith.muli %arg1, %mul3A_67 : i32
    %mul3A_69 = arith.constant 128 : i32
    %mul3A_70 = arith.muli %arg0, %mul3A_69 : i32
    "tpu.region"() ({
      %run_scoped3A = tpu.sem_alloc : memref<!tpu.dma_semaphore, #tpu.memory_space<semaphore_mem>>
      %dma_start3A_71 = tpu.memref_slice %arg5[%mul3A_68, %mul3A_70] : memref<10112x256xf32, #tpu.memory_space<hbm>> -> memref<632x128xf32, #tpu.memory_space<hbm>>
      %dma_start3A_72 = arith.constant 0 : i32
      %dma_start3A_73 = tpu.memref_slice %arg26[%mul3A_66, %dma_start3A_72] : memref<10112x128xf32, #tpu.memory_space<vmem_shared>> -> memref<632x128xf32, #tpu.memory_space<vmem_shared>>
      tpu.enqueue_dma source(%dma_start3A_73 : memref<632x128xf32, #tpu.memory_space<vmem_shared>>) target(%dma_start3A_71 : memref<632x128xf32, #tpu.memory_space<hbm>>) target_semaphore(%run_scoped3A : memref<!tpu.dma_semaphore, #tpu.memory_space<semaphore_mem>>)
      %dma_wait3A = tpu.memref_slice %arg5[%mul3A_68, %mul3A_70] : memref<10112x256xf32, #tpu.memory_space<hbm>> -> memref<632x128xf32, #tpu.memory_space<hbm>>
      %dma_wait3A_74 = arith.constant 0 : i32
      %dma_wait3A_75 = tpu.memref_slice %arg26[%mul3A_66, %dma_wait3A_74] : memref<10112x128xf32, #tpu.memory_space<vmem_shared>> -> memref<632x128xf32, #tpu.memory_space<vmem_shared>>
      tpu.wait_dma2 semaphore(%run_scoped3A : memref<!tpu.dma_semaphore, #tpu.memory_space<semaphore_mem>>) src(%dma_wait3A_75 : memref<632x128xf32, #tpu.memory_space<vmem_shared>>) dst(%dma_wait3A : memref<632x128xf32, #tpu.memory_space<hbm>>)
      tpu.yield
    }) : () -> ()
    return
  }
}

#map = affine_map<(d0, d1) -> (0, 0)>
#map1 = affine_map<(d0, d1) -> (0)>
module attributes {stable_mosaic.version = 14 : i64} {
  func.func @_gather_body(%arg0: i32, %arg1: i32, %arg2: memref<10000x128xi32, #tpu.memory_space<hbm>>, %arg3: memref<400x128xi32, #tpu.memory_space<hbm>>, %arg4: memref<160000xi32, #tpu.memory_space<hbm>>, %arg5: memref<160000xi32, #tpu.memory_space<hbm>>, %arg6: memref<70400x128xi32, #tpu.memory_space<hbm>>, %arg7: memref<70400x128xi32, #tpu.memory_space<hbm>>, %arg8: memref<2200xi32, #tpu.memory_space<vmem>>, %arg9: memref<2200xi32, #tpu.memory_space<vmem>>, %arg10: memref<40x128xi32, #tpu.memory_space<vmem>>, %arg11: memref<40x128xi32, #tpu.memory_space<vmem>>, %arg12: memref<40x128xi32, #tpu.memory_space<vmem>>, %arg13: memref<40x128xi32, #tpu.memory_space<vmem>>, %arg14: memref<40x128xi32, #tpu.memory_space<vmem>>, %arg15: memref<40x128xi32, #tpu.memory_space<vmem>>, %arg16: memref<40x128xi32, #tpu.memory_space<vmem>>, %arg17: memref<40x128xi32, #tpu.memory_space<vmem>>, %arg18: memref<40x128xi32, #tpu.memory_space<vmem>>, %arg19: memref<40x128xi32, #tpu.memory_space<vmem>>, %arg20: memref<!tpu.dma_semaphore, #tpu.memory_space<semaphore_mem>>, %arg21: memref<!tpu.dma_semaphore, #tpu.memory_space<semaphore_mem>>, %arg22: memref<!tpu.dma_semaphore, #tpu.memory_space<semaphore_mem>>, %arg23: memref<!tpu.dma_semaphore, #tpu.memory_space<semaphore_mem>>, %arg24: memref<!tpu.dma_semaphore, #tpu.memory_space<semaphore_mem>>, %arg25: memref<!tpu.dma_semaphore, #tpu.memory_space<semaphore_mem>>, %arg26: memref<!tpu.dma_semaphore, #tpu.memory_space<semaphore_mem>>, %arg27: memref<!tpu.dma_semaphore, #tpu.memory_space<semaphore_mem>>, %arg28: memref<!tpu.dma_semaphore, #tpu.memory_space<semaphore_mem>>, %arg29: memref<!tpu.dma_semaphore, #tpu.memory_space<semaphore_mem>>, %arg30: memref<!tpu.dma_semaphore, #tpu.memory_space<semaphore_mem>>, %arg31: memref<!tpu.dma_semaphore, #tpu.memory_space<semaphore_mem>>, %arg32: memref<!tpu.dma_semaphore, #tpu.memory_space<semaphore_mem>>, %arg33: memref<!tpu.dma_semaphore, #tpu.memory_space<semaphore_mem>>, %arg34: memref<!tpu.dma_semaphore, #tpu.memory_space<semaphore_mem>>, %arg35: memref<!tpu.dma_semaphore, #tpu.memory_space<semaphore_mem>>, %arg36: memref<!tpu.dma_semaphore, #tpu.memory_space<semaphore_mem>>, %arg37: memref<!tpu.dma_semaphore, #tpu.memory_space<semaphore_mem>>, %arg38: memref<!tpu.dma_semaphore, #tpu.memory_space<semaphore_mem>>, %arg39: memref<!tpu.dma_semaphore, #tpu.memory_space<semaphore_mem>>) attributes {dimension_semantics = [#tpu.dimension_semantics<core_parallel>, #tpu.dimension_semantics<subcore_parallel>], iteration_bounds = array<i64: 2, 16>, scalar_prefetch = 0 : i64, scratch_operands = 32 : i64, tpu.core_type = #tpu.core_type<sc_vector_subcore>, window_params = [{transform_indices = #map}, {transform_indices = #map}, {transform_indices = #map1}, {transform_indices = #map1}, {transform_indices = #map}, {transform_indices = #map}]} {
    %mul3A = arith.constant 2 : i32
    %mul3A_0 = arith.muli %arg1, %mul3A : i32
    %add3A = arith.addi %mul3A_0, %arg0 : i32
    %mul3A_1 = arith.constant 2200 : i32
    %mul3A_2 = arith.muli %add3A, %mul3A_1 : i32
    %add3A_3 = arith.constant 0 : i32
    %add3A_4 = arith.addi %add3A_3, %mul3A_2 : i32
    "tpu.region"() ({
      %run_scoped3A = tpu.sem_alloc : memref<!tpu.dma_semaphore, #tpu.memory_space<semaphore_mem>>
      %dma_start3A_61 = tpu.memref_slice %arg4[%add3A_4] : memref<160000xi32, #tpu.memory_space<hbm>> -> memref<2200xi32, #tpu.memory_space<hbm>>
      %dma_start3A_62 = tpu.memref_slice %arg4[%add3A_4] : memref<160000xi32, #tpu.memory_space<hbm>> -> memref<2200xi32, #tpu.memory_space<hbm>>
      tpu.enqueue_dma source(%dma_start3A_62 : memref<2200xi32, #tpu.memory_space<hbm>>) target(%arg8 : memref<2200xi32, #tpu.memory_space<vmem>>) target_semaphore(%run_scoped3A : memref<!tpu.dma_semaphore, #tpu.memory_space<semaphore_mem>>)
      %dma_wait3A = tpu.memref_slice %arg4[%add3A_4] : memref<160000xi32, #tpu.memory_space<hbm>> -> memref<2200xi32, #tpu.memory_space<hbm>>
      %dma_wait3A_63 = tpu.memref_slice %arg4[%add3A_4] : memref<160000xi32, #tpu.memory_space<hbm>> -> memref<2200xi32, #tpu.memory_space<hbm>>
      tpu.wait_dma2 semaphore(%run_scoped3A : memref<!tpu.dma_semaphore, #tpu.memory_space<semaphore_mem>>) src(%dma_wait3A_63 : memref<2200xi32, #tpu.memory_space<hbm>>) dst(%arg8 : memref<2200xi32, #tpu.memory_space<vmem>>)
      tpu.yield
    }) : () -> ()
    %add3A_5 = arith.constant 0 : i32
    %add3A_6 = arith.addi %add3A_5, %mul3A_2 : i32
    "tpu.region"() ({
      %run_scoped3A = tpu.sem_alloc : memref<!tpu.dma_semaphore, #tpu.memory_space<semaphore_mem>>
      %dma_start3A_61 = tpu.memref_slice %arg5[%add3A_6] : memref<160000xi32, #tpu.memory_space<hbm>> -> memref<2200xi32, #tpu.memory_space<hbm>>
      %dma_start3A_62 = tpu.memref_slice %arg5[%add3A_6] : memref<160000xi32, #tpu.memory_space<hbm>> -> memref<2200xi32, #tpu.memory_space<hbm>>
      tpu.enqueue_dma source(%dma_start3A_62 : memref<2200xi32, #tpu.memory_space<hbm>>) target(%arg9 : memref<2200xi32, #tpu.memory_space<vmem>>) target_semaphore(%run_scoped3A : memref<!tpu.dma_semaphore, #tpu.memory_space<semaphore_mem>>)
      %dma_wait3A = tpu.memref_slice %arg5[%add3A_6] : memref<160000xi32, #tpu.memory_space<hbm>> -> memref<2200xi32, #tpu.memory_space<hbm>>
      %dma_wait3A_63 = tpu.memref_slice %arg5[%add3A_6] : memref<160000xi32, #tpu.memory_space<hbm>> -> memref<2200xi32, #tpu.memory_space<hbm>>
      tpu.wait_dma2 semaphore(%run_scoped3A : memref<!tpu.dma_semaphore, #tpu.memory_space<semaphore_mem>>) src(%dma_wait3A_63 : memref<2200xi32, #tpu.memory_space<hbm>>) dst(%arg9 : memref<2200xi32, #tpu.memory_space<vmem>>)
      tpu.yield
    }) : () -> ()
    %dma_start3A = arith.constant 0 : i32
    %dma_start3A_7 = tpu.memref_slice %arg8[%dma_start3A] : memref<2200xi32, #tpu.memory_space<vmem>> -> memref<40xi32, #tpu.memory_space<vmem>>
    %dma_start3A_8 = arith.constant 0 : i32
    %dma_start3A_9 = arith.constant 0 : i32
    %dma_start3A_10 = tpu.memref_slice %arg2[%dma_start3A_8, %dma_start3A_9] : memref<10000x128xi32, #tpu.memory_space<hbm>> -> memref<10000x128xi32, #tpu.memory_space<hbm>>
    tpu.enqueue_indirect_dma source(%dma_start3A_10 : memref<10000x128xi32, #tpu.memory_space<hbm>>) target(%arg10 : memref<40x128xi32, #tpu.memory_space<vmem>>) offsets(%dma_start3A_7 : memref<40xi32, #tpu.memory_space<vmem>>) semaphore(%arg20 : memref<!tpu.dma_semaphore, #tpu.memory_space<semaphore_mem>>)
    %dma_start3A_11 = arith.constant 0 : i32
    %dma_start3A_12 = tpu.memref_slice %arg9[%dma_start3A_11] : memref<2200xi32, #tpu.memory_space<vmem>> -> memref<40xi32, #tpu.memory_space<vmem>>
    %dma_start3A_13 = arith.constant 0 : i32
    %dma_start3A_14 = arith.constant 0 : i32
    %dma_start3A_15 = tpu.memref_slice %arg3[%dma_start3A_13, %dma_start3A_14] : memref<400x128xi32, #tpu.memory_space<hbm>> -> memref<400x128xi32, #tpu.memory_space<hbm>>
    tpu.enqueue_indirect_dma source(%dma_start3A_15 : memref<400x128xi32, #tpu.memory_space<hbm>>) target(%arg15 : memref<40x128xi32, #tpu.memory_space<vmem>>) offsets(%dma_start3A_12 : memref<40xi32, #tpu.memory_space<vmem>>) semaphore(%arg25 : memref<!tpu.dma_semaphore, #tpu.memory_space<semaphore_mem>>)
    %dma_start3A_16 = arith.constant 40 : i32
    %dma_start3A_17 = tpu.memref_slice %arg8[%dma_start3A_16] : memref<2200xi32, #tpu.memory_space<vmem>> -> memref<40xi32, #tpu.memory_space<vmem>>
    %dma_start3A_18 = arith.constant 0 : i32
    %dma_start3A_19 = arith.constant 0 : i32
    %dma_start3A_20 = tpu.memref_slice %arg2[%dma_start3A_18, %dma_start3A_19] : memref<10000x128xi32, #tpu.memory_space<hbm>> -> memref<10000x128xi32, #tpu.memory_space<hbm>>
    tpu.enqueue_indirect_dma source(%dma_start3A_20 : memref<10000x128xi32, #tpu.memory_space<hbm>>) target(%arg11 : memref<40x128xi32, #tpu.memory_space<vmem>>) offsets(%dma_start3A_17 : memref<40xi32, #tpu.memory_space<vmem>>) semaphore(%arg21 : memref<!tpu.dma_semaphore, #tpu.memory_space<semaphore_mem>>)
    %dma_start3A_21 = arith.constant 40 : i32
    %dma_start3A_22 = tpu.memref_slice %arg9[%dma_start3A_21] : memref<2200xi32, #tpu.memory_space<vmem>> -> memref<40xi32, #tpu.memory_space<vmem>>
    %dma_start3A_23 = arith.constant 0 : i32
    %dma_start3A_24 = arith.constant 0 : i32
    %dma_start3A_25 = tpu.memref_slice %arg3[%dma_start3A_23, %dma_start3A_24] : memref<400x128xi32, #tpu.memory_space<hbm>> -> memref<400x128xi32, #tpu.memory_space<hbm>>
    tpu.enqueue_indirect_dma source(%dma_start3A_25 : memref<400x128xi32, #tpu.memory_space<hbm>>) target(%arg16 : memref<40x128xi32, #tpu.memory_space<vmem>>) offsets(%dma_start3A_22 : memref<40xi32, #tpu.memory_space<vmem>>) semaphore(%arg26 : memref<!tpu.dma_semaphore, #tpu.memory_space<semaphore_mem>>)
    %dma_start3A_26 = arith.constant 80 : i32
    %dma_start3A_27 = tpu.memref_slice %arg8[%dma_start3A_26] : memref<2200xi32, #tpu.memory_space<vmem>> -> memref<40xi32, #tpu.memory_space<vmem>>
    %dma_start3A_28 = arith.constant 0 : i32
    %dma_start3A_29 = arith.constant 0 : i32
    %dma_start3A_30 = tpu.memref_slice %arg2[%dma_start3A_28, %dma_start3A_29] : memref<10000x128xi32, #tpu.memory_space<hbm>> -> memref<10000x128xi32, #tpu.memory_space<hbm>>
    tpu.enqueue_indirect_dma source(%dma_start3A_30 : memref<10000x128xi32, #tpu.memory_space<hbm>>) target(%arg12 : memref<40x128xi32, #tpu.memory_space<vmem>>) offsets(%dma_start3A_27 : memref<40xi32, #tpu.memory_space<vmem>>) semaphore(%arg22 : memref<!tpu.dma_semaphore, #tpu.memory_space<semaphore_mem>>)
    %dma_start3A_31 = arith.constant 80 : i32
    %dma_start3A_32 = tpu.memref_slice %arg9[%dma_start3A_31] : memref<2200xi32, #tpu.memory_space<vmem>> -> memref<40xi32, #tpu.memory_space<vmem>>
    %dma_start3A_33 = arith.constant 0 : i32
    %dma_start3A_34 = arith.constant 0 : i32
    %dma_start3A_35 = tpu.memref_slice %arg3[%dma_start3A_33, %dma_start3A_34] : memref<400x128xi32, #tpu.memory_space<hbm>> -> memref<400x128xi32, #tpu.memory_space<hbm>>
    tpu.enqueue_indirect_dma source(%dma_start3A_35 : memref<400x128xi32, #tpu.memory_space<hbm>>) target(%arg17 : memref<40x128xi32, #tpu.memory_space<vmem>>) offsets(%dma_start3A_32 : memref<40xi32, #tpu.memory_space<vmem>>) semaphore(%arg27 : memref<!tpu.dma_semaphore, #tpu.memory_space<semaphore_mem>>)
    %dma_start3A_36 = arith.constant 120 : i32
    %dma_start3A_37 = tpu.memref_slice %arg8[%dma_start3A_36] : memref<2200xi32, #tpu.memory_space<vmem>> -> memref<40xi32, #tpu.memory_space<vmem>>
    %dma_start3A_38 = arith.constant 0 : i32
    %dma_start3A_39 = arith.constant 0 : i32
    %dma_start3A_40 = tpu.memref_slice %arg2[%dma_start3A_38, %dma_start3A_39] : memref<10000x128xi32, #tpu.memory_space<hbm>> -> memref<10000x128xi32, #tpu.memory_space<hbm>>
    tpu.enqueue_indirect_dma source(%dma_start3A_40 : memref<10000x128xi32, #tpu.memory_space<hbm>>) target(%arg13 : memref<40x128xi32, #tpu.memory_space<vmem>>) offsets(%dma_start3A_37 : memref<40xi32, #tpu.memory_space<vmem>>) semaphore(%arg23 : memref<!tpu.dma_semaphore, #tpu.memory_space<semaphore_mem>>)
    %dma_start3A_41 = arith.constant 120 : i32
    %dma_start3A_42 = tpu.memref_slice %arg9[%dma_start3A_41] : memref<2200xi32, #tpu.memory_space<vmem>> -> memref<40xi32, #tpu.memory_space<vmem>>
    %dma_start3A_43 = arith.constant 0 : i32
    %dma_start3A_44 = arith.constant 0 : i32
    %dma_start3A_45 = tpu.memref_slice %arg3[%dma_start3A_43, %dma_start3A_44] : memref<400x128xi32, #tpu.memory_space<hbm>> -> memref<400x128xi32, #tpu.memory_space<hbm>>
    tpu.enqueue_indirect_dma source(%dma_start3A_45 : memref<400x128xi32, #tpu.memory_space<hbm>>) target(%arg18 : memref<40x128xi32, #tpu.memory_space<vmem>>) offsets(%dma_start3A_42 : memref<40xi32, #tpu.memory_space<vmem>>) semaphore(%arg28 : memref<!tpu.dma_semaphore, #tpu.memory_space<semaphore_mem>>)
    %dma_start3A_46 = arith.constant 160 : i32
    %dma_start3A_47 = tpu.memref_slice %arg8[%dma_start3A_46] : memref<2200xi32, #tpu.memory_space<vmem>> -> memref<40xi32, #tpu.memory_space<vmem>>
    %dma_start3A_48 = arith.constant 0 : i32
    %dma_start3A_49 = arith.constant 0 : i32
    %dma_start3A_50 = tpu.memref_slice %arg2[%dma_start3A_48, %dma_start3A_49] : memref<10000x128xi32, #tpu.memory_space<hbm>> -> memref<10000x128xi32, #tpu.memory_space<hbm>>
    tpu.enqueue_indirect_dma source(%dma_start3A_50 : memref<10000x128xi32, #tpu.memory_space<hbm>>) target(%arg14 : memref<40x128xi32, #tpu.memory_space<vmem>>) offsets(%dma_start3A_47 : memref<40xi32, #tpu.memory_space<vmem>>) semaphore(%arg24 : memref<!tpu.dma_semaphore, #tpu.memory_space<semaphore_mem>>)
    %dma_start3A_51 = arith.constant 160 : i32
    %dma_start3A_52 = tpu.memref_slice %arg9[%dma_start3A_51] : memref<2200xi32, #tpu.memory_space<vmem>> -> memref<40xi32, #tpu.memory_space<vmem>>
    %dma_start3A_53 = arith.constant 0 : i32
    %dma_start3A_54 = arith.constant 0 : i32
    %dma_start3A_55 = tpu.memref_slice %arg3[%dma_start3A_53, %dma_start3A_54] : memref<400x128xi32, #tpu.memory_space<hbm>> -> memref<400x128xi32, #tpu.memory_space<hbm>>
    tpu.enqueue_indirect_dma source(%dma_start3A_55 : memref<400x128xi32, #tpu.memory_space<hbm>>) target(%arg19 : memref<40x128xi32, #tpu.memory_space<vmem>>) offsets(%dma_start3A_52 : memref<40xi32, #tpu.memory_space<vmem>>) semaphore(%arg29 : memref<!tpu.dma_semaphore, #tpu.memory_space<semaphore_mem>>)
    %scan3A = arith.constant 0 : i32
    %scan3A_56 = arith.constant 0 : i32
    %scan3A_57 = arith.constant 11 : i32
    %scan3A_58 = arith.addi %scan3A_56, %scan3A_57 : i32
    %scan3A_59 = arith.constant 1 : i32
    scf.for %scan3A_61 = %scan3A_56 to %scan3A_58 step %scan3A_59  : i32 {
      %mul3A_62 = arith.constant 5 : i32
      %mul3A_63 = arith.muli %scan3A_61, %mul3A_62 : i32
      %add3A_64 = arith.constant 0 : i32
      %add3A_65 = arith.addi %mul3A_63, %add3A_64 : i32
      %mul3A_66 = arith.constant 40 : i32
      %mul3A_67 = arith.muli %add3A_65, %mul3A_66 : i32
      %dma_wait3A = tpu.memref_slice %arg8[%mul3A_67] : memref<2200xi32, #tpu.memory_space<vmem>> -> memref<40xi32, #tpu.memory_space<vmem>>
      %dma_wait3A_68 = arith.constant 0 : i32
      %dma_wait3A_69 = arith.constant 0 : i32
      %dma_wait3A_70 = tpu.memref_slice %arg2[%dma_wait3A_68, %dma_wait3A_69] : memref<10000x128xi32, #tpu.memory_space<hbm>> -> memref<10000x128xi32, #tpu.memory_space<hbm>>
      tpu.wait_indirect_dma semaphore(%arg20 : memref<!tpu.dma_semaphore, #tpu.memory_space<semaphore_mem>>) src(%dma_wait3A_70 : memref<10000x128xi32, #tpu.memory_space<hbm>>) dst(%arg10 : memref<40x128xi32, #tpu.memory_space<vmem>>)
      %dma_wait3A_71 = tpu.memref_slice %arg9[%mul3A_67] : memref<2200xi32, #tpu.memory_space<vmem>> -> memref<40xi32, #tpu.memory_space<vmem>>
      %dma_wait3A_72 = arith.constant 0 : i32
      %dma_wait3A_73 = arith.constant 0 : i32
      %dma_wait3A_74 = tpu.memref_slice %arg3[%dma_wait3A_72, %dma_wait3A_73] : memref<400x128xi32, #tpu.memory_space<hbm>> -> memref<400x128xi32, #tpu.memory_space<hbm>>
      tpu.wait_indirect_dma semaphore(%arg25 : memref<!tpu.dma_semaphore, #tpu.memory_space<semaphore_mem>>) src(%dma_wait3A_74 : memref<400x128xi32, #tpu.memory_space<hbm>>) dst(%arg15 : memref<40x128xi32, #tpu.memory_space<vmem>>)
      %add3A_75 = arith.constant 0 : i32
      %add3A_76 = arith.addi %mul3A_63, %add3A_75 : i32
      %mul3A_77 = arith.constant 40 : i32
      %mul3A_78 = arith.muli %add3A_76, %mul3A_77 : i32
      %add3A_79 = arith.addi %mul3A_2, %mul3A_78 : i32
      %dma_start3A_80 = arith.constant 0 : i32
      %dma_start3A_81 = tpu.memref_slice %arg6[%add3A_79, %dma_start3A_80] : memref<70400x128xi32, #tpu.memory_space<hbm>> -> memref<40x128xi32, #tpu.memory_space<hbm>>
      %dma_start3A_82 = arith.constant 0 : i32
      %dma_start3A_83 = tpu.memref_slice %arg6[%add3A_79, %dma_start3A_82] : memref<70400x128xi32, #tpu.memory_space<hbm>> -> memref<40x128xi32, #tpu.memory_space<hbm>>
      tpu.enqueue_dma source(%arg10 : memref<40x128xi32, #tpu.memory_space<vmem>>) target(%dma_start3A_83 : memref<40x128xi32, #tpu.memory_space<hbm>>) target_semaphore(%arg30 : memref<!tpu.dma_semaphore, #tpu.memory_space<semaphore_mem>>)
      %dma_start3A_84 = arith.constant 0 : i32
      %dma_start3A_85 = tpu.memref_slice %arg7[%add3A_79, %dma_start3A_84] : memref<70400x128xi32, #tpu.memory_space<hbm>> -> memref<40x128xi32, #tpu.memory_space<hbm>>
      %dma_start3A_86 = arith.constant 0 : i32
      %dma_start3A_87 = tpu.memref_slice %arg7[%add3A_79, %dma_start3A_86] : memref<70400x128xi32, #tpu.memory_space<hbm>> -> memref<40x128xi32, #tpu.memory_space<hbm>>
      tpu.enqueue_dma source(%arg15 : memref<40x128xi32, #tpu.memory_space<vmem>>) target(%dma_start3A_87 : memref<40x128xi32, #tpu.memory_space<hbm>>) target_semaphore(%arg35 : memref<!tpu.dma_semaphore, #tpu.memory_space<semaphore_mem>>)
      %add3A_88 = arith.constant 1 : i32
      %add3A_89 = arith.addi %mul3A_63, %add3A_88 : i32
      %mul3A_90 = arith.constant 40 : i32
      %mul3A_91 = arith.muli %add3A_89, %mul3A_90 : i32
      %dma_wait3A_92 = tpu.memref_slice %arg8[%mul3A_91] : memref<2200xi32, #tpu.memory_space<vmem>> -> memref<40xi32, #tpu.memory_space<vmem>>
      %dma_wait3A_93 = arith.constant 0 : i32
      %dma_wait3A_94 = arith.constant 0 : i32
      %dma_wait3A_95 = tpu.memref_slice %arg2[%dma_wait3A_93, %dma_wait3A_94] : memref<10000x128xi32, #tpu.memory_space<hbm>> -> memref<10000x128xi32, #tpu.memory_space<hbm>>
      tpu.wait_indirect_dma semaphore(%arg21 : memref<!tpu.dma_semaphore, #tpu.memory_space<semaphore_mem>>) src(%dma_wait3A_95 : memref<10000x128xi32, #tpu.memory_space<hbm>>) dst(%arg11 : memref<40x128xi32, #tpu.memory_space<vmem>>)
      %dma_wait3A_96 = tpu.memref_slice %arg9[%mul3A_91] : memref<2200xi32, #tpu.memory_space<vmem>> -> memref<40xi32, #tpu.memory_space<vmem>>
      %dma_wait3A_97 = arith.constant 0 : i32
      %dma_wait3A_98 = arith.constant 0 : i32
      %dma_wait3A_99 = tpu.memref_slice %arg3[%dma_wait3A_97, %dma_wait3A_98] : memref<400x128xi32, #tpu.memory_space<hbm>> -> memref<400x128xi32, #tpu.memory_space<hbm>>
      tpu.wait_indirect_dma semaphore(%arg26 : memref<!tpu.dma_semaphore, #tpu.memory_space<semaphore_mem>>) src(%dma_wait3A_99 : memref<400x128xi32, #tpu.memory_space<hbm>>) dst(%arg16 : memref<40x128xi32, #tpu.memory_space<vmem>>)
      %add3A_100 = arith.constant 1 : i32
      %add3A_101 = arith.addi %mul3A_63, %add3A_100 : i32
      %mul3A_102 = arith.constant 40 : i32
      %mul3A_103 = arith.muli %add3A_101, %mul3A_102 : i32
      %add3A_104 = arith.addi %mul3A_2, %mul3A_103 : i32
      %dma_start3A_105 = arith.constant 0 : i32
      %dma_start3A_106 = tpu.memref_slice %arg6[%add3A_104, %dma_start3A_105] : memref<70400x128xi32, #tpu.memory_space<hbm>> -> memref<40x128xi32, #tpu.memory_space<hbm>>
      %dma_start3A_107 = arith.constant 0 : i32
      %dma_start3A_108 = tpu.memref_slice %arg6[%add3A_104, %dma_start3A_107] : memref<70400x128xi32, #tpu.memory_space<hbm>> -> memref<40x128xi32, #tpu.memory_space<hbm>>
      tpu.enqueue_dma source(%arg11 : memref<40x128xi32, #tpu.memory_space<vmem>>) target(%dma_start3A_108 : memref<40x128xi32, #tpu.memory_space<hbm>>) target_semaphore(%arg31 : memref<!tpu.dma_semaphore, #tpu.memory_space<semaphore_mem>>)
      %dma_start3A_109 = arith.constant 0 : i32
      %dma_start3A_110 = tpu.memref_slice %arg7[%add3A_104, %dma_start3A_109] : memref<70400x128xi32, #tpu.memory_space<hbm>> -> memref<40x128xi32, #tpu.memory_space<hbm>>
      %dma_start3A_111 = arith.constant 0 : i32
      %dma_start3A_112 = tpu.memref_slice %arg7[%add3A_104, %dma_start3A_111] : memref<70400x128xi32, #tpu.memory_space<hbm>> -> memref<40x128xi32, #tpu.memory_space<hbm>>
      tpu.enqueue_dma source(%arg16 : memref<40x128xi32, #tpu.memory_space<vmem>>) target(%dma_start3A_112 : memref<40x128xi32, #tpu.memory_space<hbm>>) target_semaphore(%arg36 : memref<!tpu.dma_semaphore, #tpu.memory_space<semaphore_mem>>)
      %add3A_113 = arith.constant 2 : i32
      %add3A_114 = arith.addi %mul3A_63, %add3A_113 : i32
      %mul3A_115 = arith.constant 40 : i32
      %mul3A_116 = arith.muli %add3A_114, %mul3A_115 : i32
      %dma_wait3A_117 = tpu.memref_slice %arg8[%mul3A_116] : memref<2200xi32, #tpu.memory_space<vmem>> -> memref<40xi32, #tpu.memory_space<vmem>>
      %dma_wait3A_118 = arith.constant 0 : i32
      %dma_wait3A_119 = arith.constant 0 : i32
      %dma_wait3A_120 = tpu.memref_slice %arg2[%dma_wait3A_118, %dma_wait3A_119] : memref<10000x128xi32, #tpu.memory_space<hbm>> -> memref<10000x128xi32, #tpu.memory_space<hbm>>
      tpu.wait_indirect_dma semaphore(%arg22 : memref<!tpu.dma_semaphore, #tpu.memory_space<semaphore_mem>>) src(%dma_wait3A_120 : memref<10000x128xi32, #tpu.memory_space<hbm>>) dst(%arg12 : memref<40x128xi32, #tpu.memory_space<vmem>>)
      %dma_wait3A_121 = tpu.memref_slice %arg9[%mul3A_116] : memref<2200xi32, #tpu.memory_space<vmem>> -> memref<40xi32, #tpu.memory_space<vmem>>
      %dma_wait3A_122 = arith.constant 0 : i32
      %dma_wait3A_123 = arith.constant 0 : i32
      %dma_wait3A_124 = tpu.memref_slice %arg3[%dma_wait3A_122, %dma_wait3A_123] : memref<400x128xi32, #tpu.memory_space<hbm>> -> memref<400x128xi32, #tpu.memory_space<hbm>>
      tpu.wait_indirect_dma semaphore(%arg27 : memref<!tpu.dma_semaphore, #tpu.memory_space<semaphore_mem>>) src(%dma_wait3A_124 : memref<400x128xi32, #tpu.memory_space<hbm>>) dst(%arg17 : memref<40x128xi32, #tpu.memory_space<vmem>>)
      %add3A_125 = arith.constant 2 : i32
      %add3A_126 = arith.addi %mul3A_63, %add3A_125 : i32
      %mul3A_127 = arith.constant 40 : i32
      %mul3A_128 = arith.muli %add3A_126, %mul3A_127 : i32
      %add3A_129 = arith.addi %mul3A_2, %mul3A_128 : i32
      %dma_start3A_130 = arith.constant 0 : i32
      %dma_start3A_131 = tpu.memref_slice %arg6[%add3A_129, %dma_start3A_130] : memref<70400x128xi32, #tpu.memory_space<hbm>> -> memref<40x128xi32, #tpu.memory_space<hbm>>
      %dma_start3A_132 = arith.constant 0 : i32
      %dma_start3A_133 = tpu.memref_slice %arg6[%add3A_129, %dma_start3A_132] : memref<70400x128xi32, #tpu.memory_space<hbm>> -> memref<40x128xi32, #tpu.memory_space<hbm>>
      tpu.enqueue_dma source(%arg12 : memref<40x128xi32, #tpu.memory_space<vmem>>) target(%dma_start3A_133 : memref<40x128xi32, #tpu.memory_space<hbm>>) target_semaphore(%arg32 : memref<!tpu.dma_semaphore, #tpu.memory_space<semaphore_mem>>)
      %dma_start3A_134 = arith.constant 0 : i32
      %dma_start3A_135 = tpu.memref_slice %arg7[%add3A_129, %dma_start3A_134] : memref<70400x128xi32, #tpu.memory_space<hbm>> -> memref<40x128xi32, #tpu.memory_space<hbm>>
      %dma_start3A_136 = arith.constant 0 : i32
      %dma_start3A_137 = tpu.memref_slice %arg7[%add3A_129, %dma_start3A_136] : memref<70400x128xi32, #tpu.memory_space<hbm>> -> memref<40x128xi32, #tpu.memory_space<hbm>>
      tpu.enqueue_dma source(%arg17 : memref<40x128xi32, #tpu.memory_space<vmem>>) target(%dma_start3A_137 : memref<40x128xi32, #tpu.memory_space<hbm>>) target_semaphore(%arg37 : memref<!tpu.dma_semaphore, #tpu.memory_space<semaphore_mem>>)
      %add3A_138 = arith.constant 3 : i32
      %add3A_139 = arith.addi %mul3A_63, %add3A_138 : i32
      %mul3A_140 = arith.constant 40 : i32
      %mul3A_141 = arith.muli %add3A_139, %mul3A_140 : i32
      %dma_wait3A_142 = tpu.memref_slice %arg8[%mul3A_141] : memref<2200xi32, #tpu.memory_space<vmem>> -> memref<40xi32, #tpu.memory_space<vmem>>
      %dma_wait3A_143 = arith.constant 0 : i32
      %dma_wait3A_144 = arith.constant 0 : i32
      %dma_wait3A_145 = tpu.memref_slice %arg2[%dma_wait3A_143, %dma_wait3A_144] : memref<10000x128xi32, #tpu.memory_space<hbm>> -> memref<10000x128xi32, #tpu.memory_space<hbm>>
      tpu.wait_indirect_dma semaphore(%arg23 : memref<!tpu.dma_semaphore, #tpu.memory_space<semaphore_mem>>) src(%dma_wait3A_145 : memref<10000x128xi32, #tpu.memory_space<hbm>>) dst(%arg13 : memref<40x128xi32, #tpu.memory_space<vmem>>)
      %dma_wait3A_146 = tpu.memref_slice %arg9[%mul3A_141] : memref<2200xi32, #tpu.memory_space<vmem>> -> memref<40xi32, #tpu.memory_space<vmem>>
      %dma_wait3A_147 = arith.constant 0 : i32
      %dma_wait3A_148 = arith.constant 0 : i32
      %dma_wait3A_149 = tpu.memref_slice %arg3[%dma_wait3A_147, %dma_wait3A_148] : memref<400x128xi32, #tpu.memory_space<hbm>> -> memref<400x128xi32, #tpu.memory_space<hbm>>
      tpu.wait_indirect_dma semaphore(%arg28 : memref<!tpu.dma_semaphore, #tpu.memory_space<semaphore_mem>>) src(%dma_wait3A_149 : memref<400x128xi32, #tpu.memory_space<hbm>>) dst(%arg18 : memref<40x128xi32, #tpu.memory_space<vmem>>)
      %add3A_150 = arith.constant 3 : i32
      %add3A_151 = arith.addi %mul3A_63, %add3A_150 : i32
      %mul3A_152 = arith.constant 40 : i32
      %mul3A_153 = arith.muli %add3A_151, %mul3A_152 : i32
      %add3A_154 = arith.addi %mul3A_2, %mul3A_153 : i32
      %dma_start3A_155 = arith.constant 0 : i32
      %dma_start3A_156 = tpu.memref_slice %arg6[%add3A_154, %dma_start3A_155] : memref<70400x128xi32, #tpu.memory_space<hbm>> -> memref<40x128xi32, #tpu.memory_space<hbm>>
      %dma_start3A_157 = arith.constant 0 : i32
      %dma_start3A_158 = tpu.memref_slice %arg6[%add3A_154, %dma_start3A_157] : memref<70400x128xi32, #tpu.memory_space<hbm>> -> memref<40x128xi32, #tpu.memory_space<hbm>>
      tpu.enqueue_dma source(%arg13 : memref<40x128xi32, #tpu.memory_space<vmem>>) target(%dma_start3A_158 : memref<40x128xi32, #tpu.memory_space<hbm>>) target_semaphore(%arg33 : memref<!tpu.dma_semaphore, #tpu.memory_space<semaphore_mem>>)
      %dma_start3A_159 = arith.constant 0 : i32
      %dma_start3A_160 = tpu.memref_slice %arg7[%add3A_154, %dma_start3A_159] : memref<70400x128xi32, #tpu.memory_space<hbm>> -> memref<40x128xi32, #tpu.memory_space<hbm>>
      %dma_start3A_161 = arith.constant 0 : i32
      %dma_start3A_162 = tpu.memref_slice %arg7[%add3A_154, %dma_start3A_161] : memref<70400x128xi32, #tpu.memory_space<hbm>> -> memref<40x128xi32, #tpu.memory_space<hbm>>
      tpu.enqueue_dma source(%arg18 : memref<40x128xi32, #tpu.memory_space<vmem>>) target(%dma_start3A_162 : memref<40x128xi32, #tpu.memory_space<hbm>>) target_semaphore(%arg38 : memref<!tpu.dma_semaphore, #tpu.memory_space<semaphore_mem>>)
      %add3A_163 = arith.constant 4 : i32
      %add3A_164 = arith.addi %mul3A_63, %add3A_163 : i32
      %mul3A_165 = arith.constant 40 : i32
      %mul3A_166 = arith.muli %add3A_164, %mul3A_165 : i32
      %dma_wait3A_167 = tpu.memref_slice %arg8[%mul3A_166] : memref<2200xi32, #tpu.memory_space<vmem>> -> memref<40xi32, #tpu.memory_space<vmem>>
      %dma_wait3A_168 = arith.constant 0 : i32
      %dma_wait3A_169 = arith.constant 0 : i32
      %dma_wait3A_170 = tpu.memref_slice %arg2[%dma_wait3A_168, %dma_wait3A_169] : memref<10000x128xi32, #tpu.memory_space<hbm>> -> memref<10000x128xi32, #tpu.memory_space<hbm>>
      tpu.wait_indirect_dma semaphore(%arg24 : memref<!tpu.dma_semaphore, #tpu.memory_space<semaphore_mem>>) src(%dma_wait3A_170 : memref<10000x128xi32, #tpu.memory_space<hbm>>) dst(%arg14 : memref<40x128xi32, #tpu.memory_space<vmem>>)
      %dma_wait3A_171 = tpu.memref_slice %arg9[%mul3A_166] : memref<2200xi32, #tpu.memory_space<vmem>> -> memref<40xi32, #tpu.memory_space<vmem>>
      %dma_wait3A_172 = arith.constant 0 : i32
      %dma_wait3A_173 = arith.constant 0 : i32
      %dma_wait3A_174 = tpu.memref_slice %arg3[%dma_wait3A_172, %dma_wait3A_173] : memref<400x128xi32, #tpu.memory_space<hbm>> -> memref<400x128xi32, #tpu.memory_space<hbm>>
      tpu.wait_indirect_dma semaphore(%arg29 : memref<!tpu.dma_semaphore, #tpu.memory_space<semaphore_mem>>) src(%dma_wait3A_174 : memref<400x128xi32, #tpu.memory_space<hbm>>) dst(%arg19 : memref<40x128xi32, #tpu.memory_space<vmem>>)
      %add3A_175 = arith.constant 4 : i32
      %add3A_176 = arith.addi %mul3A_63, %add3A_175 : i32
      %mul3A_177 = arith.constant 40 : i32
      %mul3A_178 = arith.muli %add3A_176, %mul3A_177 : i32
      %add3A_179 = arith.addi %mul3A_2, %mul3A_178 : i32
      %dma_start3A_180 = arith.constant 0 : i32
      %dma_start3A_181 = tpu.memref_slice %arg6[%add3A_179, %dma_start3A_180] : memref<70400x128xi32, #tpu.memory_space<hbm>> -> memref<40x128xi32, #tpu.memory_space<hbm>>
      %dma_start3A_182 = arith.constant 0 : i32
      %dma_start3A_183 = tpu.memref_slice %arg6[%add3A_179, %dma_start3A_182] : memref<70400x128xi32, #tpu.memory_space<hbm>> -> memref<40x128xi32, #tpu.memory_space<hbm>>
      tpu.enqueue_dma source(%arg14 : memref<40x128xi32, #tpu.memory_space<vmem>>) target(%dma_start3A_183 : memref<40x128xi32, #tpu.memory_space<hbm>>) target_semaphore(%arg34 : memref<!tpu.dma_semaphore, #tpu.memory_space<semaphore_mem>>)
      %dma_start3A_184 = arith.constant 0 : i32
      %dma_start3A_185 = tpu.memref_slice %arg7[%add3A_179, %dma_start3A_184] : memref<70400x128xi32, #tpu.memory_space<hbm>> -> memref<40x128xi32, #tpu.memory_space<hbm>>
      %dma_start3A_186 = arith.constant 0 : i32
      %dma_start3A_187 = tpu.memref_slice %arg7[%add3A_179, %dma_start3A_186] : memref<70400x128xi32, #tpu.memory_space<hbm>> -> memref<40x128xi32, #tpu.memory_space<hbm>>
      tpu.enqueue_dma source(%arg19 : memref<40x128xi32, #tpu.memory_space<vmem>>) target(%dma_start3A_187 : memref<40x128xi32, #tpu.memory_space<hbm>>) target_semaphore(%arg39 : memref<!tpu.dma_semaphore, #tpu.memory_space<semaphore_mem>>)
      %dma_wait3A_188 = arith.constant 0 : i32
      %dma_wait3A_189 = tpu.memref_slice %arg6[%mul3A_2, %dma_wait3A_188] : memref<70400x128xi32, #tpu.memory_space<hbm>> -> memref<40x128xi32, #tpu.memory_space<hbm>>
      %dma_wait3A_190 = arith.constant 0 : i32
      %dma_wait3A_191 = tpu.memref_slice %arg6[%mul3A_2, %dma_wait3A_190] : memref<70400x128xi32, #tpu.memory_space<hbm>> -> memref<40x128xi32, #tpu.memory_space<hbm>>
      tpu.wait_dma2 semaphore(%arg30 : memref<!tpu.dma_semaphore, #tpu.memory_space<semaphore_mem>>) src(%arg10 : memref<40x128xi32, #tpu.memory_space<vmem>>) dst(%dma_wait3A_191 : memref<40x128xi32, #tpu.memory_space<hbm>>)
      %dma_wait3A_192 = arith.constant 0 : i32
      %dma_wait3A_193 = tpu.memref_slice %arg7[%mul3A_2, %dma_wait3A_192] : memref<70400x128xi32, #tpu.memory_space<hbm>> -> memref<40x128xi32, #tpu.memory_space<hbm>>
      %dma_wait3A_194 = arith.constant 0 : i32
      %dma_wait3A_195 = tpu.memref_slice %arg7[%mul3A_2, %dma_wait3A_194] : memref<70400x128xi32, #tpu.memory_space<hbm>> -> memref<40x128xi32, #tpu.memory_space<hbm>>
      tpu.wait_dma2 semaphore(%arg35 : memref<!tpu.dma_semaphore, #tpu.memory_space<semaphore_mem>>) src(%arg15 : memref<40x128xi32, #tpu.memory_space<vmem>>) dst(%dma_wait3A_195 : memref<40x128xi32, #tpu.memory_space<hbm>>)
      %add3A_196 = arith.constant 5 : i32
      %add3A_197 = arith.addi %mul3A_63, %add3A_196 : i32
      %add3A_198 = arith.constant 0 : i32
      %add3A_199 = arith.addi %add3A_197, %add3A_198 : i32
      %lt3A = arith.constant 55 : i32
      %lt3A_200 = arith.cmpi slt, %add3A_199, %lt3A : i32
      %convert_element_type3A = arith.extui %lt3A_200 : i1 to i32
      %cond3A = arith.constant 0 : i32
      %cond3A_201 = arith.cmpi ne, %convert_element_type3A, %cond3A : i32
      scf.if %cond3A_201 {
        %add3A_270 = arith.constant 5 : i32
        %add3A_271 = arith.addi %mul3A_63, %add3A_270 : i32
        %add3A_272 = arith.constant 0 : i32
        %add3A_273 = arith.addi %add3A_271, %add3A_272 : i32
        %mul3A_274 = arith.constant 40 : i32
        %mul3A_275 = arith.muli %add3A_273, %mul3A_274 : i32
        %dma_start3A_276 = tpu.memref_slice %arg8[%mul3A_275] : memref<2200xi32, #tpu.memory_space<vmem>> -> memref<40xi32, #tpu.memory_space<vmem>>
        %dma_start3A_277 = arith.constant 0 : i32
        %dma_start3A_278 = arith.constant 0 : i32
        %dma_start3A_279 = tpu.memref_slice %arg2[%dma_start3A_277, %dma_start3A_278] : memref<10000x128xi32, #tpu.memory_space<hbm>> -> memref<10000x128xi32, #tpu.memory_space<hbm>>
        tpu.enqueue_indirect_dma source(%dma_start3A_279 : memref<10000x128xi32, #tpu.memory_space<hbm>>) target(%arg10 : memref<40x128xi32, #tpu.memory_space<vmem>>) offsets(%dma_start3A_276 : memref<40xi32, #tpu.memory_space<vmem>>) semaphore(%arg20 : memref<!tpu.dma_semaphore, #tpu.memory_space<semaphore_mem>>)
        %dma_start3A_280 = tpu.memref_slice %arg9[%mul3A_275] : memref<2200xi32, #tpu.memory_space<vmem>> -> memref<40xi32, #tpu.memory_space<vmem>>
        %dma_start3A_281 = arith.constant 0 : i32
        %dma_start3A_282 = arith.constant 0 : i32
        %dma_start3A_283 = tpu.memref_slice %arg3[%dma_start3A_281, %dma_start3A_282] : memref<400x128xi32, #tpu.memory_space<hbm>> -> memref<400x128xi32, #tpu.memory_space<hbm>>
        tpu.enqueue_indirect_dma source(%dma_start3A_283 : memref<400x128xi32, #tpu.memory_space<hbm>>) target(%arg15 : memref<40x128xi32, #tpu.memory_space<vmem>>) offsets(%dma_start3A_280 : memref<40xi32, #tpu.memory_space<vmem>>) semaphore(%arg25 : memref<!tpu.dma_semaphore, #tpu.memory_space<semaphore_mem>>)
      } else {
      }
      %dma_wait3A_202 = arith.constant 0 : i32
      %dma_wait3A_203 = tpu.memref_slice %arg6[%mul3A_2, %dma_wait3A_202] : memref<70400x128xi32, #tpu.memory_space<hbm>> -> memref<40x128xi32, #tpu.memory_space<hbm>>
      %dma_wait3A_204 = arith.constant 0 : i32
      %dma_wait3A_205 = tpu.memref_slice %arg6[%mul3A_2, %dma_wait3A_204] : memref<70400x128xi32, #tpu.memory_space<hbm>> -> memref<40x128xi32, #tpu.memory_space<hbm>>
      tpu.wait_dma2 semaphore(%arg31 : memref<!tpu.dma_semaphore, #tpu.memory_space<semaphore_mem>>) src(%arg11 : memref<40x128xi32, #tpu.memory_space<vmem>>) dst(%dma_wait3A_205 : memref<40x128xi32, #tpu.memory_space<hbm>>)
      %dma_wait3A_206 = arith.constant 0 : i32
      %dma_wait3A_207 = tpu.memref_slice %arg7[%mul3A_2, %dma_wait3A_206] : memref<70400x128xi32, #tpu.memory_space<hbm>> -> memref<40x128xi32, #tpu.memory_space<hbm>>
      %dma_wait3A_208 = arith.constant 0 : i32
      %dma_wait3A_209 = tpu.memref_slice %arg7[%mul3A_2, %dma_wait3A_208] : memref<70400x128xi32, #tpu.memory_space<hbm>> -> memref<40x128xi32, #tpu.memory_space<hbm>>
      tpu.wait_dma2 semaphore(%arg36 : memref<!tpu.dma_semaphore, #tpu.memory_space<semaphore_mem>>) src(%arg16 : memref<40x128xi32, #tpu.memory_space<vmem>>) dst(%dma_wait3A_209 : memref<40x128xi32, #tpu.memory_space<hbm>>)
      %add3A_210 = arith.constant 5 : i32
      %add3A_211 = arith.addi %mul3A_63, %add3A_210 : i32
      %add3A_212 = arith.constant 1 : i32
      %add3A_213 = arith.addi %add3A_211, %add3A_212 : i32
      %lt3A_214 = arith.constant 55 : i32
      %lt3A_215 = arith.cmpi slt, %add3A_213, %lt3A_214 : i32
      %convert_element_type3A_216 = arith.extui %lt3A_215 : i1 to i32
      %cond3A_217 = arith.constant 0 : i32
      %cond3A_218 = arith.cmpi ne, %convert_element_type3A_216, %cond3A_217 : i32
      scf.if %cond3A_218 {
        %add3A_270 = arith.constant 5 : i32
        %add3A_271 = arith.addi %mul3A_63, %add3A_270 : i32
        %add3A_272 = arith.constant 1 : i32
        %add3A_273 = arith.addi %add3A_271, %add3A_272 : i32
        %mul3A_274 = arith.constant 40 : i32
        %mul3A_275 = arith.muli %add3A_273, %mul3A_274 : i32
        %dma_start3A_276 = tpu.memref_slice %arg8[%mul3A_275] : memref<2200xi32, #tpu.memory_space<vmem>> -> memref<40xi32, #tpu.memory_space<vmem>>
        %dma_start3A_277 = arith.constant 0 : i32
        %dma_start3A_278 = arith.constant 0 : i32
        %dma_start3A_279 = tpu.memref_slice %arg2[%dma_start3A_277, %dma_start3A_278] : memref<10000x128xi32, #tpu.memory_space<hbm>> -> memref<10000x128xi32, #tpu.memory_space<hbm>>
        tpu.enqueue_indirect_dma source(%dma_start3A_279 : memref<10000x128xi32, #tpu.memory_space<hbm>>) target(%arg11 : memref<40x128xi32, #tpu.memory_space<vmem>>) offsets(%dma_start3A_276 : memref<40xi32, #tpu.memory_space<vmem>>) semaphore(%arg21 : memref<!tpu.dma_semaphore, #tpu.memory_space<semaphore_mem>>)
        %dma_start3A_280 = tpu.memref_slice %arg9[%mul3A_275] : memref<2200xi32, #tpu.memory_space<vmem>> -> memref<40xi32, #tpu.memory_space<vmem>>
        %dma_start3A_281 = arith.constant 0 : i32
        %dma_start3A_282 = arith.constant 0 : i32
        %dma_start3A_283 = tpu.memref_slice %arg3[%dma_start3A_281, %dma_start3A_282] : memref<400x128xi32, #tpu.memory_space<hbm>> -> memref<400x128xi32, #tpu.memory_space<hbm>>
        tpu.enqueue_indirect_dma source(%dma_start3A_283 : memref<400x128xi32, #tpu.memory_space<hbm>>) target(%arg16 : memref<40x128xi32, #tpu.memory_space<vmem>>) offsets(%dma_start3A_280 : memref<40xi32, #tpu.memory_space<vmem>>) semaphore(%arg26 : memref<!tpu.dma_semaphore, #tpu.memory_space<semaphore_mem>>)
      } else {
      }
      %dma_wait3A_219 = arith.constant 0 : i32
      %dma_wait3A_220 = tpu.memref_slice %arg6[%mul3A_2, %dma_wait3A_219] : memref<70400x128xi32, #tpu.memory_space<hbm>> -> memref<40x128xi32, #tpu.memory_space<hbm>>
      %dma_wait3A_221 = arith.constant 0 : i32
      %dma_wait3A_222 = tpu.memref_slice %arg6[%mul3A_2, %dma_wait3A_221] : memref<70400x128xi32, #tpu.memory_space<hbm>> -> memref<40x128xi32, #tpu.memory_space<hbm>>
      tpu.wait_dma2 semaphore(%arg32 : memref<!tpu.dma_semaphore, #tpu.memory_space<semaphore_mem>>) src(%arg12 : memref<40x128xi32, #tpu.memory_space<vmem>>) dst(%dma_wait3A_222 : memref<40x128xi32, #tpu.memory_space<hbm>>)
      %dma_wait3A_223 = arith.constant 0 : i32
      %dma_wait3A_224 = tpu.memref_slice %arg7[%mul3A_2, %dma_wait3A_223] : memref<70400x128xi32, #tpu.memory_space<hbm>> -> memref<40x128xi32, #tpu.memory_space<hbm>>
      %dma_wait3A_225 = arith.constant 0 : i32
      %dma_wait3A_226 = tpu.memref_slice %arg7[%mul3A_2, %dma_wait3A_225] : memref<70400x128xi32, #tpu.memory_space<hbm>> -> memref<40x128xi32, #tpu.memory_space<hbm>>
      tpu.wait_dma2 semaphore(%arg37 : memref<!tpu.dma_semaphore, #tpu.memory_space<semaphore_mem>>) src(%arg17 : memref<40x128xi32, #tpu.memory_space<vmem>>) dst(%dma_wait3A_226 : memref<40x128xi32, #tpu.memory_space<hbm>>)
      %add3A_227 = arith.constant 5 : i32
      %add3A_228 = arith.addi %mul3A_63, %add3A_227 : i32
      %add3A_229 = arith.constant 2 : i32
      %add3A_230 = arith.addi %add3A_228, %add3A_229 : i32
      %lt3A_231 = arith.constant 55 : i32
      %lt3A_232 = arith.cmpi slt, %add3A_230, %lt3A_231 : i32
      %convert_element_type3A_233 = arith.extui %lt3A_232 : i1 to i32
      %cond3A_234 = arith.constant 0 : i32
      %cond3A_235 = arith.cmpi ne, %convert_element_type3A_233, %cond3A_234 : i32
      scf.if %cond3A_235 {
        %add3A_270 = arith.constant 5 : i32
        %add3A_271 = arith.addi %mul3A_63, %add3A_270 : i32
        %add3A_272 = arith.constant 2 : i32
        %add3A_273 = arith.addi %add3A_271, %add3A_272 : i32
        %mul3A_274 = arith.constant 40 : i32
        %mul3A_275 = arith.muli %add3A_273, %mul3A_274 : i32
        %dma_start3A_276 = tpu.memref_slice %arg8[%mul3A_275] : memref<2200xi32, #tpu.memory_space<vmem>> -> memref<40xi32, #tpu.memory_space<vmem>>
        %dma_start3A_277 = arith.constant 0 : i32
        %dma_start3A_278 = arith.constant 0 : i32
        %dma_start3A_279 = tpu.memref_slice %arg2[%dma_start3A_277, %dma_start3A_278] : memref<10000x128xi32, #tpu.memory_space<hbm>> -> memref<10000x128xi32, #tpu.memory_space<hbm>>
        tpu.enqueue_indirect_dma source(%dma_start3A_279 : memref<10000x128xi32, #tpu.memory_space<hbm>>) target(%arg12 : memref<40x128xi32, #tpu.memory_space<vmem>>) offsets(%dma_start3A_276 : memref<40xi32, #tpu.memory_space<vmem>>) semaphore(%arg22 : memref<!tpu.dma_semaphore, #tpu.memory_space<semaphore_mem>>)
        %dma_start3A_280 = tpu.memref_slice %arg9[%mul3A_275] : memref<2200xi32, #tpu.memory_space<vmem>> -> memref<40xi32, #tpu.memory_space<vmem>>
        %dma_start3A_281 = arith.constant 0 : i32
        %dma_start3A_282 = arith.constant 0 : i32
        %dma_start3A_283 = tpu.memref_slice %arg3[%dma_start3A_281, %dma_start3A_282] : memref<400x128xi32, #tpu.memory_space<hbm>> -> memref<400x128xi32, #tpu.memory_space<hbm>>
        tpu.enqueue_indirect_dma source(%dma_start3A_283 : memref<400x128xi32, #tpu.memory_space<hbm>>) target(%arg17 : memref<40x128xi32, #tpu.memory_space<vmem>>) offsets(%dma_start3A_280 : memref<40xi32, #tpu.memory_space<vmem>>) semaphore(%arg27 : memref<!tpu.dma_semaphore, #tpu.memory_space<semaphore_mem>>)
      } else {
      }
      %dma_wait3A_236 = arith.constant 0 : i32
      %dma_wait3A_237 = tpu.memref_slice %arg6[%mul3A_2, %dma_wait3A_236] : memref<70400x128xi32, #tpu.memory_space<hbm>> -> memref<40x128xi32, #tpu.memory_space<hbm>>
      %dma_wait3A_238 = arith.constant 0 : i32
      %dma_wait3A_239 = tpu.memref_slice %arg6[%mul3A_2, %dma_wait3A_238] : memref<70400x128xi32, #tpu.memory_space<hbm>> -> memref<40x128xi32, #tpu.memory_space<hbm>>
      tpu.wait_dma2 semaphore(%arg33 : memref<!tpu.dma_semaphore, #tpu.memory_space<semaphore_mem>>) src(%arg13 : memref<40x128xi32, #tpu.memory_space<vmem>>) dst(%dma_wait3A_239 : memref<40x128xi32, #tpu.memory_space<hbm>>)
      %dma_wait3A_240 = arith.constant 0 : i32
      %dma_wait3A_241 = tpu.memref_slice %arg7[%mul3A_2, %dma_wait3A_240] : memref<70400x128xi32, #tpu.memory_space<hbm>> -> memref<40x128xi32, #tpu.memory_space<hbm>>
      %dma_wait3A_242 = arith.constant 0 : i32
      %dma_wait3A_243 = tpu.memref_slice %arg7[%mul3A_2, %dma_wait3A_242] : memref<70400x128xi32, #tpu.memory_space<hbm>> -> memref<40x128xi32, #tpu.memory_space<hbm>>
      tpu.wait_dma2 semaphore(%arg38 : memref<!tpu.dma_semaphore, #tpu.memory_space<semaphore_mem>>) src(%arg18 : memref<40x128xi32, #tpu.memory_space<vmem>>) dst(%dma_wait3A_243 : memref<40x128xi32, #tpu.memory_space<hbm>>)
      %add3A_244 = arith.constant 5 : i32
      %add3A_245 = arith.addi %mul3A_63, %add3A_244 : i32
      %add3A_246 = arith.constant 3 : i32
      %add3A_247 = arith.addi %add3A_245, %add3A_246 : i32
      %lt3A_248 = arith.constant 55 : i32
      %lt3A_249 = arith.cmpi slt, %add3A_247, %lt3A_248 : i32
      %convert_element_type3A_250 = arith.extui %lt3A_249 : i1 to i32
      %cond3A_251 = arith.constant 0 : i32
      %cond3A_252 = arith.cmpi ne, %convert_element_type3A_250, %cond3A_251 : i32
      scf.if %cond3A_252 {
        %add3A_270 = arith.constant 5 : i32
        %add3A_271 = arith.addi %mul3A_63, %add3A_270 : i32
        %add3A_272 = arith.constant 3 : i32
        %add3A_273 = arith.addi %add3A_271, %add3A_272 : i32
        %mul3A_274 = arith.constant 40 : i32
        %mul3A_275 = arith.muli %add3A_273, %mul3A_274 : i32
        %dma_start3A_276 = tpu.memref_slice %arg8[%mul3A_275] : memref<2200xi32, #tpu.memory_space<vmem>> -> memref<40xi32, #tpu.memory_space<vmem>>
        %dma_start3A_277 = arith.constant 0 : i32
        %dma_start3A_278 = arith.constant 0 : i32
        %dma_start3A_279 = tpu.memref_slice %arg2[%dma_start3A_277, %dma_start3A_278] : memref<10000x128xi32, #tpu.memory_space<hbm>> -> memref<10000x128xi32, #tpu.memory_space<hbm>>
        tpu.enqueue_indirect_dma source(%dma_start3A_279 : memref<10000x128xi32, #tpu.memory_space<hbm>>) target(%arg13 : memref<40x128xi32, #tpu.memory_space<vmem>>) offsets(%dma_start3A_276 : memref<40xi32, #tpu.memory_space<vmem>>) semaphore(%arg23 : memref<!tpu.dma_semaphore, #tpu.memory_space<semaphore_mem>>)
        %dma_start3A_280 = tpu.memref_slice %arg9[%mul3A_275] : memref<2200xi32, #tpu.memory_space<vmem>> -> memref<40xi32, #tpu.memory_space<vmem>>
        %dma_start3A_281 = arith.constant 0 : i32
        %dma_start3A_282 = arith.constant 0 : i32
        %dma_start3A_283 = tpu.memref_slice %arg3[%dma_start3A_281, %dma_start3A_282] : memref<400x128xi32, #tpu.memory_space<hbm>> -> memref<400x128xi32, #tpu.memory_space<hbm>>
        tpu.enqueue_indirect_dma source(%dma_start3A_283 : memref<400x128xi32, #tpu.memory_space<hbm>>) target(%arg18 : memref<40x128xi32, #tpu.memory_space<vmem>>) offsets(%dma_start3A_280 : memref<40xi32, #tpu.memory_space<vmem>>) semaphore(%arg28 : memref<!tpu.dma_semaphore, #tpu.memory_space<semaphore_mem>>)
      } else {
      }
      %dma_wait3A_253 = arith.constant 0 : i32
      %dma_wait3A_254 = tpu.memref_slice %arg6[%mul3A_2, %dma_wait3A_253] : memref<70400x128xi32, #tpu.memory_space<hbm>> -> memref<40x128xi32, #tpu.memory_space<hbm>>
      %dma_wait3A_255 = arith.constant 0 : i32
      %dma_wait3A_256 = tpu.memref_slice %arg6[%mul3A_2, %dma_wait3A_255] : memref<70400x128xi32, #tpu.memory_space<hbm>> -> memref<40x128xi32, #tpu.memory_space<hbm>>
      tpu.wait_dma2 semaphore(%arg34 : memref<!tpu.dma_semaphore, #tpu.memory_space<semaphore_mem>>) src(%arg14 : memref<40x128xi32, #tpu.memory_space<vmem>>) dst(%dma_wait3A_256 : memref<40x128xi32, #tpu.memory_space<hbm>>)
      %dma_wait3A_257 = arith.constant 0 : i32
      %dma_wait3A_258 = tpu.memref_slice %arg7[%mul3A_2, %dma_wait3A_257] : memref<70400x128xi32, #tpu.memory_space<hbm>> -> memref<40x128xi32, #tpu.memory_space<hbm>>
      %dma_wait3A_259 = arith.constant 0 : i32
      %dma_wait3A_260 = tpu.memref_slice %arg7[%mul3A_2, %dma_wait3A_259] : memref<70400x128xi32, #tpu.memory_space<hbm>> -> memref<40x128xi32, #tpu.memory_space<hbm>>
      tpu.wait_dma2 semaphore(%arg39 : memref<!tpu.dma_semaphore, #tpu.memory_space<semaphore_mem>>) src(%arg19 : memref<40x128xi32, #tpu.memory_space<vmem>>) dst(%dma_wait3A_260 : memref<40x128xi32, #tpu.memory_space<hbm>>)
      %add3A_261 = arith.constant 5 : i32
      %add3A_262 = arith.addi %mul3A_63, %add3A_261 : i32
      %add3A_263 = arith.constant 4 : i32
      %add3A_264 = arith.addi %add3A_262, %add3A_263 : i32
      %lt3A_265 = arith.constant 55 : i32
      %lt3A_266 = arith.cmpi slt, %add3A_264, %lt3A_265 : i32
      %convert_element_type3A_267 = arith.extui %lt3A_266 : i1 to i32
      %cond3A_268 = arith.constant 0 : i32
      %cond3A_269 = arith.cmpi ne, %convert_element_type3A_267, %cond3A_268 : i32
      scf.if %cond3A_269 {
        %add3A_270 = arith.constant 5 : i32
        %add3A_271 = arith.addi %mul3A_63, %add3A_270 : i32
        %add3A_272 = arith.constant 4 : i32
        %add3A_273 = arith.addi %add3A_271, %add3A_272 : i32
        %mul3A_274 = arith.constant 40 : i32
        %mul3A_275 = arith.muli %add3A_273, %mul3A_274 : i32
        %dma_start3A_276 = tpu.memref_slice %arg8[%mul3A_275] : memref<2200xi32, #tpu.memory_space<vmem>> -> memref<40xi32, #tpu.memory_space<vmem>>
        %dma_start3A_277 = arith.constant 0 : i32
        %dma_start3A_278 = arith.constant 0 : i32
        %dma_start3A_279 = tpu.memref_slice %arg2[%dma_start3A_277, %dma_start3A_278] : memref<10000x128xi32, #tpu.memory_space<hbm>> -> memref<10000x128xi32, #tpu.memory_space<hbm>>
        tpu.enqueue_indirect_dma source(%dma_start3A_279 : memref<10000x128xi32, #tpu.memory_space<hbm>>) target(%arg14 : memref<40x128xi32, #tpu.memory_space<vmem>>) offsets(%dma_start3A_276 : memref<40xi32, #tpu.memory_space<vmem>>) semaphore(%arg24 : memref<!tpu.dma_semaphore, #tpu.memory_space<semaphore_mem>>)
        %dma_start3A_280 = tpu.memref_slice %arg9[%mul3A_275] : memref<2200xi32, #tpu.memory_space<vmem>> -> memref<40xi32, #tpu.memory_space<vmem>>
        %dma_start3A_281 = arith.constant 0 : i32
        %dma_start3A_282 = arith.constant 0 : i32
        %dma_start3A_283 = tpu.memref_slice %arg3[%dma_start3A_281, %dma_start3A_282] : memref<400x128xi32, #tpu.memory_space<hbm>> -> memref<400x128xi32, #tpu.memory_space<hbm>>
        tpu.enqueue_indirect_dma source(%dma_start3A_283 : memref<400x128xi32, #tpu.memory_space<hbm>>) target(%arg19 : memref<40x128xi32, #tpu.memory_space<vmem>>) offsets(%dma_start3A_280 : memref<40xi32, #tpu.memory_space<vmem>>) semaphore(%arg29 : memref<!tpu.dma_semaphore, #tpu.memory_space<semaphore_mem>>)
      } else {
      }
    }
    %scan3A_60 = arith.constant 11 : i32
    return
  }
}

#map = affine_map<(d0, d1) -> (0, 0)>
#map1 = affine_map<(d0, d1) -> (0)>
module attributes {stable_mosaic.version = 14 : i64} {
  func.func @_gather_body(%arg0: i32, %arg1: i32, %arg2: memref<10000x128xi32, #tpu.memory_space<hbm>>, %arg3: memref<400x128xi32, #tpu.memory_space<hbm>>, %arg4: memref<160000xi32, #tpu.memory_space<hbm>>, %arg5: memref<160000xi32, #tpu.memory_space<hbm>>, %arg6: memref<89600x128xi32, #tpu.memory_space<hbm>>, %arg7: memref<89600x128xi32, #tpu.memory_space<hbm>>, %arg8: memref<2800xi32, #tpu.memory_space<vmem>>, %arg9: memref<2800xi32, #tpu.memory_space<vmem>>, %arg10: memref<40x128xi32, #tpu.memory_space<vmem>>, %arg11: memref<40x128xi32, #tpu.memory_space<vmem>>, %arg12: memref<40x128xi32, #tpu.memory_space<vmem>>, %arg13: memref<40x128xi32, #tpu.memory_space<vmem>>, %arg14: memref<40x128xi32, #tpu.memory_space<vmem>>, %arg15: memref<40x128xi32, #tpu.memory_space<vmem>>, %arg16: memref<40x128xi32, #tpu.memory_space<vmem>>, %arg17: memref<40x128xi32, #tpu.memory_space<vmem>>, %arg18: memref<40x128xi32, #tpu.memory_space<vmem>>, %arg19: memref<40x128xi32, #tpu.memory_space<vmem>>, %arg20: memref<!tpu.dma_semaphore, #tpu.memory_space<semaphore_mem>>, %arg21: memref<!tpu.dma_semaphore, #tpu.memory_space<semaphore_mem>>, %arg22: memref<!tpu.dma_semaphore, #tpu.memory_space<semaphore_mem>>, %arg23: memref<!tpu.dma_semaphore, #tpu.memory_space<semaphore_mem>>, %arg24: memref<!tpu.dma_semaphore, #tpu.memory_space<semaphore_mem>>, %arg25: memref<!tpu.dma_semaphore, #tpu.memory_space<semaphore_mem>>, %arg26: memref<!tpu.dma_semaphore, #tpu.memory_space<semaphore_mem>>, %arg27: memref<!tpu.dma_semaphore, #tpu.memory_space<semaphore_mem>>, %arg28: memref<!tpu.dma_semaphore, #tpu.memory_space<semaphore_mem>>, %arg29: memref<!tpu.dma_semaphore, #tpu.memory_space<semaphore_mem>>, %arg30: memref<!tpu.dma_semaphore, #tpu.memory_space<semaphore_mem>>, %arg31: memref<!tpu.dma_semaphore, #tpu.memory_space<semaphore_mem>>, %arg32: memref<!tpu.dma_semaphore, #tpu.memory_space<semaphore_mem>>, %arg33: memref<!tpu.dma_semaphore, #tpu.memory_space<semaphore_mem>>, %arg34: memref<!tpu.dma_semaphore, #tpu.memory_space<semaphore_mem>>, %arg35: memref<!tpu.dma_semaphore, #tpu.memory_space<semaphore_mem>>, %arg36: memref<!tpu.dma_semaphore, #tpu.memory_space<semaphore_mem>>, %arg37: memref<!tpu.dma_semaphore, #tpu.memory_space<semaphore_mem>>, %arg38: memref<!tpu.dma_semaphore, #tpu.memory_space<semaphore_mem>>, %arg39: memref<!tpu.dma_semaphore, #tpu.memory_space<semaphore_mem>>) attributes {dimension_semantics = [#tpu.dimension_semantics<core_parallel>, #tpu.dimension_semantics<subcore_parallel>], iteration_bounds = array<i64: 2, 16>, scalar_prefetch = 0 : i64, scratch_operands = 32 : i64, tpu.core_type = #tpu.core_type<sc_vector_subcore>, window_params = [{transform_indices = #map}, {transform_indices = #map}, {transform_indices = #map1}, {transform_indices = #map1}, {transform_indices = #map}, {transform_indices = #map}]} {
    %mul3A = arith.constant 2 : i32
    %mul3A_0 = arith.muli %arg1, %mul3A : i32
    %add3A = arith.addi %mul3A_0, %arg0 : i32
    %mul3A_1 = arith.constant 2800 : i32
    %mul3A_2 = arith.muli %add3A, %mul3A_1 : i32
    %add3A_3 = arith.constant 70400 : i32
    %add3A_4 = arith.addi %add3A_3, %mul3A_2 : i32
    "tpu.region"() ({
      %run_scoped3A = tpu.sem_alloc : memref<!tpu.dma_semaphore, #tpu.memory_space<semaphore_mem>>
      %dma_start3A_61 = tpu.memref_slice %arg4[%add3A_4] : memref<160000xi32, #tpu.memory_space<hbm>> -> memref<2800xi32, #tpu.memory_space<hbm>>
      %dma_start3A_62 = tpu.memref_slice %arg4[%add3A_4] : memref<160000xi32, #tpu.memory_space<hbm>> -> memref<2800xi32, #tpu.memory_space<hbm>>
      tpu.enqueue_dma source(%dma_start3A_62 : memref<2800xi32, #tpu.memory_space<hbm>>) target(%arg8 : memref<2800xi32, #tpu.memory_space<vmem>>) target_semaphore(%run_scoped3A : memref<!tpu.dma_semaphore, #tpu.memory_space<semaphore_mem>>)
      %dma_wait3A = tpu.memref_slice %arg4[%add3A_4] : memref<160000xi32, #tpu.memory_space<hbm>> -> memref<2800xi32, #tpu.memory_space<hbm>>
      %dma_wait3A_63 = tpu.memref_slice %arg4[%add3A_4] : memref<160000xi32, #tpu.memory_space<hbm>> -> memref<2800xi32, #tpu.memory_space<hbm>>
      tpu.wait_dma2 semaphore(%run_scoped3A : memref<!tpu.dma_semaphore, #tpu.memory_space<semaphore_mem>>) src(%dma_wait3A_63 : memref<2800xi32, #tpu.memory_space<hbm>>) dst(%arg8 : memref<2800xi32, #tpu.memory_space<vmem>>)
      tpu.yield
    }) : () -> ()
    %add3A_5 = arith.constant 70400 : i32
    %add3A_6 = arith.addi %add3A_5, %mul3A_2 : i32
    "tpu.region"() ({
      %run_scoped3A = tpu.sem_alloc : memref<!tpu.dma_semaphore, #tpu.memory_space<semaphore_mem>>
      %dma_start3A_61 = tpu.memref_slice %arg5[%add3A_6] : memref<160000xi32, #tpu.memory_space<hbm>> -> memref<2800xi32, #tpu.memory_space<hbm>>
      %dma_start3A_62 = tpu.memref_slice %arg5[%add3A_6] : memref<160000xi32, #tpu.memory_space<hbm>> -> memref<2800xi32, #tpu.memory_space<hbm>>
      tpu.enqueue_dma source(%dma_start3A_62 : memref<2800xi32, #tpu.memory_space<hbm>>) target(%arg9 : memref<2800xi32, #tpu.memory_space<vmem>>) target_semaphore(%run_scoped3A : memref<!tpu.dma_semaphore, #tpu.memory_space<semaphore_mem>>)
      %dma_wait3A = tpu.memref_slice %arg5[%add3A_6] : memref<160000xi32, #tpu.memory_space<hbm>> -> memref<2800xi32, #tpu.memory_space<hbm>>
      %dma_wait3A_63 = tpu.memref_slice %arg5[%add3A_6] : memref<160000xi32, #tpu.memory_space<hbm>> -> memref<2800xi32, #tpu.memory_space<hbm>>
      tpu.wait_dma2 semaphore(%run_scoped3A : memref<!tpu.dma_semaphore, #tpu.memory_space<semaphore_mem>>) src(%dma_wait3A_63 : memref<2800xi32, #tpu.memory_space<hbm>>) dst(%arg9 : memref<2800xi32, #tpu.memory_space<vmem>>)
      tpu.yield
    }) : () -> ()
    %dma_start3A = arith.constant 0 : i32
    %dma_start3A_7 = tpu.memref_slice %arg8[%dma_start3A] : memref<2800xi32, #tpu.memory_space<vmem>> -> memref<40xi32, #tpu.memory_space<vmem>>
    %dma_start3A_8 = arith.constant 0 : i32
    %dma_start3A_9 = arith.constant 0 : i32
    %dma_start3A_10 = tpu.memref_slice %arg2[%dma_start3A_8, %dma_start3A_9] : memref<10000x128xi32, #tpu.memory_space<hbm>> -> memref<10000x128xi32, #tpu.memory_space<hbm>>
    tpu.enqueue_indirect_dma source(%dma_start3A_10 : memref<10000x128xi32, #tpu.memory_space<hbm>>) target(%arg10 : memref<40x128xi32, #tpu.memory_space<vmem>>) offsets(%dma_start3A_7 : memref<40xi32, #tpu.memory_space<vmem>>) semaphore(%arg20 : memref<!tpu.dma_semaphore, #tpu.memory_space<semaphore_mem>>)
    %dma_start3A_11 = arith.constant 0 : i32
    %dma_start3A_12 = tpu.memref_slice %arg9[%dma_start3A_11] : memref<2800xi32, #tpu.memory_space<vmem>> -> memref<40xi32, #tpu.memory_space<vmem>>
    %dma_start3A_13 = arith.constant 0 : i32
    %dma_start3A_14 = arith.constant 0 : i32
    %dma_start3A_15 = tpu.memref_slice %arg3[%dma_start3A_13, %dma_start3A_14] : memref<400x128xi32, #tpu.memory_space<hbm>> -> memref<400x128xi32, #tpu.memory_space<hbm>>
    tpu.enqueue_indirect_dma source(%dma_start3A_15 : memref<400x128xi32, #tpu.memory_space<hbm>>) target(%arg15 : memref<40x128xi32, #tpu.memory_space<vmem>>) offsets(%dma_start3A_12 : memref<40xi32, #tpu.memory_space<vmem>>) semaphore(%arg25 : memref<!tpu.dma_semaphore, #tpu.memory_space<semaphore_mem>>)
    %dma_start3A_16 = arith.constant 40 : i32
    %dma_start3A_17 = tpu.memref_slice %arg8[%dma_start3A_16] : memref<2800xi32, #tpu.memory_space<vmem>> -> memref<40xi32, #tpu.memory_space<vmem>>
    %dma_start3A_18 = arith.constant 0 : i32
    %dma_start3A_19 = arith.constant 0 : i32
    %dma_start3A_20 = tpu.memref_slice %arg2[%dma_start3A_18, %dma_start3A_19] : memref<10000x128xi32, #tpu.memory_space<hbm>> -> memref<10000x128xi32, #tpu.memory_space<hbm>>
    tpu.enqueue_indirect_dma source(%dma_start3A_20 : memref<10000x128xi32, #tpu.memory_space<hbm>>) target(%arg11 : memref<40x128xi32, #tpu.memory_space<vmem>>) offsets(%dma_start3A_17 : memref<40xi32, #tpu.memory_space<vmem>>) semaphore(%arg21 : memref<!tpu.dma_semaphore, #tpu.memory_space<semaphore_mem>>)
    %dma_start3A_21 = arith.constant 40 : i32
    %dma_start3A_22 = tpu.memref_slice %arg9[%dma_start3A_21] : memref<2800xi32, #tpu.memory_space<vmem>> -> memref<40xi32, #tpu.memory_space<vmem>>
    %dma_start3A_23 = arith.constant 0 : i32
    %dma_start3A_24 = arith.constant 0 : i32
    %dma_start3A_25 = tpu.memref_slice %arg3[%dma_start3A_23, %dma_start3A_24] : memref<400x128xi32, #tpu.memory_space<hbm>> -> memref<400x128xi32, #tpu.memory_space<hbm>>
    tpu.enqueue_indirect_dma source(%dma_start3A_25 : memref<400x128xi32, #tpu.memory_space<hbm>>) target(%arg16 : memref<40x128xi32, #tpu.memory_space<vmem>>) offsets(%dma_start3A_22 : memref<40xi32, #tpu.memory_space<vmem>>) semaphore(%arg26 : memref<!tpu.dma_semaphore, #tpu.memory_space<semaphore_mem>>)
    %dma_start3A_26 = arith.constant 80 : i32
    %dma_start3A_27 = tpu.memref_slice %arg8[%dma_start3A_26] : memref<2800xi32, #tpu.memory_space<vmem>> -> memref<40xi32, #tpu.memory_space<vmem>>
    %dma_start3A_28 = arith.constant 0 : i32
    %dma_start3A_29 = arith.constant 0 : i32
    %dma_start3A_30 = tpu.memref_slice %arg2[%dma_start3A_28, %dma_start3A_29] : memref<10000x128xi32, #tpu.memory_space<hbm>> -> memref<10000x128xi32, #tpu.memory_space<hbm>>
    tpu.enqueue_indirect_dma source(%dma_start3A_30 : memref<10000x128xi32, #tpu.memory_space<hbm>>) target(%arg12 : memref<40x128xi32, #tpu.memory_space<vmem>>) offsets(%dma_start3A_27 : memref<40xi32, #tpu.memory_space<vmem>>) semaphore(%arg22 : memref<!tpu.dma_semaphore, #tpu.memory_space<semaphore_mem>>)
    %dma_start3A_31 = arith.constant 80 : i32
    %dma_start3A_32 = tpu.memref_slice %arg9[%dma_start3A_31] : memref<2800xi32, #tpu.memory_space<vmem>> -> memref<40xi32, #tpu.memory_space<vmem>>
    %dma_start3A_33 = arith.constant 0 : i32
    %dma_start3A_34 = arith.constant 0 : i32
    %dma_start3A_35 = tpu.memref_slice %arg3[%dma_start3A_33, %dma_start3A_34] : memref<400x128xi32, #tpu.memory_space<hbm>> -> memref<400x128xi32, #tpu.memory_space<hbm>>
    tpu.enqueue_indirect_dma source(%dma_start3A_35 : memref<400x128xi32, #tpu.memory_space<hbm>>) target(%arg17 : memref<40x128xi32, #tpu.memory_space<vmem>>) offsets(%dma_start3A_32 : memref<40xi32, #tpu.memory_space<vmem>>) semaphore(%arg27 : memref<!tpu.dma_semaphore, #tpu.memory_space<semaphore_mem>>)
    %dma_start3A_36 = arith.constant 120 : i32
    %dma_start3A_37 = tpu.memref_slice %arg8[%dma_start3A_36] : memref<2800xi32, #tpu.memory_space<vmem>> -> memref<40xi32, #tpu.memory_space<vmem>>
    %dma_start3A_38 = arith.constant 0 : i32
    %dma_start3A_39 = arith.constant 0 : i32
    %dma_start3A_40 = tpu.memref_slice %arg2[%dma_start3A_38, %dma_start3A_39] : memref<10000x128xi32, #tpu.memory_space<hbm>> -> memref<10000x128xi32, #tpu.memory_space<hbm>>
    tpu.enqueue_indirect_dma source(%dma_start3A_40 : memref<10000x128xi32, #tpu.memory_space<hbm>>) target(%arg13 : memref<40x128xi32, #tpu.memory_space<vmem>>) offsets(%dma_start3A_37 : memref<40xi32, #tpu.memory_space<vmem>>) semaphore(%arg23 : memref<!tpu.dma_semaphore, #tpu.memory_space<semaphore_mem>>)
    %dma_start3A_41 = arith.constant 120 : i32
    %dma_start3A_42 = tpu.memref_slice %arg9[%dma_start3A_41] : memref<2800xi32, #tpu.memory_space<vmem>> -> memref<40xi32, #tpu.memory_space<vmem>>
    %dma_start3A_43 = arith.constant 0 : i32
    %dma_start3A_44 = arith.constant 0 : i32
    %dma_start3A_45 = tpu.memref_slice %arg3[%dma_start3A_43, %dma_start3A_44] : memref<400x128xi32, #tpu.memory_space<hbm>> -> memref<400x128xi32, #tpu.memory_space<hbm>>
    tpu.enqueue_indirect_dma source(%dma_start3A_45 : memref<400x128xi32, #tpu.memory_space<hbm>>) target(%arg18 : memref<40x128xi32, #tpu.memory_space<vmem>>) offsets(%dma_start3A_42 : memref<40xi32, #tpu.memory_space<vmem>>) semaphore(%arg28 : memref<!tpu.dma_semaphore, #tpu.memory_space<semaphore_mem>>)
    %dma_start3A_46 = arith.constant 160 : i32
    %dma_start3A_47 = tpu.memref_slice %arg8[%dma_start3A_46] : memref<2800xi32, #tpu.memory_space<vmem>> -> memref<40xi32, #tpu.memory_space<vmem>>
    %dma_start3A_48 = arith.constant 0 : i32
    %dma_start3A_49 = arith.constant 0 : i32
    %dma_start3A_50 = tpu.memref_slice %arg2[%dma_start3A_48, %dma_start3A_49] : memref<10000x128xi32, #tpu.memory_space<hbm>> -> memref<10000x128xi32, #tpu.memory_space<hbm>>
    tpu.enqueue_indirect_dma source(%dma_start3A_50 : memref<10000x128xi32, #tpu.memory_space<hbm>>) target(%arg14 : memref<40x128xi32, #tpu.memory_space<vmem>>) offsets(%dma_start3A_47 : memref<40xi32, #tpu.memory_space<vmem>>) semaphore(%arg24 : memref<!tpu.dma_semaphore, #tpu.memory_space<semaphore_mem>>)
    %dma_start3A_51 = arith.constant 160 : i32
    %dma_start3A_52 = tpu.memref_slice %arg9[%dma_start3A_51] : memref<2800xi32, #tpu.memory_space<vmem>> -> memref<40xi32, #tpu.memory_space<vmem>>
    %dma_start3A_53 = arith.constant 0 : i32
    %dma_start3A_54 = arith.constant 0 : i32
    %dma_start3A_55 = tpu.memref_slice %arg3[%dma_start3A_53, %dma_start3A_54] : memref<400x128xi32, #tpu.memory_space<hbm>> -> memref<400x128xi32, #tpu.memory_space<hbm>>
    tpu.enqueue_indirect_dma source(%dma_start3A_55 : memref<400x128xi32, #tpu.memory_space<hbm>>) target(%arg19 : memref<40x128xi32, #tpu.memory_space<vmem>>) offsets(%dma_start3A_52 : memref<40xi32, #tpu.memory_space<vmem>>) semaphore(%arg29 : memref<!tpu.dma_semaphore, #tpu.memory_space<semaphore_mem>>)
    %scan3A = arith.constant 0 : i32
    %scan3A_56 = arith.constant 0 : i32
    %scan3A_57 = arith.constant 14 : i32
    %scan3A_58 = arith.addi %scan3A_56, %scan3A_57 : i32
    %scan3A_59 = arith.constant 1 : i32
    scf.for %scan3A_61 = %scan3A_56 to %scan3A_58 step %scan3A_59  : i32 {
      %mul3A_62 = arith.constant 5 : i32
      %mul3A_63 = arith.muli %scan3A_61, %mul3A_62 : i32
      %add3A_64 = arith.constant 0 : i32
      %add3A_65 = arith.addi %mul3A_63, %add3A_64 : i32
      %mul3A_66 = arith.constant 40 : i32
      %mul3A_67 = arith.muli %add3A_65, %mul3A_66 : i32
      %dma_wait3A = tpu.memref_slice %arg8[%mul3A_67] : memref<2800xi32, #tpu.memory_space<vmem>> -> memref<40xi32, #tpu.memory_space<vmem>>
      %dma_wait3A_68 = arith.constant 0 : i32
      %dma_wait3A_69 = arith.constant 0 : i32
      %dma_wait3A_70 = tpu.memref_slice %arg2[%dma_wait3A_68, %dma_wait3A_69] : memref<10000x128xi32, #tpu.memory_space<hbm>> -> memref<10000x128xi32, #tpu.memory_space<hbm>>
      tpu.wait_indirect_dma semaphore(%arg20 : memref<!tpu.dma_semaphore, #tpu.memory_space<semaphore_mem>>) src(%dma_wait3A_70 : memref<10000x128xi32, #tpu.memory_space<hbm>>) dst(%arg10 : memref<40x128xi32, #tpu.memory_space<vmem>>)
      %dma_wait3A_71 = tpu.memref_slice %arg9[%mul3A_67] : memref<2800xi32, #tpu.memory_space<vmem>> -> memref<40xi32, #tpu.memory_space<vmem>>
      %dma_wait3A_72 = arith.constant 0 : i32
      %dma_wait3A_73 = arith.constant 0 : i32
      %dma_wait3A_74 = tpu.memref_slice %arg3[%dma_wait3A_72, %dma_wait3A_73] : memref<400x128xi32, #tpu.memory_space<hbm>> -> memref<400x128xi32, #tpu.memory_space<hbm>>
      tpu.wait_indirect_dma semaphore(%arg25 : memref<!tpu.dma_semaphore, #tpu.memory_space<semaphore_mem>>) src(%dma_wait3A_74 : memref<400x128xi32, #tpu.memory_space<hbm>>) dst(%arg15 : memref<40x128xi32, #tpu.memory_space<vmem>>)
      %add3A_75 = arith.constant 0 : i32
      %add3A_76 = arith.addi %mul3A_63, %add3A_75 : i32
      %mul3A_77 = arith.constant 40 : i32
      %mul3A_78 = arith.muli %add3A_76, %mul3A_77 : i32
      %add3A_79 = arith.addi %mul3A_2, %mul3A_78 : i32
      %dma_start3A_80 = arith.constant 0 : i32
      %dma_start3A_81 = tpu.memref_slice %arg6[%add3A_79, %dma_start3A_80] : memref<89600x128xi32, #tpu.memory_space<hbm>> -> memref<40x128xi32, #tpu.memory_space<hbm>>
      %dma_start3A_82 = arith.constant 0 : i32
      %dma_start3A_83 = tpu.memref_slice %arg6[%add3A_79, %dma_start3A_82] : memref<89600x128xi32, #tpu.memory_space<hbm>> -> memref<40x128xi32, #tpu.memory_space<hbm>>
      tpu.enqueue_dma source(%arg10 : memref<40x128xi32, #tpu.memory_space<vmem>>) target(%dma_start3A_83 : memref<40x128xi32, #tpu.memory_space<hbm>>) target_semaphore(%arg30 : memref<!tpu.dma_semaphore, #tpu.memory_space<semaphore_mem>>)
      %dma_start3A_84 = arith.constant 0 : i32
      %dma_start3A_85 = tpu.memref_slice %arg7[%add3A_79, %dma_start3A_84] : memref<89600x128xi32, #tpu.memory_space<hbm>> -> memref<40x128xi32, #tpu.memory_space<hbm>>
      %dma_start3A_86 = arith.constant 0 : i32
      %dma_start3A_87 = tpu.memref_slice %arg7[%add3A_79, %dma_start3A_86] : memref<89600x128xi32, #tpu.memory_space<hbm>> -> memref<40x128xi32, #tpu.memory_space<hbm>>
      tpu.enqueue_dma source(%arg15 : memref<40x128xi32, #tpu.memory_space<vmem>>) target(%dma_start3A_87 : memref<40x128xi32, #tpu.memory_space<hbm>>) target_semaphore(%arg35 : memref<!tpu.dma_semaphore, #tpu.memory_space<semaphore_mem>>)
      %add3A_88 = arith.constant 1 : i32
      %add3A_89 = arith.addi %mul3A_63, %add3A_88 : i32
      %mul3A_90 = arith.constant 40 : i32
      %mul3A_91 = arith.muli %add3A_89, %mul3A_90 : i32
      %dma_wait3A_92 = tpu.memref_slice %arg8[%mul3A_91] : memref<2800xi32, #tpu.memory_space<vmem>> -> memref<40xi32, #tpu.memory_space<vmem>>
      %dma_wait3A_93 = arith.constant 0 : i32
      %dma_wait3A_94 = arith.constant 0 : i32
      %dma_wait3A_95 = tpu.memref_slice %arg2[%dma_wait3A_93, %dma_wait3A_94] : memref<10000x128xi32, #tpu.memory_space<hbm>> -> memref<10000x128xi32, #tpu.memory_space<hbm>>
      tpu.wait_indirect_dma semaphore(%arg21 : memref<!tpu.dma_semaphore, #tpu.memory_space<semaphore_mem>>) src(%dma_wait3A_95 : memref<10000x128xi32, #tpu.memory_space<hbm>>) dst(%arg11 : memref<40x128xi32, #tpu.memory_space<vmem>>)
      %dma_wait3A_96 = tpu.memref_slice %arg9[%mul3A_91] : memref<2800xi32, #tpu.memory_space<vmem>> -> memref<40xi32, #tpu.memory_space<vmem>>
      %dma_wait3A_97 = arith.constant 0 : i32
      %dma_wait3A_98 = arith.constant 0 : i32
      %dma_wait3A_99 = tpu.memref_slice %arg3[%dma_wait3A_97, %dma_wait3A_98] : memref<400x128xi32, #tpu.memory_space<hbm>> -> memref<400x128xi32, #tpu.memory_space<hbm>>
      tpu.wait_indirect_dma semaphore(%arg26 : memref<!tpu.dma_semaphore, #tpu.memory_space<semaphore_mem>>) src(%dma_wait3A_99 : memref<400x128xi32, #tpu.memory_space<hbm>>) dst(%arg16 : memref<40x128xi32, #tpu.memory_space<vmem>>)
      %add3A_100 = arith.constant 1 : i32
      %add3A_101 = arith.addi %mul3A_63, %add3A_100 : i32
      %mul3A_102 = arith.constant 40 : i32
      %mul3A_103 = arith.muli %add3A_101, %mul3A_102 : i32
      %add3A_104 = arith.addi %mul3A_2, %mul3A_103 : i32
      %dma_start3A_105 = arith.constant 0 : i32
      %dma_start3A_106 = tpu.memref_slice %arg6[%add3A_104, %dma_start3A_105] : memref<89600x128xi32, #tpu.memory_space<hbm>> -> memref<40x128xi32, #tpu.memory_space<hbm>>
      %dma_start3A_107 = arith.constant 0 : i32
      %dma_start3A_108 = tpu.memref_slice %arg6[%add3A_104, %dma_start3A_107] : memref<89600x128xi32, #tpu.memory_space<hbm>> -> memref<40x128xi32, #tpu.memory_space<hbm>>
      tpu.enqueue_dma source(%arg11 : memref<40x128xi32, #tpu.memory_space<vmem>>) target(%dma_start3A_108 : memref<40x128xi32, #tpu.memory_space<hbm>>) target_semaphore(%arg31 : memref<!tpu.dma_semaphore, #tpu.memory_space<semaphore_mem>>)
      %dma_start3A_109 = arith.constant 0 : i32
      %dma_start3A_110 = tpu.memref_slice %arg7[%add3A_104, %dma_start3A_109] : memref<89600x128xi32, #tpu.memory_space<hbm>> -> memref<40x128xi32, #tpu.memory_space<hbm>>
      %dma_start3A_111 = arith.constant 0 : i32
      %dma_start3A_112 = tpu.memref_slice %arg7[%add3A_104, %dma_start3A_111] : memref<89600x128xi32, #tpu.memory_space<hbm>> -> memref<40x128xi32, #tpu.memory_space<hbm>>
      tpu.enqueue_dma source(%arg16 : memref<40x128xi32, #tpu.memory_space<vmem>>) target(%dma_start3A_112 : memref<40x128xi32, #tpu.memory_space<hbm>>) target_semaphore(%arg36 : memref<!tpu.dma_semaphore, #tpu.memory_space<semaphore_mem>>)
      %add3A_113 = arith.constant 2 : i32
      %add3A_114 = arith.addi %mul3A_63, %add3A_113 : i32
      %mul3A_115 = arith.constant 40 : i32
      %mul3A_116 = arith.muli %add3A_114, %mul3A_115 : i32
      %dma_wait3A_117 = tpu.memref_slice %arg8[%mul3A_116] : memref<2800xi32, #tpu.memory_space<vmem>> -> memref<40xi32, #tpu.memory_space<vmem>>
      %dma_wait3A_118 = arith.constant 0 : i32
      %dma_wait3A_119 = arith.constant 0 : i32
      %dma_wait3A_120 = tpu.memref_slice %arg2[%dma_wait3A_118, %dma_wait3A_119] : memref<10000x128xi32, #tpu.memory_space<hbm>> -> memref<10000x128xi32, #tpu.memory_space<hbm>>
      tpu.wait_indirect_dma semaphore(%arg22 : memref<!tpu.dma_semaphore, #tpu.memory_space<semaphore_mem>>) src(%dma_wait3A_120 : memref<10000x128xi32, #tpu.memory_space<hbm>>) dst(%arg12 : memref<40x128xi32, #tpu.memory_space<vmem>>)
      %dma_wait3A_121 = tpu.memref_slice %arg9[%mul3A_116] : memref<2800xi32, #tpu.memory_space<vmem>> -> memref<40xi32, #tpu.memory_space<vmem>>
      %dma_wait3A_122 = arith.constant 0 : i32
      %dma_wait3A_123 = arith.constant 0 : i32
      %dma_wait3A_124 = tpu.memref_slice %arg3[%dma_wait3A_122, %dma_wait3A_123] : memref<400x128xi32, #tpu.memory_space<hbm>> -> memref<400x128xi32, #tpu.memory_space<hbm>>
      tpu.wait_indirect_dma semaphore(%arg27 : memref<!tpu.dma_semaphore, #tpu.memory_space<semaphore_mem>>) src(%dma_wait3A_124 : memref<400x128xi32, #tpu.memory_space<hbm>>) dst(%arg17 : memref<40x128xi32, #tpu.memory_space<vmem>>)
      %add3A_125 = arith.constant 2 : i32
      %add3A_126 = arith.addi %mul3A_63, %add3A_125 : i32
      %mul3A_127 = arith.constant 40 : i32
      %mul3A_128 = arith.muli %add3A_126, %mul3A_127 : i32
      %add3A_129 = arith.addi %mul3A_2, %mul3A_128 : i32
      %dma_start3A_130 = arith.constant 0 : i32
      %dma_start3A_131 = tpu.memref_slice %arg6[%add3A_129, %dma_start3A_130] : memref<89600x128xi32, #tpu.memory_space<hbm>> -> memref<40x128xi32, #tpu.memory_space<hbm>>
      %dma_start3A_132 = arith.constant 0 : i32
      %dma_start3A_133 = tpu.memref_slice %arg6[%add3A_129, %dma_start3A_132] : memref<89600x128xi32, #tpu.memory_space<hbm>> -> memref<40x128xi32, #tpu.memory_space<hbm>>
      tpu.enqueue_dma source(%arg12 : memref<40x128xi32, #tpu.memory_space<vmem>>) target(%dma_start3A_133 : memref<40x128xi32, #tpu.memory_space<hbm>>) target_semaphore(%arg32 : memref<!tpu.dma_semaphore, #tpu.memory_space<semaphore_mem>>)
      %dma_start3A_134 = arith.constant 0 : i32
      %dma_start3A_135 = tpu.memref_slice %arg7[%add3A_129, %dma_start3A_134] : memref<89600x128xi32, #tpu.memory_space<hbm>> -> memref<40x128xi32, #tpu.memory_space<hbm>>
      %dma_start3A_136 = arith.constant 0 : i32
      %dma_start3A_137 = tpu.memref_slice %arg7[%add3A_129, %dma_start3A_136] : memref<89600x128xi32, #tpu.memory_space<hbm>> -> memref<40x128xi32, #tpu.memory_space<hbm>>
      tpu.enqueue_dma source(%arg17 : memref<40x128xi32, #tpu.memory_space<vmem>>) target(%dma_start3A_137 : memref<40x128xi32, #tpu.memory_space<hbm>>) target_semaphore(%arg37 : memref<!tpu.dma_semaphore, #tpu.memory_space<semaphore_mem>>)
      %add3A_138 = arith.constant 3 : i32
      %add3A_139 = arith.addi %mul3A_63, %add3A_138 : i32
      %mul3A_140 = arith.constant 40 : i32
      %mul3A_141 = arith.muli %add3A_139, %mul3A_140 : i32
      %dma_wait3A_142 = tpu.memref_slice %arg8[%mul3A_141] : memref<2800xi32, #tpu.memory_space<vmem>> -> memref<40xi32, #tpu.memory_space<vmem>>
      %dma_wait3A_143 = arith.constant 0 : i32
      %dma_wait3A_144 = arith.constant 0 : i32
      %dma_wait3A_145 = tpu.memref_slice %arg2[%dma_wait3A_143, %dma_wait3A_144] : memref<10000x128xi32, #tpu.memory_space<hbm>> -> memref<10000x128xi32, #tpu.memory_space<hbm>>
      tpu.wait_indirect_dma semaphore(%arg23 : memref<!tpu.dma_semaphore, #tpu.memory_space<semaphore_mem>>) src(%dma_wait3A_145 : memref<10000x128xi32, #tpu.memory_space<hbm>>) dst(%arg13 : memref<40x128xi32, #tpu.memory_space<vmem>>)
      %dma_wait3A_146 = tpu.memref_slice %arg9[%mul3A_141] : memref<2800xi32, #tpu.memory_space<vmem>> -> memref<40xi32, #tpu.memory_space<vmem>>
      %dma_wait3A_147 = arith.constant 0 : i32
      %dma_wait3A_148 = arith.constant 0 : i32
      %dma_wait3A_149 = tpu.memref_slice %arg3[%dma_wait3A_147, %dma_wait3A_148] : memref<400x128xi32, #tpu.memory_space<hbm>> -> memref<400x128xi32, #tpu.memory_space<hbm>>
      tpu.wait_indirect_dma semaphore(%arg28 : memref<!tpu.dma_semaphore, #tpu.memory_space<semaphore_mem>>) src(%dma_wait3A_149 : memref<400x128xi32, #tpu.memory_space<hbm>>) dst(%arg18 : memref<40x128xi32, #tpu.memory_space<vmem>>)
      %add3A_150 = arith.constant 3 : i32
      %add3A_151 = arith.addi %mul3A_63, %add3A_150 : i32
      %mul3A_152 = arith.constant 40 : i32
      %mul3A_153 = arith.muli %add3A_151, %mul3A_152 : i32
      %add3A_154 = arith.addi %mul3A_2, %mul3A_153 : i32
      %dma_start3A_155 = arith.constant 0 : i32
      %dma_start3A_156 = tpu.memref_slice %arg6[%add3A_154, %dma_start3A_155] : memref<89600x128xi32, #tpu.memory_space<hbm>> -> memref<40x128xi32, #tpu.memory_space<hbm>>
      %dma_start3A_157 = arith.constant 0 : i32
      %dma_start3A_158 = tpu.memref_slice %arg6[%add3A_154, %dma_start3A_157] : memref<89600x128xi32, #tpu.memory_space<hbm>> -> memref<40x128xi32, #tpu.memory_space<hbm>>
      tpu.enqueue_dma source(%arg13 : memref<40x128xi32, #tpu.memory_space<vmem>>) target(%dma_start3A_158 : memref<40x128xi32, #tpu.memory_space<hbm>>) target_semaphore(%arg33 : memref<!tpu.dma_semaphore, #tpu.memory_space<semaphore_mem>>)
      %dma_start3A_159 = arith.constant 0 : i32
      %dma_start3A_160 = tpu.memref_slice %arg7[%add3A_154, %dma_start3A_159] : memref<89600x128xi32, #tpu.memory_space<hbm>> -> memref<40x128xi32, #tpu.memory_space<hbm>>
      %dma_start3A_161 = arith.constant 0 : i32
      %dma_start3A_162 = tpu.memref_slice %arg7[%add3A_154, %dma_start3A_161] : memref<89600x128xi32, #tpu.memory_space<hbm>> -> memref<40x128xi32, #tpu.memory_space<hbm>>
      tpu.enqueue_dma source(%arg18 : memref<40x128xi32, #tpu.memory_space<vmem>>) target(%dma_start3A_162 : memref<40x128xi32, #tpu.memory_space<hbm>>) target_semaphore(%arg38 : memref<!tpu.dma_semaphore, #tpu.memory_space<semaphore_mem>>)
      %add3A_163 = arith.constant 4 : i32
      %add3A_164 = arith.addi %mul3A_63, %add3A_163 : i32
      %mul3A_165 = arith.constant 40 : i32
      %mul3A_166 = arith.muli %add3A_164, %mul3A_165 : i32
      %dma_wait3A_167 = tpu.memref_slice %arg8[%mul3A_166] : memref<2800xi32, #tpu.memory_space<vmem>> -> memref<40xi32, #tpu.memory_space<vmem>>
      %dma_wait3A_168 = arith.constant 0 : i32
      %dma_wait3A_169 = arith.constant 0 : i32
      %dma_wait3A_170 = tpu.memref_slice %arg2[%dma_wait3A_168, %dma_wait3A_169] : memref<10000x128xi32, #tpu.memory_space<hbm>> -> memref<10000x128xi32, #tpu.memory_space<hbm>>
      tpu.wait_indirect_dma semaphore(%arg24 : memref<!tpu.dma_semaphore, #tpu.memory_space<semaphore_mem>>) src(%dma_wait3A_170 : memref<10000x128xi32, #tpu.memory_space<hbm>>) dst(%arg14 : memref<40x128xi32, #tpu.memory_space<vmem>>)
      %dma_wait3A_171 = tpu.memref_slice %arg9[%mul3A_166] : memref<2800xi32, #tpu.memory_space<vmem>> -> memref<40xi32, #tpu.memory_space<vmem>>
      %dma_wait3A_172 = arith.constant 0 : i32
      %dma_wait3A_173 = arith.constant 0 : i32
      %dma_wait3A_174 = tpu.memref_slice %arg3[%dma_wait3A_172, %dma_wait3A_173] : memref<400x128xi32, #tpu.memory_space<hbm>> -> memref<400x128xi32, #tpu.memory_space<hbm>>
      tpu.wait_indirect_dma semaphore(%arg29 : memref<!tpu.dma_semaphore, #tpu.memory_space<semaphore_mem>>) src(%dma_wait3A_174 : memref<400x128xi32, #tpu.memory_space<hbm>>) dst(%arg19 : memref<40x128xi32, #tpu.memory_space<vmem>>)
      %add3A_175 = arith.constant 4 : i32
      %add3A_176 = arith.addi %mul3A_63, %add3A_175 : i32
      %mul3A_177 = arith.constant 40 : i32
      %mul3A_178 = arith.muli %add3A_176, %mul3A_177 : i32
      %add3A_179 = arith.addi %mul3A_2, %mul3A_178 : i32
      %dma_start3A_180 = arith.constant 0 : i32
      %dma_start3A_181 = tpu.memref_slice %arg6[%add3A_179, %dma_start3A_180] : memref<89600x128xi32, #tpu.memory_space<hbm>> -> memref<40x128xi32, #tpu.memory_space<hbm>>
      %dma_start3A_182 = arith.constant 0 : i32
      %dma_start3A_183 = tpu.memref_slice %arg6[%add3A_179, %dma_start3A_182] : memref<89600x128xi32, #tpu.memory_space<hbm>> -> memref<40x128xi32, #tpu.memory_space<hbm>>
      tpu.enqueue_dma source(%arg14 : memref<40x128xi32, #tpu.memory_space<vmem>>) target(%dma_start3A_183 : memref<40x128xi32, #tpu.memory_space<hbm>>) target_semaphore(%arg34 : memref<!tpu.dma_semaphore, #tpu.memory_space<semaphore_mem>>)
      %dma_start3A_184 = arith.constant 0 : i32
      %dma_start3A_185 = tpu.memref_slice %arg7[%add3A_179, %dma_start3A_184] : memref<89600x128xi32, #tpu.memory_space<hbm>> -> memref<40x128xi32, #tpu.memory_space<hbm>>
      %dma_start3A_186 = arith.constant 0 : i32
      %dma_start3A_187 = tpu.memref_slice %arg7[%add3A_179, %dma_start3A_186] : memref<89600x128xi32, #tpu.memory_space<hbm>> -> memref<40x128xi32, #tpu.memory_space<hbm>>
      tpu.enqueue_dma source(%arg19 : memref<40x128xi32, #tpu.memory_space<vmem>>) target(%dma_start3A_187 : memref<40x128xi32, #tpu.memory_space<hbm>>) target_semaphore(%arg39 : memref<!tpu.dma_semaphore, #tpu.memory_space<semaphore_mem>>)
      %dma_wait3A_188 = arith.constant 0 : i32
      %dma_wait3A_189 = tpu.memref_slice %arg6[%mul3A_2, %dma_wait3A_188] : memref<89600x128xi32, #tpu.memory_space<hbm>> -> memref<40x128xi32, #tpu.memory_space<hbm>>
      %dma_wait3A_190 = arith.constant 0 : i32
      %dma_wait3A_191 = tpu.memref_slice %arg6[%mul3A_2, %dma_wait3A_190] : memref<89600x128xi32, #tpu.memory_space<hbm>> -> memref<40x128xi32, #tpu.memory_space<hbm>>
      tpu.wait_dma2 semaphore(%arg30 : memref<!tpu.dma_semaphore, #tpu.memory_space<semaphore_mem>>) src(%arg10 : memref<40x128xi32, #tpu.memory_space<vmem>>) dst(%dma_wait3A_191 : memref<40x128xi32, #tpu.memory_space<hbm>>)
      %dma_wait3A_192 = arith.constant 0 : i32
      %dma_wait3A_193 = tpu.memref_slice %arg7[%mul3A_2, %dma_wait3A_192] : memref<89600x128xi32, #tpu.memory_space<hbm>> -> memref<40x128xi32, #tpu.memory_space<hbm>>
      %dma_wait3A_194 = arith.constant 0 : i32
      %dma_wait3A_195 = tpu.memref_slice %arg7[%mul3A_2, %dma_wait3A_194] : memref<89600x128xi32, #tpu.memory_space<hbm>> -> memref<40x128xi32, #tpu.memory_space<hbm>>
      tpu.wait_dma2 semaphore(%arg35 : memref<!tpu.dma_semaphore, #tpu.memory_space<semaphore_mem>>) src(%arg15 : memref<40x128xi32, #tpu.memory_space<vmem>>) dst(%dma_wait3A_195 : memref<40x128xi32, #tpu.memory_space<hbm>>)
      %add3A_196 = arith.constant 5 : i32
      %add3A_197 = arith.addi %mul3A_63, %add3A_196 : i32
      %add3A_198 = arith.constant 0 : i32
      %add3A_199 = arith.addi %add3A_197, %add3A_198 : i32
      %lt3A = arith.constant 70 : i32
      %lt3A_200 = arith.cmpi slt, %add3A_199, %lt3A : i32
      %convert_element_type3A = arith.extui %lt3A_200 : i1 to i32
      %cond3A = arith.constant 0 : i32
      %cond3A_201 = arith.cmpi ne, %convert_element_type3A, %cond3A : i32
      scf.if %cond3A_201 {
        %add3A_270 = arith.constant 5 : i32
        %add3A_271 = arith.addi %mul3A_63, %add3A_270 : i32
        %add3A_272 = arith.constant 0 : i32
        %add3A_273 = arith.addi %add3A_271, %add3A_272 : i32
        %mul3A_274 = arith.constant 40 : i32
        %mul3A_275 = arith.muli %add3A_273, %mul3A_274 : i32
        %dma_start3A_276 = tpu.memref_slice %arg8[%mul3A_275] : memref<2800xi32, #tpu.memory_space<vmem>> -> memref<40xi32, #tpu.memory_space<vmem>>
        %dma_start3A_277 = arith.constant 0 : i32
        %dma_start3A_278 = arith.constant 0 : i32
        %dma_start3A_279 = tpu.memref_slice %arg2[%dma_start3A_277, %dma_start3A_278] : memref<10000x128xi32, #tpu.memory_space<hbm>> -> memref<10000x128xi32, #tpu.memory_space<hbm>>
        tpu.enqueue_indirect_dma source(%dma_start3A_279 : memref<10000x128xi32, #tpu.memory_space<hbm>>) target(%arg10 : memref<40x128xi32, #tpu.memory_space<vmem>>) offsets(%dma_start3A_276 : memref<40xi32, #tpu.memory_space<vmem>>) semaphore(%arg20 : memref<!tpu.dma_semaphore, #tpu.memory_space<semaphore_mem>>)
        %dma_start3A_280 = tpu.memref_slice %arg9[%mul3A_275] : memref<2800xi32, #tpu.memory_space<vmem>> -> memref<40xi32, #tpu.memory_space<vmem>>
        %dma_start3A_281 = arith.constant 0 : i32
        %dma_start3A_282 = arith.constant 0 : i32
        %dma_start3A_283 = tpu.memref_slice %arg3[%dma_start3A_281, %dma_start3A_282] : memref<400x128xi32, #tpu.memory_space<hbm>> -> memref<400x128xi32, #tpu.memory_space<hbm>>
        tpu.enqueue_indirect_dma source(%dma_start3A_283 : memref<400x128xi32, #tpu.memory_space<hbm>>) target(%arg15 : memref<40x128xi32, #tpu.memory_space<vmem>>) offsets(%dma_start3A_280 : memref<40xi32, #tpu.memory_space<vmem>>) semaphore(%arg25 : memref<!tpu.dma_semaphore, #tpu.memory_space<semaphore_mem>>)
      } else {
      }
      %dma_wait3A_202 = arith.constant 0 : i32
      %dma_wait3A_203 = tpu.memref_slice %arg6[%mul3A_2, %dma_wait3A_202] : memref<89600x128xi32, #tpu.memory_space<hbm>> -> memref<40x128xi32, #tpu.memory_space<hbm>>
      %dma_wait3A_204 = arith.constant 0 : i32
      %dma_wait3A_205 = tpu.memref_slice %arg6[%mul3A_2, %dma_wait3A_204] : memref<89600x128xi32, #tpu.memory_space<hbm>> -> memref<40x128xi32, #tpu.memory_space<hbm>>
      tpu.wait_dma2 semaphore(%arg31 : memref<!tpu.dma_semaphore, #tpu.memory_space<semaphore_mem>>) src(%arg11 : memref<40x128xi32, #tpu.memory_space<vmem>>) dst(%dma_wait3A_205 : memref<40x128xi32, #tpu.memory_space<hbm>>)
      %dma_wait3A_206 = arith.constant 0 : i32
      %dma_wait3A_207 = tpu.memref_slice %arg7[%mul3A_2, %dma_wait3A_206] : memref<89600x128xi32, #tpu.memory_space<hbm>> -> memref<40x128xi32, #tpu.memory_space<hbm>>
      %dma_wait3A_208 = arith.constant 0 : i32
      %dma_wait3A_209 = tpu.memref_slice %arg7[%mul3A_2, %dma_wait3A_208] : memref<89600x128xi32, #tpu.memory_space<hbm>> -> memref<40x128xi32, #tpu.memory_space<hbm>>
      tpu.wait_dma2 semaphore(%arg36 : memref<!tpu.dma_semaphore, #tpu.memory_space<semaphore_mem>>) src(%arg16 : memref<40x128xi32, #tpu.memory_space<vmem>>) dst(%dma_wait3A_209 : memref<40x128xi32, #tpu.memory_space<hbm>>)
      %add3A_210 = arith.constant 5 : i32
      %add3A_211 = arith.addi %mul3A_63, %add3A_210 : i32
      %add3A_212 = arith.constant 1 : i32
      %add3A_213 = arith.addi %add3A_211, %add3A_212 : i32
      %lt3A_214 = arith.constant 70 : i32
      %lt3A_215 = arith.cmpi slt, %add3A_213, %lt3A_214 : i32
      %convert_element_type3A_216 = arith.extui %lt3A_215 : i1 to i32
      %cond3A_217 = arith.constant 0 : i32
      %cond3A_218 = arith.cmpi ne, %convert_element_type3A_216, %cond3A_217 : i32
      scf.if %cond3A_218 {
        %add3A_270 = arith.constant 5 : i32
        %add3A_271 = arith.addi %mul3A_63, %add3A_270 : i32
        %add3A_272 = arith.constant 1 : i32
        %add3A_273 = arith.addi %add3A_271, %add3A_272 : i32
        %mul3A_274 = arith.constant 40 : i32
        %mul3A_275 = arith.muli %add3A_273, %mul3A_274 : i32
        %dma_start3A_276 = tpu.memref_slice %arg8[%mul3A_275] : memref<2800xi32, #tpu.memory_space<vmem>> -> memref<40xi32, #tpu.memory_space<vmem>>
        %dma_start3A_277 = arith.constant 0 : i32
        %dma_start3A_278 = arith.constant 0 : i32
        %dma_start3A_279 = tpu.memref_slice %arg2[%dma_start3A_277, %dma_start3A_278] : memref<10000x128xi32, #tpu.memory_space<hbm>> -> memref<10000x128xi32, #tpu.memory_space<hbm>>
        tpu.enqueue_indirect_dma source(%dma_start3A_279 : memref<10000x128xi32, #tpu.memory_space<hbm>>) target(%arg11 : memref<40x128xi32, #tpu.memory_space<vmem>>) offsets(%dma_start3A_276 : memref<40xi32, #tpu.memory_space<vmem>>) semaphore(%arg21 : memref<!tpu.dma_semaphore, #tpu.memory_space<semaphore_mem>>)
        %dma_start3A_280 = tpu.memref_slice %arg9[%mul3A_275] : memref<2800xi32, #tpu.memory_space<vmem>> -> memref<40xi32, #tpu.memory_space<vmem>>
        %dma_start3A_281 = arith.constant 0 : i32
        %dma_start3A_282 = arith.constant 0 : i32
        %dma_start3A_283 = tpu.memref_slice %arg3[%dma_start3A_281, %dma_start3A_282] : memref<400x128xi32, #tpu.memory_space<hbm>> -> memref<400x128xi32, #tpu.memory_space<hbm>>
        tpu.enqueue_indirect_dma source(%dma_start3A_283 : memref<400x128xi32, #tpu.memory_space<hbm>>) target(%arg16 : memref<40x128xi32, #tpu.memory_space<vmem>>) offsets(%dma_start3A_280 : memref<40xi32, #tpu.memory_space<vmem>>) semaphore(%arg26 : memref<!tpu.dma_semaphore, #tpu.memory_space<semaphore_mem>>)
      } else {
      }
      %dma_wait3A_219 = arith.constant 0 : i32
      %dma_wait3A_220 = tpu.memref_slice %arg6[%mul3A_2, %dma_wait3A_219] : memref<89600x128xi32, #tpu.memory_space<hbm>> -> memref<40x128xi32, #tpu.memory_space<hbm>>
      %dma_wait3A_221 = arith.constant 0 : i32
      %dma_wait3A_222 = tpu.memref_slice %arg6[%mul3A_2, %dma_wait3A_221] : memref<89600x128xi32, #tpu.memory_space<hbm>> -> memref<40x128xi32, #tpu.memory_space<hbm>>
      tpu.wait_dma2 semaphore(%arg32 : memref<!tpu.dma_semaphore, #tpu.memory_space<semaphore_mem>>) src(%arg12 : memref<40x128xi32, #tpu.memory_space<vmem>>) dst(%dma_wait3A_222 : memref<40x128xi32, #tpu.memory_space<hbm>>)
      %dma_wait3A_223 = arith.constant 0 : i32
      %dma_wait3A_224 = tpu.memref_slice %arg7[%mul3A_2, %dma_wait3A_223] : memref<89600x128xi32, #tpu.memory_space<hbm>> -> memref<40x128xi32, #tpu.memory_space<hbm>>
      %dma_wait3A_225 = arith.constant 0 : i32
      %dma_wait3A_226 = tpu.memref_slice %arg7[%mul3A_2, %dma_wait3A_225] : memref<89600x128xi32, #tpu.memory_space<hbm>> -> memref<40x128xi32, #tpu.memory_space<hbm>>
      tpu.wait_dma2 semaphore(%arg37 : memref<!tpu.dma_semaphore, #tpu.memory_space<semaphore_mem>>) src(%arg17 : memref<40x128xi32, #tpu.memory_space<vmem>>) dst(%dma_wait3A_226 : memref<40x128xi32, #tpu.memory_space<hbm>>)
      %add3A_227 = arith.constant 5 : i32
      %add3A_228 = arith.addi %mul3A_63, %add3A_227 : i32
      %add3A_229 = arith.constant 2 : i32
      %add3A_230 = arith.addi %add3A_228, %add3A_229 : i32
      %lt3A_231 = arith.constant 70 : i32
      %lt3A_232 = arith.cmpi slt, %add3A_230, %lt3A_231 : i32
      %convert_element_type3A_233 = arith.extui %lt3A_232 : i1 to i32
      %cond3A_234 = arith.constant 0 : i32
      %cond3A_235 = arith.cmpi ne, %convert_element_type3A_233, %cond3A_234 : i32
      scf.if %cond3A_235 {
        %add3A_270 = arith.constant 5 : i32
        %add3A_271 = arith.addi %mul3A_63, %add3A_270 : i32
        %add3A_272 = arith.constant 2 : i32
        %add3A_273 = arith.addi %add3A_271, %add3A_272 : i32
        %mul3A_274 = arith.constant 40 : i32
        %mul3A_275 = arith.muli %add3A_273, %mul3A_274 : i32
        %dma_start3A_276 = tpu.memref_slice %arg8[%mul3A_275] : memref<2800xi32, #tpu.memory_space<vmem>> -> memref<40xi32, #tpu.memory_space<vmem>>
        %dma_start3A_277 = arith.constant 0 : i32
        %dma_start3A_278 = arith.constant 0 : i32
        %dma_start3A_279 = tpu.memref_slice %arg2[%dma_start3A_277, %dma_start3A_278] : memref<10000x128xi32, #tpu.memory_space<hbm>> -> memref<10000x128xi32, #tpu.memory_space<hbm>>
        tpu.enqueue_indirect_dma source(%dma_start3A_279 : memref<10000x128xi32, #tpu.memory_space<hbm>>) target(%arg12 : memref<40x128xi32, #tpu.memory_space<vmem>>) offsets(%dma_start3A_276 : memref<40xi32, #tpu.memory_space<vmem>>) semaphore(%arg22 : memref<!tpu.dma_semaphore, #tpu.memory_space<semaphore_mem>>)
        %dma_start3A_280 = tpu.memref_slice %arg9[%mul3A_275] : memref<2800xi32, #tpu.memory_space<vmem>> -> memref<40xi32, #tpu.memory_space<vmem>>
        %dma_start3A_281 = arith.constant 0 : i32
        %dma_start3A_282 = arith.constant 0 : i32
        %dma_start3A_283 = tpu.memref_slice %arg3[%dma_start3A_281, %dma_start3A_282] : memref<400x128xi32, #tpu.memory_space<hbm>> -> memref<400x128xi32, #tpu.memory_space<hbm>>
        tpu.enqueue_indirect_dma source(%dma_start3A_283 : memref<400x128xi32, #tpu.memory_space<hbm>>) target(%arg17 : memref<40x128xi32, #tpu.memory_space<vmem>>) offsets(%dma_start3A_280 : memref<40xi32, #tpu.memory_space<vmem>>) semaphore(%arg27 : memref<!tpu.dma_semaphore, #tpu.memory_space<semaphore_mem>>)
      } else {
      }
      %dma_wait3A_236 = arith.constant 0 : i32
      %dma_wait3A_237 = tpu.memref_slice %arg6[%mul3A_2, %dma_wait3A_236] : memref<89600x128xi32, #tpu.memory_space<hbm>> -> memref<40x128xi32, #tpu.memory_space<hbm>>
      %dma_wait3A_238 = arith.constant 0 : i32
      %dma_wait3A_239 = tpu.memref_slice %arg6[%mul3A_2, %dma_wait3A_238] : memref<89600x128xi32, #tpu.memory_space<hbm>> -> memref<40x128xi32, #tpu.memory_space<hbm>>
      tpu.wait_dma2 semaphore(%arg33 : memref<!tpu.dma_semaphore, #tpu.memory_space<semaphore_mem>>) src(%arg13 : memref<40x128xi32, #tpu.memory_space<vmem>>) dst(%dma_wait3A_239 : memref<40x128xi32, #tpu.memory_space<hbm>>)
      %dma_wait3A_240 = arith.constant 0 : i32
      %dma_wait3A_241 = tpu.memref_slice %arg7[%mul3A_2, %dma_wait3A_240] : memref<89600x128xi32, #tpu.memory_space<hbm>> -> memref<40x128xi32, #tpu.memory_space<hbm>>
      %dma_wait3A_242 = arith.constant 0 : i32
      %dma_wait3A_243 = tpu.memref_slice %arg7[%mul3A_2, %dma_wait3A_242] : memref<89600x128xi32, #tpu.memory_space<hbm>> -> memref<40x128xi32, #tpu.memory_space<hbm>>
      tpu.wait_dma2 semaphore(%arg38 : memref<!tpu.dma_semaphore, #tpu.memory_space<semaphore_mem>>) src(%arg18 : memref<40x128xi32, #tpu.memory_space<vmem>>) dst(%dma_wait3A_243 : memref<40x128xi32, #tpu.memory_space<hbm>>)
      %add3A_244 = arith.constant 5 : i32
      %add3A_245 = arith.addi %mul3A_63, %add3A_244 : i32
      %add3A_246 = arith.constant 3 : i32
      %add3A_247 = arith.addi %add3A_245, %add3A_246 : i32
      %lt3A_248 = arith.constant 70 : i32
      %lt3A_249 = arith.cmpi slt, %add3A_247, %lt3A_248 : i32
      %convert_element_type3A_250 = arith.extui %lt3A_249 : i1 to i32
      %cond3A_251 = arith.constant 0 : i32
      %cond3A_252 = arith.cmpi ne, %convert_element_type3A_250, %cond3A_251 : i32
      scf.if %cond3A_252 {
        %add3A_270 = arith.constant 5 : i32
        %add3A_271 = arith.addi %mul3A_63, %add3A_270 : i32
        %add3A_272 = arith.constant 3 : i32
        %add3A_273 = arith.addi %add3A_271, %add3A_272 : i32
        %mul3A_274 = arith.constant 40 : i32
        %mul3A_275 = arith.muli %add3A_273, %mul3A_274 : i32
        %dma_start3A_276 = tpu.memref_slice %arg8[%mul3A_275] : memref<2800xi32, #tpu.memory_space<vmem>> -> memref<40xi32, #tpu.memory_space<vmem>>
        %dma_start3A_277 = arith.constant 0 : i32
        %dma_start3A_278 = arith.constant 0 : i32
        %dma_start3A_279 = tpu.memref_slice %arg2[%dma_start3A_277, %dma_start3A_278] : memref<10000x128xi32, #tpu.memory_space<hbm>> -> memref<10000x128xi32, #tpu.memory_space<hbm>>
        tpu.enqueue_indirect_dma source(%dma_start3A_279 : memref<10000x128xi32, #tpu.memory_space<hbm>>) target(%arg13 : memref<40x128xi32, #tpu.memory_space<vmem>>) offsets(%dma_start3A_276 : memref<40xi32, #tpu.memory_space<vmem>>) semaphore(%arg23 : memref<!tpu.dma_semaphore, #tpu.memory_space<semaphore_mem>>)
        %dma_start3A_280 = tpu.memref_slice %arg9[%mul3A_275] : memref<2800xi32, #tpu.memory_space<vmem>> -> memref<40xi32, #tpu.memory_space<vmem>>
        %dma_start3A_281 = arith.constant 0 : i32
        %dma_start3A_282 = arith.constant 0 : i32
        %dma_start3A_283 = tpu.memref_slice %arg3[%dma_start3A_281, %dma_start3A_282] : memref<400x128xi32, #tpu.memory_space<hbm>> -> memref<400x128xi32, #tpu.memory_space<hbm>>
        tpu.enqueue_indirect_dma source(%dma_start3A_283 : memref<400x128xi32, #tpu.memory_space<hbm>>) target(%arg18 : memref<40x128xi32, #tpu.memory_space<vmem>>) offsets(%dma_start3A_280 : memref<40xi32, #tpu.memory_space<vmem>>) semaphore(%arg28 : memref<!tpu.dma_semaphore, #tpu.memory_space<semaphore_mem>>)
      } else {
      }
      %dma_wait3A_253 = arith.constant 0 : i32
      %dma_wait3A_254 = tpu.memref_slice %arg6[%mul3A_2, %dma_wait3A_253] : memref<89600x128xi32, #tpu.memory_space<hbm>> -> memref<40x128xi32, #tpu.memory_space<hbm>>
      %dma_wait3A_255 = arith.constant 0 : i32
      %dma_wait3A_256 = tpu.memref_slice %arg6[%mul3A_2, %dma_wait3A_255] : memref<89600x128xi32, #tpu.memory_space<hbm>> -> memref<40x128xi32, #tpu.memory_space<hbm>>
      tpu.wait_dma2 semaphore(%arg34 : memref<!tpu.dma_semaphore, #tpu.memory_space<semaphore_mem>>) src(%arg14 : memref<40x128xi32, #tpu.memory_space<vmem>>) dst(%dma_wait3A_256 : memref<40x128xi32, #tpu.memory_space<hbm>>)
      %dma_wait3A_257 = arith.constant 0 : i32
      %dma_wait3A_258 = tpu.memref_slice %arg7[%mul3A_2, %dma_wait3A_257] : memref<89600x128xi32, #tpu.memory_space<hbm>> -> memref<40x128xi32, #tpu.memory_space<hbm>>
      %dma_wait3A_259 = arith.constant 0 : i32
      %dma_wait3A_260 = tpu.memref_slice %arg7[%mul3A_2, %dma_wait3A_259] : memref<89600x128xi32, #tpu.memory_space<hbm>> -> memref<40x128xi32, #tpu.memory_space<hbm>>
      tpu.wait_dma2 semaphore(%arg39 : memref<!tpu.dma_semaphore, #tpu.memory_space<semaphore_mem>>) src(%arg19 : memref<40x128xi32, #tpu.memory_space<vmem>>) dst(%dma_wait3A_260 : memref<40x128xi32, #tpu.memory_space<hbm>>)
      %add3A_261 = arith.constant 5 : i32
      %add3A_262 = arith.addi %mul3A_63, %add3A_261 : i32
      %add3A_263 = arith.constant 4 : i32
      %add3A_264 = arith.addi %add3A_262, %add3A_263 : i32
      %lt3A_265 = arith.constant 70 : i32
      %lt3A_266 = arith.cmpi slt, %add3A_264, %lt3A_265 : i32
      %convert_element_type3A_267 = arith.extui %lt3A_266 : i1 to i32
      %cond3A_268 = arith.constant 0 : i32
      %cond3A_269 = arith.cmpi ne, %convert_element_type3A_267, %cond3A_268 : i32
      scf.if %cond3A_269 {
        %add3A_270 = arith.constant 5 : i32
        %add3A_271 = arith.addi %mul3A_63, %add3A_270 : i32
        %add3A_272 = arith.constant 4 : i32
        %add3A_273 = arith.addi %add3A_271, %add3A_272 : i32
        %mul3A_274 = arith.constant 40 : i32
        %mul3A_275 = arith.muli %add3A_273, %mul3A_274 : i32
        %dma_start3A_276 = tpu.memref_slice %arg8[%mul3A_275] : memref<2800xi32, #tpu.memory_space<vmem>> -> memref<40xi32, #tpu.memory_space<vmem>>
        %dma_start3A_277 = arith.constant 0 : i32
        %dma_start3A_278 = arith.constant 0 : i32
        %dma_start3A_279 = tpu.memref_slice %arg2[%dma_start3A_277, %dma_start3A_278] : memref<10000x128xi32, #tpu.memory_space<hbm>> -> memref<10000x128xi32, #tpu.memory_space<hbm>>
        tpu.enqueue_indirect_dma source(%dma_start3A_279 : memref<10000x128xi32, #tpu.memory_space<hbm>>) target(%arg14 : memref<40x128xi32, #tpu.memory_space<vmem>>) offsets(%dma_start3A_276 : memref<40xi32, #tpu.memory_space<vmem>>) semaphore(%arg24 : memref<!tpu.dma_semaphore, #tpu.memory_space<semaphore_mem>>)
        %dma_start3A_280 = tpu.memref_slice %arg9[%mul3A_275] : memref<2800xi32, #tpu.memory_space<vmem>> -> memref<40xi32, #tpu.memory_space<vmem>>
        %dma_start3A_281 = arith.constant 0 : i32
        %dma_start3A_282 = arith.constant 0 : i32
        %dma_start3A_283 = tpu.memref_slice %arg3[%dma_start3A_281, %dma_start3A_282] : memref<400x128xi32, #tpu.memory_space<hbm>> -> memref<400x128xi32, #tpu.memory_space<hbm>>
        tpu.enqueue_indirect_dma source(%dma_start3A_283 : memref<400x128xi32, #tpu.memory_space<hbm>>) target(%arg19 : memref<40x128xi32, #tpu.memory_space<vmem>>) offsets(%dma_start3A_280 : memref<40xi32, #tpu.memory_space<vmem>>) semaphore(%arg29 : memref<!tpu.dma_semaphore, #tpu.memory_space<semaphore_mem>>)
      } else {
      }
    }
    %scan3A_60 = arith.constant 14 : i32
    return
  }
}

#map = affine_map<(d0, d1) -> (0, 0)>
#map1 = affine_map<(d0, d1) -> (0)>
module attributes {stable_mosaic.version = 14 : i64} {
  func.func @_scatter_body(%arg0: i32, %arg1: i32, %arg2: memref<70400x256xf32, #tpu.memory_space<hbm>>, %arg3: memref<160000xi32, #tpu.memory_space<hbm>>, %arg4: memref<632x128xf32, #tpu.memory_space<hbm>>, %arg5: memref<10112x256xf32, #tpu.memory_space<hbm>>, %arg6: memref<40xi32, #tpu.memory_space<vmem>>, %arg7: memref<40xi32, #tpu.memory_space<vmem>>, %arg8: memref<40xi32, #tpu.memory_space<vmem>>, %arg9: memref<40xi32, #tpu.memory_space<vmem>>, %arg10: memref<40xi32, #tpu.memory_space<vmem>>, %arg11: memref<40x128xf32, #tpu.memory_space<vmem>>, %arg12: memref<40x128xf32, #tpu.memory_space<vmem>>, %arg13: memref<40x128xf32, #tpu.memory_space<vmem>>, %arg14: memref<40x128xf32, #tpu.memory_space<vmem>>, %arg15: memref<40x128xf32, #tpu.memory_space<vmem>>, %arg16: memref<!tpu.dma_semaphore, #tpu.memory_space<semaphore_mem>>, %arg17: memref<!tpu.dma_semaphore, #tpu.memory_space<semaphore_mem>>, %arg18: memref<!tpu.dma_semaphore, #tpu.memory_space<semaphore_mem>>, %arg19: memref<!tpu.dma_semaphore, #tpu.memory_space<semaphore_mem>>, %arg20: memref<!tpu.dma_semaphore, #tpu.memory_space<semaphore_mem>>, %arg21: memref<!tpu.dma_semaphore, #tpu.memory_space<semaphore_mem>>, %arg22: memref<!tpu.dma_semaphore, #tpu.memory_space<semaphore_mem>>, %arg23: memref<!tpu.dma_semaphore, #tpu.memory_space<semaphore_mem>>, %arg24: memref<!tpu.dma_semaphore, #tpu.memory_space<semaphore_mem>>, %arg25: memref<!tpu.dma_semaphore, #tpu.memory_space<semaphore_mem>>, %arg26: memref<10112x128xf32, #tpu.memory_space<vmem_shared>>) attributes {dimension_semantics = [#tpu.dimension_semantics<core_parallel>, #tpu.dimension_semantics<subcore_parallel>], iteration_bounds = array<i64: 2, 16>, scalar_prefetch = 0 : i64, scratch_operands = 21 : i64, tpu.core_type = #tpu.core_type<sc_vector_subcore>, window_params = [{transform_indices = #map}, {transform_indices = #map1}, {transform_indices = #map}, {transform_indices = #map}]} {
    %mul3A = arith.constant 632 : i32
    %mul3A_0 = arith.muli %arg1, %mul3A : i32
    "tpu.region"() ({
      %run_scoped3A = tpu.sem_alloc : memref<!tpu.dma_semaphore, #tpu.memory_space<semaphore_mem>>
      %dma_start3A_71 = arith.constant 0 : i32
      %dma_start3A_72 = tpu.memref_slice %arg26[%mul3A_0, %dma_start3A_71] : memref<10112x128xf32, #tpu.memory_space<vmem_shared>> -> memref<632x128xf32, #tpu.memory_space<vmem_shared>>
      tpu.enqueue_dma source(%arg4 : memref<632x128xf32, #tpu.memory_space<hbm>>) target(%dma_start3A_72 : memref<632x128xf32, #tpu.memory_space<vmem_shared>>) target_semaphore(%run_scoped3A : memref<!tpu.dma_semaphore, #tpu.memory_space<semaphore_mem>>)
      %dma_wait3A = arith.constant 0 : i32
      %dma_wait3A_73 = tpu.memref_slice %arg26[%mul3A_0, %dma_wait3A] : memref<10112x128xf32, #tpu.memory_space<vmem_shared>> -> memref<632x128xf32, #tpu.memory_space<vmem_shared>>
      tpu.wait_dma2 semaphore(%run_scoped3A : memref<!tpu.dma_semaphore, #tpu.memory_space<semaphore_mem>>) src(%arg4 : memref<632x128xf32, #tpu.memory_space<hbm>>) dst(%dma_wait3A_73 : memref<632x128xf32, #tpu.memory_space<vmem_shared>>)
      tpu.yield
    }) : () -> ()
    %barrier3A = arith.constant 0 : index
    tpu.barrier barrier_id(%barrier3A)
    %mul3A_1 = arith.constant 4400 : i32
    %mul3A_2 = arith.muli %arg1, %mul3A_1 : i32
    %add3A = arith.constant 0 : i32
    %add3A_3 = arith.addi %mul3A_2, %add3A : i32
    %add3A_4 = arith.constant 0 : i32
    %add3A_5 = arith.addi %add3A_4, %add3A_3 : i32
    %dma_start3A = tpu.memref_slice %arg3[%add3A_5] : memref<160000xi32, #tpu.memory_space<hbm>> -> memref<40xi32, #tpu.memory_space<hbm>>
    %dma_start3A_6 = tpu.memref_slice %arg3[%add3A_5] : memref<160000xi32, #tpu.memory_space<hbm>> -> memref<40xi32, #tpu.memory_space<hbm>>
    tpu.enqueue_dma source(%dma_start3A_6 : memref<40xi32, #tpu.memory_space<hbm>>) target(%arg6 : memref<40xi32, #tpu.memory_space<vmem>>) target_semaphore(%arg16 : memref<!tpu.dma_semaphore, #tpu.memory_space<semaphore_mem>>)
    %mul3A_7 = arith.constant 128 : i32
    %mul3A_8 = arith.muli %arg0, %mul3A_7 : i32
    %dma_start3A_9 = tpu.memref_slice %arg2[%add3A_3, %mul3A_8] : memref<70400x256xf32, #tpu.memory_space<hbm>> -> memref<40x128xf32, #tpu.memory_space<hbm>>
    %dma_start3A_10 = tpu.memref_slice %arg2[%add3A_3, %mul3A_8] : memref<70400x256xf32, #tpu.memory_space<hbm>> -> memref<40x128xf32, #tpu.memory_space<hbm>>
    tpu.enqueue_dma source(%dma_start3A_10 : memref<40x128xf32, #tpu.memory_space<hbm>>) target(%arg11 : memref<40x128xf32, #tpu.memory_space<vmem>>) target_semaphore(%arg21 : memref<!tpu.dma_semaphore, #tpu.memory_space<semaphore_mem>>)
    %mul3A_11 = arith.constant 4400 : i32
    %mul3A_12 = arith.muli %arg1, %mul3A_11 : i32
    %add3A_13 = arith.constant 40 : i32
    %add3A_14 = arith.addi %mul3A_12, %add3A_13 : i32
    %add3A_15 = arith.constant 0 : i32
    %add3A_16 = arith.addi %add3A_15, %add3A_14 : i32
    %dma_start3A_17 = tpu.memref_slice %arg3[%add3A_16] : memref<160000xi32, #tpu.memory_space<hbm>> -> memref<40xi32, #tpu.memory_space<hbm>>
    %dma_start3A_18 = tpu.memref_slice %arg3[%add3A_16] : memref<160000xi32, #tpu.memory_space<hbm>> -> memref<40xi32, #tpu.memory_space<hbm>>
    tpu.enqueue_dma source(%dma_start3A_18 : memref<40xi32, #tpu.memory_space<hbm>>) target(%arg7 : memref<40xi32, #tpu.memory_space<vmem>>) target_semaphore(%arg17 : memref<!tpu.dma_semaphore, #tpu.memory_space<semaphore_mem>>)
    %mul3A_19 = arith.constant 128 : i32
    %mul3A_20 = arith.muli %arg0, %mul3A_19 : i32
    %dma_start3A_21 = tpu.memref_slice %arg2[%add3A_14, %mul3A_20] : memref<70400x256xf32, #tpu.memory_space<hbm>> -> memref<40x128xf32, #tpu.memory_space<hbm>>
    %dma_start3A_22 = tpu.memref_slice %arg2[%add3A_14, %mul3A_20] : memref<70400x256xf32, #tpu.memory_space<hbm>> -> memref<40x128xf32, #tpu.memory_space<hbm>>
    tpu.enqueue_dma source(%dma_start3A_22 : memref<40x128xf32, #tpu.memory_space<hbm>>) target(%arg12 : memref<40x128xf32, #tpu.memory_space<vmem>>) target_semaphore(%arg22 : memref<!tpu.dma_semaphore, #tpu.memory_space<semaphore_mem>>)
    %mul3A_23 = arith.constant 4400 : i32
    %mul3A_24 = arith.muli %arg1, %mul3A_23 : i32
    %add3A_25 = arith.constant 80 : i32
    %add3A_26 = arith.addi %mul3A_24, %add3A_25 : i32
    %add3A_27 = arith.constant 0 : i32
    %add3A_28 = arith.addi %add3A_27, %add3A_26 : i32
    %dma_start3A_29 = tpu.memref_slice %arg3[%add3A_28] : memref<160000xi32, #tpu.memory_space<hbm>> -> memref<40xi32, #tpu.memory_space<hbm>>
    %dma_start3A_30 = tpu.memref_slice %arg3[%add3A_28] : memref<160000xi32, #tpu.memory_space<hbm>> -> memref<40xi32, #tpu.memory_space<hbm>>
    tpu.enqueue_dma source(%dma_start3A_30 : memref<40xi32, #tpu.memory_space<hbm>>) target(%arg8 : memref<40xi32, #tpu.memory_space<vmem>>) target_semaphore(%arg18 : memref<!tpu.dma_semaphore, #tpu.memory_space<semaphore_mem>>)
    %mul3A_31 = arith.constant 128 : i32
    %mul3A_32 = arith.muli %arg0, %mul3A_31 : i32
    %dma_start3A_33 = tpu.memref_slice %arg2[%add3A_26, %mul3A_32] : memref<70400x256xf32, #tpu.memory_space<hbm>> -> memref<40x128xf32, #tpu.memory_space<hbm>>
    %dma_start3A_34 = tpu.memref_slice %arg2[%add3A_26, %mul3A_32] : memref<70400x256xf32, #tpu.memory_space<hbm>> -> memref<40x128xf32, #tpu.memory_space<hbm>>
    tpu.enqueue_dma source(%dma_start3A_34 : memref<40x128xf32, #tpu.memory_space<hbm>>) target(%arg13 : memref<40x128xf32, #tpu.memory_space<vmem>>) target_semaphore(%arg23 : memref<!tpu.dma_semaphore, #tpu.memory_space<semaphore_mem>>)
    %mul3A_35 = arith.constant 4400 : i32
    %mul3A_36 = arith.muli %arg1, %mul3A_35 : i32
    %add3A_37 = arith.constant 120 : i32
    %add3A_38 = arith.addi %mul3A_36, %add3A_37 : i32
    %add3A_39 = arith.constant 0 : i32
    %add3A_40 = arith.addi %add3A_39, %add3A_38 : i32
    %dma_start3A_41 = tpu.memref_slice %arg3[%add3A_40] : memref<160000xi32, #tpu.memory_space<hbm>> -> memref<40xi32, #tpu.memory_space<hbm>>
    %dma_start3A_42 = tpu.memref_slice %arg3[%add3A_40] : memref<160000xi32, #tpu.memory_space<hbm>> -> memref<40xi32, #tpu.memory_space<hbm>>
    tpu.enqueue_dma source(%dma_start3A_42 : memref<40xi32, #tpu.memory_space<hbm>>) target(%arg9 : memref<40xi32, #tpu.memory_space<vmem>>) target_semaphore(%arg19 : memref<!tpu.dma_semaphore, #tpu.memory_space<semaphore_mem>>)
    %mul3A_43 = arith.constant 128 : i32
    %mul3A_44 = arith.muli %arg0, %mul3A_43 : i32
    %dma_start3A_45 = tpu.memref_slice %arg2[%add3A_38, %mul3A_44] : memref<70400x256xf32, #tpu.memory_space<hbm>> -> memref<40x128xf32, #tpu.memory_space<hbm>>
    %dma_start3A_46 = tpu.memref_slice %arg2[%add3A_38, %mul3A_44] : memref<70400x256xf32, #tpu.memory_space<hbm>> -> memref<40x128xf32, #tpu.memory_space<hbm>>
    tpu.enqueue_dma source(%dma_start3A_46 : memref<40x128xf32, #tpu.memory_space<hbm>>) target(%arg14 : memref<40x128xf32, #tpu.memory_space<vmem>>) target_semaphore(%arg24 : memref<!tpu.dma_semaphore, #tpu.memory_space<semaphore_mem>>)
    %mul3A_47 = arith.constant 4400 : i32
    %mul3A_48 = arith.muli %arg1, %mul3A_47 : i32
    %add3A_49 = arith.constant 160 : i32
    %add3A_50 = arith.addi %mul3A_48, %add3A_49 : i32
    %add3A_51 = arith.constant 0 : i32
    %add3A_52 = arith.addi %add3A_51, %add3A_50 : i32
    %dma_start3A_53 = tpu.memref_slice %arg3[%add3A_52] : memref<160000xi32, #tpu.memory_space<hbm>> -> memref<40xi32, #tpu.memory_space<hbm>>
    %dma_start3A_54 = tpu.memref_slice %arg3[%add3A_52] : memref<160000xi32, #tpu.memory_space<hbm>> -> memref<40xi32, #tpu.memory_space<hbm>>
    tpu.enqueue_dma source(%dma_start3A_54 : memref<40xi32, #tpu.memory_space<hbm>>) target(%arg10 : memref<40xi32, #tpu.memory_space<vmem>>) target_semaphore(%arg20 : memref<!tpu.dma_semaphore, #tpu.memory_space<semaphore_mem>>)
    %mul3A_55 = arith.constant 128 : i32
    %mul3A_56 = arith.muli %arg0, %mul3A_55 : i32
    %dma_start3A_57 = tpu.memref_slice %arg2[%add3A_50, %mul3A_56] : memref<70400x256xf32, #tpu.memory_space<hbm>> -> memref<40x128xf32, #tpu.memory_space<hbm>>
    %dma_start3A_58 = tpu.memref_slice %arg2[%add3A_50, %mul3A_56] : memref<70400x256xf32, #tpu.memory_space<hbm>> -> memref<40x128xf32, #tpu.memory_space<hbm>>
    tpu.enqueue_dma source(%dma_start3A_58 : memref<40x128xf32, #tpu.memory_space<hbm>>) target(%arg15 : memref<40x128xf32, #tpu.memory_space<vmem>>) target_semaphore(%arg25 : memref<!tpu.dma_semaphore, #tpu.memory_space<semaphore_mem>>)
    %scan3A = arith.constant 0 : i32
    %scan3A_59 = arith.constant 0 : i32
    %scan3A_60 = arith.constant 22 : i32
    %scan3A_61 = arith.addi %scan3A_59, %scan3A_60 : i32
    %scan3A_62 = arith.constant 1 : i32
    scf.for %scan3A_71 = %scan3A_59 to %scan3A_61 step %scan3A_62  : i32 {
      %mul3A_72 = arith.constant 5 : i32
      %mul3A_73 = arith.muli %scan3A_71, %mul3A_72 : i32
      %add3A_74 = arith.constant 0 : i32
      %add3A_75 = arith.addi %mul3A_73, %add3A_74 : i32
      %mul3A_76 = arith.constant 4400 : i32
      %mul3A_77 = arith.muli %arg1, %mul3A_76 : i32
      %mul3A_78 = arith.constant 40 : i32
      %mul3A_79 = arith.muli %add3A_75, %mul3A_78 : i32
      %add3A_80 = arith.addi %mul3A_77, %mul3A_79 : i32
      %add3A_81 = arith.constant 0 : i32
      %add3A_82 = arith.addi %add3A_81, %add3A_80 : i32
      %dma_wait3A = tpu.memref_slice %arg3[%add3A_82] : memref<160000xi32, #tpu.memory_space<hbm>> -> memref<40xi32, #tpu.memory_space<hbm>>
      %dma_wait3A_83 = tpu.memref_slice %arg3[%add3A_82] : memref<160000xi32, #tpu.memory_space<hbm>> -> memref<40xi32, #tpu.memory_space<hbm>>
      tpu.wait_dma2 semaphore(%arg16 : memref<!tpu.dma_semaphore, #tpu.memory_space<semaphore_mem>>) src(%dma_wait3A_83 : memref<40xi32, #tpu.memory_space<hbm>>) dst(%arg6 : memref<40xi32, #tpu.memory_space<vmem>>)
      %mul3A_84 = arith.constant 128 : i32
      %mul3A_85 = arith.muli %arg0, %mul3A_84 : i32
      %dma_wait3A_86 = tpu.memref_slice %arg2[%add3A_80, %mul3A_85] : memref<70400x256xf32, #tpu.memory_space<hbm>> -> memref<40x128xf32, #tpu.memory_space<hbm>>
      %dma_wait3A_87 = tpu.memref_slice %arg2[%add3A_80, %mul3A_85] : memref<70400x256xf32, #tpu.memory_space<hbm>> -> memref<40x128xf32, #tpu.memory_space<hbm>>
      tpu.wait_dma2 semaphore(%arg21 : memref<!tpu.dma_semaphore, #tpu.memory_space<semaphore_mem>>) src(%dma_wait3A_87 : memref<40x128xf32, #tpu.memory_space<hbm>>) dst(%arg11 : memref<40x128xf32, #tpu.memory_space<vmem>>)
      "tpu.region"() ({
        %run_scoped3A = tpu.sem_alloc : memref<!tpu.dma_semaphore, #tpu.memory_space<semaphore_mem>>
        %dma_start3A_190 = arith.constant 0 : i32
        %dma_start3A_191 = arith.constant 0 : i32
        %dma_start3A_192 = tpu.memref_slice %arg26[%dma_start3A_190, %dma_start3A_191] : memref<10112x128xf32, #tpu.memory_space<vmem_shared>> -> memref<10112x128xf32, #tpu.memory_space<vmem_shared>>
        tpu.enqueue_indirect_dma source(%arg11 : memref<40x128xf32, #tpu.memory_space<vmem>>) target(%dma_start3A_192 : memref<10112x128xf32, #tpu.memory_space<vmem_shared>>) offsets(%arg6 : memref<40xi32, #tpu.memory_space<vmem>>) semaphore(%run_scoped3A : memref<!tpu.dma_semaphore, #tpu.memory_space<semaphore_mem>>) {add = true}
        %dma_wait3A_193 = arith.constant 0 : i32
        %dma_wait3A_194 = arith.constant 0 : i32
        %dma_wait3A_195 = tpu.memref_slice %arg26[%dma_wait3A_193, %dma_wait3A_194] : memref<10112x128xf32, #tpu.memory_space<vmem_shared>> -> memref<10112x128xf32, #tpu.memory_space<vmem_shared>>
        tpu.wait_indirect_dma semaphore(%run_scoped3A : memref<!tpu.dma_semaphore, #tpu.memory_space<semaphore_mem>>) src(%arg11 : memref<40x128xf32, #tpu.memory_space<vmem>>) dst(%dma_wait3A_195 : memref<10112x128xf32, #tpu.memory_space<vmem_shared>>)
        tpu.yield
      }) : () -> ()
      %add3A_88 = arith.constant 5 : i32
      %add3A_89 = arith.addi %mul3A_73, %add3A_88 : i32
      %add3A_90 = arith.constant 0 : i32
      %add3A_91 = arith.addi %add3A_89, %add3A_90 : i32
      %lt3A = arith.constant 110 : i32
      %lt3A_92 = arith.cmpi slt, %add3A_91, %lt3A : i32
      %convert_element_type3A = arith.extui %lt3A_92 : i1 to i32
      %cond3A = arith.constant 0 : i32
      %cond3A_93 = arith.cmpi ne, %convert_element_type3A, %cond3A : i32
      scf.if %cond3A_93 {
        %add3A_190 = arith.constant 5 : i32
        %add3A_191 = arith.addi %mul3A_73, %add3A_190 : i32
        %add3A_192 = arith.constant 0 : i32
        %add3A_193 = arith.addi %add3A_191, %add3A_192 : i32
        %mul3A_194 = arith.constant 4400 : i32
        %mul3A_195 = arith.muli %arg1, %mul3A_194 : i32
        %mul3A_196 = arith.constant 40 : i32
        %mul3A_197 = arith.muli %add3A_193, %mul3A_196 : i32
        %add3A_198 = arith.addi %mul3A_195, %mul3A_197 : i32
        %add3A_199 = arith.constant 0 : i32
        %add3A_200 = arith.addi %add3A_199, %add3A_198 : i32
        %dma_start3A_201 = tpu.memref_slice %arg3[%add3A_200] : memref<160000xi32, #tpu.memory_space<hbm>> -> memref<40xi32, #tpu.memory_space<hbm>>
        %dma_start3A_202 = tpu.memref_slice %arg3[%add3A_200] : memref<160000xi32, #tpu.memory_space<hbm>> -> memref<40xi32, #tpu.memory_space<hbm>>
        tpu.enqueue_dma source(%dma_start3A_202 : memref<40xi32, #tpu.memory_space<hbm>>) target(%arg6 : memref<40xi32, #tpu.memory_space<vmem>>) target_semaphore(%arg16 : memref<!tpu.dma_semaphore, #tpu.memory_space<semaphore_mem>>)
        %mul3A_203 = arith.constant 128 : i32
        %mul3A_204 = arith.muli %arg0, %mul3A_203 : i32
        %dma_start3A_205 = tpu.memref_slice %arg2[%add3A_198, %mul3A_204] : memref<70400x256xf32, #tpu.memory_space<hbm>> -> memref<40x128xf32, #tpu.memory_space<hbm>>
        %dma_start3A_206 = tpu.memref_slice %arg2[%add3A_198, %mul3A_204] : memref<70400x256xf32, #tpu.memory_space<hbm>> -> memref<40x128xf32, #tpu.memory_space<hbm>>
        tpu.enqueue_dma source(%dma_start3A_206 : memref<40x128xf32, #tpu.memory_space<hbm>>) target(%arg11 : memref<40x128xf32, #tpu.memory_space<vmem>>) target_semaphore(%arg21 : memref<!tpu.dma_semaphore, #tpu.memory_space<semaphore_mem>>)
      } else {
      }
      %add3A_94 = arith.constant 1 : i32
      %add3A_95 = arith.addi %mul3A_73, %add3A_94 : i32
      %mul3A_96 = arith.constant 4400 : i32
      %mul3A_97 = arith.muli %arg1, %mul3A_96 : i32
      %mul3A_98 = arith.constant 40 : i32
      %mul3A_99 = arith.muli %add3A_95, %mul3A_98 : i32
      %add3A_100 = arith.addi %mul3A_97, %mul3A_99 : i32
      %add3A_101 = arith.constant 0 : i32
      %add3A_102 = arith.addi %add3A_101, %add3A_100 : i32
      %dma_wait3A_103 = tpu.memref_slice %arg3[%add3A_102] : memref<160000xi32, #tpu.memory_space<hbm>> -> memref<40xi32, #tpu.memory_space<hbm>>
      %dma_wait3A_104 = tpu.memref_slice %arg3[%add3A_102] : memref<160000xi32, #tpu.memory_space<hbm>> -> memref<40xi32, #tpu.memory_space<hbm>>
      tpu.wait_dma2 semaphore(%arg17 : memref<!tpu.dma_semaphore, #tpu.memory_space<semaphore_mem>>) src(%dma_wait3A_104 : memref<40xi32, #tpu.memory_space<hbm>>) dst(%arg7 : memref<40xi32, #tpu.memory_space<vmem>>)
      %mul3A_105 = arith.constant 128 : i32
      %mul3A_106 = arith.muli %arg0, %mul3A_105 : i32
      %dma_wait3A_107 = tpu.memref_slice %arg2[%add3A_100, %mul3A_106] : memref<70400x256xf32, #tpu.memory_space<hbm>> -> memref<40x128xf32, #tpu.memory_space<hbm>>
      %dma_wait3A_108 = tpu.memref_slice %arg2[%add3A_100, %mul3A_106] : memref<70400x256xf32, #tpu.memory_space<hbm>> -> memref<40x128xf32, #tpu.memory_space<hbm>>
      tpu.wait_dma2 semaphore(%arg22 : memref<!tpu.dma_semaphore, #tpu.memory_space<semaphore_mem>>) src(%dma_wait3A_108 : memref<40x128xf32, #tpu.memory_space<hbm>>) dst(%arg12 : memref<40x128xf32, #tpu.memory_space<vmem>>)
      "tpu.region"() ({
        %run_scoped3A = tpu.sem_alloc : memref<!tpu.dma_semaphore, #tpu.memory_space<semaphore_mem>>
        %dma_start3A_190 = arith.constant 0 : i32
        %dma_start3A_191 = arith.constant 0 : i32
        %dma_start3A_192 = tpu.memref_slice %arg26[%dma_start3A_190, %dma_start3A_191] : memref<10112x128xf32, #tpu.memory_space<vmem_shared>> -> memref<10112x128xf32, #tpu.memory_space<vmem_shared>>
        tpu.enqueue_indirect_dma source(%arg12 : memref<40x128xf32, #tpu.memory_space<vmem>>) target(%dma_start3A_192 : memref<10112x128xf32, #tpu.memory_space<vmem_shared>>) offsets(%arg7 : memref<40xi32, #tpu.memory_space<vmem>>) semaphore(%run_scoped3A : memref<!tpu.dma_semaphore, #tpu.memory_space<semaphore_mem>>) {add = true}
        %dma_wait3A_193 = arith.constant 0 : i32
        %dma_wait3A_194 = arith.constant 0 : i32
        %dma_wait3A_195 = tpu.memref_slice %arg26[%dma_wait3A_193, %dma_wait3A_194] : memref<10112x128xf32, #tpu.memory_space<vmem_shared>> -> memref<10112x128xf32, #tpu.memory_space<vmem_shared>>
        tpu.wait_indirect_dma semaphore(%run_scoped3A : memref<!tpu.dma_semaphore, #tpu.memory_space<semaphore_mem>>) src(%arg12 : memref<40x128xf32, #tpu.memory_space<vmem>>) dst(%dma_wait3A_195 : memref<10112x128xf32, #tpu.memory_space<vmem_shared>>)
        tpu.yield
      }) : () -> ()
      %add3A_109 = arith.constant 5 : i32
      %add3A_110 = arith.addi %mul3A_73, %add3A_109 : i32
      %add3A_111 = arith.constant 1 : i32
      %add3A_112 = arith.addi %add3A_110, %add3A_111 : i32
      %lt3A_113 = arith.constant 110 : i32
      %lt3A_114 = arith.cmpi slt, %add3A_112, %lt3A_113 : i32
      %convert_element_type3A_115 = arith.extui %lt3A_114 : i1 to i32
      %cond3A_116 = arith.constant 0 : i32
      %cond3A_117 = arith.cmpi ne, %convert_element_type3A_115, %cond3A_116 : i32
      scf.if %cond3A_117 {
        %add3A_190 = arith.constant 5 : i32
        %add3A_191 = arith.addi %mul3A_73, %add3A_190 : i32
        %add3A_192 = arith.constant 1 : i32
        %add3A_193 = arith.addi %add3A_191, %add3A_192 : i32
        %mul3A_194 = arith.constant 4400 : i32
        %mul3A_195 = arith.muli %arg1, %mul3A_194 : i32
        %mul3A_196 = arith.constant 40 : i32
        %mul3A_197 = arith.muli %add3A_193, %mul3A_196 : i32
        %add3A_198 = arith.addi %mul3A_195, %mul3A_197 : i32
        %add3A_199 = arith.constant 0 : i32
        %add3A_200 = arith.addi %add3A_199, %add3A_198 : i32
        %dma_start3A_201 = tpu.memref_slice %arg3[%add3A_200] : memref<160000xi32, #tpu.memory_space<hbm>> -> memref<40xi32, #tpu.memory_space<hbm>>
        %dma_start3A_202 = tpu.memref_slice %arg3[%add3A_200] : memref<160000xi32, #tpu.memory_space<hbm>> -> memref<40xi32, #tpu.memory_space<hbm>>
        tpu.enqueue_dma source(%dma_start3A_202 : memref<40xi32, #tpu.memory_space<hbm>>) target(%arg7 : memref<40xi32, #tpu.memory_space<vmem>>) target_semaphore(%arg17 : memref<!tpu.dma_semaphore, #tpu.memory_space<semaphore_mem>>)
        %mul3A_203 = arith.constant 128 : i32
        %mul3A_204 = arith.muli %arg0, %mul3A_203 : i32
        %dma_start3A_205 = tpu.memref_slice %arg2[%add3A_198, %mul3A_204] : memref<70400x256xf32, #tpu.memory_space<hbm>> -> memref<40x128xf32, #tpu.memory_space<hbm>>
        %dma_start3A_206 = tpu.memref_slice %arg2[%add3A_198, %mul3A_204] : memref<70400x256xf32, #tpu.memory_space<hbm>> -> memref<40x128xf32, #tpu.memory_space<hbm>>
        tpu.enqueue_dma source(%dma_start3A_206 : memref<40x128xf32, #tpu.memory_space<hbm>>) target(%arg12 : memref<40x128xf32, #tpu.memory_space<vmem>>) target_semaphore(%arg22 : memref<!tpu.dma_semaphore, #tpu.memory_space<semaphore_mem>>)
      } else {
      }
      %add3A_118 = arith.constant 2 : i32
      %add3A_119 = arith.addi %mul3A_73, %add3A_118 : i32
      %mul3A_120 = arith.constant 4400 : i32
      %mul3A_121 = arith.muli %arg1, %mul3A_120 : i32
      %mul3A_122 = arith.constant 40 : i32
      %mul3A_123 = arith.muli %add3A_119, %mul3A_122 : i32
      %add3A_124 = arith.addi %mul3A_121, %mul3A_123 : i32
      %add3A_125 = arith.constant 0 : i32
      %add3A_126 = arith.addi %add3A_125, %add3A_124 : i32
      %dma_wait3A_127 = tpu.memref_slice %arg3[%add3A_126] : memref<160000xi32, #tpu.memory_space<hbm>> -> memref<40xi32, #tpu.memory_space<hbm>>
      %dma_wait3A_128 = tpu.memref_slice %arg3[%add3A_126] : memref<160000xi32, #tpu.memory_space<hbm>> -> memref<40xi32, #tpu.memory_space<hbm>>
      tpu.wait_dma2 semaphore(%arg18 : memref<!tpu.dma_semaphore, #tpu.memory_space<semaphore_mem>>) src(%dma_wait3A_128 : memref<40xi32, #tpu.memory_space<hbm>>) dst(%arg8 : memref<40xi32, #tpu.memory_space<vmem>>)
      %mul3A_129 = arith.constant 128 : i32
      %mul3A_130 = arith.muli %arg0, %mul3A_129 : i32
      %dma_wait3A_131 = tpu.memref_slice %arg2[%add3A_124, %mul3A_130] : memref<70400x256xf32, #tpu.memory_space<hbm>> -> memref<40x128xf32, #tpu.memory_space<hbm>>
      %dma_wait3A_132 = tpu.memref_slice %arg2[%add3A_124, %mul3A_130] : memref<70400x256xf32, #tpu.memory_space<hbm>> -> memref<40x128xf32, #tpu.memory_space<hbm>>
      tpu.wait_dma2 semaphore(%arg23 : memref<!tpu.dma_semaphore, #tpu.memory_space<semaphore_mem>>) src(%dma_wait3A_132 : memref<40x128xf32, #tpu.memory_space<hbm>>) dst(%arg13 : memref<40x128xf32, #tpu.memory_space<vmem>>)
      "tpu.region"() ({
        %run_scoped3A = tpu.sem_alloc : memref<!tpu.dma_semaphore, #tpu.memory_space<semaphore_mem>>
        %dma_start3A_190 = arith.constant 0 : i32
        %dma_start3A_191 = arith.constant 0 : i32
        %dma_start3A_192 = tpu.memref_slice %arg26[%dma_start3A_190, %dma_start3A_191] : memref<10112x128xf32, #tpu.memory_space<vmem_shared>> -> memref<10112x128xf32, #tpu.memory_space<vmem_shared>>
        tpu.enqueue_indirect_dma source(%arg13 : memref<40x128xf32, #tpu.memory_space<vmem>>) target(%dma_start3A_192 : memref<10112x128xf32, #tpu.memory_space<vmem_shared>>) offsets(%arg8 : memref<40xi32, #tpu.memory_space<vmem>>) semaphore(%run_scoped3A : memref<!tpu.dma_semaphore, #tpu.memory_space<semaphore_mem>>) {add = true}
        %dma_wait3A_193 = arith.constant 0 : i32
        %dma_wait3A_194 = arith.constant 0 : i32
        %dma_wait3A_195 = tpu.memref_slice %arg26[%dma_wait3A_193, %dma_wait3A_194] : memref<10112x128xf32, #tpu.memory_space<vmem_shared>> -> memref<10112x128xf32, #tpu.memory_space<vmem_shared>>
        tpu.wait_indirect_dma semaphore(%run_scoped3A : memref<!tpu.dma_semaphore, #tpu.memory_space<semaphore_mem>>) src(%arg13 : memref<40x128xf32, #tpu.memory_space<vmem>>) dst(%dma_wait3A_195 : memref<10112x128xf32, #tpu.memory_space<vmem_shared>>)
        tpu.yield
      }) : () -> ()
      %add3A_133 = arith.constant 5 : i32
      %add3A_134 = arith.addi %mul3A_73, %add3A_133 : i32
      %add3A_135 = arith.constant 2 : i32
      %add3A_136 = arith.addi %add3A_134, %add3A_135 : i32
      %lt3A_137 = arith.constant 110 : i32
      %lt3A_138 = arith.cmpi slt, %add3A_136, %lt3A_137 : i32
      %convert_element_type3A_139 = arith.extui %lt3A_138 : i1 to i32
      %cond3A_140 = arith.constant 0 : i32
      %cond3A_141 = arith.cmpi ne, %convert_element_type3A_139, %cond3A_140 : i32
      scf.if %cond3A_141 {
        %add3A_190 = arith.constant 5 : i32
        %add3A_191 = arith.addi %mul3A_73, %add3A_190 : i32
        %add3A_192 = arith.constant 2 : i32
        %add3A_193 = arith.addi %add3A_191, %add3A_192 : i32
        %mul3A_194 = arith.constant 4400 : i32
        %mul3A_195 = arith.muli %arg1, %mul3A_194 : i32
        %mul3A_196 = arith.constant 40 : i32
        %mul3A_197 = arith.muli %add3A_193, %mul3A_196 : i32
        %add3A_198 = arith.addi %mul3A_195, %mul3A_197 : i32
        %add3A_199 = arith.constant 0 : i32
        %add3A_200 = arith.addi %add3A_199, %add3A_198 : i32
        %dma_start3A_201 = tpu.memref_slice %arg3[%add3A_200] : memref<160000xi32, #tpu.memory_space<hbm>> -> memref<40xi32, #tpu.memory_space<hbm>>
        %dma_start3A_202 = tpu.memref_slice %arg3[%add3A_200] : memref<160000xi32, #tpu.memory_space<hbm>> -> memref<40xi32, #tpu.memory_space<hbm>>
        tpu.enqueue_dma source(%dma_start3A_202 : memref<40xi32, #tpu.memory_space<hbm>>) target(%arg8 : memref<40xi32, #tpu.memory_space<vmem>>) target_semaphore(%arg18 : memref<!tpu.dma_semaphore, #tpu.memory_space<semaphore_mem>>)
        %mul3A_203 = arith.constant 128 : i32
        %mul3A_204 = arith.muli %arg0, %mul3A_203 : i32
        %dma_start3A_205 = tpu.memref_slice %arg2[%add3A_198, %mul3A_204] : memref<70400x256xf32, #tpu.memory_space<hbm>> -> memref<40x128xf32, #tpu.memory_space<hbm>>
        %dma_start3A_206 = tpu.memref_slice %arg2[%add3A_198, %mul3A_204] : memref<70400x256xf32, #tpu.memory_space<hbm>> -> memref<40x128xf32, #tpu.memory_space<hbm>>
        tpu.enqueue_dma source(%dma_start3A_206 : memref<40x128xf32, #tpu.memory_space<hbm>>) target(%arg13 : memref<40x128xf32, #tpu.memory_space<vmem>>) target_semaphore(%arg23 : memref<!tpu.dma_semaphore, #tpu.memory_space<semaphore_mem>>)
      } else {
      }
      %add3A_142 = arith.constant 3 : i32
      %add3A_143 = arith.addi %mul3A_73, %add3A_142 : i32
      %mul3A_144 = arith.constant 4400 : i32
      %mul3A_145 = arith.muli %arg1, %mul3A_144 : i32
      %mul3A_146 = arith.constant 40 : i32
      %mul3A_147 = arith.muli %add3A_143, %mul3A_146 : i32
      %add3A_148 = arith.addi %mul3A_145, %mul3A_147 : i32
      %add3A_149 = arith.constant 0 : i32
      %add3A_150 = arith.addi %add3A_149, %add3A_148 : i32
      %dma_wait3A_151 = tpu.memref_slice %arg3[%add3A_150] : memref<160000xi32, #tpu.memory_space<hbm>> -> memref<40xi32, #tpu.memory_space<hbm>>
      %dma_wait3A_152 = tpu.memref_slice %arg3[%add3A_150] : memref<160000xi32, #tpu.memory_space<hbm>> -> memref<40xi32, #tpu.memory_space<hbm>>
      tpu.wait_dma2 semaphore(%arg19 : memref<!tpu.dma_semaphore, #tpu.memory_space<semaphore_mem>>) src(%dma_wait3A_152 : memref<40xi32, #tpu.memory_space<hbm>>) dst(%arg9 : memref<40xi32, #tpu.memory_space<vmem>>)
      %mul3A_153 = arith.constant 128 : i32
      %mul3A_154 = arith.muli %arg0, %mul3A_153 : i32
      %dma_wait3A_155 = tpu.memref_slice %arg2[%add3A_148, %mul3A_154] : memref<70400x256xf32, #tpu.memory_space<hbm>> -> memref<40x128xf32, #tpu.memory_space<hbm>>
      %dma_wait3A_156 = tpu.memref_slice %arg2[%add3A_148, %mul3A_154] : memref<70400x256xf32, #tpu.memory_space<hbm>> -> memref<40x128xf32, #tpu.memory_space<hbm>>
      tpu.wait_dma2 semaphore(%arg24 : memref<!tpu.dma_semaphore, #tpu.memory_space<semaphore_mem>>) src(%dma_wait3A_156 : memref<40x128xf32, #tpu.memory_space<hbm>>) dst(%arg14 : memref<40x128xf32, #tpu.memory_space<vmem>>)
      "tpu.region"() ({
        %run_scoped3A = tpu.sem_alloc : memref<!tpu.dma_semaphore, #tpu.memory_space<semaphore_mem>>
        %dma_start3A_190 = arith.constant 0 : i32
        %dma_start3A_191 = arith.constant 0 : i32
        %dma_start3A_192 = tpu.memref_slice %arg26[%dma_start3A_190, %dma_start3A_191] : memref<10112x128xf32, #tpu.memory_space<vmem_shared>> -> memref<10112x128xf32, #tpu.memory_space<vmem_shared>>
        tpu.enqueue_indirect_dma source(%arg14 : memref<40x128xf32, #tpu.memory_space<vmem>>) target(%dma_start3A_192 : memref<10112x128xf32, #tpu.memory_space<vmem_shared>>) offsets(%arg9 : memref<40xi32, #tpu.memory_space<vmem>>) semaphore(%run_scoped3A : memref<!tpu.dma_semaphore, #tpu.memory_space<semaphore_mem>>) {add = true}
        %dma_wait3A_193 = arith.constant 0 : i32
        %dma_wait3A_194 = arith.constant 0 : i32
        %dma_wait3A_195 = tpu.memref_slice %arg26[%dma_wait3A_193, %dma_wait3A_194] : memref<10112x128xf32, #tpu.memory_space<vmem_shared>> -> memref<10112x128xf32, #tpu.memory_space<vmem_shared>>
        tpu.wait_indirect_dma semaphore(%run_scoped3A : memref<!tpu.dma_semaphore, #tpu.memory_space<semaphore_mem>>) src(%arg14 : memref<40x128xf32, #tpu.memory_space<vmem>>) dst(%dma_wait3A_195 : memref<10112x128xf32, #tpu.memory_space<vmem_shared>>)
        tpu.yield
      }) : () -> ()
      %add3A_157 = arith.constant 5 : i32
      %add3A_158 = arith.addi %mul3A_73, %add3A_157 : i32
      %add3A_159 = arith.constant 3 : i32
      %add3A_160 = arith.addi %add3A_158, %add3A_159 : i32
      %lt3A_161 = arith.constant 110 : i32
      %lt3A_162 = arith.cmpi slt, %add3A_160, %lt3A_161 : i32
      %convert_element_type3A_163 = arith.extui %lt3A_162 : i1 to i32
      %cond3A_164 = arith.constant 0 : i32
      %cond3A_165 = arith.cmpi ne, %convert_element_type3A_163, %cond3A_164 : i32
      scf.if %cond3A_165 {
        %add3A_190 = arith.constant 5 : i32
        %add3A_191 = arith.addi %mul3A_73, %add3A_190 : i32
        %add3A_192 = arith.constant 3 : i32
        %add3A_193 = arith.addi %add3A_191, %add3A_192 : i32
        %mul3A_194 = arith.constant 4400 : i32
        %mul3A_195 = arith.muli %arg1, %mul3A_194 : i32
        %mul3A_196 = arith.constant 40 : i32
        %mul3A_197 = arith.muli %add3A_193, %mul3A_196 : i32
        %add3A_198 = arith.addi %mul3A_195, %mul3A_197 : i32
        %add3A_199 = arith.constant 0 : i32
        %add3A_200 = arith.addi %add3A_199, %add3A_198 : i32
        %dma_start3A_201 = tpu.memref_slice %arg3[%add3A_200] : memref<160000xi32, #tpu.memory_space<hbm>> -> memref<40xi32, #tpu.memory_space<hbm>>
        %dma_start3A_202 = tpu.memref_slice %arg3[%add3A_200] : memref<160000xi32, #tpu.memory_space<hbm>> -> memref<40xi32, #tpu.memory_space<hbm>>
        tpu.enqueue_dma source(%dma_start3A_202 : memref<40xi32, #tpu.memory_space<hbm>>) target(%arg9 : memref<40xi32, #tpu.memory_space<vmem>>) target_semaphore(%arg19 : memref<!tpu.dma_semaphore, #tpu.memory_space<semaphore_mem>>)
        %mul3A_203 = arith.constant 128 : i32
        %mul3A_204 = arith.muli %arg0, %mul3A_203 : i32
        %dma_start3A_205 = tpu.memref_slice %arg2[%add3A_198, %mul3A_204] : memref<70400x256xf32, #tpu.memory_space<hbm>> -> memref<40x128xf32, #tpu.memory_space<hbm>>
        %dma_start3A_206 = tpu.memref_slice %arg2[%add3A_198, %mul3A_204] : memref<70400x256xf32, #tpu.memory_space<hbm>> -> memref<40x128xf32, #tpu.memory_space<hbm>>
        tpu.enqueue_dma source(%dma_start3A_206 : memref<40x128xf32, #tpu.memory_space<hbm>>) target(%arg14 : memref<40x128xf32, #tpu.memory_space<vmem>>) target_semaphore(%arg24 : memref<!tpu.dma_semaphore, #tpu.memory_space<semaphore_mem>>)
      } else {
      }
      %add3A_166 = arith.constant 4 : i32
      %add3A_167 = arith.addi %mul3A_73, %add3A_166 : i32
      %mul3A_168 = arith.constant 4400 : i32
      %mul3A_169 = arith.muli %arg1, %mul3A_168 : i32
      %mul3A_170 = arith.constant 40 : i32
      %mul3A_171 = arith.muli %add3A_167, %mul3A_170 : i32
      %add3A_172 = arith.addi %mul3A_169, %mul3A_171 : i32
      %add3A_173 = arith.constant 0 : i32
      %add3A_174 = arith.addi %add3A_173, %add3A_172 : i32
      %dma_wait3A_175 = tpu.memref_slice %arg3[%add3A_174] : memref<160000xi32, #tpu.memory_space<hbm>> -> memref<40xi32, #tpu.memory_space<hbm>>
      %dma_wait3A_176 = tpu.memref_slice %arg3[%add3A_174] : memref<160000xi32, #tpu.memory_space<hbm>> -> memref<40xi32, #tpu.memory_space<hbm>>
      tpu.wait_dma2 semaphore(%arg20 : memref<!tpu.dma_semaphore, #tpu.memory_space<semaphore_mem>>) src(%dma_wait3A_176 : memref<40xi32, #tpu.memory_space<hbm>>) dst(%arg10 : memref<40xi32, #tpu.memory_space<vmem>>)
      %mul3A_177 = arith.constant 128 : i32
      %mul3A_178 = arith.muli %arg0, %mul3A_177 : i32
      %dma_wait3A_179 = tpu.memref_slice %arg2[%add3A_172, %mul3A_178] : memref<70400x256xf32, #tpu.memory_space<hbm>> -> memref<40x128xf32, #tpu.memory_space<hbm>>
      %dma_wait3A_180 = tpu.memref_slice %arg2[%add3A_172, %mul3A_178] : memref<70400x256xf32, #tpu.memory_space<hbm>> -> memref<40x128xf32, #tpu.memory_space<hbm>>
      tpu.wait_dma2 semaphore(%arg25 : memref<!tpu.dma_semaphore, #tpu.memory_space<semaphore_mem>>) src(%dma_wait3A_180 : memref<40x128xf32, #tpu.memory_space<hbm>>) dst(%arg15 : memref<40x128xf32, #tpu.memory_space<vmem>>)
      "tpu.region"() ({
        %run_scoped3A = tpu.sem_alloc : memref<!tpu.dma_semaphore, #tpu.memory_space<semaphore_mem>>
        %dma_start3A_190 = arith.constant 0 : i32
        %dma_start3A_191 = arith.constant 0 : i32
        %dma_start3A_192 = tpu.memref_slice %arg26[%dma_start3A_190, %dma_start3A_191] : memref<10112x128xf32, #tpu.memory_space<vmem_shared>> -> memref<10112x128xf32, #tpu.memory_space<vmem_shared>>
        tpu.enqueue_indirect_dma source(%arg15 : memref<40x128xf32, #tpu.memory_space<vmem>>) target(%dma_start3A_192 : memref<10112x128xf32, #tpu.memory_space<vmem_shared>>) offsets(%arg10 : memref<40xi32, #tpu.memory_space<vmem>>) semaphore(%run_scoped3A : memref<!tpu.dma_semaphore, #tpu.memory_space<semaphore_mem>>) {add = true}
        %dma_wait3A_193 = arith.constant 0 : i32
        %dma_wait3A_194 = arith.constant 0 : i32
        %dma_wait3A_195 = tpu.memref_slice %arg26[%dma_wait3A_193, %dma_wait3A_194] : memref<10112x128xf32, #tpu.memory_space<vmem_shared>> -> memref<10112x128xf32, #tpu.memory_space<vmem_shared>>
        tpu.wait_indirect_dma semaphore(%run_scoped3A : memref<!tpu.dma_semaphore, #tpu.memory_space<semaphore_mem>>) src(%arg15 : memref<40x128xf32, #tpu.memory_space<vmem>>) dst(%dma_wait3A_195 : memref<10112x128xf32, #tpu.memory_space<vmem_shared>>)
        tpu.yield
      }) : () -> ()
      %add3A_181 = arith.constant 5 : i32
      %add3A_182 = arith.addi %mul3A_73, %add3A_181 : i32
      %add3A_183 = arith.constant 4 : i32
      %add3A_184 = arith.addi %add3A_182, %add3A_183 : i32
      %lt3A_185 = arith.constant 110 : i32
      %lt3A_186 = arith.cmpi slt, %add3A_184, %lt3A_185 : i32
      %convert_element_type3A_187 = arith.extui %lt3A_186 : i1 to i32
      %cond3A_188 = arith.constant 0 : i32
      %cond3A_189 = arith.cmpi ne, %convert_element_type3A_187, %cond3A_188 : i32
      scf.if %cond3A_189 {
        %add3A_190 = arith.constant 5 : i32
        %add3A_191 = arith.addi %mul3A_73, %add3A_190 : i32
        %add3A_192 = arith.constant 4 : i32
        %add3A_193 = arith.addi %add3A_191, %add3A_192 : i32
        %mul3A_194 = arith.constant 4400 : i32
        %mul3A_195 = arith.muli %arg1, %mul3A_194 : i32
        %mul3A_196 = arith.constant 40 : i32
        %mul3A_197 = arith.muli %add3A_193, %mul3A_196 : i32
        %add3A_198 = arith.addi %mul3A_195, %mul3A_197 : i32
        %add3A_199 = arith.constant 0 : i32
        %add3A_200 = arith.addi %add3A_199, %add3A_198 : i32
        %dma_start3A_201 = tpu.memref_slice %arg3[%add3A_200] : memref<160000xi32, #tpu.memory_space<hbm>> -> memref<40xi32, #tpu.memory_space<hbm>>
        %dma_start3A_202 = tpu.memref_slice %arg3[%add3A_200] : memref<160000xi32, #tpu.memory_space<hbm>> -> memref<40xi32, #tpu.memory_space<hbm>>
        tpu.enqueue_dma source(%dma_start3A_202 : memref<40xi32, #tpu.memory_space<hbm>>) target(%arg10 : memref<40xi32, #tpu.memory_space<vmem>>) target_semaphore(%arg20 : memref<!tpu.dma_semaphore, #tpu.memory_space<semaphore_mem>>)
        %mul3A_203 = arith.constant 128 : i32
        %mul3A_204 = arith.muli %arg0, %mul3A_203 : i32
        %dma_start3A_205 = tpu.memref_slice %arg2[%add3A_198, %mul3A_204] : memref<70400x256xf32, #tpu.memory_space<hbm>> -> memref<40x128xf32, #tpu.memory_space<hbm>>
        %dma_start3A_206 = tpu.memref_slice %arg2[%add3A_198, %mul3A_204] : memref<70400x256xf32, #tpu.memory_space<hbm>> -> memref<40x128xf32, #tpu.memory_space<hbm>>
        tpu.enqueue_dma source(%dma_start3A_206 : memref<40x128xf32, #tpu.memory_space<hbm>>) target(%arg15 : memref<40x128xf32, #tpu.memory_space<vmem>>) target_semaphore(%arg25 : memref<!tpu.dma_semaphore, #tpu.memory_space<semaphore_mem>>)
      } else {
      }
    }
    %scan3A_63 = arith.constant 22 : i32
    %barrier3A_64 = arith.constant 0 : index
    tpu.barrier barrier_id(%barrier3A_64)
    %mul3A_65 = arith.constant 632 : i32
    %mul3A_66 = arith.muli %arg1, %mul3A_65 : i32
    %mul3A_67 = arith.constant 632 : i32
    %mul3A_68 = arith.muli %arg1, %mul3A_67 : i32
    %mul3A_69 = arith.constant 128 : i32
    %mul3A_70 = arith.muli %arg0, %mul3A_69 : i32
    "tpu.region"() ({
      %run_scoped3A = tpu.sem_alloc : memref<!tpu.dma_semaphore, #tpu.memory_space<semaphore_mem>>
      %dma_start3A_71 = tpu.memref_slice %arg5[%mul3A_68, %mul3A_70] : memref<10112x256xf32, #tpu.memory_space<hbm>> -> memref<632x128xf32, #tpu.memory_space<hbm>>
      %dma_start3A_72 = arith.constant 0 : i32
      %dma_start3A_73 = tpu.memref_slice %arg26[%mul3A_66, %dma_start3A_72] : memref<10112x128xf32, #tpu.memory_space<vmem_shared>> -> memref<632x128xf32, #tpu.memory_space<vmem_shared>>
      tpu.enqueue_dma source(%dma_start3A_73 : memref<632x128xf32, #tpu.memory_space<vmem_shared>>) target(%dma_start3A_71 : memref<632x128xf32, #tpu.memory_space<hbm>>) target_semaphore(%run_scoped3A : memref<!tpu.dma_semaphore, #tpu.memory_space<semaphore_mem>>)
      %dma_wait3A = tpu.memref_slice %arg5[%mul3A_68, %mul3A_70] : memref<10112x256xf32, #tpu.memory_space<hbm>> -> memref<632x128xf32, #tpu.memory_space<hbm>>
      %dma_wait3A_74 = arith.constant 0 : i32
      %dma_wait3A_75 = tpu.memref_slice %arg26[%mul3A_66, %dma_wait3A_74] : memref<10112x128xf32, #tpu.memory_space<vmem_shared>> -> memref<632x128xf32, #tpu.memory_space<vmem_shared>>
      tpu.wait_dma2 semaphore(%run_scoped3A : memref<!tpu.dma_semaphore, #tpu.memory_space<semaphore_mem>>) src(%dma_wait3A_75 : memref<632x128xf32, #tpu.memory_space<vmem_shared>>) dst(%dma_wait3A : memref<632x128xf32, #tpu.memory_space<hbm>>)
      tpu.yield
    }) : () -> ()
    return
  }
}

module attributes {stable_mosaic.version = 14 : i64} {
  func.func @_prep_body(%arg0: i32, %arg1: memref<2000x256xf32, #tpu.memory_space<vmem>>, %arg2: memref<256x512xf32, #tpu.memory_space<vmem>>, %arg3: memref<2000x128xi32, #tpu.memory_space<vmem>>, %arg4: memref<2000x256xf32, #tpu.memory_space<vmem>>) attributes {dimension_semantics = [#tpu.dimension_semantics<arbitrary>], iteration_bounds = array<i64: 5>, scalar_prefetch = 0 : i64, scratch_operands = 0 : i64, tpu.core_type = #tpu.core_type<tc>, window_params = [{transform_indices = @transform_0, window_bounds = array<i64: 2000, 256>}, {pipeline_mode = #tpu.pipeline_mode<synchronous>, transform_indices = @transform_1, window_bounds = array<i64: 256, 512>}, {transform_indices = @transform_2, window_bounds = array<i64: 2000, 128>}, {transform_indices = @transform_3, window_bounds = array<i64: 2000, 256>}]} {
    %get3A = arith.constant 0 : index
    %get3A_0 = arith.constant 0 : index
    %get3A_1 = vector.load %arg1[%get3A, %get3A_0] : memref<2000x256xf32, #tpu.memory_space<vmem>>, vector<2000x256xf32>
    %get3A_2 = arith.constant 0 : index
    %get3A_3 = arith.constant 0 : index
    %get3A_4 = vector.load %arg2[%get3A_2, %get3A_3] : memref<256x512xf32, #tpu.memory_space<vmem>>, vector<256x512xf32>
    %dot_general3A = arith.constant dense<0.000000e+00> : vector<2000x512xf32>
    %dot_general3A_5 = tpu.matmul %get3A_1, %get3A_4, %dot_general3A {dimension_numbers = #tpu.dot_dimension_numbers<[1], [0], [0], [1], [0, 0, 1, 1], [], []>, precision = #tpu.contract_precision<fp32>, transpose_lhs_hint = false} : vector<2000x256xf32>, vector<256x512xf32>, vector<2000x512xf32> -> vector<2000x512xf32>
    %slice3A = vector.extract_strided_slice %dot_general3A_5 {offsets = [0, 0], sizes = [2000, 128], strides = [1, 1]} : vector<2000x512xf32> to vector<2000x128xf32>
    %slice3A_6 = vector.extract_strided_slice %dot_general3A_5 {offsets = [0, 128], sizes = [2000, 128], strides = [1, 1]} : vector<2000x512xf32> to vector<2000x128xf32>
    %bitcast_convert_type3A = tpu.bitcast %slice3A : vector<2000x128xf32> -> vector<2000x128xi32>
    %bitcast_convert_type3A_7 = tpu.bitcast %slice3A_6 : vector<2000x128xf32> -> vector<2000x128xi32>
    %add3A = arith.constant 32767 : i32
    %add3A_8 = vector.broadcast %add3A : i32 to vector<2000x128xi32>
    %add3A_9 = arith.addi %bitcast_convert_type3A, %add3A_8 : vector<2000x128xi32>
    %shift_right_logical3A = arith.constant 16 : i32
    %shift_right_logical3A_10 = vector.broadcast %shift_right_logical3A : i32 to vector<2000x128xi32>
    %shift_right_logical3A_11 = arith.shrui %bitcast_convert_type3A, %shift_right_logical3A_10 : vector<2000x128xi32>
    %and3A = arith.constant 1 : i32
    %and3A_12 = vector.broadcast %and3A : i32 to vector<2000x128xi32>
    %and3A_13 = arith.andi %shift_right_logical3A_11, %and3A_12 : vector<2000x128xi32>
    %add3A_14 = arith.addi %add3A_9, %and3A_13 : vector<2000x128xi32>
    %add3A_15 = arith.constant 32767 : i32
    %add3A_16 = vector.broadcast %add3A_15 : i32 to vector<2000x128xi32>
    %add3A_17 = arith.addi %bitcast_convert_type3A_7, %add3A_16 : vector<2000x128xi32>
    %shift_right_logical3A_18 = arith.constant 16 : i32
    %shift_right_logical3A_19 = vector.broadcast %shift_right_logical3A_18 : i32 to vector<2000x128xi32>
    %shift_right_logical3A_20 = arith.shrui %bitcast_convert_type3A_7, %shift_right_logical3A_19 : vector<2000x128xi32>
    %and3A_21 = arith.constant 1 : i32
    %and3A_22 = vector.broadcast %and3A_21 : i32 to vector<2000x128xi32>
    %and3A_23 = arith.andi %shift_right_logical3A_20, %and3A_22 : vector<2000x128xi32>
    %add3A_24 = arith.addi %add3A_17, %and3A_23 : vector<2000x128xi32>
    %and3A_25 = arith.constant -65536 : i32
    %and3A_26 = vector.broadcast %and3A_25 : i32 to vector<2000x128xi32>
    %and3A_27 = arith.andi %add3A_14, %and3A_26 : vector<2000x128xi32>
    %shift_right_logical3A_28 = arith.constant 16 : i32
    %shift_right_logical3A_29 = vector.broadcast %shift_right_logical3A_28 : i32 to vector<2000x128xi32>
    %shift_right_logical3A_30 = arith.shrui %add3A_24, %shift_right_logical3A_29 : vector<2000x128xi32>
    %or3A = arith.ori %and3A_27, %shift_right_logical3A_30 : vector<2000x128xi32>
    %bitcast_convert_type3A_31 = tpu.bitcast %or3A : vector<2000x128xi32> -> vector<2000x128xi32>
    %swap3A = arith.constant 0 : index
    %swap3A_32 = arith.constant 0 : index
    %swap3A_33 = vector.load %arg3[%swap3A, %swap3A_32] : memref<2000x128xi32, #tpu.memory_space<vmem>>, vector<2000x128xi32>
    tpu.vector_store %arg3[%swap3A, %swap3A_32], %bitcast_convert_type3A_31 {strides = array<i32>} : memref<2000x128xi32, #tpu.memory_space<vmem>>, vector<2000x128xi32>,
    %slice3A_34 = vector.extract_strided_slice %dot_general3A_5 {offsets = [0, 256], sizes = [2000, 256], strides = [1, 1]} : vector<2000x512xf32> to vector<2000x256xf32>
    %swap3A_35 = arith.constant 0 : index
    %swap3A_36 = arith.constant 0 : index
    %swap3A_37 = vector.load %arg4[%swap3A_35, %swap3A_36] : memref<2000x256xf32, #tpu.memory_space<vmem>>, vector<2000x256xf32>
    tpu.vector_store %arg4[%swap3A_35, %swap3A_36], %slice3A_34 {strides = array<i32>} : memref<2000x256xf32, #tpu.memory_space<vmem>>, vector<2000x256xf32>,
    return
  }
  func.func @transform_0(%arg0: i32) -> (i32, i32) {
    %c0_i32 = arith.constant 0 : i32
    %c0_i32_0 = arith.constant 0 : i32
    return %arg0, %c0_i32 : i32, i32
  }
  func.func @transform_1(%arg0: i32) -> (i32, i32) {
    %c0_i32 = arith.constant 0 : i32
    %c0_i32_0 = arith.constant 0 : i32
    %c0_i32_1 = arith.constant 0 : i32
    return %c0_i32, %c0_i32_0 : i32, i32
  }
  func.func @transform_2(%arg0: i32) -> (i32, i32) {
    %c0_i32 = arith.constant 0 : i32
    %c0_i32_0 = arith.constant 0 : i32
    return %arg0, %c0_i32 : i32, i32
  }
  func.func @transform_3(%arg0: i32) -> (i32, i32) {
    %c0_i32 = arith.constant 0 : i32
    %c0_i32_0 = arith.constant 0 : i32
    return %arg0, %c0_i32 : i32, i32
  }
}

module attributes {stable_mosaic.version = 14 : i64} {
  func.func @_rel_body(%arg0: memref<400x256xf32, #tpu.memory_space<vmem>>, %arg1: memref<256x512xf32, #tpu.memory_space<vmem>>, %arg2: memref<400x128xi32, #tpu.memory_space<vmem>>, %arg3: memref<400x256xf32, #tpu.memory_space<vmem>>) attributes {dimension_semantics = [], scalar_prefetch = 0 : i64, scratch_operands = 0 : i64, tpu.core_type = #tpu.core_type<tc>} {
    %get3A = arith.constant 0 : index
    %get3A_0 = arith.constant 0 : index
    %get3A_1 = vector.load %arg0[%get3A, %get3A_0] : memref<400x256xf32, #tpu.memory_space<vmem>>, vector<400x256xf32>
    %get3A_2 = arith.constant 0 : index
    %get3A_3 = arith.constant 0 : index
    %get3A_4 = vector.load %arg1[%get3A_2, %get3A_3] : memref<256x512xf32, #tpu.memory_space<vmem>>, vector<256x512xf32>
    %dot_general3A = arith.constant dense<0.000000e+00> : vector<400x512xf32>
    %dot_general3A_5 = tpu.matmul %get3A_1, %get3A_4, %dot_general3A {dimension_numbers = #tpu.dot_dimension_numbers<[1], [0], [0], [1], [0, 0, 1, 1], [], []>, precision = #tpu.contract_precision<fp32>, transpose_lhs_hint = false} : vector<400x256xf32>, vector<256x512xf32>, vector<400x512xf32> -> vector<400x512xf32>
    %slice3A = vector.extract_strided_slice %dot_general3A_5 {offsets = [0, 0], sizes = [400, 128], strides = [1, 1]} : vector<400x512xf32> to vector<400x128xf32>
    %slice3A_6 = vector.extract_strided_slice %dot_general3A_5 {offsets = [0, 128], sizes = [400, 128], strides = [1, 1]} : vector<400x512xf32> to vector<400x128xf32>
    %bitcast_convert_type3A = tpu.bitcast %slice3A : vector<400x128xf32> -> vector<400x128xi32>
    %bitcast_convert_type3A_7 = tpu.bitcast %slice3A_6 : vector<400x128xf32> -> vector<400x128xi32>
    %add3A = arith.constant 32767 : i32
    %add3A_8 = vector.broadcast %add3A : i32 to vector<400x128xi32>
    %add3A_9 = arith.addi %bitcast_convert_type3A, %add3A_8 : vector<400x128xi32>
    %shift_right_logical3A = arith.constant 16 : i32
    %shift_right_logical3A_10 = vector.broadcast %shift_right_logical3A : i32 to vector<400x128xi32>
    %shift_right_logical3A_11 = arith.shrui %bitcast_convert_type3A, %shift_right_logical3A_10 : vector<400x128xi32>
    %and3A = arith.constant 1 : i32
    %and3A_12 = vector.broadcast %and3A : i32 to vector<400x128xi32>
    %and3A_13 = arith.andi %shift_right_logical3A_11, %and3A_12 : vector<400x128xi32>
    %add3A_14 = arith.addi %add3A_9, %and3A_13 : vector<400x128xi32>
    %add3A_15 = arith.constant 32767 : i32
    %add3A_16 = vector.broadcast %add3A_15 : i32 to vector<400x128xi32>
    %add3A_17 = arith.addi %bitcast_convert_type3A_7, %add3A_16 : vector<400x128xi32>
    %shift_right_logical3A_18 = arith.constant 16 : i32
    %shift_right_logical3A_19 = vector.broadcast %shift_right_logical3A_18 : i32 to vector<400x128xi32>
    %shift_right_logical3A_20 = arith.shrui %bitcast_convert_type3A_7, %shift_right_logical3A_19 : vector<400x128xi32>
    %and3A_21 = arith.constant 1 : i32
    %and3A_22 = vector.broadcast %and3A_21 : i32 to vector<400x128xi32>
    %and3A_23 = arith.andi %shift_right_logical3A_20, %and3A_22 : vector<400x128xi32>
    %add3A_24 = arith.addi %add3A_17, %and3A_23 : vector<400x128xi32>
    %and3A_25 = arith.constant -65536 : i32
    %and3A_26 = vector.broadcast %and3A_25 : i32 to vector<400x128xi32>
    %and3A_27 = arith.andi %add3A_14, %and3A_26 : vector<400x128xi32>
    %shift_right_logical3A_28 = arith.constant 16 : i32
    %shift_right_logical3A_29 = vector.broadcast %shift_right_logical3A_28 : i32 to vector<400x128xi32>
    %shift_right_logical3A_30 = arith.shrui %add3A_24, %shift_right_logical3A_29 : vector<400x128xi32>
    %or3A = arith.ori %and3A_27, %shift_right_logical3A_30 : vector<400x128xi32>
    %bitcast_convert_type3A_31 = tpu.bitcast %or3A : vector<400x128xi32> -> vector<400x128xi32>
    %swap3A = arith.constant 0 : index
    %swap3A_32 = arith.constant 0 : index
    %swap3A_33 = vector.load %arg2[%swap3A, %swap3A_32] : memref<400x128xi32, #tpu.memory_space<vmem>>, vector<400x128xi32>
    tpu.vector_store %arg2[%swap3A, %swap3A_32], %bitcast_convert_type3A_31 {strides = array<i32>} : memref<400x128xi32, #tpu.memory_space<vmem>>, vector<400x128xi32>,
    %slice3A_34 = vector.extract_strided_slice %dot_general3A_5 {offsets = [0, 256], sizes = [400, 256], strides = [1, 1]} : vector<400x512xf32> to vector<400x256xf32>
    %swap3A_35 = arith.constant 0 : index
    %swap3A_36 = arith.constant 0 : index
    %swap3A_37 = vector.load %arg3[%swap3A_35, %swap3A_36] : memref<400x256xf32, #tpu.memory_space<vmem>>, vector<400x256xf32>
    tpu.vector_store %arg3[%swap3A_35, %swap3A_36], %slice3A_34 {strides = array<i32>} : memref<400x256xf32, #tpu.memory_space<vmem>>, vector<400x256xf32>,
    return
  }
}

module attributes {stable_mosaic.version = 14 : i64} {
  func.func @_edge_body(%arg0: i32, %arg1: memref<3200x256xf32, #tpu.memory_space<vmem>>, %arg2: memref<3200x128xi32, #tpu.memory_space<vmem>>, %arg3: memref<3200x128xi32, #tpu.memory_space<vmem>>, %arg4: memref<3200x1xf32, #tpu.memory_space<vmem>>, %arg5: memref<256x512xbf16, #tpu.memory_space<vmem>>, %arg6: memref<256x512xbf16, #tpu.memory_space<vmem>>, %arg7: memref<1x512xf32, #tpu.memory_space<vmem>>, %arg8: memref<3200x256xf32, #tpu.memory_space<vmem>>) attributes {dimension_semantics = [#tpu.dimension_semantics<arbitrary>], iteration_bounds = array<i64: 28>, scalar_prefetch = 0 : i64, scratch_operands = 0 : i64, tpu.core_type = #tpu.core_type<tc>, window_params = [{transform_indices = @transform_0, window_bounds = array<i64: 3200, 256>}, {transform_indices = @transform_1, window_bounds = array<i64: 3200, 128>}, {transform_indices = @transform_2, window_bounds = array<i64: 3200, 128>}, {transform_indices = @transform_3, window_bounds = array<i64: 3200, 1>}, {pipeline_mode = #tpu.pipeline_mode<synchronous>, transform_indices = @transform_4, window_bounds = array<i64: 256, 512>}, {pipeline_mode = #tpu.pipeline_mode<synchronous>, transform_indices = @transform_5, window_bounds = array<i64: 256, 512>}, {pipeline_mode = #tpu.pipeline_mode<synchronous>, transform_indices = @transform_6, window_bounds = array<i64: 1, 512>}, {transform_indices = @transform_7, window_bounds = array<i64: 3200, 256>}]} {
    %get3A = arith.constant 0 : index
    %get3A_0 = arith.constant 0 : index
    %get3A_1 = vector.load %arg1[%get3A, %get3A_0] : memref<3200x256xf32, #tpu.memory_space<vmem>>, vector<3200x256xf32>
    %convert_element_type3A = arith.truncf %get3A_1 : vector<3200x256xf32> to vector<3200x256xbf16>
    %get3A_2 = arith.constant 0 : index
    %get3A_3 = arith.constant 0 : index
    %get3A_4 = vector.load %arg5[%get3A_2, %get3A_3] : memref<256x512xbf16, #tpu.memory_space<vmem>>, vector<256x512xbf16>
    %dot_general3A = arith.constant dense<0.000000e+00> : vector<3200x512xf32>
    %dot_general3A_5 = tpu.matmul %convert_element_type3A, %get3A_4, %dot_general3A {dimension_numbers = #tpu.dot_dimension_numbers<[1], [0], [0], [1], [0, 0, 1, 1], [], []>, transpose_lhs_hint = false} : vector<3200x256xbf16>, vector<256x512xbf16>, vector<3200x512xf32> -> vector<3200x512xf32>
    %get3A_6 = arith.constant 0 : index
    %get3A_7 = arith.constant 0 : index
    %get3A_8 = vector.load %arg6[%get3A_6, %get3A_7] : memref<256x512xbf16, #tpu.memory_space<vmem>>, vector<256x512xbf16>
    %dot_general3A_9 = arith.constant dense<0.000000e+00> : vector<3200x512xf32>
    %dot_general3A_10 = tpu.matmul %convert_element_type3A, %get3A_8, %dot_general3A_9 {dimension_numbers = #tpu.dot_dimension_numbers<[1], [0], [0], [1], [0, 0, 1, 1], [], []>, transpose_lhs_hint = false} : vector<3200x256xbf16>, vector<256x512xbf16>, vector<3200x512xf32> -> vector<3200x512xf32>
    %add3A = arith.addf %dot_general3A_5, %dot_general3A_10 : vector<3200x512xf32>
    %get3A_11 = arith.constant 0 : index
    %get3A_12 = arith.constant 0 : index
    %get3A_13 = vector.load %arg7[%get3A_11, %get3A_12] : memref<1x512xf32, #tpu.memory_space<vmem>>, vector<1x512xf32>
    %get3A_14 = arith.constant 0 : index
    %get3A_15 = arith.constant 0 : index
    %get3A_16 = vector.load %arg2[%get3A_14, %get3A_15] : memref<3200x128xi32, #tpu.memory_space<vmem>>, vector<3200x128xi32>
    %bitcast_convert_type3A = tpu.bitcast %get3A_16 : vector<3200x128xi32> -> vector<3200x128xi32>
    %and3A = arith.constant -65536 : i32
    %and3A_17 = vector.broadcast %and3A : i32 to vector<3200x128xi32>
    %and3A_18 = arith.andi %bitcast_convert_type3A, %and3A_17 : vector<3200x128xi32>
    %bitcast_convert_type3A_19 = tpu.bitcast %and3A_18 : vector<3200x128xi32> -> vector<3200x128xf32>
    %shift_left3A = arith.constant 16 : i32
    %shift_left3A_20 = vector.broadcast %shift_left3A : i32 to vector<3200x128xi32>
    %shift_left3A_21 = arith.shli %bitcast_convert_type3A, %shift_left3A_20 : vector<3200x128xi32>
    %bitcast_convert_type3A_22 = tpu.bitcast %shift_left3A_21 : vector<3200x128xi32> -> vector<3200x128xf32>
    %get3A_23 = arith.constant 0 : index
    %get3A_24 = arith.constant 0 : index
    %get3A_25 = vector.load %arg3[%get3A_23, %get3A_24] : memref<3200x128xi32, #tpu.memory_space<vmem>>, vector<3200x128xi32>
    %bitcast_convert_type3A_26 = tpu.bitcast %get3A_25 : vector<3200x128xi32> -> vector<3200x128xi32>
    %and3A_27 = arith.constant -65536 : i32
    %and3A_28 = vector.broadcast %and3A_27 : i32 to vector<3200x128xi32>
    %and3A_29 = arith.andi %bitcast_convert_type3A_26, %and3A_28 : vector<3200x128xi32>
    %bitcast_convert_type3A_30 = tpu.bitcast %and3A_29 : vector<3200x128xi32> -> vector<3200x128xf32>
    %shift_left3A_31 = arith.constant 16 : i32
    %shift_left3A_32 = vector.broadcast %shift_left3A_31 : i32 to vector<3200x128xi32>
    %shift_left3A_33 = arith.shli %bitcast_convert_type3A_26, %shift_left3A_32 : vector<3200x128xi32>
    %bitcast_convert_type3A_34 = tpu.bitcast %shift_left3A_33 : vector<3200x128xi32> -> vector<3200x128xf32>
    %slice3A = vector.extract_strided_slice %add3A {offsets = [0, 0], sizes = [3200, 128], strides = [1, 1]} : vector<3200x512xf32> to vector<3200x128xf32>
    %add3A_35 = arith.addf %bitcast_convert_type3A_19, %slice3A : vector<3200x128xf32>
    %slice3A_36 = vector.extract_strided_slice %get3A_13 {offsets = [0, 0], sizes = [1, 128], strides = [1, 1]} : vector<1x512xf32> to vector<1x128xf32>
    %add3A_37 = vector.broadcast %slice3A_36 : vector<1x128xf32> to vector<3200x128xf32>
    %add3A_38 = arith.addf %add3A_35, %add3A_37 : vector<3200x128xf32>
    %slice3A_39 = vector.extract_strided_slice %add3A {offsets = [0, 128], sizes = [3200, 128], strides = [1, 1]} : vector<3200x512xf32> to vector<3200x128xf32>
    %add3A_40 = arith.addf %bitcast_convert_type3A_22, %slice3A_39 : vector<3200x128xf32>
    %slice3A_41 = vector.extract_strided_slice %get3A_13 {offsets = [0, 128], sizes = [1, 128], strides = [1, 1]} : vector<1x512xf32> to vector<1x128xf32>
    %add3A_42 = vector.broadcast %slice3A_41 : vector<1x128xf32> to vector<3200x128xf32>
    %add3A_43 = arith.addf %add3A_40, %add3A_42 : vector<3200x128xf32>
    %slice3A_44 = vector.extract_strided_slice %add3A {offsets = [0, 256], sizes = [3200, 128], strides = [1, 1]} : vector<3200x512xf32> to vector<3200x128xf32>
    %add3A_45 = arith.addf %bitcast_convert_type3A_30, %slice3A_44 : vector<3200x128xf32>
    %slice3A_46 = vector.extract_strided_slice %get3A_13 {offsets = [0, 256], sizes = [1, 128], strides = [1, 1]} : vector<1x512xf32> to vector<1x128xf32>
    %add3A_47 = vector.broadcast %slice3A_46 : vector<1x128xf32> to vector<3200x128xf32>
    %add3A_48 = arith.addf %add3A_45, %add3A_47 : vector<3200x128xf32>
    %slice3A_49 = vector.extract_strided_slice %add3A {offsets = [0, 384], sizes = [3200, 128], strides = [1, 1]} : vector<3200x512xf32> to vector<3200x128xf32>
    %add3A_50 = arith.addf %bitcast_convert_type3A_34, %slice3A_49 : vector<3200x128xf32>
    %slice3A_51 = vector.extract_strided_slice %get3A_13 {offsets = [0, 384], sizes = [1, 128], strides = [1, 1]} : vector<1x512xf32> to vector<1x128xf32>
    %add3A_52 = vector.broadcast %slice3A_51 : vector<1x128xf32> to vector<3200x128xf32>
    %add3A_53 = arith.addf %add3A_50, %add3A_52 : vector<3200x128xf32>
    %mul3A = arith.mulf %add3A_38, %add3A_48 : vector<3200x128xf32>
    %mul3A_54 = arith.mulf %add3A_43, %add3A_53 : vector<3200x128xf32>
    %iota3A = tpu.iota {dimensions = array<i32: 1>} : vector<1x128xi32>
    %ne3A = arith.constant 0 : i32
    %ne3A_55 = vector.broadcast %ne3A : i32 to vector<1x128xi32>
    %ne3A_56 = arith.cmpi ne, %iota3A, %ne3A_55 : vector<1x128xi32>
    %jit3A = arith.constant 0.000000e+00 : f32
    %broadcast_in_dim3A = vector.shape_cast %ne3A_56 : vector<1x128xi1> to vector<1x128xi1>
    %broadcast_in_dim3A_57 = vector.broadcast %broadcast_in_dim3A : vector<1x128xi1> to vector<3200x128xi1>
    %broadcast_in_dim3A_58 = vector.broadcast %jit3A : f32 to vector<3200x128xf32>
    %select_n3A = arith.select %broadcast_in_dim3A_57, %mul3A_54, %broadcast_in_dim3A_58 : vector<3200x128xi1>, vector<3200x128xf32>
    %add3A_59 = arith.addf %mul3A, %select_n3A : vector<3200x128xf32>
    %mul3A_60 = arith.mulf %add3A_38, %add3A_53 : vector<3200x128xf32>
    %mul3A_61 = arith.mulf %add3A_43, %add3A_48 : vector<3200x128xf32>
    %sub3A = arith.subf %mul3A_60, %mul3A_61 : vector<3200x128xf32>
    %broadcast_in_dim3A_62 = vector.shape_cast %ne3A_56 : vector<1x128xi1> to vector<1x128xi1>
    %broadcast_in_dim3A_63 = vector.broadcast %broadcast_in_dim3A_62 : vector<1x128xi1> to vector<3200x128xi1>
    %select_n3A_64 = arith.select %broadcast_in_dim3A_63, %sub3A, %mul3A_54 : vector<3200x128xi1>, vector<3200x128xf32>
    %concatenate3A = tpu.concatenate %add3A_59, %select_n3A_64 in 1 : vector<3200x128xf32>, vector<3200x128xf32> -> vector<3200x256xf32>
    %get3A_65 = arith.constant 0 : index
    %get3A_66 = arith.constant 0 : index
    %get3A_67 = vector.load %arg4[%get3A_65, %get3A_66] : memref<3200x1xf32, #tpu.memory_space<vmem>>, vector<3200x1xf32>
    %mul3A_68 = vector.broadcast %get3A_67 : vector<3200x1xf32> to vector<3200x256xf32>
    %mul3A_69 = arith.mulf %concatenate3A, %mul3A_68 : vector<3200x256xf32>
    %swap3A = arith.constant 0 : index
    %swap3A_70 = arith.constant 0 : index
    %swap3A_71 = vector.load %arg8[%swap3A, %swap3A_70] : memref<3200x256xf32, #tpu.memory_space<vmem>>, vector<3200x256xf32>
    tpu.vector_store %arg8[%swap3A, %swap3A_70], %mul3A_69 {strides = array<i32>} : memref<3200x256xf32, #tpu.memory_space<vmem>>, vector<3200x256xf32>,
    return
  }
  func.func @transform_0(%arg0: i32) -> (i32, i32) {
    %add3A = arith.constant 22 : i32
    %add3A_0 = arith.addi %arg0, %add3A : i32
    %c0_i32 = arith.constant 0 : i32
    %c0_i32_1 = arith.constant 0 : i32
    return %add3A_0, %c0_i32 : i32, i32
  }
  func.func @transform_1(%arg0: i32) -> (i32, i32) {
    %c0_i32 = arith.constant 0 : i32
    %c0_i32_0 = arith.constant 0 : i32
    return %arg0, %c0_i32 : i32, i32
  }
  func.func @transform_2(%arg0: i32) -> (i32, i32) {
    %c0_i32 = arith.constant 0 : i32
    %c0_i32_0 = arith.constant 0 : i32
    return %arg0, %c0_i32 : i32, i32
  }
  func.func @transform_3(%arg0: i32) -> (i32, i32) {
    %add3A = arith.constant 22 : i32
    %add3A_0 = arith.addi %arg0, %add3A : i32
    %c0_i32 = arith.constant 0 : i32
    %c0_i32_1 = arith.constant 0 : i32
    return %add3A_0, %c0_i32 : i32, i32
  }
  func.func @transform_4(%arg0: i32) -> (i32, i32) {
    %c0_i32 = arith.constant 0 : i32
    %c0_i32_0 = arith.constant 0 : i32
    %c0_i32_1 = arith.constant 0 : i32
    return %c0_i32, %c0_i32_0 : i32, i32
  }
  func.func @transform_5(%arg0: i32) -> (i32, i32) {
    %c0_i32 = arith.constant 0 : i32
    %c0_i32_0 = arith.constant 0 : i32
    %c0_i32_1 = arith.constant 0 : i32
    return %c0_i32, %c0_i32_0 : i32, i32
  }
  func.func @transform_6(%arg0: i32) -> (i32, i32) {
    %c0_i32 = arith.constant 0 : i32
    %c0_i32_0 = arith.constant 0 : i32
    %c0_i32_1 = arith.constant 0 : i32
    return %c0_i32, %c0_i32_0 : i32, i32
  }
  func.func @transform_7(%arg0: i32) -> (i32, i32) {
    %c0_i32 = arith.constant 0 : i32
    %c0_i32_0 = arith.constant 0 : i32
    return %arg0, %c0_i32 : i32, i32
  }
}

module attributes {stable_mosaic.version = 14 : i64} {
  func.func @_edge_body(%arg0: i32, %arg1: memref<3200x256xf32, #tpu.memory_space<vmem>>, %arg2: memref<3200x128xi32, #tpu.memory_space<vmem>>, %arg3: memref<3200x128xi32, #tpu.memory_space<vmem>>, %arg4: memref<3200x1xf32, #tpu.memory_space<vmem>>, %arg5: memref<256x512xbf16, #tpu.memory_space<vmem>>, %arg6: memref<256x512xbf16, #tpu.memory_space<vmem>>, %arg7: memref<1x512xf32, #tpu.memory_space<vmem>>, %arg8: memref<3200x256xf32, #tpu.memory_space<vmem>>) attributes {dimension_semantics = [#tpu.dimension_semantics<arbitrary>], iteration_bounds = array<i64: 22>, scalar_prefetch = 0 : i64, scratch_operands = 0 : i64, tpu.core_type = #tpu.core_type<tc>, window_params = [{transform_indices = @transform_0, window_bounds = array<i64: 3200, 256>}, {transform_indices = @transform_1, window_bounds = array<i64: 3200, 128>}, {transform_indices = @transform_2, window_bounds = array<i64: 3200, 128>}, {transform_indices = @transform_3, window_bounds = array<i64: 3200, 1>}, {pipeline_mode = #tpu.pipeline_mode<synchronous>, transform_indices = @transform_4, window_bounds = array<i64: 256, 512>}, {pipeline_mode = #tpu.pipeline_mode<synchronous>, transform_indices = @transform_5, window_bounds = array<i64: 256, 512>}, {pipeline_mode = #tpu.pipeline_mode<synchronous>, transform_indices = @transform_6, window_bounds = array<i64: 1, 512>}, {transform_indices = @transform_7, window_bounds = array<i64: 3200, 256>}]} {
    %get3A = arith.constant 0 : index
    %get3A_0 = arith.constant 0 : index
    %get3A_1 = vector.load %arg1[%get3A, %get3A_0] : memref<3200x256xf32, #tpu.memory_space<vmem>>, vector<3200x256xf32>
    %convert_element_type3A = arith.truncf %get3A_1 : vector<3200x256xf32> to vector<3200x256xbf16>
    %get3A_2 = arith.constant 0 : index
    %get3A_3 = arith.constant 0 : index
    %get3A_4 = vector.load %arg5[%get3A_2, %get3A_3] : memref<256x512xbf16, #tpu.memory_space<vmem>>, vector<256x512xbf16>
    %dot_general3A = arith.constant dense<0.000000e+00> : vector<3200x512xf32>
    %dot_general3A_5 = tpu.matmul %convert_element_type3A, %get3A_4, %dot_general3A {dimension_numbers = #tpu.dot_dimension_numbers<[1], [0], [0], [1], [0, 0, 1, 1], [], []>, transpose_lhs_hint = false} : vector<3200x256xbf16>, vector<256x512xbf16>, vector<3200x512xf32> -> vector<3200x512xf32>
    %get3A_6 = arith.constant 0 : index
    %get3A_7 = arith.constant 0 : index
    %get3A_8 = vector.load %arg6[%get3A_6, %get3A_7] : memref<256x512xbf16, #tpu.memory_space<vmem>>, vector<256x512xbf16>
    %dot_general3A_9 = arith.constant dense<0.000000e+00> : vector<3200x512xf32>
    %dot_general3A_10 = tpu.matmul %convert_element_type3A, %get3A_8, %dot_general3A_9 {dimension_numbers = #tpu.dot_dimension_numbers<[1], [0], [0], [1], [0, 0, 1, 1], [], []>, transpose_lhs_hint = false} : vector<3200x256xbf16>, vector<256x512xbf16>, vector<3200x512xf32> -> vector<3200x512xf32>
    %add3A = arith.addf %dot_general3A_5, %dot_general3A_10 : vector<3200x512xf32>
    %get3A_11 = arith.constant 0 : index
    %get3A_12 = arith.constant 0 : index
    %get3A_13 = vector.load %arg7[%get3A_11, %get3A_12] : memref<1x512xf32, #tpu.memory_space<vmem>>, vector<1x512xf32>
    %get3A_14 = arith.constant 0 : index
    %get3A_15 = arith.constant 0 : index
    %get3A_16 = vector.load %arg2[%get3A_14, %get3A_15] : memref<3200x128xi32, #tpu.memory_space<vmem>>, vector<3200x128xi32>
    %bitcast_convert_type3A = tpu.bitcast %get3A_16 : vector<3200x128xi32> -> vector<3200x128xi32>
    %and3A = arith.constant -65536 : i32
    %and3A_17 = vector.broadcast %and3A : i32 to vector<3200x128xi32>
    %and3A_18 = arith.andi %bitcast_convert_type3A, %and3A_17 : vector<3200x128xi32>
    %bitcast_convert_type3A_19 = tpu.bitcast %and3A_18 : vector<3200x128xi32> -> vector<3200x128xf32>
    %shift_left3A = arith.constant 16 : i32
    %shift_left3A_20 = vector.broadcast %shift_left3A : i32 to vector<3200x128xi32>
    %shift_left3A_21 = arith.shli %bitcast_convert_type3A, %shift_left3A_20 : vector<3200x128xi32>
    %bitcast_convert_type3A_22 = tpu.bitcast %shift_left3A_21 : vector<3200x128xi32> -> vector<3200x128xf32>
    %get3A_23 = arith.constant 0 : index
    %get3A_24 = arith.constant 0 : index
    %get3A_25 = vector.load %arg3[%get3A_23, %get3A_24] : memref<3200x128xi32, #tpu.memory_space<vmem>>, vector<3200x128xi32>
    %bitcast_convert_type3A_26 = tpu.bitcast %get3A_25 : vector<3200x128xi32> -> vector<3200x128xi32>
    %and3A_27 = arith.constant -65536 : i32
    %and3A_28 = vector.broadcast %and3A_27 : i32 to vector<3200x128xi32>
    %and3A_29 = arith.andi %bitcast_convert_type3A_26, %and3A_28 : vector<3200x128xi32>
    %bitcast_convert_type3A_30 = tpu.bitcast %and3A_29 : vector<3200x128xi32> -> vector<3200x128xf32>
    %shift_left3A_31 = arith.constant 16 : i32
    %shift_left3A_32 = vector.broadcast %shift_left3A_31 : i32 to vector<3200x128xi32>
    %shift_left3A_33 = arith.shli %bitcast_convert_type3A_26, %shift_left3A_32 : vector<3200x128xi32>
    %bitcast_convert_type3A_34 = tpu.bitcast %shift_left3A_33 : vector<3200x128xi32> -> vector<3200x128xf32>
    %slice3A = vector.extract_strided_slice %add3A {offsets = [0, 0], sizes = [3200, 128], strides = [1, 1]} : vector<3200x512xf32> to vector<3200x128xf32>
    %add3A_35 = arith.addf %bitcast_convert_type3A_19, %slice3A : vector<3200x128xf32>
    %slice3A_36 = vector.extract_strided_slice %get3A_13 {offsets = [0, 0], sizes = [1, 128], strides = [1, 1]} : vector<1x512xf32> to vector<1x128xf32>
    %add3A_37 = vector.broadcast %slice3A_36 : vector<1x128xf32> to vector<3200x128xf32>
    %add3A_38 = arith.addf %add3A_35, %add3A_37 : vector<3200x128xf32>
    %slice3A_39 = vector.extract_strided_slice %add3A {offsets = [0, 128], sizes = [3200, 128], strides = [1, 1]} : vector<3200x512xf32> to vector<3200x128xf32>
    %add3A_40 = arith.addf %bitcast_convert_type3A_22, %slice3A_39 : vector<3200x128xf32>
    %slice3A_41 = vector.extract_strided_slice %get3A_13 {offsets = [0, 128], sizes = [1, 128], strides = [1, 1]} : vector<1x512xf32> to vector<1x128xf32>
    %add3A_42 = vector.broadcast %slice3A_41 : vector<1x128xf32> to vector<3200x128xf32>
    %add3A_43 = arith.addf %add3A_40, %add3A_42 : vector<3200x128xf32>
    %slice3A_44 = vector.extract_strided_slice %add3A {offsets = [0, 256], sizes = [3200, 128], strides = [1, 1]} : vector<3200x512xf32> to vector<3200x128xf32>
    %add3A_45 = arith.addf %bitcast_convert_type3A_30, %slice3A_44 : vector<3200x128xf32>
    %slice3A_46 = vector.extract_strided_slice %get3A_13 {offsets = [0, 256], sizes = [1, 128], strides = [1, 1]} : vector<1x512xf32> to vector<1x128xf32>
    %add3A_47 = vector.broadcast %slice3A_46 : vector<1x128xf32> to vector<3200x128xf32>
    %add3A_48 = arith.addf %add3A_45, %add3A_47 : vector<3200x128xf32>
    %slice3A_49 = vector.extract_strided_slice %add3A {offsets = [0, 384], sizes = [3200, 128], strides = [1, 1]} : vector<3200x512xf32> to vector<3200x128xf32>
    %add3A_50 = arith.addf %bitcast_convert_type3A_34, %slice3A_49 : vector<3200x128xf32>
    %slice3A_51 = vector.extract_strided_slice %get3A_13 {offsets = [0, 384], sizes = [1, 128], strides = [1, 1]} : vector<1x512xf32> to vector<1x128xf32>
    %add3A_52 = vector.broadcast %slice3A_51 : vector<1x128xf32> to vector<3200x128xf32>
    %add3A_53 = arith.addf %add3A_50, %add3A_52 : vector<3200x128xf32>
    %mul3A = arith.mulf %add3A_38, %add3A_48 : vector<3200x128xf32>
    %mul3A_54 = arith.mulf %add3A_43, %add3A_53 : vector<3200x128xf32>
    %iota3A = tpu.iota {dimensions = array<i32: 1>} : vector<1x128xi32>
    %ne3A = arith.constant 0 : i32
    %ne3A_55 = vector.broadcast %ne3A : i32 to vector<1x128xi32>
    %ne3A_56 = arith.cmpi ne, %iota3A, %ne3A_55 : vector<1x128xi32>
    %jit3A = arith.constant 0.000000e+00 : f32
    %broadcast_in_dim3A = vector.shape_cast %ne3A_56 : vector<1x128xi1> to vector<1x128xi1>
    %broadcast_in_dim3A_57 = vector.broadcast %broadcast_in_dim3A : vector<1x128xi1> to vector<3200x128xi1>
    %broadcast_in_dim3A_58 = vector.broadcast %jit3A : f32 to vector<3200x128xf32>
    %select_n3A = arith.select %broadcast_in_dim3A_57, %mul3A_54, %broadcast_in_dim3A_58 : vector<3200x128xi1>, vector<3200x128xf32>
    %add3A_59 = arith.addf %mul3A, %select_n3A : vector<3200x128xf32>
    %mul3A_60 = arith.mulf %add3A_38, %add3A_53 : vector<3200x128xf32>
    %mul3A_61 = arith.mulf %add3A_43, %add3A_48 : vector<3200x128xf32>
    %sub3A = arith.subf %mul3A_60, %mul3A_61 : vector<3200x128xf32>
    %broadcast_in_dim3A_62 = vector.shape_cast %ne3A_56 : vector<1x128xi1> to vector<1x128xi1>
    %broadcast_in_dim3A_63 = vector.broadcast %broadcast_in_dim3A_62 : vector<1x128xi1> to vector<3200x128xi1>
    %select_n3A_64 = arith.select %broadcast_in_dim3A_63, %sub3A, %mul3A_54 : vector<3200x128xi1>, vector<3200x128xf32>
    %concatenate3A = tpu.concatenate %add3A_59, %select_n3A_64 in 1 : vector<3200x128xf32>, vector<3200x128xf32> -> vector<3200x256xf32>
    %get3A_65 = arith.constant 0 : index
    %get3A_66 = arith.constant 0 : index
    %get3A_67 = vector.load %arg4[%get3A_65, %get3A_66] : memref<3200x1xf32, #tpu.memory_space<vmem>>, vector<3200x1xf32>
    %mul3A_68 = vector.broadcast %get3A_67 : vector<3200x1xf32> to vector<3200x256xf32>
    %mul3A_69 = arith.mulf %concatenate3A, %mul3A_68 : vector<3200x256xf32>
    %swap3A = arith.constant 0 : index
    %swap3A_70 = arith.constant 0 : index
    %swap3A_71 = vector.load %arg8[%swap3A, %swap3A_70] : memref<3200x256xf32, #tpu.memory_space<vmem>>, vector<3200x256xf32>
    tpu.vector_store %arg8[%swap3A, %swap3A_70], %mul3A_69 {strides = array<i32>} : memref<3200x256xf32, #tpu.memory_space<vmem>>, vector<3200x256xf32>,
    return
  }
  func.func @transform_0(%arg0: i32) -> (i32, i32) {
    %add3A = arith.constant 0 : i32
    %add3A_0 = arith.addi %arg0, %add3A : i32
    %c0_i32 = arith.constant 0 : i32
    %c0_i32_1 = arith.constant 0 : i32
    return %add3A_0, %c0_i32 : i32, i32
  }
  func.func @transform_1(%arg0: i32) -> (i32, i32) {
    %c0_i32 = arith.constant 0 : i32
    %c0_i32_0 = arith.constant 0 : i32
    return %arg0, %c0_i32 : i32, i32
  }
  func.func @transform_2(%arg0: i32) -> (i32, i32) {
    %c0_i32 = arith.constant 0 : i32
    %c0_i32_0 = arith.constant 0 : i32
    return %arg0, %c0_i32 : i32, i32
  }
  func.func @transform_3(%arg0: i32) -> (i32, i32) {
    %add3A = arith.constant 0 : i32
    %add3A_0 = arith.addi %arg0, %add3A : i32
    %c0_i32 = arith.constant 0 : i32
    %c0_i32_1 = arith.constant 0 : i32
    return %add3A_0, %c0_i32 : i32, i32
  }
  func.func @transform_4(%arg0: i32) -> (i32, i32) {
    %c0_i32 = arith.constant 0 : i32
    %c0_i32_0 = arith.constant 0 : i32
    %c0_i32_1 = arith.constant 0 : i32
    return %c0_i32, %c0_i32_0 : i32, i32
  }
  func.func @transform_5(%arg0: i32) -> (i32, i32) {
    %c0_i32 = arith.constant 0 : i32
    %c0_i32_0 = arith.constant 0 : i32
    %c0_i32_1 = arith.constant 0 : i32
    return %c0_i32, %c0_i32_0 : i32, i32
  }
  func.func @transform_6(%arg0: i32) -> (i32, i32) {
    %c0_i32 = arith.constant 0 : i32
    %c0_i32_0 = arith.constant 0 : i32
    %c0_i32_1 = arith.constant 0 : i32
    return %c0_i32, %c0_i32_0 : i32, i32
  }
  func.func @transform_7(%arg0: i32) -> (i32, i32) {
    %c0_i32 = arith.constant 0 : i32
    %c0_i32_0 = arith.constant 0 : i32
    return %arg0, %c0_i32 : i32, i32
  }
}

module attributes {stable_mosaic.version = 14 : i64} {
  func.func @_post_body(%arg0: i32, %arg1: memref<2000x256xf32, #tpu.memory_space<vmem>>, %arg2: memref<2000x256xf32, #tpu.memory_space<vmem>>, %arg3: memref<2000x256xf32, #tpu.memory_space<vmem>>, %arg4: memref<256x256xf32, #tpu.memory_space<vmem>>, %arg5: memref<2000x256xf32, #tpu.memory_space<vmem>>) attributes {dimension_semantics = [#tpu.dimension_semantics<arbitrary>], iteration_bounds = array<i64: 5>, scalar_prefetch = 0 : i64, scratch_operands = 0 : i64, tpu.core_type = #tpu.core_type<tc>, window_params = [{transform_indices = @transform_0, window_bounds = array<i64: 2000, 256>}, {transform_indices = @transform_1, window_bounds = array<i64: 2000, 256>}, {transform_indices = @transform_2, window_bounds = array<i64: 2000, 256>}, {pipeline_mode = #tpu.pipeline_mode<synchronous>, transform_indices = @transform_3, window_bounds = array<i64: 256, 256>}, {transform_indices = @transform_4, window_bounds = array<i64: 2000, 256>}]} {
    %get3A = arith.constant 0 : index
    %get3A_0 = arith.constant 0 : index
    %get3A_1 = vector.load %arg1[%get3A, %get3A_0] : memref<2000x256xf32, #tpu.memory_space<vmem>>, vector<2000x256xf32>
    %get3A_2 = arith.constant 0 : index
    %get3A_3 = arith.constant 0 : index
    %get3A_4 = vector.load %arg2[%get3A_2, %get3A_3] : memref<2000x256xf32, #tpu.memory_space<vmem>>, vector<2000x256xf32>
    %add3A = arith.addf %get3A_1, %get3A_4 : vector<2000x256xf32>
    %get3A_5 = arith.constant 0 : index
    %get3A_6 = arith.constant 0 : index
    %get3A_7 = vector.load %arg4[%get3A_5, %get3A_6] : memref<256x256xf32, #tpu.memory_space<vmem>>, vector<256x256xf32>
    %dot_general3A = arith.constant dense<0.000000e+00> : vector<2000x256xf32>
    %dot_general3A_8 = tpu.matmul %add3A, %get3A_7, %dot_general3A {dimension_numbers = #tpu.dot_dimension_numbers<[1], [0], [0], [1], [0, 0, 1, 1], [], []>, precision = #tpu.contract_precision<fp32>, transpose_lhs_hint = false} : vector<2000x256xf32>, vector<256x256xf32>, vector<2000x256xf32> -> vector<2000x256xf32>
    %get3A_9 = arith.constant 0 : index
    %get3A_10 = arith.constant 0 : index
    %get3A_11 = vector.load %arg3[%get3A_9, %get3A_10] : memref<2000x256xf32, #tpu.memory_space<vmem>>, vector<2000x256xf32>
    %add3A_12 = arith.addf %dot_general3A_8, %get3A_11 : vector<2000x256xf32>
    %swap3A = arith.constant 0 : index
    %swap3A_13 = arith.constant 0 : index
    %swap3A_14 = vector.load %arg5[%swap3A, %swap3A_13] : memref<2000x256xf32, #tpu.memory_space<vmem>>, vector<2000x256xf32>
    tpu.vector_store %arg5[%swap3A, %swap3A_13], %add3A_12 {strides = array<i32>} : memref<2000x256xf32, #tpu.memory_space<vmem>>, vector<2000x256xf32>,
    return
  }
  func.func @transform_0(%arg0: i32) -> (i32, i32) {
    %c0_i32 = arith.constant 0 : i32
    %c0_i32_0 = arith.constant 0 : i32
    return %arg0, %c0_i32 : i32, i32
  }
  func.func @transform_1(%arg0: i32) -> (i32, i32) {
    %c0_i32 = arith.constant 0 : i32
    %c0_i32_0 = arith.constant 0 : i32
    return %arg0, %c0_i32 : i32, i32
  }
  func.func @transform_2(%arg0: i32) -> (i32, i32) {
    %c0_i32 = arith.constant 0 : i32
    %c0_i32_0 = arith.constant 0 : i32
    return %arg0, %c0_i32 : i32, i32
  }
  func.func @transform_3(%arg0: i32) -> (i32, i32) {
    %c0_i32 = arith.constant 0 : i32
    %c0_i32_0 = arith.constant 0 : i32
    %c0_i32_1 = arith.constant 0 : i32
    return %c0_i32, %c0_i32_0 : i32, i32
  }
  func.func @transform_4(%arg0: i32) -> (i32, i32) {
    %c0_i32 = arith.constant 0 : i32
    %c0_i32_0 = arith.constant 0 : i32
    return %arg0, %c0_i32 : i32, i32
  }
}

module attributes {stable_mosaic.version = 14 : i64} {
  func.func @_bn_body(%arg0: i32, %arg1: memref<10000x128xf32, #tpu.memory_space<vmem>>, %arg2: memref<1x128xf32, #tpu.memory_space<vmem>>, %arg3: memref<1x128xf32, #tpu.memory_space<vmem>>, %arg4: memref<10000x128xf32, #tpu.memory_space<vmem>>) attributes {dimension_semantics = [#tpu.dimension_semantics<arbitrary>], iteration_bounds = array<i64: 2>, scalar_prefetch = 0 : i64, scratch_operands = 0 : i64, tpu.core_type = #tpu.core_type<tc>, window_params = [{transform_indices = @transform_0, window_bounds = array<i64: 10000, 128>}, {transform_indices = @transform_1, window_bounds = array<i64: 1, 128>}, {transform_indices = @transform_2, window_bounds = array<i64: 1, 128>}, {transform_indices = @transform_3, window_bounds = array<i64: 10000, 128>}]} {
    %get3A = arith.constant 0 : index
    %get3A_0 = arith.constant 0 : index
    %get3A_1 = vector.load %arg1[%get3A, %get3A_0] : memref<10000x128xf32, #tpu.memory_space<vmem>>, vector<10000x128xf32>
    %reduce_sum3A = arith.constant dense<0.000000e+00> : vector<128xf32>
    %reduce_sum3A_2 = vector.multi_reduction <add>, %get3A_1, %reduce_sum3A [0] : vector<10000x128xf32> to vector<128xf32>
    %broadcast_in_dim3A = vector.shape_cast %reduce_sum3A_2 : vector<128xf32> to vector<1x128xf32>
    %div3A = arith.constant 1.000000e+04 : f32
    %div3A_3 = vector.broadcast %div3A : f32 to vector<1x128xf32>
    %div3A_4 = arith.divf %broadcast_in_dim3A, %div3A_3 : vector<1x128xf32>
    %sub3A = vector.broadcast %div3A_4 : vector<1x128xf32> to vector<10000x128xf32>
    %sub3A_5 = arith.subf %get3A_1, %sub3A : vector<10000x128xf32>
    %mul3A = arith.mulf %sub3A_5, %sub3A_5 : vector<10000x128xf32>
    %reduce_sum3A_6 = arith.constant dense<0.000000e+00> : vector<128xf32>
    %reduce_sum3A_7 = vector.multi_reduction <add>, %mul3A, %reduce_sum3A_6 [0] : vector<10000x128xf32> to vector<128xf32>
    %broadcast_in_dim3A_8 = vector.shape_cast %reduce_sum3A_7 : vector<128xf32> to vector<1x128xf32>
    %div3A_9 = arith.constant 1.000000e+04 : f32
    %div3A_10 = vector.broadcast %div3A_9 : f32 to vector<1x128xf32>
    %div3A_11 = arith.divf %broadcast_in_dim3A_8, %div3A_10 : vector<1x128xf32>
    %add3A = arith.constant 9.99999974E-6 : f32
    %add3A_12 = vector.broadcast %add3A : f32 to vector<1x128xf32>
    %add3A_13 = arith.addf %div3A_11, %add3A_12 : vector<1x128xf32>
    %rsqrt3A = math.rsqrt %add3A_13 : vector<1x128xf32>
    %mul3A_14 = vector.broadcast %rsqrt3A : vector<1x128xf32> to vector<10000x128xf32>
    %mul3A_15 = arith.mulf %sub3A_5, %mul3A_14 : vector<10000x128xf32>
    %get3A_16 = arith.constant 0 : index
    %get3A_17 = arith.constant 0 : index
    %get3A_18 = vector.load %arg2[%get3A_16, %get3A_17] : memref<1x128xf32, #tpu.memory_space<vmem>>, vector<1x128xf32>
    %mul3A_19 = vector.broadcast %get3A_18 : vector<1x128xf32> to vector<10000x128xf32>
    %mul3A_20 = arith.mulf %mul3A_15, %mul3A_19 : vector<10000x128xf32>
    %get3A_21 = arith.constant 0 : index
    %get3A_22 = arith.constant 0 : index
    %get3A_23 = vector.load %arg3[%get3A_21, %get3A_22] : memref<1x128xf32, #tpu.memory_space<vmem>>, vector<1x128xf32>
    %add3A_24 = vector.broadcast %get3A_23 : vector<1x128xf32> to vector<10000x128xf32>
    %add3A_25 = arith.addf %mul3A_20, %add3A_24 : vector<10000x128xf32>
    %max3A = arith.constant 0.000000e+00 : f32
    %max3A_26 = vector.broadcast %max3A : f32 to vector<10000x128xf32>
    %max3A_27 = arith.maximumf %add3A_25, %max3A_26 : vector<10000x128xf32>
    %swap3A = arith.constant 0 : index
    %swap3A_28 = arith.constant 0 : index
    %swap3A_29 = vector.load %arg4[%swap3A, %swap3A_28] : memref<10000x128xf32, #tpu.memory_space<vmem>>, vector<10000x128xf32>
    tpu.vector_store %arg4[%swap3A, %swap3A_28], %max3A_27 {strides = array<i32>} : memref<10000x128xf32, #tpu.memory_space<vmem>>, vector<10000x128xf32>,
    return
  }
  func.func @transform_0(%arg0: i32) -> (i32, i32) {
    %c0_i32 = arith.constant 0 : i32
    %c0_i32_0 = arith.constant 0 : i32
    return %c0_i32, %arg0 : i32, i32
  }
  func.func @transform_1(%arg0: i32) -> (i32, i32) {
    %c0_i32 = arith.constant 0 : i32
    %c0_i32_0 = arith.constant 0 : i32
    return %c0_i32, %arg0 : i32, i32
  }
  func.func @transform_2(%arg0: i32) -> (i32, i32) {
    %c0_i32 = arith.constant 0 : i32
    %c0_i32_0 = arith.constant 0 : i32
    return %c0_i32, %arg0 : i32, i32
  }
  func.func @transform_3(%arg0: i32) -> (i32, i32) {
    %c0_i32 = arith.constant 0 : i32
    %c0_i32_0 = arith.constant 0 : i32
    return %c0_i32, %arg0 : i32, i32
  }
}

</mosaic_0001>

<sc_bundles>
// kernel: kernel.12.cloned.1.call-start
scs
__scs_entry_jumppad:
0x0: {  	(pc) =	sbr.rel $0x88, $3  }
0x1: {  	(tag) =	ssettag $0x0;
	lr =	simm.s32 $0x1  }
0x2: {  	[smem:$0x3F91] =	sst lr;
	_ =	strace $0xD0000000  }
0x3: {  	_ = 	snop  }
0x4: {  	_ = 	snop  }
0x5: {  	_ = 	snop  }
0x6: {  	_ = 	snop  }
0x7: {  	_ = 	snop  }
__scs_overlays_trampoline_lowered:
0x8: {  	[smem:$0x3FA0] =	sst s0  }
0x9: {  	[smem:$0x3FA1] =	sst s1  }
0xa: {  	[smem:$0x3FA2] =	sst s2  }
0xb: {  	[smem:$0x3FA3] =	sst s3  }
0xc: {  	[smem:$0x3FA4] =	sst s4  }
0xd: {  	[smem:$0x3FA5] =	sst s5  }
0xe: {  	[smem:$0x3FA6] =	sst s6  }
0xf: {  	[smem:$0x3FA7] =	sst s7  }
0x10: {  	[smem:$0x3FA8] =	sst s8  }
0x11: {  	[smem:$0x3FA9] =	sst s9;
	s0 =	simm.s32 @!p0 $0x0  }
0x12: {  	s1 =	sld [smem:$0x3F8F];
	s0 =	simm.s32 @p0 $0x1  }
0x13: {  	[smem:$0x3FAA] =	sst s0;
	s0 =	simm.s32 @!p1 $0x0  }
0x14: {  	s2 =	sld [smem:$0x3F8E];
	s0 =	simm.s32 @p1 $0x1  }
0x15: {  	[smem:$0x3FAB] =	sst s0;
	s0 =	simm.s32 @!p2 $0x0  }
0x16: {  	s3 =	sld [smem:$0x3FDB];
	s0 =	simm.s32 @p2 $0x1  }
0x17: {  	s4 =	simm.s32 $0x1BF5;
	[smem:$0x3FAD] =	sst s0  }
0x18: {  	s0 =	sld [smem:$0x3F90];
	_ =	swait.ge [sflag:s4], $0x0  }
0x19: {  	s7 =	sld [smem:$0x3F91]  }
0x1a: {  	s8 =	sadd.s32 $0xFFFFE003, lr  }
0x1b: {  	s9 =	sadd.s32 $0xFFFFFEF7, lr;
	s5 =	simm.s32 $0xFFFFFFFF;
	p2 =	slt.u32 s8, $0xFFFFF086  }
0x1c: {  	p1 =	slt.u32 s9, $0xF7A;
	s5 =	simm.s32 @!p2 $0x0  }
0x1d: {  	s5 =	simm.s32 @p1 $0x1;
	p0 =	seq.s32 s7, s2  }
0x1e: {  	s7 =	smul.u32 @!p0 $0xF7A, s2;
	p2 =	seq.s32 @!p0 s5, $0x0  }
0x1f: {  	s9 =	smul.u32 $0xF7A, s1;
	s8 =	simm.s32 @!p0 $0x1BF5;
	p2 =	por !p2, p0  }
0x20: {  	[sflag:s8] =	ssyncset.s32 @!p0 $0xFFFFF086;
	s6 =	sadd.s32 @!p0 s3, s7;
	s7 =	simm.s32 @!p0 $0x108  }
0x21: {  	s3 =	sadd.s32 s3, s9;
	s6 =	sadd.s32 @!p0 $0x88, s6;
	s7 =	simm.s32 @p2 $0x1082  }
0x22: {  	[simem:s7], [sflag:s8] =	dma.local @!p0 [hbm:s6], $0xF7A  }
0x23: {  	s9 =	sor.u32 $0xD0000000, s2;
	s6 =	simm.s32 $0x108;
	_ =	swait.ge @!p0 [sflag:s8], $0x0  }
0x24: {  	s3 =	sadd.s32 $0x88, s3;
	s6 =	simm.s32 @!p1 $0x1082;
	[sflag:s4] =	ssyncset.s32 $0xFFFFF086  }
0x25: {  	[simem:s6], [sflag:s4] =	dma.local [hbm:s3], $0xF7A  }
0x26: {  	[smem:$0x3F91] =	sst s1;
	(tag) =	ssettag s2;
	_ =	strace s9  }
0x27: {  	s1 =	sld [smem:$0x3FA1]  }
0x28: {  	s2 =	sld [smem:$0x3FA2]  }
0x29: {  	s4 =	sld [smem:$0x3FA4]  }
0x2a: {  	p0 =	seq.s32 s5, $0x0;
	s5 =	sld [smem:$0x3FA5]  }
0x2b: {  	s6 =	sld [smem:$0x3FA6]  }
0x2c: {  	s7 =	sld [smem:$0x3FA7]  }
0x2d: {  	s3 =	simm.s32 $0x108;
	s8 =	sld [smem:$0x3FA8]  }
0x2e: {  	s3 =	simm.s32 @!p0 $0x1082;
	s9 =	sld [smem:$0x3FA9]  }
0x2f: {  	lr =	sadd.s32 s0, s3;
	s0 =	sld [smem:$0x3FA0]  }
0x30: {  	s3 =	sld [smem:$0x3FA3]  }
0x31: {  	[smem:$0x3FAC] =	sst s10  }
0x32: {  	s10 =	sld [smem:$0x3FAA];
	_ =	sdelay $0x3  }
0x33: {  	p0 =	seq.s32 s10, $0x1;
	s10 =	sld [smem:$0x3FAC];
	_ =	sdelay $0x3  }
0x34: {  	[smem:$0x3FAC] =	sst s10  }
0x35: {  	s10 =	sld [smem:$0x3FAB];
	_ =	sdelay $0x3  }
0x36: {  	p1 =	seq.s32 s10, $0x1;
	s10 =	sld [smem:$0x3FAC];
	_ =	sdelay $0x3  }
0x37: {  	[smem:$0x3FAC] =	sst s10  }
0x38: {  	s10 =	sld [smem:$0x3FAD]  }
0x39: {  	_ = 	snop;
	(pc) =	sbr.ind lr, $3  }
0x3a: {  	_ = 	snop  }
0x3b: {  	_ = 	snop  }
0x3c: {  	p2 =	seq.s32 s10, $0x1;
	s10 =	sld [smem:$0x3FAC]  }
0x3d: {  	_ =	shalt  }
0x3e: {  	_ =	shalt  }
0x3f: {  	_ =	shalt  }
0x40: {  	_ =	shalt  }
0x41: {  	_ =	shalt  }
0x42: {  	_ =	shalt  }
0x43: {  	_ =	shalt  }
0x44: {  	_ =	shalt  }
0x45: {  	_ =	shalt  }
0x46: {  	_ =	shalt  }
0x47: {  	_ =	shalt  }
0x48: {  	_ =	shalt  }
0x49: {  	_ =	shalt  }
0x4a: {  	_ =	shalt  }
0x4b: {  	_ =	shalt  }
0x4c: {  	_ =	shalt  }
0x4d: {  	_ =	shalt  }
0x4e: {  	_ =	shalt  }
0x4f: {  	_ =	shalt  }
0x50: {  	_ =	shalt  }
0x51: {  	_ =	shalt  }
0x52: {  	_ =	shalt  }
0x53: {  	_ =	shalt  }
0x54: {  	_ =	shalt  }
0x55: {  	_ =	shalt  }
0x56: {  	_ =	shalt  }
0x57: {  	_ =	shalt  }
0x58: {  	_ =	shalt  }
0x59: {  	_ =	shalt  }
0x5a: {  	_ =	shalt  }
0x5b: {  	_ =	shalt  }
0x5c: {  	_ =	shalt  }
0x5d: {  	_ =	shalt  }
0x5e: {  	_ =	shalt  }
0x5f: {  	_ =	shalt  }
0x60: {  	_ =	shalt  }
0x61: {  	_ =	shalt  }
0x62: {  	_ =	shalt  }
0x63: {  	_ =	shalt  }
0x64: {  	_ =	shalt  }
0x65: {  	_ =	shalt  }
0x66: {  	_ =	shalt  }
0x67: {  	_ =	shalt  }
0x68: {  	_ =	shalt  }
0x69: {  	_ =	shalt  }
0x6a: {  	_ =	shalt  }
0x6b: {  	_ =	shalt  }
0x6c: {  	_ =	shalt  }
0x6d: {  	_ =	shalt  }
0x6e: {  	_ =	shalt  }
0x6f: {  	_ =	shalt  }
0x70: {  	_ =	shalt  }
0x71: {  	_ =	shalt  }
0x72: {  	_ =	shalt  }
0x73: {  	_ =	shalt  }
0x74: {  	_ =	shalt  }
0x75: {  	_ =	shalt  }
0x76: {  	_ =	shalt  }
0x77: {  	_ =	shalt  }
0x78: {  	_ =	shalt  }
0x79: {  	_ =	shalt  }
0x7a: {  	_ =	shalt  }
0x7b: {  	_ =	shalt  }
0x7c: {  	_ =	shalt  }
0x7d: {  	_ =	shalt  }
0x7e: {  	_ =	shalt  }
0x7f: {  	_ =	shalt  }
0x80: {  	_ =	shalt  }
0x81: {  	_ =	shalt  }
0x82: {  	_ =	shalt  }
0x83: {  	_ =	shalt  }
0x84: {  	_ =	shalt  }
0x85: {  	_ =	shalt  }
0x86: {  	_ =	shalt  }
0x87: {  	_ =	shalt  }
.Lfunc_end0:
.L_simem_size_0:
called_computation_lowered:
.L_overlay_start_0:
0x88: {  	s2 =	sld [smem:$0x3FD9]  }
0x89: {  	s3 =	sld [smem:$0x3FFE];
	_ =	sdelay $0x1  }
0x8a: {  	s1 =	srdreg.scid  }
0x8b: {  	s0 =	sand.u32 $0x1, s1  }
0x8c: {  	s17 =	sshll.u32 s0, $0xA;
	s2 =	sadd.s32 s3, s2  }
0x8d: {  	s2 =	sadd.s32 s2, s17  }
0x8e: {  	[smem:$0x3FB8] =	sst s2  }
0x8f: {  	_ = 	snop  }
0x90: {  	s18 =	sld [smem:$0x3FC6];
	(tm) =	ssettm $0x1  }
0x91: {  	s19 =	sld [smem:$0x3FFB];
	_ =	sdelay $0x3  }
0x92: {  	_ =	strace s19  }
0x93: {  	s2 =	sld [smem:$0x3FFC];
	_ =	sdelay $0x3  }
0x94: {  	_ =	strace s2  }
0x95: {  	s2 =	sld [smem:$0x3FFD];
	_ =	sdelay $0x3  }
0x96: {  	_ =	strace s2  }
0x97: {  	_ =	strace $0x8FFFFFFF  }
0x98: {  	s20 =	sld [smem:$0x3FDB];
	_ =	sdelay $0x1  }
0x99: {  	s4 =	simm.s32 $_scs_section_size  }
0x9a: {  	s5 =	simm.s32 $_size__tile_overlayer_lowered;
	s6 =	simm.s32 $_tile_overlayer_lowered  }
0x9b: {  	s7 =	simm.s32 $0x1BFF;
	s21 =	sshll.u32 s6, $0x1;
	s4 =	sadd.s32 s4, s20  }
0x9c: {  	s22 =	simm.s32 $0x0;
	s5 =	sshll.u32 s5, $0x1;
	s6 =	sadd.s32 s21, s4  }
0x9d: {  	[timem:s22], [sflag:s7] =	dma.local [hbm:s6], s5  }
0x9e: {  	_ =	swait.ge [sflag:s7], s5  }
0x9f: {  	s5 =	ssub.s32 $0x0, s5;
	[sflag:s7] =	ssyncset.done $0x0  }
0xa0: {  	[sflag:s7] =	ssyncadd.s32 s5;
	_ =	sdelay $0x1  }
0xa1: {  	s23 =	simm.s32 $0x1B8B  }
0xa2: {  	_ =	swait.ge [sflag:s23], $0x1  }
0xa3: {  	[sflag:s23] =	ssyncset.done $0x0  }
0xa4: {  	[sflag:s23] =	ssyncadd.s32 $0xFFFFFFFF  }
0xa5: {  	s5 =	sld [smem:$0x0]  }
0xa6: {  	s6 =	sand.u32 $0xFFFFFFFE, s1  }
0xa7: {  	p0 =	sne.s32 s1, s6  }
0xa8: {  	s6 =	sshll.u32 @p0 s6, $0xE  }
0xa9: {  	s6 =	sadd.s32 @p0 $0x11B8D, s6;
	s7 =	sshll.u32 @p0 s5, $0x11  }
0xaa: {  	s6 =	sor.u32 @p0 s7, s6  }
0xab: {  	[sflag:s6] =	ssyncadd.remote.s32 @p0 $0x1;
	_ =	sdelay $0x1  }
0xac: {  	s6 =	simm.s32 @p0 $0x1B8D  }
0xad: {  	_ =	swait.eq @p0 [sflag:s6], $0x1  }
0xae: {  	[sflag:s6] =	ssyncadd.s32 @p0 $0xFFFFFFFF  }
0xaf: {  	s7 =	sshll.u32 @!p0 s1, $0xE  }
0xb0: {  	s7 =	sor.u32 @!p0 $0x4000, s7;
	s6 =	simm.s32 @!p0 $0x1B8D  }
0xb1: {  	s5 =	sshll.u32 @!p0 s5, $0x11;
	s7 =	sadd.s32 @!p0 $0x11B8D, s7;
	_ =	swait.eq @!p0 [sflag:s6], $0x1  }
0xb2: {  	s5 =	sor.u32 @!p0 s5, s7;
	[sflag:s6] =	ssyncadd.s32 @!p0 $0xFFFFFFFF  }
0xb3: {  	s25 =	simm.s32 $0x1B8E;
	s24 =	sld [smem:$0x3FFE];
	[sflag:s5] =	ssyncadd.remote.s32 @!p0 $0x1  }
0xb4: {  	s26 =	simm.s32 $execute0_lowered;
	[smem:$0x3FD2] =	sst s25  }
0xb5: {  	s6 =	sshll.u32 s26, $0x1;
	_ =	strace $0x80000049;
	[dreg:$0x1] =	wrdreg $0xFFFFFFFF  }
0xb6: {  	s28 =	simm.s32 $_size_execute0_lowered;
	s4 =	sadd.s32 s4, s6;
	[dreg:$0x0] =	wrdreg $0x0  }
0xb7: {  	s6 =	sshll.u32 s28, $0x1;
	[dreg:$0x2] =	wrdreg s4  }
0xb8: {  	[dreg:$0x3] =	wrdreg s6  }
0xb9: {  	[dreg:$0x4] =	wrdreg $0xC0  }
0xba: {  	_ =	task [dreg:s22], $0x5FFFF  }
0xbb: {  	[dreg:$0x1] =	wrdreg $0xFFFFFFFF  }
0xbc: {  	[dreg:$0x0] =	wrdreg $0x60  }
0xbd: {  	[dreg:$0x2] =	wrdreg s24  }
0xbe: {  	[dreg:$0x3] =	wrdreg s18  }
0xbf: {  	[dreg:$0x4] =	wrdreg $0x9  }
0xc0: {  	_ =	task.clear_ibuf [dreg:s22], $0x5FFFF;
	_ =	strace $0x90000049  }
0xc1: {  	s29 =	simm.s32 $0x9;
	_ =	strace $0x8000004B  }
0xc2: {  	_ =	swait.ge [sflag:s29], $0x1  }
0xc3: {  	[sflag:s29] =	ssyncadd.s32 $0xFFFFFFFF  }
0xc4: {  	_ =	strace $0x9000004B  }
0xc5: {  	_ =	sfence  }
0xc6: {  	s30 =	sld [smem:$0x0];
	_ =	sdelay $0x2  }
0xc7: {  	s31 =	sshll.u32 s1, $0xD;
	s1 =	sshrl.u32 s1, $0x2  }
0xc8: {  	s4 =	sand.u32 $0x4000, s31;
	s1 =	sadd.s32 s1, s30  }
0xc9: {  	s0 =	sor.u32 s4, s0;
	s1 =	sshll.u32 s1, $0x11  }
0xca: {  	s0 =	sor.u32 s1, s0  }
0xcb: {  	s0 =	sadd.s32 $0x8F2B, s0  }
0xcc: {  	[sflag:s0] =	ssyncadd.remote.s32 $0x1  }
0xcd: {  	_ =	sfence.sel $0xFFFF  }
0xce: {  	[dreg:$0x0] =	wrdreg $0xFFFFFFFF;
	(pc) =	sbr.abs _section_cstart, $3  }
0xcf: {  	[dreg:$0x1] =	wrdreg $0xFFFFFFFF  }
0xd0: {  	_ =	task.clear_ibuf [dreg:s22], $0x2FFFF;
	_ =	strace $0x9FFFFFFF  }
0xd1: {  	(tm) =	ssettm $0x7FFFFFFF  }
tec
execute0_lowered:
.L_overlay_start_1:
0x0: {  	(tag) =	ssettag $0x1  }
0x1: {  	s0 =	rddreg [dreg:$0x0];
	s1 =	srdreg.scid  }
0x2: {  	s4 =	stileid.u32;
	s5 =	rddreg [dreg:$0x1]  }
0x3: {  	s2 =	simm.s32 $0x0;
	s12 =	simm.s32 $0x28;
	s28 =	simm.s32 $0x6200  }
0x4: {  	s30 =	simm.s32 $0xC600;
	s31 =	simm.s32 $0x1;
	s16 =	simm.s32 $0x7  }
0x5: {  	s18 =	simm.s32 $0x3;
	s20 =	simm.s32 $0x8;
	s22 =	simm.s32 $0x4  }
0x6: {  	s24 =	simm.s32 $0x9;
	s29 =	simm.s32 $0xA;
	s11 =	simm.s32 $0xD  }
0x7: {  	s10 =	simm.s32 $0xF;
	s13 =	simm.s32 $0x14;
	s15 =	simm.s32 $0x0  }
0x8: {  	s1 =	sand.u32 $0x1, s1;
	s3 =	sshll.u32 s4, $0x1;
	[smem:$0x7FF] =	sst s2  }
0x9: {  	s7 =	smul.u32 $0x11300, s4;
	s4 =	sadd.s32 $0x34E00, s0;
	s3 =	sor.u32 s1, s3  }
0xa: {  	_ =	strace $0x8000004A;
	s8 =	ssub.s32 $0x2, s1;
	s1 =	smul.u32 $0x8980, s1  }
0xb: {  	s6 =	smul.u32 $0x898, s3;
	s7 =	sadd.s32 s7, s0;
	s9 =	sshrl.u32 s8, $0x1  }
0xc: {  	s3 =	sadd.s32 $0xDC00, s0;
	s8 =	ssub.s32 s8, s9;
	s1 =	sadd.s32 s1, s7  }
0xd: {  	s6 =	sshrl.u32 s6, $0x3;
	s7 =	sadd.s32 $0x2F2800, s1;
	s26 =	smax.u32 s8, $0x1  }
.Ltmp0:
0xe: {  	s9 =	sadd.s32 $0x405800, s1;
	s1 =	simm.s32 $0x6;
	(pc) =	sbr.rel .LBB2_1-.Ltmp0, $4  }
0xf: {  	s8 =	simm.s32 $0x12;
	s0 =	sadd.s32 s6, s0;
	s25 =	sadd.s32 s5, s6  }
0x10: {  	[dreg:$0x5] =	wrdreg s26;
	s26 =	simm.s32 $0x5;
	s5 =	simm.s32 $0xB  }
0x11: {  	s6 =	simm.s32 $0x10;
	s0 =	sadd.s32 $0x3C00, s0;
	[dreg:$0x4] =	wrdreg s25  }
0x12: {  	s25 =	simm.s32 $0xB200;
	[dreg:$0x3] =	wrdreg s0;
	s0 =	simm.s32 $0x2  }
.LBB2_4:
0x13: {  	s15 =	rddreg [dreg:$0x6]  }
0x14: {  	s14 =	rddreg [dreg:$0x5];
	s15 =	sadd.s32 $0x1, s15  }
0x15: {  	p0 =	sne.s32 s15, s14  }
.Ltmp1:
0x16: {  	_ = 	snop;
	(pc) =	sbr.rel @!p0 .LBB2_5-.Ltmp1, $1  }
0x17: {  	_ =	sdelay $0x3  }
.LBB2_1:
0x18: {  	[dreg:$0x6] =	wrdreg s15  }
0x19: {  	s14 =	rddreg [dreg:$0x3];
	s19 =	simm.s32 $0x15  }
0x1a: {  	[tilespmem:s2], [sflag:$0x15] =	stream.linear.gather [hbm4b:s14+s2], $0x898, $0x38;
	[tilespmem:$0xDA00] =	vst v63  }
0x1b: {  	_ =	swait.ge [sflag:s19], $0x898  }
0x1c: {  	[sflag:s19] =	ssyncset.done $0x0  }
0x1d: {  	s17 =	simm.s32 $0x900;
	s21 =	rddreg [dreg:$0x4];
	[sflag:s19] =	ssyncadd.s32 $0xFFFFF768  }
0x1e: {  	[tilespmem:s17], [sflag:$0x15] =	stream.linear.gather [hbm4b:s21+s2], $0x898, $0x38;
	[tilespmem:$0xDA00] =	vst v63  }
0x1f: {  	_ =	swait.ge [sflag:s19], $0x898  }
0x20: {  	[sflag:s19] =	ssyncset.done $0x0  }
0x21: {  	s23 =	simm.s32 $0x1200;
	[sflag:s19] =	ssyncadd.s32 $0xFFFFF768  }
0x22: {  	[tilespmem:s23], [sflag:$0x1] =	stream.indirect.gather [hbm4b:s3+s12], $0x80, s2, s12, $0xb8;
	[tilespmem:$0xDA00] =	vst v63  }
0x23: {  	s15 =	simm.s32 $0x7600  }
0x24: {  	[tilespmem:s15], [sflag:$0x6] =	stream.indirect.gather [hbm4b:s4+s12], $0x80, s17, s12, $0xb8;
	[tilespmem:$0xDA00] =	vst v63  }
0x25: {  	s19 =	simm.s32 $0x2600  }
0x26: {  	[tilespmem:s19], [sflag:$0x2] =	stream.indirect.gather [hbm4b:s3+s12], $0x80, s12, s12, $0xb8;
	[tilespmem:$0xDA00] =	vst v63  }
0x27: {  	s21 =	simm.s32 $0x928;
	s23 =	simm.s32 $0x8A00  }
0x28: {  	[tilespmem:s23], [sflag:$0x7] =	stream.indirect.gather [hbm4b:s4+s12], $0x80, s21, s12, $0xb8;
	[tilespmem:$0xDA00] =	vst v63  }
0x29: {  	s17 =	simm.s32 $0x50;
	s19 =	simm.s32 $0x3A00  }
0x2a: {  	[tilespmem:s19], [sflag:$0x3] =	stream.indirect.gather [hbm4b:s3+s12], $0x80, s17, s12, $0xb8;
	[tilespmem:$0xDA00] =	vst v63  }
0x2b: {  	s21 =	simm.s32 $0x950;
	s23 =	simm.s32 $0x9E00  }
0x2c: {  	[tilespmem:s23], [sflag:$0x8] =	stream.indirect.gather [hbm4b:s4+s12], $0x80, s21, s12, $0xb8;
	[tilespmem:$0xDA00] =	vst v63  }
0x2d: {  	s15 =	simm.s32 $0x78;
	s17 =	simm.s32 $0x4E00  }
0x2e: {  	[tilespmem:s17], [sflag:$0x4] =	stream.indirect.gather [hbm4b:s3+s12], $0x80, s15, s12, $0xb8;
	[tilespmem:$0xDA00] =	vst v63  }
0x2f: {  	s19 =	simm.s32 $0x978  }
0x30: {  	[tilespmem:s25], [sflag:$0x9] =	stream.indirect.gather [hbm4b:s4+s12], $0x80, s19, s12, $0xb8;
	[tilespmem:$0xDA00] =	vst v63  }
0x31: {  	s21 =	simm.s32 $0xA0  }
0x32: {  	[tilespmem:s28], [sflag:$0x5] =	stream.indirect.gather [hbm4b:s3+s12], $0x80, s21, s12, $0xb8;
	[tilespmem:$0xDA00] =	vst v63  }
0x33: {  	s14 =	simm.s32 $0x0;
	s23 =	simm.s32 $0x9A0;
	s15 =	simm.s32 $0x0  }
0x34: {  	[tilespmem:s30], [sflag:$0xA] =	stream.indirect.gather [hbm4b:s4+s12], $0x80, s23, s12, $0xb8;
	[tilespmem:$0xDA00] =	vst v63  }
.LBB2_2:
0x35: {  	_ =	swait.ge [sflag:s31], $0x1400  }
0x36: {  	[sflag:s31] =	ssyncset.done $0x0  }
0x37: {  	[sflag:s31] =	ssyncadd.s32 $0xFFFFEC00  }
0x38: {  	_ =	swait.ge [sflag:s1], $0x1400  }
0x39: {  	[sflag:s1] =	ssyncset.done $0x0  }
0x3a: {  	s17 =	sadd.s32 s15, s7;
	s19 =	simm.s32 $0x1200;
	[sflag:s1] =	ssyncadd.s32 $0xFFFFEC00  }
0x3b: {  	[hbm4b:s17+s2] =	stream.linear.scatter [tilespmem:s19], [sflag:$0xB], $0x1400, $0x38;
	[tilespmem:$0xDA00] =	vst v63  }
0x3c: {  	s21 =	simm.s32 $0x7600;
	s19 =	sadd.s32 s15, s9  }
0x3d: {  	[hbm4b:s19+s2] =	stream.linear.scatter [tilespmem:s21], [sflag:$0x10], $0x1400, $0x38;
	[tilespmem:$0xDA00] =	vst v63  }
0x3e: {  	_ =	swait.ge [sflag:s0], $0x1400  }
0x3f: {  	[sflag:s0] =	ssyncset.done $0x0  }
0x40: {  	[sflag:s0] =	ssyncadd.s32 $0xFFFFEC00  }
0x41: {  	_ =	swait.ge [sflag:s16], $0x1400  }
0x42: {  	[sflag:s16] =	ssyncset.done $0x0  }
0x43: {  	s23 =	simm.s32 $0x2600;
	s21 =	sadd.s32 $0x280, s17;
	[sflag:s16] =	ssyncadd.s32 $0xFFFFEC00  }
0x44: {  	[hbm4b:s21+s2] =	stream.linear.scatter [tilespmem:s23], [sflag:$0xC], $0x1400, $0x38;
	[tilespmem:$0xDA00] =	vst v63  }
0x45: {  	s21 =	sadd.s32 $0x280, s19;
	s23 =	simm.s32 $0x8A00  }
0x46: {  	[hbm4b:s21+s2] =	stream.linear.scatter [tilespmem:s23], [sflag:$0x11], $0x1400, $0x38;
	[tilespmem:$0xDA00] =	vst v63  }
0x47: {  	_ =	swait.ge [sflag:s18], $0x1400  }
0x48: {  	[sflag:s18] =	ssyncset.done $0x0  }
0x49: {  	[sflag:s18] =	ssyncadd.s32 $0xFFFFEC00  }
0x4a: {  	_ =	swait.ge [sflag:s20], $0x1400  }
0x4b: {  	[sflag:s20] =	ssyncset.done $0x0  }
0x4c: {  	s21 =	sadd.s32 $0x500, s17;
	s23 =	simm.s32 $0x3A00;
	[sflag:s20] =	ssyncadd.s32 $0xFFFFEC00  }
0x4d: {  	[hbm4b:s21+s2] =	stream.linear.scatter [tilespmem:s23], [sflag:$0xD], $0x1400, $0x38;
	[tilespmem:$0xDA00] =	vst v63  }
0x4e: {  	s21 =	sadd.s32 $0x500, s19;
	s23 =	simm.s32 $0x9E00  }
0x4f: {  	[hbm4b:s21+s2] =	stream.linear.scatter [tilespmem:s23], [sflag:$0x12], $0x1400, $0x38;
	[tilespmem:$0xDA00] =	vst v63  }
0x50: {  	_ =	swait.ge [sflag:s22], $0x1400  }
0x51: {  	[sflag:s22] =	ssyncset.done $0x0  }
0x52: {  	[sflag:s22] =	ssyncadd.s32 $0xFFFFEC00  }
0x53: {  	_ =	swait.ge [sflag:s24], $0x1400  }
0x54: {  	[sflag:s24] =	ssyncset.done $0x0  }
0x55: {  	s21 =	sadd.s32 $0x780, s17;
	s23 =	simm.s32 $0x4E00;
	[sflag:s24] =	ssyncadd.s32 $0xFFFFEC00  }
0x56: {  	[hbm4b:s21+s2] =	stream.linear.scatter [tilespmem:s23], [sflag:$0xE], $0x1400, $0x38;
	[tilespmem:$0xDA00] =	vst v63  }
0x57: {  	s23 =	sadd.s32 $0x780, s19  }
0x58: {  	[hbm4b:s23+s2] =	stream.linear.scatter [tilespmem:s25], [sflag:$0x13], $0x1400, $0x38;
	[tilespmem:$0xDA00] =	vst v63  }
0x59: {  	_ =	swait.ge [sflag:s26], $0x1400  }
0x5a: {  	[sflag:s26] =	ssyncset.done $0x0  }
0x5b: {  	[sflag:s26] =	ssyncadd.s32 $0xFFFFEC00  }
0x5c: {  	_ =	swait.ge [sflag:s29], $0x1400  }
0x5d: {  	[sflag:s29] =	ssyncset.done $0x0  }
0x5e: {  	s17 =	sadd.s32 $0xA00, s17;
	[sflag:s29] =	ssyncadd.s32 $0xFFFFEC00  }
0x5f: {  	[hbm4b:s17+s2] =	stream.linear.scatter [tilespmem:s28], [sflag:$0xF], $0x1400, $0x38;
	[tilespmem:$0xDA00] =	vst v63  }
0x60: {  	s23 =	sadd.s32 $0xA00, s19  }
0x61: {  	[hbm4b:s23+s2] =	stream.linear.scatter [tilespmem:s30], [sflag:$0x14], $0x1400, $0x38;
	[tilespmem:$0xDA00] =	vst v63  }
0x62: {  	_ =	swait.ge [sflag:s5], $0x1400  }
0x63: {  	[sflag:s5] =	ssyncset.done $0x0  }
0x64: {  	[sflag:s5] =	ssyncadd.s32 $0xFFFFEC00  }
0x65: {  	_ =	swait.ge [sflag:s6], $0x1400  }
0x66: {  	p0 =	seq.s32 s15, $0x7D00;
	[sflag:s6] =	ssyncset.done $0x0  }
0x67: {  	s17 =	simm.s32 @p0 $0xC;
	[sflag:s6] =	ssyncadd.s32 $0xFFFFEC00  }
0x68: {  	_ =	swait.ge @p0 [sflag:s17], $0x1400  }
0x69: {  	[sflag:s17] =	ssyncset.done @p0 $0x0  }
0x6a: {  	[sflag:s17] =	ssyncadd.s32 @p0 $0xFFFFEC00;
	s17 =	simm.s32 @p0 $0x11  }
0x6b: {  	_ =	swait.ge @p0 [sflag:s17], $0x1400  }
0x6c: {  	[sflag:s17] =	ssyncset.done @p0 $0x0  }
0x6d: {  	[sflag:s17] =	ssyncadd.s32 @p0 $0xFFFFEC00;
	s17 =	sshra.s32 @!p0 s14, $0x2  }
0x6e: {  	s21 =	simm.s32 @!p0 $0x28;
	s23 =	simm.s32 @!p0 $0x1200;
	s19 =	sadd.s32 @!p0 $0xC8, s17  }
0x6f: {  	[tilespmem:s23], [sflag:$0x1] =	stream.indirect.gather @!p0 [hbm4b:s3+s21], $0x80, s19, s21, $0xb8;
	[tilespmem:$0xDA00] =	vst v63  }
0x70: {  	s19 =	sadd.s32 @!p0 $0x9C8, s17;
	s23 =	simm.s32 @!p0 $0x7600  }
0x71: {  	[tilespmem:s23], [sflag:$0x6] =	stream.indirect.gather @!p0 [hbm4b:s4+s21], $0x80, s19, s21, $0xb8;
	[tilespmem:$0xDA00] =	vst v63  }
0x72: {  	s19 =	simm.s32 @!p0 $0xC  }
0x73: {  	_ =	swait.ge @!p0 [sflag:s19], $0x1400  }
0x74: {  	[sflag:s19] =	ssyncset.done @!p0 $0x0  }
0x75: {  	[sflag:s19] =	ssyncadd.s32 @!p0 $0xFFFFEC00;
	s19 =	simm.s32 @!p0 $0x11  }
0x76: {  	_ =	swait.ge @!p0 [sflag:s19], $0x1400  }
0x77: {  	[sflag:s19] =	ssyncset.done @!p0 $0x0  }
0x78: {  	s23 =	simm.s32 @!p0 $0x2600;
	[sflag:s19] =	ssyncadd.s32 @!p0 $0xFFFFEC00;
	s19 =	sadd.s32 @!p0 $0xF0, s17  }
0x79: {  	[tilespmem:s23], [sflag:$0x2] =	stream.indirect.gather @!p0 [hbm4b:s3+s21], $0x80, s19, s21, $0xb8;
	[tilespmem:$0xDA00] =	vst v63  }
0x7a: {  	s19 =	sadd.s32 @!p0 $0x9F0, s17;
	s23 =	simm.s32 @!p0 $0x8A00  }
0x7b: {  	[tilespmem:s23], [sflag:$0x7] =	stream.indirect.gather @!p0 [hbm4b:s4+s21], $0x80, s19, s21, $0xb8;
	[tilespmem:$0xDA00] =	vst v63  }
0x7c: {  	_ =	swait.ge [sflag:s11], $0x1400  }
0x7d: {  	[sflag:s11] =	ssyncset.done $0x0  }
0x7e: {  	[sflag:s11] =	ssyncadd.s32 $0xFFFFEC00  }
0x7f: {  	_ =	swait.ge [sflag:s8], $0x1400  }
0x80: {  	[sflag:s8] =	ssyncset.done $0x0  }
0x81: {  	s19 =	simm.s32 @p0 $0xE;
	[sflag:s8] =	ssyncadd.s32 $0xFFFFEC00  }
0x82: {  	_ =	swait.ge @p0 [sflag:s19], $0x1400  }
0x83: {  	[sflag:s19] =	ssyncset.done @p0 $0x0  }
0x84: {  	[sflag:s19] =	ssyncadd.s32 @p0 $0xFFFFEC00;
	s19 =	simm.s32 @p0 $0x13  }
0x85: {  	_ =	swait.ge @p0 [sflag:s19], $0x1400  }
0x86: {  	[sflag:s19] =	ssyncset.done @p0 $0x0  }
0x87: {  	s23 =	simm.s32 @!p0 $0x3A00;
	[sflag:s19] =	ssyncadd.s32 @p0 $0xFFFFEC00;
	s19 =	sadd.s32 @!p0 $0x118, s17  }
0x88: {  	[tilespmem:s23], [sflag:$0x3] =	stream.indirect.gather @!p0 [hbm4b:s3+s21], $0x80, s19, s21, $0xb8;
	[tilespmem:$0xDA00] =	vst v63  }
0x89: {  	s19 =	sadd.s32 @!p0 $0xA18, s17;
	s23 =	simm.s32 @!p0 $0x9E00  }
0x8a: {  	[tilespmem:s23], [sflag:$0x8] =	stream.indirect.gather @!p0 [hbm4b:s4+s21], $0x80, s19, s21, $0xb8;
	[tilespmem:$0xDA00] =	vst v63  }
0x8b: {  	s19 =	simm.s32 @!p0 $0xE  }
0x8c: {  	_ =	swait.ge @!p0 [sflag:s19], $0x1400  }
0x8d: {  	[sflag:s19] =	ssyncset.done @!p0 $0x0  }
0x8e: {  	[sflag:s19] =	ssyncadd.s32 @!p0 $0xFFFFEC00;
	s19 =	simm.s32 @!p0 $0x13  }
0x8f: {  	_ =	swait.ge @!p0 [sflag:s19], $0x1400  }
0x90: {  	[sflag:s19] =	ssyncset.done @!p0 $0x0  }
0x91: {  	s23 =	simm.s32 @!p0 $0x4E00;
	[sflag:s19] =	ssyncadd.s32 @!p0 $0xFFFFEC00;
	s19 =	sadd.s32 @!p0 $0x140, s17  }
0x92: {  	[tilespmem:s23], [sflag:$0x4] =	stream.indirect.gather @!p0 [hbm4b:s3+s21], $0x80, s19, s21, $0xb8;
	[tilespmem:$0xDA00] =	vst v63  }
0x93: {  	s17 =	sadd.s32 @!p0 $0xA40, s17;
	s19 =	simm.s32 @!p0 $0xB200  }
0x94: {  	[tilespmem:s19], [sflag:$0x9] =	stream.indirect.gather @!p0 [hbm4b:s4+s21], $0x80, s17, s21, $0xb8;
	[tilespmem:$0xDA00] =	vst v63  }
0x95: {  	_ =	swait.ge [sflag:s10], $0x1400  }
.Ltmp2:
0x96: {  	[sflag:s10] =	ssyncset.done $0x0;
	(pc) =	sbr.rel @p0 .LBB2_4-.Ltmp2, $4  }
0x97: {  	[sflag:s10] =	ssyncadd.s32 $0xFFFFEC00  }
0x98: {  	_ =	swait.ge [sflag:s13], $0x1400  }
0x99: {  	[sflag:s13] =	ssyncset.done $0x0  }
0x9a: {  	[sflag:s13] =	ssyncadd.s32 $0xFFFFEC00  }
.Ltmp3:
0x9b: {  	s17 =	sshra.s32 s14, $0x2;
	(pc) =	sbr.rel .LBB2_2-.Ltmp3, $4  }
0x9c: {  	s19 =	sadd.s32 $0x168, s17  }
0x9d: {  	[tilespmem:s28], [sflag:$0x5] =	stream.indirect.gather [hbm4b:s3+s12], $0x80, s19, s12, $0xb8;
	[tilespmem:$0xDA00] =	vst v63  }
0x9e: {  	s15 =	sadd.s32 $0xC80, s15;
	s14 =	sadd.s32 $0x320, s14;
	s17 =	sadd.s32 $0xA68, s17  }
0x9f: {  	[tilespmem:s30], [sflag:$0xA] =	stream.indirect.gather [hbm4b:s4+s12], $0x80, s17, s12, $0xb8;
	[tilespmem:$0xDA00] =	vst v63  }
.LBB2_5:
0xa0: {  	_ =	sfence.sel $0x180000  }
0xa1: {  	[bflag:$0x0] =	sbarrier.arrive $0xFFFF  }
0xa2: {  	_ =	strace $0x9000004A  }
0xa3: {  	s0 =	stileid.u32;
	[bflag:$0x2] =	sbarrier.arrive $0xFFFF  }
0xa4: {  	p0 =	sne.s32 s0, $0x0;
	s0 =	rddreg [dreg:$0x2]  }
0xa5: {  	s0 =	sadd.s32 @!p0 $0x100000, s0  }
0xa6: {  	[sflag:s0] =	ssyncadd.tile.s32 @!p0 $0x1;
	_ =	shalt  }
.Lfunc_end2:
_tile_overlayer_lowered:
.L_overlay_start_2:
0xa7: {  	(tag) =	ssettag $0x2  }
0xa8: {  	s0 =	rddreg [dreg:$0x0];
	s2 =	stileid.u32  }
0xa9: {  	s1 =	rddreg [dreg:$0x1];
	p0 =	sne.s32 s2, $0x0  }
0xaa: {  	s3 =	rddreg [dreg:$0x2];
	[bflag:$0x3] =	sbarrier.arrive $0xFFFF;
	s2 =	simm.s32 @!p0 $0x1C15  }
0xab: {  	[timem:s3], [sflag:s2] =	dma.local @!p0 [hbm:s0], s1  }
0xac: {  	s0 =	simm.s32 @!p0 $0x15  }
0xad: {  	_ =	swait.ge @!p0 [sflag:s0], s1  }
0xae: {  	s1 =	ssub.s32 @!p0 $0x0, s1;
	[sflag:s0] =	ssyncset.done @!p0 $0x0  }
0xaf: {  	[sflag:s0] =	ssyncadd.s32 @!p0 s1  }
0xb0: {  	[bflag:$0x3] =	sbarrier.arrive $0xFFFF  }
0xb1: {  	_ =	shalt  }

// kernel: kernel.15.cloned.1.call-start
scs
__scs_entry_jumppad:
0x0: {  	(pc) =	sbr.rel $0x88, $3  }
0x1: {  	(tag) =	ssettag $0x0;
	lr =	simm.s32 $0x1  }
0x2: {  	[smem:$0x3F91] =	sst lr;
	_ =	strace $0xD0000000  }
0x3: {  	_ = 	snop  }
0x4: {  	_ = 	snop  }
0x5: {  	_ = 	snop  }
0x6: {  	_ = 	snop  }
0x7: {  	_ = 	snop  }
__scs_overlays_trampoline_lowered:
0x8: {  	[smem:$0x3FA0] =	sst s0  }
0x9: {  	[smem:$0x3FA1] =	sst s1  }
0xa: {  	[smem:$0x3FA2] =	sst s2  }
0xb: {  	[smem:$0x3FA3] =	sst s3  }
0xc: {  	[smem:$0x3FA4] =	sst s4  }
0xd: {  	[smem:$0x3FA5] =	sst s5  }
0xe: {  	[smem:$0x3FA6] =	sst s6  }
0xf: {  	[smem:$0x3FA7] =	sst s7  }
0x10: {  	[smem:$0x3FA8] =	sst s8  }
0x11: {  	[smem:$0x3FA9] =	sst s9;
	s0 =	simm.s32 @!p0 $0x0  }
0x12: {  	s1 =	sld [smem:$0x3F8F];
	s0 =	simm.s32 @p0 $0x1  }
0x13: {  	[smem:$0x3FAA] =	sst s0;
	s0 =	simm.s32 @!p1 $0x0  }
0x14: {  	s2 =	sld [smem:$0x3F8E];
	s0 =	simm.s32 @p1 $0x1  }
0x15: {  	[smem:$0x3FAB] =	sst s0;
	s0 =	simm.s32 @!p2 $0x0  }
0x16: {  	s3 =	sld [smem:$0x3FDB];
	s0 =	simm.s32 @p2 $0x1  }
0x17: {  	s4 =	simm.s32 $0x1BF5;
	[smem:$0x3FAD] =	sst s0  }
0x18: {  	s0 =	sld [smem:$0x3F90];
	_ =	swait.ge [sflag:s4], $0x0  }
0x19: {  	s7 =	sld [smem:$0x3F91]  }
0x1a: {  	s8 =	sadd.s32 $0xFFFFE003, lr  }
0x1b: {  	s9 =	sadd.s32 $0xFFFFFEF7, lr;
	s5 =	simm.s32 $0xFFFFFFFF;
	p2 =	slt.u32 s8, $0xFFFFF086  }
0x1c: {  	p1 =	slt.u32 s9, $0xF7A;
	s5 =	simm.s32 @!p2 $0x0  }
0x1d: {  	s5 =	simm.s32 @p1 $0x1;
	p0 =	seq.s32 s7, s2  }
0x1e: {  	s7 =	smul.u32 @!p0 $0xF7A, s2;
	p2 =	seq.s32 @!p0 s5, $0x0  }
0x1f: {  	s9 =	smul.u32 $0xF7A, s1;
	s8 =	simm.s32 @!p0 $0x1BF5;
	p2 =	por !p2, p0  }
0x20: {  	[sflag:s8] =	ssyncset.s32 @!p0 $0xFFFFF086;
	s6 =	sadd.s32 @!p0 s3, s7;
	s7 =	simm.s32 @!p0 $0x108  }
0x21: {  	s3 =	sadd.s32 s3, s9;
	s6 =	sadd.s32 @!p0 $0x88, s6;
	s7 =	simm.s32 @p2 $0x1082  }
0x22: {  	[simem:s7], [sflag:s8] =	dma.local @!p0 [hbm:s6], $0xF7A  }
0x23: {  	s9 =	sor.u32 $0xD0000000, s2;
	s6 =	simm.s32 $0x108;
	_ =	swait.ge @!p0 [sflag:s8], $0x0  }
0x24: {  	s3 =	sadd.s32 $0x88, s3;
	s6 =	simm.s32 @!p1 $0x1082;
	[sflag:s4] =	ssyncset.s32 $0xFFFFF086  }
0x25: {  	[simem:s6], [sflag:s4] =	dma.local [hbm:s3], $0xF7A  }
0x26: {  	[smem:$0x3F91] =	sst s1;
	(tag) =	ssettag s2;
	_ =	strace s9  }
0x27: {  	s1 =	sld [smem:$0x3FA1]  }
0x28: {  	s2 =	sld [smem:$0x3FA2]  }
0x29: {  	s4 =	sld [smem:$0x3FA4]  }
0x2a: {  	p0 =	seq.s32 s5, $0x0;
	s5 =	sld [smem:$0x3FA5]  }
0x2b: {  	s6 =	sld [smem:$0x3FA6]  }
0x2c: {  	s7 =	sld [smem:$0x3FA7]  }
0x2d: {  	s3 =	simm.s32 $0x108;
	s8 =	sld [smem:$0x3FA8]  }
0x2e: {  	s3 =	simm.s32 @!p0 $0x1082;
	s9 =	sld [smem:$0x3FA9]  }
0x2f: {  	lr =	sadd.s32 s0, s3;
	s0 =	sld [smem:$0x3FA0]  }
0x30: {  	s3 =	sld [smem:$0x3FA3]  }
0x31: {  	[smem:$0x3FAC] =	sst s10  }
0x32: {  	s10 =	sld [smem:$0x3FAA];
	_ =	sdelay $0x3  }
0x33: {  	p0 =	seq.s32 s10, $0x1;
	s10 =	sld [smem:$0x3FAC];
	_ =	sdelay $0x3  }
0x34: {  	[smem:$0x3FAC] =	sst s10  }
0x35: {  	s10 =	sld [smem:$0x3FAB];
	_ =	sdelay $0x3  }
0x36: {  	p1 =	seq.s32 s10, $0x1;
	s10 =	sld [smem:$0x3FAC];
	_ =	sdelay $0x3  }
0x37: {  	[smem:$0x3FAC] =	sst s10  }
0x38: {  	s10 =	sld [smem:$0x3FAD]  }
0x39: {  	_ = 	snop;
	(pc) =	sbr.ind lr, $3  }
0x3a: {  	_ = 	snop  }
0x3b: {  	_ = 	snop  }
0x3c: {  	p2 =	seq.s32 s10, $0x1;
	s10 =	sld [smem:$0x3FAC]  }
0x3d: {  	_ =	shalt  }
0x3e: {  	_ =	shalt  }
0x3f: {  	_ =	shalt  }
0x40: {  	_ =	shalt  }
0x41: {  	_ =	shalt  }
0x42: {  	_ =	shalt  }
0x43: {  	_ =	shalt  }
0x44: {  	_ =	shalt  }
0x45: {  	_ =	shalt  }
0x46: {  	_ =	shalt  }
0x47: {  	_ =	shalt  }
0x48: {  	_ =	shalt  }
0x49: {  	_ =	shalt  }
0x4a: {  	_ =	shalt  }
0x4b: {  	_ =	shalt  }
0x4c: {  	_ =	shalt  }
0x4d: {  	_ =	shalt  }
0x4e: {  	_ =	shalt  }
0x4f: {  	_ =	shalt  }
0x50: {  	_ =	shalt  }
0x51: {  	_ =	shalt  }
0x52: {  	_ =	shalt  }
0x53: {  	_ =	shalt  }
0x54: {  	_ =	shalt  }
0x55: {  	_ =	shalt  }
0x56: {  	_ =	shalt  }
0x57: {  	_ =	shalt  }
0x58: {  	_ =	shalt  }
0x59: {  	_ =	shalt  }
0x5a: {  	_ =	shalt  }
0x5b: {  	_ =	shalt  }
0x5c: {  	_ =	shalt  }
0x5d: {  	_ =	shalt  }
0x5e: {  	_ =	shalt  }
0x5f: {  	_ =	shalt  }
0x60: {  	_ =	shalt  }
0x61: {  	_ =	shalt  }
0x62: {  	_ =	shalt  }
0x63: {  	_ =	shalt  }
0x64: {  	_ =	shalt  }
0x65: {  	_ =	shalt  }
0x66: {  	_ =	shalt  }
0x67: {  	_ =	shalt  }
0x68: {  	_ =	shalt  }
0x69: {  	_ =	shalt  }
0x6a: {  	_ =	shalt  }
0x6b: {  	_ =	shalt  }
0x6c: {  	_ =	shalt  }
0x6d: {  	_ =	shalt  }
0x6e: {  	_ =	shalt  }
0x6f: {  	_ =	shalt  }
0x70: {  	_ =	shalt  }
0x71: {  	_ =	shalt  }
0x72: {  	_ =	shalt  }
0x73: {  	_ =	shalt  }
0x74: {  	_ =	shalt  }
0x75: {  	_ =	shalt  }
0x76: {  	_ =	shalt  }
0x77: {  	_ =	shalt  }
0x78: {  	_ =	shalt  }
0x79: {  	_ =	shalt  }
0x7a: {  	_ =	shalt  }
0x7b: {  	_ =	shalt  }
0x7c: {  	_ =	shalt  }
0x7d: {  	_ =	shalt  }
0x7e: {  	_ =	shalt  }
0x7f: {  	_ =	shalt  }
0x80: {  	_ =	shalt  }
0x81: {  	_ =	shalt  }
0x82: {  	_ =	shalt  }
0x83: {  	_ =	shalt  }
0x84: {  	_ =	shalt  }
0x85: {  	_ =	shalt  }
0x86: {  	_ =	shalt  }
0x87: {  	_ =	shalt  }
.Lfunc_end0:
.L_simem_size_0:
called_computation.1_lowered:
.L_overlay_start_0:
0x88: {  	s2 =	sld [smem:$0x3FD9]  }
0x89: {  	s3 =	sld [smem:$0x3FFE];
	_ =	sdelay $0x1  }
0x8a: {  	s1 =	srdreg.scid  }
0x8b: {  	s0 =	sand.u32 $0x1, s1  }
0x8c: {  	s17 =	sshll.u32 s0, $0xA;
	s2 =	sadd.s32 s3, s2  }
0x8d: {  	s2 =	sadd.s32 s2, s17  }
0x8e: {  	[smem:$0x3FB8] =	sst s2  }
0x8f: {  	_ = 	snop  }
0x90: {  	s2 =	sld [smem:$0x3FC6];
	(tm) =	ssettm $0x1  }
0x91: {  	s18 =	sld [smem:$0x3FFB];
	_ =	sdelay $0x3  }
0x92: {  	_ =	strace s18  }
0x93: {  	s3 =	sld [smem:$0x3FFC];
	_ =	sdelay $0x3  }
0x94: {  	_ =	strace s3  }
0x95: {  	s3 =	sld [smem:$0x3FFD];
	_ =	sdelay $0x3  }
0x96: {  	_ =	strace s3  }
0x97: {  	_ =	strace $0x8FFFFFFF  }
0x98: {  	s19 =	sld [smem:$0x3FDB];
	_ =	sdelay $0x1  }
0x99: {  	s4 =	simm.s32 $_scs_section_size  }
0x9a: {  	s5 =	simm.s32 $_size__tile_overlayer_lowered;
	s6 =	simm.s32 $_tile_overlayer_lowered  }
0x9b: {  	s22 =	simm.s32 $0x1BFF;
	s21 =	sshll.u32 s6, $0x1;
	s3 =	sadd.s32 s4, s19  }
0x9c: {  	s7 =	simm.s32 $0x0;
	s20 =	sshll.u32 s5, $0x1;
	s5 =	sadd.s32 s21, s3  }
0x9d: {  	[timem:s7], [sflag:s22] =	dma.local [hbm:s5], s20  }
0x9e: {  	_ =	swait.ge [sflag:s22], s20  }
0x9f: {  	s4 =	ssub.s32 $0x0, s20;
	[sflag:s22] =	ssyncset.done $0x0  }
0xa0: {  	[sflag:s22] =	ssyncadd.s32 s4;
	_ =	sdelay $0x1  }
0xa1: {  	s23 =	simm.s32 $0x1B8B  }
0xa2: {  	_ =	swait.ge [sflag:s23], $0x1  }
0xa3: {  	[sflag:s23] =	ssyncset.done $0x0  }
0xa4: {  	s25 =	simm.s32 $0x1B8E;
	s24 =	sld [smem:$0x3FFE];
	[sflag:s23] =	ssyncadd.s32 $0xFFFFFFFF  }
0xa5: {  	s26 =	simm.s32 $execute0_lowered;
	[smem:$0x3FD2] =	sst s25  }
0xa6: {  	s5 =	sshll.u32 s26, $0x1;
	_ =	strace $0x80000046;
	[dreg:$0x1] =	wrdreg $0xFFFFFFFF  }
0xa7: {  	s28 =	simm.s32 $_size_execute0_lowered;
	s3 =	sadd.s32 s3, s5;
	[dreg:$0x0] =	wrdreg $0x0  }
0xa8: {  	s5 =	sshll.u32 s28, $0x1;
	[dreg:$0x2] =	wrdreg s3  }
0xa9: {  	[dreg:$0x3] =	wrdreg s5  }
0xaa: {  	[dreg:$0x4] =	wrdreg $0xC0  }
0xab: {  	_ =	task [dreg:s7], $0x5FFFF  }
0xac: {  	[dreg:$0x1] =	wrdreg $0xFFFFFFFF  }
0xad: {  	[dreg:$0x0] =	wrdreg $0x60  }
0xae: {  	[dreg:$0x2] =	wrdreg s24  }
0xaf: {  	[dreg:$0x3] =	wrdreg s2  }
0xb0: {  	[dreg:$0x4] =	wrdreg $0xA  }
0xb1: {  	_ =	task.clear_ibuf [dreg:s7], $0x5FFFF;
	_ =	strace $0x90000046  }
0xb2: {  	s29 =	simm.s32 $0xA;
	_ =	strace $0x80000048  }
0xb3: {  	_ =	swait.ge [sflag:s29], $0x1  }
0xb4: {  	[sflag:s29] =	ssyncadd.s32 $0xFFFFFFFF  }
0xb5: {  	_ =	strace $0x90000048  }
0xb6: {  	_ =	sfence  }
0xb7: {  	s30 =	sld [smem:$0x0];
	_ =	sdelay $0x2  }
0xb8: {  	s31 =	sshll.u32 s1, $0xD;
	s1 =	sshrl.u32 s1, $0x2  }
0xb9: {  	s3 =	sand.u32 $0x4000, s31;
	s1 =	sadd.s32 s1, s30  }
0xba: {  	s0 =	sor.u32 s3, s0;
	s1 =	sshll.u32 s1, $0x11  }
0xbb: {  	s0 =	sor.u32 s1, s0  }
0xbc: {  	s0 =	sadd.s32 $0x8F2B, s0  }
0xbd: {  	[sflag:s0] =	ssyncadd.remote.s32 $0x1  }
0xbe: {  	_ =	sfence.sel $0xFFFF  }
0xbf: {  	[dreg:$0x0] =	wrdreg $0xFFFFFFFF;
	(pc) =	sbr.abs _section_cstart, $3  }
0xc0: {  	[dreg:$0x1] =	wrdreg $0xFFFFFFFF  }
0xc1: {  	_ =	task.clear_ibuf [dreg:s7], $0x2FFFF;
	_ =	strace $0x9FFFFFFF  }
0xc2: {  	(tm) =	ssettm $0x7FFFFFFF  }
0xc3: {  	_ =	shalt  }
tec
execute0_lowered:
.L_overlay_start_1:
0x0: {  	(tag) =	ssettag $0x1  }
0x1: {  	s0 =	rddreg [dreg:$0x0];
	s1 =	srdreg.scid  }
0x2: {  	s7 =	stileid.u32;
	s5 =	rddreg [dreg:$0x1];
	s2 =	simm.s32 $0x0  }
0x3: {  	s12 =	simm.s32 $0x28;
	s28 =	simm.s32 $0x6600;
	s30 =	simm.s32 $0xCA00  }
0x4: {  	s31 =	simm.s32 $0x1;
	s16 =	simm.s32 $0x7;
	s18 =	simm.s32 $0x3  }
0x5: {  	s20 =	simm.s32 $0x8;
	s22 =	simm.s32 $0x4;
	s29 =	simm.s32 $0xA  }
0x6: {  	s11 =	simm.s32 $0x12;
	s13 =	simm.s32 $0x14;
	s15 =	simm.s32 $0x0  }
0x7: {  	s1 =	sand.u32 $0x1, s1;
	s3 =	sshll.u32 s7, $0x1;
	[smem:$0x7FF] =	sst s2  }
0x8: {  	s4 =	sadd.s32 $0x34E00, s0;
	s7 =	smul.u32 $0x15E00, s7;
	s3 =	sor.u32 s1, s3  }
0x9: {  	_ =	strace $0x80000047;
	s8 =	ssub.s32 $0x2, s1;
	s6 =	smul.u32 $0xAF0, s3  }
0xa: {  	s1 =	smul.u32 $0xAF00, s1;
	s3 =	sadd.s32 $0xDC00, s0;
	s10 =	sshrl.u32 s8, $0x1  }
0xb: {  	s24 =	ssub.s32 s8, s10;
	s10 =	simm.s32 $0xF;
	s6 =	sshrl.u32 s6, $0x3  }
0xc: {  	s26 =	smax.u32 s24, $0x1;
	s24 =	simm.s32 $0x9;
	s6 =	sadd.s32 $0x2260, s6  }
0xd: {  	[dreg:$0x5] =	wrdreg s26;
	s26 =	simm.s32 $0x5;
	s9 =	sadd.s32 s6, s0  }
.Ltmp0:
0xe: {  	s0 =	sadd.s32 s7, s0;
	s5 =	sadd.s32 s5, s6;
	(pc) =	sbr.rel .LBB2_1-.Ltmp0, $4  }
0xf: {  	s6 =	simm.s32 $0x10;
	s7 =	simm.s32 $0xD;
	s25 =	sadd.s32 $0x3C00, s9  }
0x10: {  	[dreg:$0x4] =	wrdreg s5;
	s0 =	sadd.s32 s1, s0;
	s1 =	simm.s32 $0x6  }
0x11: {  	s5 =	simm.s32 $0xB;
	[dreg:$0x3] =	wrdreg s25;
	s8 =	sadd.s32 $0x36800, s0  }
0x12: {  	s9 =	sadd.s32 $0x194800, s0;
	s25 =	simm.s32 $0xB600;
	s0 =	simm.s32 $0x2  }
.LBB2_4:
0x13: {  	s15 =	rddreg [dreg:$0x6]  }
0x14: {  	s14 =	rddreg [dreg:$0x5];
	s15 =	sadd.s32 $0x1, s15  }
0x15: {  	p0 =	sne.s32 s15, s14  }
.Ltmp1:
0x16: {  	_ = 	snop;
	(pc) =	sbr.rel @!p0 .LBB2_5-.Ltmp1, $1  }
0x17: {  	_ =	sdelay $0x3  }
.LBB2_1:
0x18: {  	[dreg:$0x6] =	wrdreg s15  }
0x19: {  	s14 =	rddreg [dreg:$0x3];
	s19 =	simm.s32 $0x15  }
0x1a: {  	[tilespmem:s2], [sflag:$0x15] =	stream.linear.gather [hbm4b:s14+s2], $0xAF0, $0x38;
	[tilespmem:$0xDE00] =	vst v63  }
0x1b: {  	_ =	swait.ge [sflag:s19], $0xAF0  }
0x1c: {  	[sflag:s19] =	ssyncset.done $0x0  }
0x1d: {  	s17 =	simm.s32 $0xB00;
	s21 =	rddreg [dreg:$0x4];
	[sflag:s19] =	ssyncadd.s32 $0xFFFFF510  }
0x1e: {  	[tilespmem:s17], [sflag:$0x15] =	stream.linear.gather [hbm4b:s21+s2], $0xAF0, $0x38;
	[tilespmem:$0xDE00] =	vst v63  }
0x1f: {  	_ =	swait.ge [sflag:s19], $0xAF0  }
0x20: {  	[sflag:s19] =	ssyncset.done $0x0  }
0x21: {  	s23 =	simm.s32 $0x1600;
	[sflag:s19] =	ssyncadd.s32 $0xFFFFF510  }
0x22: {  	[tilespmem:s23], [sflag:$0x1] =	stream.indirect.gather [hbm4b:s3+s12], $0x80, s2, s12, $0xb8;
	[tilespmem:$0xDE00] =	vst v63  }
0x23: {  	s15 =	simm.s32 $0x7A00  }
0x24: {  	[tilespmem:s15], [sflag:$0x6] =	stream.indirect.gather [hbm4b:s4+s12], $0x80, s17, s12, $0xb8;
	[tilespmem:$0xDE00] =	vst v63  }
0x25: {  	s19 =	simm.s32 $0x2A00  }
0x26: {  	[tilespmem:s19], [sflag:$0x2] =	stream.indirect.gather [hbm4b:s3+s12], $0x80, s12, s12, $0xb8;
	[tilespmem:$0xDE00] =	vst v63  }
0x27: {  	s21 =	simm.s32 $0xB28;
	s23 =	simm.s32 $0x8E00  }
0x28: {  	[tilespmem:s23], [sflag:$0x7] =	stream.indirect.gather [hbm4b:s4+s12], $0x80, s21, s12, $0xb8;
	[tilespmem:$0xDE00] =	vst v63  }
0x29: {  	s17 =	simm.s32 $0x50;
	s19 =	simm.s32 $0x3E00  }
0x2a: {  	[tilespmem:s19], [sflag:$0x3] =	stream.indirect.gather [hbm4b:s3+s12], $0x80, s17, s12, $0xb8;
	[tilespmem:$0xDE00] =	vst v63  }
0x2b: {  	s21 =	simm.s32 $0xB50;
	s23 =	simm.s32 $0xA200  }
0x2c: {  	[tilespmem:s23], [sflag:$0x8] =	stream.indirect.gather [hbm4b:s4+s12], $0x80, s21, s12, $0xb8;
	[tilespmem:$0xDE00] =	vst v63  }
0x2d: {  	s15 =	simm.s32 $0x78;
	s17 =	simm.s32 $0x5200  }
0x2e: {  	[tilespmem:s17], [sflag:$0x4] =	stream.indirect.gather [hbm4b:s3+s12], $0x80, s15, s12, $0xb8;
	[tilespmem:$0xDE00] =	vst v63  }
0x2f: {  	s19 =	simm.s32 $0xB78  }
0x30: {  	[tilespmem:s25], [sflag:$0x9] =	stream.indirect.gather [hbm4b:s4+s12], $0x80, s19, s12, $0xb8;
	[tilespmem:$0xDE00] =	vst v63  }
0x31: {  	s21 =	simm.s32 $0xA0  }
0x32: {  	[tilespmem:s28], [sflag:$0x5] =	stream.indirect.gather [hbm4b:s3+s12], $0x80, s21, s12, $0xb8;
	[tilespmem:$0xDE00] =	vst v63  }
0x33: {  	s14 =	simm.s32 $0x0;
	s23 =	simm.s32 $0xBA0;
	s15 =	simm.s32 $0x0  }
0x34: {  	[tilespmem:s30], [sflag:$0xA] =	stream.indirect.gather [hbm4b:s4+s12], $0x80, s23, s12, $0xb8;
	[tilespmem:$0xDE00] =	vst v63  }
.LBB2_2:
0x35: {  	_ =	swait.ge [sflag:s31], $0x1400  }
0x36: {  	[sflag:s31] =	ssyncset.done $0x0  }
0x37: {  	[sflag:s31] =	ssyncadd.s32 $0xFFFFEC00  }
0x38: {  	_ =	swait.ge [sflag:s1], $0x1400  }
0x39: {  	[sflag:s1] =	ssyncset.done $0x0  }
0x3a: {  	s17 =	sadd.s32 s15, s8;
	s19 =	simm.s32 $0x1600;
	[sflag:s1] =	ssyncadd.s32 $0xFFFFEC00  }
0x3b: {  	[hbm4b:s17+s2] =	stream.linear.scatter [tilespmem:s19], [sflag:$0xB], $0x1400, $0x38;
	[tilespmem:$0xDE00] =	vst v63  }
0x3c: {  	s21 =	simm.s32 $0x7A00;
	s19 =	sadd.s32 s15, s9  }
0x3d: {  	[hbm4b:s19+s2] =	stream.linear.scatter [tilespmem:s21], [sflag:$0x10], $0x1400, $0x38;
	[tilespmem:$0xDE00] =	vst v63  }
0x3e: {  	_ =	swait.ge [sflag:s0], $0x1400  }
0x3f: {  	[sflag:s0] =	ssyncset.done $0x0  }
0x40: {  	[sflag:s0] =	ssyncadd.s32 $0xFFFFEC00  }
0x41: {  	_ =	swait.ge [sflag:s16], $0x1400  }
0x42: {  	[sflag:s16] =	ssyncset.done $0x0  }
0x43: {  	s23 =	simm.s32 $0x2A00;
	s21 =	sadd.s32 $0x280, s17;
	[sflag:s16] =	ssyncadd.s32 $0xFFFFEC00  }
0x44: {  	[hbm4b:s21+s2] =	stream.linear.scatter [tilespmem:s23], [sflag:$0xC], $0x1400, $0x38;
	[tilespmem:$0xDE00] =	vst v63  }
0x45: {  	s21 =	sadd.s32 $0x280, s19;
	s23 =	simm.s32 $0x8E00  }
0x46: {  	[hbm4b:s21+s2] =	stream.linear.scatter [tilespmem:s23], [sflag:$0x11], $0x1400, $0x38;
	[tilespmem:$0xDE00] =	vst v63  }
0x47: {  	_ =	swait.ge [sflag:s18], $0x1400  }
0x48: {  	[sflag:s18] =	ssyncset.done $0x0  }
0x49: {  	[sflag:s18] =	ssyncadd.s32 $0xFFFFEC00  }
0x4a: {  	_ =	swait.ge [sflag:s20], $0x1400  }
0x4b: {  	[sflag:s20] =	ssyncset.done $0x0  }
0x4c: {  	s21 =	sadd.s32 $0x500, s17;
	s23 =	simm.s32 $0x3E00;
	[sflag:s20] =	ssyncadd.s32 $0xFFFFEC00  }
0x4d: {  	[hbm4b:s21+s2] =	stream.linear.scatter [tilespmem:s23], [sflag:$0xD], $0x1400, $0x38;
	[tilespmem:$0xDE00] =	vst v63  }
0x4e: {  	s21 =	sadd.s32 $0x500, s19;
	s23 =	simm.s32 $0xA200  }
0x4f: {  	[hbm4b:s21+s2] =	stream.linear.scatter [tilespmem:s23], [sflag:$0x12], $0x1400, $0x38;
	[tilespmem:$0xDE00] =	vst v63  }
0x50: {  	_ =	swait.ge [sflag:s22], $0x1400  }
0x51: {  	[sflag:s22] =	ssyncset.done $0x0  }
0x52: {  	[sflag:s22] =	ssyncadd.s32 $0xFFFFEC00  }
0x53: {  	_ =	swait.ge [sflag:s24], $0x1400  }
0x54: {  	[sflag:s24] =	ssyncset.done $0x0  }
0x55: {  	s21 =	sadd.s32 $0x780, s17;
	s23 =	simm.s32 $0x5200;
	[sflag:s24] =	ssyncadd.s32 $0xFFFFEC00  }
0x56: {  	[hbm4b:s21+s2] =	stream.linear.scatter [tilespmem:s23], [sflag:$0xE], $0x1400, $0x38;
	[tilespmem:$0xDE00] =	vst v63  }
0x57: {  	s23 =	sadd.s32 $0x780, s19  }
0x58: {  	[hbm4b:s23+s2] =	stream.linear.scatter [tilespmem:s25], [sflag:$0x13], $0x1400, $0x38;
	[tilespmem:$0xDE00] =	vst v63  }
0x59: {  	_ =	swait.ge [sflag:s26], $0x1400  }
0x5a: {  	[sflag:s26] =	ssyncset.done $0x0  }
0x5b: {  	[sflag:s26] =	ssyncadd.s32 $0xFFFFEC00  }
0x5c: {  	_ =	swait.ge [sflag:s29], $0x1400  }
0x5d: {  	[sflag:s29] =	ssyncset.done $0x0  }
0x5e: {  	s17 =	sadd.s32 $0xA00, s17;
	[sflag:s29] =	ssyncadd.s32 $0xFFFFEC00  }
0x5f: {  	[hbm4b:s17+s2] =	stream.linear.scatter [tilespmem:s28], [sflag:$0xF], $0x1400, $0x38;
	[tilespmem:$0xDE00] =	vst v63  }
0x60: {  	s23 =	sadd.s32 $0xA00, s19  }
0x61: {  	[hbm4b:s23+s2] =	stream.linear.scatter [tilespmem:s30], [sflag:$0x14], $0x1400, $0x38;
	[tilespmem:$0xDE00] =	vst v63  }
0x62: {  	_ =	swait.ge [sflag:s5], $0x1400  }
0x63: {  	[sflag:s5] =	ssyncset.done $0x0  }
0x64: {  	[sflag:s5] =	ssyncadd.s32 $0xFFFFEC00  }
0x65: {  	_ =	swait.ge [sflag:s6], $0x1400  }
0x66: {  	p0 =	seq.s32 s15, $0xA280;
	[sflag:s6] =	ssyncset.done $0x0  }
0x67: {  	s17 =	simm.s32 @p0 $0xC;
	[sflag:s6] =	ssyncadd.s32 $0xFFFFEC00  }
0x68: {  	_ =	swait.ge @p0 [sflag:s17], $0x1400  }
0x69: {  	[sflag:s17] =	ssyncset.done @p0 $0x0  }
0x6a: {  	[sflag:s17] =	ssyncadd.s32 @p0 $0xFFFFEC00;
	s17 =	simm.s32 @p0 $0x11  }
0x6b: {  	_ =	swait.ge @p0 [sflag:s17], $0x1400  }
0x6c: {  	[sflag:s17] =	ssyncset.done @p0 $0x0  }
0x6d: {  	[sflag:s17] =	ssyncadd.s32 @p0 $0xFFFFEC00;
	s17 =	sshra.s32 @!p0 s14, $0x2  }
0x6e: {  	s21 =	simm.s32 @!p0 $0x28;
	s23 =	simm.s32 @!p0 $0x1600;
	s19 =	sadd.s32 @!p0 $0xC8, s17  }
0x6f: {  	[tilespmem:s23], [sflag:$0x1] =	stream.indirect.gather @!p0 [hbm4b:s3+s21], $0x80, s19, s21, $0xb8;
	[tilespmem:$0xDE00] =	vst v63  }
0x70: {  	s19 =	sadd.s32 @!p0 $0xBC8, s17;
	s23 =	simm.s32 @!p0 $0x7A00  }
0x71: {  	[tilespmem:s23], [sflag:$0x6] =	stream.indirect.gather @!p0 [hbm4b:s4+s21], $0x80, s19, s21, $0xb8;
	[tilespmem:$0xDE00] =	vst v63  }
0x72: {  	s19 =	simm.s32 @!p0 $0xC  }
0x73: {  	_ =	swait.ge @!p0 [sflag:s19], $0x1400  }
0x74: {  	[sflag:s19] =	ssyncset.done @!p0 $0x0  }
0x75: {  	[sflag:s19] =	ssyncadd.s32 @!p0 $0xFFFFEC00;
	s19 =	simm.s32 @!p0 $0x11  }
0x76: {  	_ =	swait.ge @!p0 [sflag:s19], $0x1400  }
0x77: {  	[sflag:s19] =	ssyncset.done @!p0 $0x0  }
0x78: {  	s23 =	simm.s32 @!p0 $0x2A00;
	[sflag:s19] =	ssyncadd.s32 @!p0 $0xFFFFEC00;
	s19 =	sadd.s32 @!p0 $0xF0, s17  }
0x79: {  	[tilespmem:s23], [sflag:$0x2] =	stream.indirect.gather @!p0 [hbm4b:s3+s21], $0x80, s19, s21, $0xb8;
	[tilespmem:$0xDE00] =	vst v63  }
0x7a: {  	s19 =	sadd.s32 @!p0 $0xBF0, s17;
	s23 =	simm.s32 @!p0 $0x8E00  }
0x7b: {  	[tilespmem:s23], [sflag:$0x7] =	stream.indirect.gather @!p0 [hbm4b:s4+s21], $0x80, s19, s21, $0xb8;
	[tilespmem:$0xDE00] =	vst v63  }
0x7c: {  	_ =	swait.ge [sflag:s7], $0x1400  }
0x7d: {  	[sflag:s7] =	ssyncset.done $0x0  }
0x7e: {  	[sflag:s7] =	ssyncadd.s32 $0xFFFFEC00  }
0x7f: {  	_ =	swait.ge [sflag:s11], $0x1400  }
0x80: {  	[sflag:s11] =	ssyncset.done $0x0  }
0x81: {  	s19 =	simm.s32 @p0 $0xE;
	[sflag:s11] =	ssyncadd.s32 $0xFFFFEC00  }
0x82: {  	_ =	swait.ge @p0 [sflag:s19], $0x1400  }
0x83: {  	[sflag:s19] =	ssyncset.done @p0 $0x0  }
0x84: {  	[sflag:s19] =	ssyncadd.s32 @p0 $0xFFFFEC00;
	s19 =	simm.s32 @p0 $0x13  }
0x85: {  	_ =	swait.ge @p0 [sflag:s19], $0x1400  }
0x86: {  	[sflag:s19] =	ssyncset.done @p0 $0x0  }
0x87: {  	s23 =	simm.s32 @!p0 $0x3E00;
	[sflag:s19] =	ssyncadd.s32 @p0 $0xFFFFEC00;
	s19 =	sadd.s32 @!p0 $0x118, s17  }
0x88: {  	[tilespmem:s23], [sflag:$0x3] =	stream.indirect.gather @!p0 [hbm4b:s3+s21], $0x80, s19, s21, $0xb8;
	[tilespmem:$0xDE00] =	vst v63  }
0x89: {  	s19 =	sadd.s32 @!p0 $0xC18, s17;
	s23 =	simm.s32 @!p0 $0xA200  }
0x8a: {  	[tilespmem:s23], [sflag:$0x8] =	stream.indirect.gather @!p0 [hbm4b:s4+s21], $0x80, s19, s21, $0xb8;
	[tilespmem:$0xDE00] =	vst v63  }
0x8b: {  	s19 =	simm.s32 @!p0 $0xE  }
0x8c: {  	_ =	swait.ge @!p0 [sflag:s19], $0x1400  }
0x8d: {  	[sflag:s19] =	ssyncset.done @!p0 $0x0  }
0x8e: {  	[sflag:s19] =	ssyncadd.s32 @!p0 $0xFFFFEC00;
	s19 =	simm.s32 @!p0 $0x13  }
0x8f: {  	_ =	swait.ge @!p0 [sflag:s19], $0x1400  }
0x90: {  	[sflag:s19] =	ssyncset.done @!p0 $0x0  }
0x91: {  	s23 =	simm.s32 @!p0 $0x5200;
	[sflag:s19] =	ssyncadd.s32 @!p0 $0xFFFFEC00;
	s19 =	sadd.s32 @!p0 $0x140, s17  }
0x92: {  	[tilespmem:s23], [sflag:$0x4] =	stream.indirect.gather @!p0 [hbm4b:s3+s21], $0x80, s19, s21, $0xb8;
	[tilespmem:$0xDE00] =	vst v63  }
0x93: {  	s17 =	sadd.s32 @!p0 $0xC40, s17;
	s19 =	simm.s32 @!p0 $0xB600  }
0x94: {  	[tilespmem:s19], [sflag:$0x9] =	stream.indirect.gather @!p0 [hbm4b:s4+s21], $0x80, s17, s21, $0xb8;
	[tilespmem:$0xDE00] =	vst v63  }
0x95: {  	_ =	swait.ge [sflag:s10], $0x1400  }
.Ltmp2:
0x96: {  	[sflag:s10] =	ssyncset.done $0x0;
	(pc) =	sbr.rel @p0 .LBB2_4-.Ltmp2, $4  }
0x97: {  	[sflag:s10] =	ssyncadd.s32 $0xFFFFEC00  }
0x98: {  	_ =	swait.ge [sflag:s13], $0x1400  }
0x99: {  	[sflag:s13] =	ssyncset.done $0x0  }
0x9a: {  	[sflag:s13] =	ssyncadd.s32 $0xFFFFEC00  }
.Ltmp3:
0x9b: {  	s17 =	sshra.s32 s14, $0x2;
	(pc) =	sbr.rel .LBB2_2-.Ltmp3, $4  }
0x9c: {  	s19 =	sadd.s32 $0x168, s17  }
0x9d: {  	[tilespmem:s28], [sflag:$0x5] =	stream.indirect.gather [hbm4b:s3+s12], $0x80, s19, s12, $0xb8;
	[tilespmem:$0xDE00] =	vst v63  }
0x9e: {  	s15 =	sadd.s32 $0xC80, s15;
	s14 =	sadd.s32 $0x320, s14;
	s17 =	sadd.s32 $0xC68, s17  }
0x9f: {  	[tilespmem:s30], [sflag:$0xA] =	stream.indirect.gather [hbm4b:s4+s12], $0x80, s17, s12, $0xb8;
	[tilespmem:$0xDE00] =	vst v63  }
.LBB2_5:
0xa0: {  	_ =	sfence.sel $0x180000  }
0xa1: {  	[bflag:$0x0] =	sbarrier.arrive $0xFFFF  }
0xa2: {  	_ =	strace $0x90000047  }
0xa3: {  	s0 =	stileid.u32;
	[bflag:$0x2] =	sbarrier.arrive $0xFFFF  }
0xa4: {  	p0 =	sne.s32 s0, $0x0;
	s0 =	rddreg [dreg:$0x2]  }
0xa5: {  	s0 =	sadd.s32 @!p0 $0x100000, s0  }
0xa6: {  	[sflag:s0] =	ssyncadd.tile.s32 @!p0 $0x1;
	_ =	shalt  }
.Lfunc_end2:
_tile_overlayer_lowered:
.L_overlay_start_2:
0xa7: {  	(tag) =	ssettag $0x2  }
0xa8: {  	s0 =	rddreg [dreg:$0x0];
	s2 =	stileid.u32  }
0xa9: {  	s1 =	rddreg [dreg:$0x1];
	p0 =	sne.s32 s2, $0x0  }
0xaa: {  	s3 =	rddreg [dreg:$0x2];
	[bflag:$0x3] =	sbarrier.arrive $0xFFFF;
	s2 =	simm.s32 @!p0 $0x1C15  }
0xab: {  	[timem:s3], [sflag:s2] =	dma.local @!p0 [hbm:s0], s1  }
0xac: {  	s0 =	simm.s32 @!p0 $0x15  }
0xad: {  	_ =	swait.ge @!p0 [sflag:s0], s1  }
0xae: {  	s1 =	ssub.s32 @!p0 $0x0, s1;
	[sflag:s0] =	ssyncset.done @!p0 $0x0  }
0xaf: {  	[sflag:s0] =	ssyncadd.s32 @!p0 s1  }
0xb0: {  	[bflag:$0x3] =	sbarrier.arrive $0xFFFF  }
0xb1: {  	_ =	shalt  }

// kernel: kernel.18.cloned.1.call-start
scs
__scs_entry_jumppad:
0x0: {  	(pc) =	sbr.rel $0x88, $3  }
0x1: {  	(tag) =	ssettag $0x0;
	lr =	simm.s32 $0x1  }
0x2: {  	[smem:$0x3F91] =	sst lr;
	_ =	strace $0xD0000000  }
0x3: {  	_ = 	snop  }
0x4: {  	_ = 	snop  }
0x5: {  	_ = 	snop  }
0x6: {  	_ = 	snop  }
0x7: {  	_ = 	snop  }
__scs_overlays_trampoline_lowered:
0x8: {  	[smem:$0x3FA0] =	sst s0  }
0x9: {  	[smem:$0x3FA1] =	sst s1  }
0xa: {  	[smem:$0x3FA2] =	sst s2  }
0xb: {  	[smem:$0x3FA3] =	sst s3  }
0xc: {  	[smem:$0x3FA4] =	sst s4  }
0xd: {  	[smem:$0x3FA5] =	sst s5  }
0xe: {  	[smem:$0x3FA6] =	sst s6  }
0xf: {  	[smem:$0x3FA7] =	sst s7  }
0x10: {  	[smem:$0x3FA8] =	sst s8  }
0x11: {  	[smem:$0x3FA9] =	sst s9;
	s0 =	simm.s32 @!p0 $0x0  }
0x12: {  	s1 =	sld [smem:$0x3F8F];
	s0 =	simm.s32 @p0 $0x1  }
0x13: {  	[smem:$0x3FAA] =	sst s0;
	s0 =	simm.s32 @!p1 $0x0  }
0x14: {  	s2 =	sld [smem:$0x3F8E];
	s0 =	simm.s32 @p1 $0x1  }
0x15: {  	[smem:$0x3FAB] =	sst s0;
	s0 =	simm.s32 @!p2 $0x0  }
0x16: {  	s3 =	sld [smem:$0x3FDB];
	s0 =	simm.s32 @p2 $0x1  }
0x17: {  	s4 =	simm.s32 $0x1BF5;
	[smem:$0x3FAD] =	sst s0  }
0x18: {  	s0 =	sld [smem:$0x3F90];
	_ =	swait.ge [sflag:s4], $0x0  }
0x19: {  	s7 =	sld [smem:$0x3F91]  }
0x1a: {  	s8 =	sadd.s32 $0xFFFFE003, lr  }
0x1b: {  	s9 =	sadd.s32 $0xFFFFFEF7, lr;
	s5 =	simm.s32 $0xFFFFFFFF;
	p2 =	slt.u32 s8, $0xFFFFF086  }
0x1c: {  	p1 =	slt.u32 s9, $0xF7A;
	s5 =	simm.s32 @!p2 $0x0  }
0x1d: {  	s5 =	simm.s32 @p1 $0x1;
	p0 =	seq.s32 s7, s2  }
0x1e: {  	s7 =	smul.u32 @!p0 $0xF7A, s2;
	p2 =	seq.s32 @!p0 s5, $0x0  }
0x1f: {  	s9 =	smul.u32 $0xF7A, s1;
	s8 =	simm.s32 @!p0 $0x1BF5;
	p2 =	por !p2, p0  }
0x20: {  	[sflag:s8] =	ssyncset.s32 @!p0 $0xFFFFF086;
	s6 =	sadd.s32 @!p0 s3, s7;
	s7 =	simm.s32 @!p0 $0x108  }
0x21: {  	s3 =	sadd.s32 s3, s9;
	s6 =	sadd.s32 @!p0 $0x88, s6;
	s7 =	simm.s32 @p2 $0x1082  }
0x22: {  	[simem:s7], [sflag:s8] =	dma.local @!p0 [hbm:s6], $0xF7A  }
0x23: {  	s9 =	sor.u32 $0xD0000000, s2;
	s6 =	simm.s32 $0x108;
	_ =	swait.ge @!p0 [sflag:s8], $0x0  }
0x24: {  	s3 =	sadd.s32 $0x88, s3;
	s6 =	simm.s32 @!p1 $0x1082;
	[sflag:s4] =	ssyncset.s32 $0xFFFFF086  }
0x25: {  	[simem:s6], [sflag:s4] =	dma.local [hbm:s3], $0xF7A  }
0x26: {  	[smem:$0x3F91] =	sst s1;
	(tag) =	ssettag s2;
	_ =	strace s9  }
0x27: {  	s1 =	sld [smem:$0x3FA1]  }
0x28: {  	s2 =	sld [smem:$0x3FA2]  }
0x29: {  	s4 =	sld [smem:$0x3FA4]  }
0x2a: {  	p0 =	seq.s32 s5, $0x0;
	s5 =	sld [smem:$0x3FA5]  }
0x2b: {  	s6 =	sld [smem:$0x3FA6]  }
0x2c: {  	s7 =	sld [smem:$0x3FA7]  }
0x2d: {  	s3 =	simm.s32 $0x108;
	s8 =	sld [smem:$0x3FA8]  }
0x2e: {  	s3 =	simm.s32 @!p0 $0x1082;
	s9 =	sld [smem:$0x3FA9]  }
0x2f: {  	lr =	sadd.s32 s0, s3;
	s0 =	sld [smem:$0x3FA0]  }
0x30: {  	s3 =	sld [smem:$0x3FA3]  }
0x31: {  	[smem:$0x3FAC] =	sst s10  }
0x32: {  	s10 =	sld [smem:$0x3FAA];
	_ =	sdelay $0x3  }
0x33: {  	p0 =	seq.s32 s10, $0x1;
	s10 =	sld [smem:$0x3FAC];
	_ =	sdelay $0x3  }
0x34: {  	[smem:$0x3FAC] =	sst s10  }
0x35: {  	s10 =	sld [smem:$0x3FAB];
	_ =	sdelay $0x3  }
0x36: {  	p1 =	seq.s32 s10, $0x1;
	s10 =	sld [smem:$0x3FAC];
	_ =	sdelay $0x3  }
0x37: {  	[smem:$0x3FAC] =	sst s10  }
0x38: {  	s10 =	sld [smem:$0x3FAD]  }
0x39: {  	_ = 	snop;
	(pc) =	sbr.ind lr, $3  }
0x3a: {  	_ = 	snop  }
0x3b: {  	_ = 	snop  }
0x3c: {  	p2 =	seq.s32 s10, $0x1;
	s10 =	sld [smem:$0x3FAC]  }
0x3d: {  	_ =	shalt  }
0x3e: {  	_ =	shalt  }
0x3f: {  	_ =	shalt  }
0x40: {  	_ =	shalt  }
0x41: {  	_ =	shalt  }
0x42: {  	_ =	shalt  }
0x43: {  	_ =	shalt  }
0x44: {  	_ =	shalt  }
0x45: {  	_ =	shalt  }
0x46: {  	_ =	shalt  }
0x47: {  	_ =	shalt  }
0x48: {  	_ =	shalt  }
0x49: {  	_ =	shalt  }
0x4a: {  	_ =	shalt  }
0x4b: {  	_ =	shalt  }
0x4c: {  	_ =	shalt  }
0x4d: {  	_ =	shalt  }
0x4e: {  	_ =	shalt  }
0x4f: {  	_ =	shalt  }
0x50: {  	_ =	shalt  }
0x51: {  	_ =	shalt  }
0x52: {  	_ =	shalt  }
0x53: {  	_ =	shalt  }
0x54: {  	_ =	shalt  }
0x55: {  	_ =	shalt  }
0x56: {  	_ =	shalt  }
0x57: {  	_ =	shalt  }
0x58: {  	_ =	shalt  }
0x59: {  	_ =	shalt  }
0x5a: {  	_ =	shalt  }
0x5b: {  	_ =	shalt  }
0x5c: {  	_ =	shalt  }
0x5d: {  	_ =	shalt  }
0x5e: {  	_ =	shalt  }
0x5f: {  	_ =	shalt  }
0x60: {  	_ =	shalt  }
0x61: {  	_ =	shalt  }
0x62: {  	_ =	shalt  }
0x63: {  	_ =	shalt  }
0x64: {  	_ =	shalt  }
0x65: {  	_ =	shalt  }
0x66: {  	_ =	shalt  }
0x67: {  	_ =	shalt  }
0x68: {  	_ =	shalt  }
0x69: {  	_ =	shalt  }
0x6a: {  	_ =	shalt  }
0x6b: {  	_ =	shalt  }
0x6c: {  	_ =	shalt  }
0x6d: {  	_ =	shalt  }
0x6e: {  	_ =	shalt  }
0x6f: {  	_ =	shalt  }
0x70: {  	_ =	shalt  }
0x71: {  	_ =	shalt  }
0x72: {  	_ =	shalt  }
0x73: {  	_ =	shalt  }
0x74: {  	_ =	shalt  }
0x75: {  	_ =	shalt  }
0x76: {  	_ =	shalt  }
0x77: {  	_ =	shalt  }
0x78: {  	_ =	shalt  }
0x79: {  	_ =	shalt  }
0x7a: {  	_ =	shalt  }
0x7b: {  	_ =	shalt  }
0x7c: {  	_ =	shalt  }
0x7d: {  	_ =	shalt  }
0x7e: {  	_ =	shalt  }
0x7f: {  	_ =	shalt  }
0x80: {  	_ =	shalt  }
0x81: {  	_ =	shalt  }
0x82: {  	_ =	shalt  }
0x83: {  	_ =	shalt  }
0x84: {  	_ =	shalt  }
0x85: {  	_ =	shalt  }
0x86: {  	_ =	shalt  }
0x87: {  	_ =	shalt  }
.Lfunc_end0:
.L_simem_size_0:
called_computation.2_lowered:
.L_overlay_start_0:
0x88: {  	s2 =	sld [smem:$0x3FD9]  }
0x89: {  	s3 =	sld [smem:$0x3FFE];
	_ =	sdelay $0x1  }
0x8a: {  	s1 =	srdreg.scid  }
0x8b: {  	s0 =	sand.u32 $0x1, s1  }
0x8c: {  	s17 =	sshll.u32 s0, $0xA;
	s2 =	sadd.s32 s3, s2  }
0x8d: {  	s2 =	sadd.s32 s2, s17  }
0x8e: {  	[smem:$0x3FB8] =	sst s2  }
0x8f: {  	_ = 	snop  }
0x90: {  	(tm) =	ssettm $0x1  }
0x91: {  	s18 =	sld [smem:$0x3FFB];
	_ =	sdelay $0x3  }
0x92: {  	_ =	strace s18  }
0x93: {  	s2 =	sld [smem:$0x3FFC];
	_ =	sdelay $0x3  }
0x94: {  	_ =	strace s2  }
0x95: {  	s2 =	sld [smem:$0x3FFD];
	_ =	sdelay $0x3  }
0x96: {  	_ =	strace s2  }
0x97: {  	_ =	strace $0x8FFFFFFF  }
0x98: {  	s19 =	sld [smem:$0x3FDB];
	_ =	sdelay $0x1  }
0x99: {  	s20 =	simm.s32 $_scs_section_size  }
0x9a: {  	s4 =	simm.s32 $_size__tile_overlayer_lowered;
	s5 =	simm.s32 $_tile_overlayer_lowered  }
0x9b: {  	s6 =	simm.s32 $0x1BFF;
	s21 =	sshll.u32 s5, $0x1;
	s3 =	sadd.s32 s20, s19  }
0x9c: {  	s22 =	simm.s32 $0x0;
	s4 =	sshll.u32 s4, $0x1;
	s5 =	sadd.s32 s21, s3  }
0x9d: {  	[timem:s22], [sflag:s6] =	dma.local [hbm:s5], s4  }
0x9e: {  	_ =	swait.ge [sflag:s6], s4  }
0x9f: {  	s4 =	ssub.s32 $0x0, s4;
	[sflag:s6] =	ssyncset.done $0x0  }
0xa0: {  	[sflag:s6] =	ssyncadd.s32 s4;
	_ =	sdelay $0x1  }
0xa1: {  	s23 =	simm.s32 $0x1B8B  }
0xa2: {  	_ =	swait.ge [sflag:s23], $0x1  }
0xa3: {  	[sflag:s23] =	ssyncset.done $0x0  }
0xa4: {  	[sflag:s23] =	ssyncadd.s32 $0xFFFFFFFF  }
0xa5: {  	s4 =	sld [smem:$0x0]  }
0xa6: {  	s5 =	sand.u32 $0xFFFFFFFE, s1  }
0xa7: {  	p0 =	sne.s32 s1, s5  }
0xa8: {  	s5 =	sshll.u32 @p0 s5, $0xE  }
0xa9: {  	s5 =	sadd.s32 @p0 $0x11B8D, s5;
	s6 =	sshll.u32 @p0 s4, $0x11  }
0xaa: {  	s5 =	sor.u32 @p0 s6, s5  }
0xab: {  	[sflag:s5] =	ssyncadd.remote.s32 @p0 $0x1;
	_ =	sdelay $0x1  }
0xac: {  	s5 =	simm.s32 @p0 $0x1B8D  }
0xad: {  	_ =	swait.eq @p0 [sflag:s5], $0x1  }
0xae: {  	[sflag:s5] =	ssyncadd.s32 @p0 $0xFFFFFFFF  }
0xaf: {  	s6 =	sshll.u32 @!p0 s1, $0xE  }
0xb0: {  	s6 =	sor.u32 @!p0 $0x4000, s6;
	s5 =	simm.s32 @!p0 $0x1B8D  }
0xb1: {  	s4 =	sshll.u32 @!p0 s4, $0x11;
	s6 =	sadd.s32 @!p0 $0x11B8D, s6;
	_ =	swait.eq @!p0 [sflag:s5], $0x1  }
0xb2: {  	s4 =	sor.u32 @!p0 s4, s6;
	[sflag:s5] =	ssyncadd.s32 @!p0 $0xFFFFFFFF  }
0xb3: {  	s25 =	simm.s32 $0x1B8E;
	s24 =	sld [smem:$0x3FFE];
	[sflag:s4] =	ssyncadd.remote.s32 @!p0 $0x1  }
0xb4: {  	s26 =	simm.s32 $execute0_lowered;
	[smem:$0x3FD2] =	sst s25  }
0xb5: {  	s5 =	sshll.u32 s26, $0x1;
	_ =	strace $0x8000004F;
	[dreg:$0x1] =	wrdreg $0xFFFFFFFF  }
0xb6: {  	s28 =	simm.s32 $_size_execute0_lowered;
	s3 =	sadd.s32 s3, s5;
	[dreg:$0x0] =	wrdreg $0x0  }
0xb7: {  	s5 =	sshll.u32 s28, $0x1;
	[dreg:$0x2] =	wrdreg s3  }
0xb8: {  	[dreg:$0x3] =	wrdreg s5  }
0xb9: {  	[dreg:$0x4] =	wrdreg $0xC0  }
0xba: {  	_ =	task [dreg:s22], $0x5FFFF  }
0xbb: {  	[dreg:$0x1] =	wrdreg $0xFFFFFFFF  }
0xbc: {  	[dreg:$0x0] =	wrdreg $0x60  }
0xbd: {  	[dreg:$0x2] =	wrdreg s24  }
0xbe: {  	[dreg:$0x3] =	wrdreg $0x66800  }
0xbf: {  	[dreg:$0x4] =	wrdreg $0x9  }
0xc0: {  	_ =	task.clear_ibuf [dreg:s22], $0x5FFFF;
	_ =	strace $0x9000004F  }
0xc1: {  	s29 =	simm.s32 $0x9;
	_ =	strace $0x80000051  }
0xc2: {  	_ =	swait.ge [sflag:s29], $0x1  }
0xc3: {  	[sflag:s29] =	ssyncadd.s32 $0xFFFFFFFF  }
0xc4: {  	_ =	strace $0x90000051  }
0xc5: {  	_ =	sfence  }
0xc6: {  	s30 =	sld [smem:$0x0];
	_ =	sdelay $0x2  }
0xc7: {  	s31 =	sshll.u32 s1, $0xD;
	s1 =	sshrl.u32 s1, $0x2  }
0xc8: {  	s4 =	sand.u32 $0x4000, s31;
	s1 =	sadd.s32 s1, s30  }
0xc9: {  	s0 =	sor.u32 s4, s0;
	s1 =	sshll.u32 s1, $0x11  }
0xca: {  	s0 =	sor.u32 s1, s0  }
0xcb: {  	s0 =	sadd.s32 $0x8F2B, s0  }
0xcc: {  	[sflag:s0] =	ssyncadd.remote.s32 $0x1  }
0xcd: {  	_ =	sfence.sel $0xFFFF  }
0xce: {  	[dreg:$0x0] =	wrdreg $0xFFFFFFFF;
	(pc) =	sbr.abs _section_cstart, $3  }
0xcf: {  	[dreg:$0x1] =	wrdreg $0xFFFFFFFF  }
0xd0: {  	_ =	task.clear_ibuf [dreg:s22], $0x2FFFF;
	_ =	strace $0x9FFFFFFF  }
0xd1: {  	(tm) =	ssettm $0x7FFFFFFF  }
tec
execute0_lowered:
.L_overlay_start_1:
0x0: {  	(tag) =	ssettag $0x1  }
0x1: {  	s0 =	rddreg [dreg:$0x0]  }
0x2: {  	s1 =	rddreg [dreg:$0x1]  }
0x3: {  	s3 =	simm.s32 $0x0;
	s2 =	srdreg.scid;
	s12 =	stileid.u32  }
0x4: {  	s30 =	simm.s32 $0x100;
	[smem:$0x7FF] =	sst s3;
	s5 =	smul.u32 $0x27800, s12  }
0x5: {  	s2 =	sand.u32 $0x1, s2;
	s4 =	sadd.s32 $0x88000, s0;
	s9 =	smul.u32 $0x4F000, s12  }
0x6: {  	s6 =	sadd.s32 $0x8C00, s0;
	s8 =	sadd.s32 $0x36800, s0;
	s20 =	smul.u32 $0x113000, s12  }
0x7: {  	s22 =	sshll.u32 s12, $0x6;
	s10 =	smul.u32 $0x1130, s12;
	_ =	strace $0x80000050  }
0x8: {  	s7 =	sshll.u32 s2, $0xA;
	[dreg:$0x3] =	wrdreg s8;
	s2 =	ssub.s32 $0x2, s2  }
0x9: {  	s15 =	sor.u32 $0x1C0B, s22;
	s22 =	smul.u32 $0x226, s12;
	s12 =	simm.s32 $0x8  }
0xa: {  	s5 =	sor.u32 s7, s5;
	s19 =	sshrl.u32 s2, $0x1;
	s21 =	sshrl.u32 s9, $0x2  }
0xb: {  	s23 =	sshrl.u32 s10, $0x3;
	s11 =	sadd.s32 $0x28, s10;
	s29 =	sadd.s32 $0x50, s10  }
0xc: {  	s16 =	sadd.s32 $0x78, s10;
	[dreg:$0x5] =	wrdreg s15;
	s5 =	sshrl.u32 s5, $0x3  }
0xd: {  	s2 =	ssub.s32 s2, s19;
	s8 =	sadd.s32 s21, s1;
	s26 =	sshll.u32 s11, $0x8  }
0xe: {  	s28 =	sshrl.u32 s11, $0x3;
	s31 =	sshll.u32 s29, $0x8;
	s13 =	sshrl.u32 s29, $0x3  }
0xf: {  	s17 =	sshrl.u32 s16, $0x3;
	s19 =	sadd.s32 $0xA0, s10;
	s11 =	simm.s32 $0x3  }
0x10: {  	s0 =	sadd.s32 s5, s0;
	[dreg:$0x4] =	wrdreg s8;
	s5 =	sor.u32 s7, s20  }
0x11: {  	s8 =	sadd.s32 s6, s23;
	s9 =	sadd.s32 s6, s28;
	s10 =	sshrl.u32 s19, $0x3  }
0x12: {  	s2 =	smax.u32 s2, $0x1;
	s24 =	sshrl.u32 s5, $0x3;
	[dreg:$0x6] =	wrdreg s8  }
0x13: {  	s8 =	sor.u32 s7, s26;
	[dreg:$0x8] =	wrdreg s9;
	s9 =	sor.u32 s7, s31  }
0x14: {  	s20 =	sadd.s32 s6, s10;
	s21 =	sadd.s32 $0x16800, s5;
	s0 =	sadd.s32 $0x2AE000, s0  }
0x15: {  	[dreg:$0x11] =	wrdreg s2;
	s26 =	sadd.s32 $0xF000, s5;
	s31 =	sadd.s32 $0xC800, s5  }
0x16: {  	s10 =	simm.s32 $0x28;
	s25 =	sadd.s32 s4, s24;
	s8 =	sshrl.u32 s8, $0x3  }
0x17: {  	s14 =	sshrl.u32 s9, $0x3;
	s9 =	sshll.u32 s16, $0x8;
	[dreg:$0xe] =	wrdreg s20  }
0x18: {  	[dreg:$0x10] =	wrdreg s0;
	s23 =	sshrl.u32 s21, $0x3;
	s21 =	sadd.s32 s22, s6  }
0x19: {  	s24 =	sadd.s32 $0x14000, s5;
	[dreg:$0x16] =	wrdreg s31;
	s16 =	simm.s32 $0x80  }
0x1a: {  	[dreg:$0x7] =	wrdreg s25;
	s8 =	sadd.s32 s4, s8;
	s18 =	sor.u32 s7, s9  }
0x1b: {  	s9 =	sshll.u32 s19, $0x8;
	s0 =	sadd.s32 s23, s4;
	s25 =	sadd.s32 $0x11800, s5  }
0x1c: {  	s5 =	simm.s32 $0x200;
	[dreg:$0x9] =	wrdreg s8;
	s8 =	sadd.s32 s6, s13  }
0x1d: {  	s7 =	sor.u32 s7, s9;
	[dreg:$0x12] =	wrdreg s0;
	s0 =	sshrl.u32 s24, $0x3  }
0x1e: {  	s2 =	sshrl.u32 s25, $0x3;
	s9 =	simm.s32 $0x6;
	s13 =	simm.s32 $0x5  }
0x1f: {  	[dreg:$0xa] =	wrdreg s8;
	s8 =	sadd.s32 s4, s14;
	s7 =	sshrl.u32 s7, $0x3  }
0x20: {  	s0 =	sadd.s32 s0, s4;
	s28 =	sadd.s32 s2, s4;
	[dreg:$0xb] =	wrdreg s8  }
0x21: {  	s14 =	simm.s32 $0xA;
	s2 =	simm.s32 $0x0;
	[dreg:$0x13] =	wrdreg s0  }
.Ltmp0:
0x22: {  	s8 =	sadd.s32 s6, s17;
	[dreg:$0x14] =	wrdreg s28;
	(pc) =	sbr.rel .LBB2_1-.Ltmp0, $4  }
0x23: {  	s7 =	sadd.s32 s4, s7;
	s6 =	sshrl.u32 s26, $0x3;
	[dreg:$0xc] =	wrdreg s8  }
0x24: {  	s8 =	sshrl.u32 s18, $0x3;
	[dreg:$0xf] =	wrdreg s7;
	s29 =	sadd.s32 s6, s4  }
0x25: {  	s26 =	simm.s32 $0xB;
	s8 =	sadd.s32 s4, s8;
	[dreg:$0x15] =	wrdreg s29  }
0x26: {  	s6 =	simm.s32 $0x5280;
	[dreg:$0xd] =	wrdreg s8;
	s8 =	simm.s32 $0x1  }
.LBB2_4:
0x27: {  	[bflag:$0x0] =	sbarrier.arrive $0xFFFF  }
0x28: {  	s15 =	rddreg [dreg:$0x5]  }
0x29: {  	s0 =	rddreg [dreg:$0x10]  }
0x2a: {  	s16 =	simm.s32 $0x80;
	s2 =	rddreg [dreg:$0x18]  }
0x2b: {  	[hbm:s0@s30], [sflag:s15] =	dma.strided [spmem:s2@s16], $0x2780, s12, $0x10   }
0x2c: {  	_ =	swait.ge [sflag:s26], $0x2780  }
0x2d: {  	s29 =	rddreg [dreg:$0x17]  }
0x2e: {  	s31 =	rddreg [dreg:$0x11];
	s2 =	sadd.s32 $0x1, s29  }
0x2f: {  	p0 =	sne.s32 s2, s31  }
.Ltmp1:
0x30: {  	_ = 	snop;
	(pc) =	sbr.rel @!p0 .LBB2_5-.Ltmp1, $3  }
0x31: {  	_ =	sdelay $0x1  }
0x32: {  	[sflag:s26] =	ssyncset.done $0x0  }
0x33: {  	[sflag:s26] =	ssyncadd.s32 $0xFFFFD880  }
.LBB2_1:
0x34: {  	[dreg:$0x17] =	wrdreg s2  }
0x35: {  	s0 =	rddreg [dreg:$0x4]  }
0x36: {  	s25 =	rddreg [dreg:$0x3];
	s24 =	sshrl.u32 s0, $0x3  }
0x37: {  	[dreg:$0x18] =	wrdreg s24  }
0x38: {  	[spmem:s24], [sflag:s15] =	dma.local [hbm:s25], $0x2780  }
0x39: {  	_ =	swait.ge [sflag:s26], $0x2780  }
0x3a: {  	[sflag:s26] =	ssyncset.done $0x0  }
0x3b: {  	[sflag:s26] =	ssyncadd.s32 $0xFFFFD880  }
0x3c: {  	[bflag:$0x0] =	sbarrier.arrive $0xFFFF  }
0x3d: {  	s28 =	rddreg [dreg:$0x6]  }
0x3e: {  	s29 =	rddreg [dreg:$0x7]  }
0x3f: {  	s17 =	rddreg [dreg:$0x8]  }
0x40: {  	s18 =	rddreg [dreg:$0x9]  }
0x41: {  	s20 =	rddreg [dreg:$0xa]  }
0x42: {  	s2 =	simm.s32 $0x400;
	s22 =	rddreg [dreg:$0xb]  }
0x43: {  	[tilespmem:s3], [sflag:$0x1] =	stream.linear.gather [hbm4b:s28+s3], $0x28, $0x38;
	[tilespmem:$0x1A280] =	vst v63  }
0x44: {  	s7 =	simm.s32 $0x800;
	s31 =	simm.s32 $0x280;
	s24 =	rddreg [dreg:$0xc]  }
0x45: {  	[tilespmem:s31], [sflag:$0x6] =	stream.strided.gather [hbm4b:s29+s2], $0x1400, s7, s2, $0x38;
	[tilespmem:$0x1A280] =	vst v63  }
0x46: {  	s28 =	rddreg [dreg:$0xd]  }
0x47: {  	[tilespmem:s16], [sflag:$0x2] =	stream.linear.gather [hbm4b:s17+s3], $0x28, $0x38;
	[tilespmem:$0x1A280] =	vst v63  }
0x48: {  	s19 =	simm.s32 $0x1680;
	s31 =	rddreg [dreg:$0xf]  }
0x49: {  	[tilespmem:s19], [sflag:$0x7] =	stream.strided.gather [hbm4b:s18+s2], $0x1400, s7, s2, $0x38;
	[tilespmem:$0x1A280] =	vst v63  }
0x4a: {  	s19 =	rddreg [dreg:$0x12]  }
0x4b: {  	[tilespmem:s30], [sflag:$0x3] =	stream.linear.gather [hbm4b:s20+s3], $0x28, $0x38;
	[tilespmem:$0x1A280] =	vst v63  }
0x4c: {  	s23 =	simm.s32 $0x2A80;
	s30 =	rddreg [dreg:$0xe]  }
0x4d: {  	[tilespmem:s23], [sflag:$0x8] =	stream.strided.gather [hbm4b:s22+s2], $0x1400, s7, s2, $0x38;
	[tilespmem:$0x1A280] =	vst v63  }
0x4e: {  	s25 =	simm.s32 $0x180;
	s23 =	rddreg [dreg:$0x14]  }
0x4f: {  	[tilespmem:s25], [sflag:$0x4] =	stream.linear.gather [hbm4b:s24+s3], $0x28, $0x38;
	[tilespmem:$0x1A280] =	vst v63  }
0x50: {  	s29 =	simm.s32 $0x3E80;
	s22 =	rddreg [dreg:$0x13]  }
0x51: {  	[tilespmem:s29], [sflag:$0x9] =	stream.strided.gather [hbm4b:s28+s2], $0x1400, s7, s2, $0x38;
	[tilespmem:$0x1A280] =	vst v63  }
0x52: {  	s25 =	rddreg [dreg:$0x16]  }
0x53: {  	[tilespmem:s5], [sflag:$0x5] =	stream.linear.gather [hbm4b:s30+s3], $0x28, $0x38;
	[tilespmem:$0x1A280] =	vst v63  }
0x54: {  	s20 =	simm.s32 $0x0;
	s24 =	rddreg [dreg:$0x15]  }
0x55: {  	[tilespmem:s6], [sflag:$0xA] =	stream.strided.gather [hbm4b:s31+s2], $0x1400, s7, s2, $0x38;
	[tilespmem:$0x1A280] =	vst v63  }
.LBB2_2:
0x56: {  	_ =	swait.ge [sflag:s8], $0x28  }
0x57: {  	[sflag:s8] =	ssyncset.done $0x0  }
0x58: {  	[sflag:s8] =	ssyncadd.s32 $0xFFFFFFD8  }
0x59: {  	_ =	swait.ge [sflag:s9], $0x1400  }
0x5a: {  	[sflag:s9] =	ssyncset.done $0x0  }
0x5b: {  	s0 =	simm.s32 $0x280;
	[sflag:s9] =	ssyncadd.s32 $0xFFFFEC00  }
0x5c: {  	[spmem:s1] =	stream.indirect.scatter.add.f32 [tilespmem:s0], [sflag:$0xB], $0x80, s3, s10, $0xb8;
	[tilespmem:$0x1A280] =	vst v63  }
0x5d: {  	_ =	swait.ge [sflag:s26], $0x1400  }
0x5e: {  	p0 =	seq.s32 s20, $0x20D;
	[sflag:s26] =	ssyncset.done $0x0  }
0x5f: {  	s7 =	simm.s32 @p0 $0x2;
	[sflag:s26] =	ssyncadd.s32 $0xFFFFEC00  }
0x60: {  	_ =	swait.ge @p0 [sflag:s7], $0x28  }
0x61: {  	[sflag:s7] =	ssyncset.done @p0 $0x0  }
0x62: {  	[sflag:s7] =	ssyncadd.s32 @p0 $0xFFFFFFD8;
	s7 =	simm.s32 @p0 $0x7  }
0x63: {  	_ =	swait.ge @p0 [sflag:s7], $0x1400  }
0x64: {  	s16 =	simm.s32 @p0 $0x28;
	s17 =	simm.s32 @p0 $0x1680;
	[sflag:s7] =	ssyncset.done @p0 $0x0  }
0x65: {  	s15 =	simm.s32 @p0 $0xB;
	[sflag:s7] =	ssyncadd.s32 @p0 $0xFFFFEC00;
	s7 =	simm.s32 @p0 $0x80  }
0x66: {  	[spmem:s1] =	stream.indirect.scatter.add.f32 @p0 [tilespmem:s17], [sflag:$0xB], $0x80, s7, s16, $0xb8;
	[tilespmem:$0x1A280] =	vst v63  }
0x67: {  	_ =	swait.ge @p0 [sflag:s15], $0x1400  }
0x68: {  	s18 =	sadd.s32 @!p0 s20, s21;
	[sflag:s15] =	ssyncset.done @p0 $0x0  }
0x69: {  	s31 =	simm.s32 @!p0 $0x0;
	s7 =	sadd.s32 @!p0 $0x19, s18;
	[sflag:s15] =	ssyncadd.s32 @p0 $0xFFFFEC00  }
0x6a: {  	[tilespmem:s31], [sflag:$0x1] =	stream.linear.gather @!p0 [hbm4b:s7+s31], $0x28, $0x38;
	[tilespmem:$0x1A280] =	vst v63  }
0x6b: {  	s0 =	simm.s32 @!p0 $0x280;
	s7 =	sshrl.u32 @!p0 s25, $0x3  }
0x6c: {  	s17 =	simm.s32 @!p0 $0x400;
	s30 =	sadd.s32 @!p0 s4, s7;
	s7 =	simm.s32 @!p0 $0x800  }
0x6d: {  	[tilespmem:s0], [sflag:$0x6] =	stream.strided.gather @!p0 [hbm4b:s30+s17], $0x1400, s7, s17, $0x38;
	[tilespmem:$0x1A280] =	vst v63  }
0x6e: {  	s0 =	simm.s32 @!p0 $0x2  }
0x6f: {  	_ =	swait.ge @!p0 [sflag:s0], $0x28  }
0x70: {  	[sflag:s0] =	ssyncset.done @!p0 $0x0  }
0x71: {  	[sflag:s0] =	ssyncadd.s32 @!p0 $0xFFFFFFD8;
	s0 =	simm.s32 @!p0 $0x7  }
0x72: {  	_ =	swait.ge @!p0 [sflag:s0], $0x1400  }
0x73: {  	s2 =	simm.s32 @!p0 $0x1680;
	s28 =	simm.s32 @!p0 $0xB;
	[sflag:s0] =	ssyncset.done @!p0 $0x0  }
0x74: {  	s30 =	simm.s32 @!p0 $0x80;
	[sflag:s0] =	ssyncadd.s32 @!p0 $0xFFFFEC00;
	s0 =	simm.s32 @!p0 $0x28  }
0x75: {  	[spmem:s1] =	stream.indirect.scatter.add.f32 @!p0 [tilespmem:s2], [sflag:$0xB], $0x80, s30, s0, $0xb8;
	[tilespmem:$0x1A280] =	vst v63  }
0x76: {  	_ =	swait.ge @!p0 [sflag:s28], $0x1400  }
0x77: {  	[sflag:s28] =	ssyncset.done @!p0 $0x0  }
0x78: {  	s29 =	sadd.s32 @!p0 $0x1E, s18;
	[sflag:s28] =	ssyncadd.s32 @!p0 $0xFFFFEC00  }
0x79: {  	[tilespmem:s30], [sflag:$0x2] =	stream.linear.gather @!p0 [hbm4b:s29+s31], $0x28, $0x38;
	[tilespmem:$0x1A280] =	vst v63  }
0x7a: {  	_ = 	snop  }
0x7b: {  	[tilespmem:s2], [sflag:$0x7] =	stream.strided.gather @!p0 [hbm4b:s24+s17], $0x1400, s7, s17, $0x38;
	[tilespmem:$0x1A280] =	vst v63  }
0x7c: {  	_ =	swait.ge [sflag:s11], $0x28  }
0x7d: {  	[sflag:s11] =	ssyncset.done $0x0  }
0x7e: {  	[sflag:s11] =	ssyncadd.s32 $0xFFFFFFD8  }
0x7f: {  	_ =	swait.ge [sflag:s12], $0x1400  }
0x80: {  	[sflag:s12] =	ssyncset.done $0x0  }
0x81: {  	s30 =	simm.s32 $0x100;
	s29 =	simm.s32 $0x2A80;
	[sflag:s12] =	ssyncadd.s32 $0xFFFFEC00  }
0x82: {  	[spmem:s1] =	stream.indirect.scatter.add.f32 [tilespmem:s29], [sflag:$0xB], $0x80, s30, s10, $0xb8;
	[tilespmem:$0x1A280] =	vst v63  }
0x83: {  	_ =	swait.ge [sflag:s26], $0x1400  }
0x84: {  	[sflag:s26] =	ssyncset.done $0x0  }
0x85: {  	s2 =	simm.s32 @p0 $0x4;
	[sflag:s26] =	ssyncadd.s32 $0xFFFFEC00  }
0x86: {  	_ =	swait.ge @p0 [sflag:s2], $0x28  }
0x87: {  	[sflag:s2] =	ssyncset.done @p0 $0x0  }
0x88: {  	[sflag:s2] =	ssyncadd.s32 @p0 $0xFFFFFFD8;
	s2 =	simm.s32 @p0 $0x9  }
0x89: {  	_ =	swait.ge @p0 [sflag:s2], $0x1400  }
0x8a: {  	[sflag:s2] =	ssyncset.done @p0 $0x0  }
0x8b: {  	s29 =	simm.s32 @p0 $0x3E80;
	[sflag:s2] =	ssyncadd.s32 @p0 $0xFFFFEC00;
	s2 =	simm.s32 @p0 $0x180  }
0x8c: {  	[spmem:s1] =	stream.indirect.scatter.add.f32 @p0 [tilespmem:s29], [sflag:$0xB], $0x80, s2, s16, $0xb8;
	[tilespmem:$0x1A280] =	vst v63  }
0x8d: {  	_ =	swait.ge @p0 [sflag:s15], $0x1400  }
0x8e: {  	[sflag:s15] =	ssyncset.done @p0 $0x0  }
0x8f: {  	s2 =	sadd.s32 @!p0 $0x23, s18;
	[sflag:s15] =	ssyncadd.s32 @p0 $0xFFFFEC00;
	s15 =	simm.s32 @!p0 $0x100  }
0x90: {  	[tilespmem:s15], [sflag:$0x3] =	stream.linear.gather @!p0 [hbm4b:s2+s31], $0x28, $0x38;
	[tilespmem:$0x1A280] =	vst v63  }
0x91: {  	s2 =	simm.s32 @!p0 $0x2A80  }
0x92: {  	[tilespmem:s2], [sflag:$0x8] =	stream.strided.gather @!p0 [hbm4b:s23+s17], $0x1400, s7, s17, $0x38;
	[tilespmem:$0x1A280] =	vst v63  }
0x93: {  	s2 =	simm.s32 @!p0 $0x4  }
0x94: {  	_ =	swait.ge @!p0 [sflag:s2], $0x28  }
0x95: {  	[sflag:s2] =	ssyncset.done @!p0 $0x0  }
0x96: {  	[sflag:s2] =	ssyncadd.s32 @!p0 $0xFFFFFFD8;
	s2 =	simm.s32 @!p0 $0x9  }
0x97: {  	_ =	swait.ge @!p0 [sflag:s2], $0x1400  }
0x98: {  	[sflag:s2] =	ssyncset.done @!p0 $0x0  }
0x99: {  	s15 =	simm.s32 @!p0 $0x3E80;
	[sflag:s2] =	ssyncadd.s32 @!p0 $0xFFFFEC00;
	s2 =	simm.s32 @!p0 $0x180  }
0x9a: {  	[spmem:s1] =	stream.indirect.scatter.add.f32 @!p0 [tilespmem:s15], [sflag:$0xB], $0x80, s2, s0, $0xb8;
	[tilespmem:$0x1A280] =	vst v63  }
0x9b: {  	_ =	swait.ge @!p0 [sflag:s28], $0x1400  }
0x9c: {  	[sflag:s28] =	ssyncset.done @!p0 $0x0  }
0x9d: {  	s0 =	sadd.s32 @!p0 $0x28, s18;
	[sflag:s28] =	ssyncadd.s32 @!p0 $0xFFFFEC00  }
0x9e: {  	[tilespmem:s2], [sflag:$0x4] =	stream.linear.gather @!p0 [hbm4b:s0+s31], $0x28, $0x38;
	[tilespmem:$0x1A280] =	vst v63  }
0x9f: {  	_ = 	snop  }
0xa0: {  	[tilespmem:s15], [sflag:$0x9] =	stream.strided.gather @!p0 [hbm4b:s22+s17], $0x1400, s7, s17, $0x38;
	[tilespmem:$0x1A280] =	vst v63  }
0xa1: {  	_ =	swait.ge [sflag:s13], $0x28  }
0xa2: {  	[sflag:s13] =	ssyncset.done $0x0  }
0xa3: {  	[sflag:s13] =	ssyncadd.s32 $0xFFFFFFD8  }
0xa4: {  	_ =	swait.ge [sflag:s14], $0x1400  }
0xa5: {  	[sflag:s14] =	ssyncset.done $0x0  }
.Ltmp2:
0xa6: {  	[sflag:s14] =	ssyncadd.s32 $0xFFFFEC00;
	(pc) =	sbr.rel @p0 .LBB2_4-.Ltmp2, $4  }
0xa7: {  	[spmem:s1] =	stream.indirect.scatter.add.f32 [tilespmem:s6], [sflag:$0xB], $0x80, s5, s10, $0xb8;
	[tilespmem:$0x1A280] =	vst v63  }
0xa8: {  	_ =	swait.ge [sflag:s26], $0x1400  }
0xa9: {  	[sflag:s26] =	ssyncset.done $0x0  }
0xaa: {  	[sflag:s26] =	ssyncadd.s32 $0xFFFFEC00  }
0xab: {  	s0 =	sadd.s32 s20, s21;
	s31 =	simm.s32 $0x400  }
.Ltmp3:
0xac: {  	s2 =	simm.s32 $0x800;
	s0 =	sadd.s32 $0x2D, s0;
	(pc) =	sbr.rel .LBB2_2-.Ltmp3, $4  }
0xad: {  	[tilespmem:s5], [sflag:$0x5] =	stream.linear.gather [hbm4b:s0+s3], $0x28, $0x38;
	[tilespmem:$0x1A280] =	vst v63  }
0xae: {  	s20 =	sadd.s32 $0x19, s20;
	s22 =	sadd.s32 $0x1900, s22;
	s23 =	sadd.s32 $0x1900, s23  }
0xaf: {  	[tilespmem:s6], [sflag:$0xA] =	stream.strided.gather [hbm4b:s19+s31], $0x1400, s2, s31, $0x38;
	[tilespmem:$0x1A280] =	vst v63  }
0xb0: {  	s24 =	sadd.s32 $0x1900, s24;
	s25 =	sadd.s32 $0xC800, s25;
	s19 =	sadd.s32 $0x1900, s19  }
.LBB2_5:
0xb1: {  	_ =	sfence.sel $0x180000  }
0xb2: {  	[bflag:$0x0] =	sbarrier.arrive $0xFFFF  }
0xb3: {  	_ =	strace $0x90000050  }
0xb4: {  	s0 =	stileid.u32;
	[bflag:$0x2] =	sbarrier.arrive $0xFFFF  }
0xb5: {  	p0 =	sne.s32 s0, $0x0;
	s0 =	rddreg [dreg:$0x2]  }
0xb6: {  	s0 =	sadd.s32 @!p0 $0x100000, s0  }
0xb7: {  	[sflag:s0] =	ssyncadd.tile.s32 @!p0 $0x1;
	_ =	shalt  }
.Lfunc_end2:
_tile_overlayer_lowered:
.L_overlay_start_2:
0xb8: {  	(tag) =	ssettag $0x2  }
0xb9: {  	s0 =	rddreg [dreg:$0x0];
	s2 =	stileid.u32  }
0xba: {  	s1 =	rddreg [dreg:$0x1];
	p0 =	sne.s32 s2, $0x0  }
0xbb: {  	s3 =	rddreg [dreg:$0x2];
	[bflag:$0x3] =	sbarrier.arrive $0xFFFF;
	s2 =	simm.s32 @!p0 $0x1C0B  }
0xbc: {  	[timem:s3], [sflag:s2] =	dma.local @!p0 [hbm:s0], s1  }
0xbd: {  	s0 =	simm.s32 @!p0 $0xB  }
0xbe: {  	_ =	swait.ge @!p0 [sflag:s0], s1  }
0xbf: {  	s1 =	ssub.s32 @!p0 $0x0, s1;
	[sflag:s0] =	ssyncset.done @!p0 $0x0  }
0xc0: {  	[sflag:s0] =	ssyncadd.s32 @!p0 s1  }
0xc1: {  	[bflag:$0x3] =	sbarrier.arrive $0xFFFF  }
0xc2: {  	_ =	shalt  }

// kernel: kernel.21.cloned.1.call-start
scs
__scs_entry_jumppad:
0x0: {  	(pc) =	sbr.rel $0x88, $3  }
0x1: {  	(tag) =	ssettag $0x0;
	lr =	simm.s32 $0x1  }
0x2: {  	[smem:$0x3F91] =	sst lr;
	_ =	strace $0xD0000000  }
0x3: {  	_ = 	snop  }
0x4: {  	_ = 	snop  }
0x5: {  	_ = 	snop  }
0x6: {  	_ = 	snop  }
0x7: {  	_ = 	snop  }
__scs_overlays_trampoline_lowered:
0x8: {  	[smem:$0x3FA0] =	sst s0  }
0x9: {  	[smem:$0x3FA1] =	sst s1  }
0xa: {  	[smem:$0x3FA2] =	sst s2  }
0xb: {  	[smem:$0x3FA3] =	sst s3  }
0xc: {  	[smem:$0x3FA4] =	sst s4  }
0xd: {  	[smem:$0x3FA5] =	sst s5  }
0xe: {  	[smem:$0x3FA6] =	sst s6  }
0xf: {  	[smem:$0x3FA7] =	sst s7  }
0x10: {  	[smem:$0x3FA8] =	sst s8  }
0x11: {  	[smem:$0x3FA9] =	sst s9;
	s0 =	simm.s32 @!p0 $0x0  }
0x12: {  	s1 =	sld [smem:$0x3F8F];
	s0 =	simm.s32 @p0 $0x1  }
0x13: {  	[smem:$0x3FAA] =	sst s0;
	s0 =	simm.s32 @!p1 $0x0  }
0x14: {  	s2 =	sld [smem:$0x3F8E];
	s0 =	simm.s32 @p1 $0x1  }
0x15: {  	[smem:$0x3FAB] =	sst s0;
	s0 =	simm.s32 @!p2 $0x0  }
0x16: {  	s3 =	sld [smem:$0x3FDB];
	s0 =	simm.s32 @p2 $0x1  }
0x17: {  	s4 =	simm.s32 $0x1BF5;
	[smem:$0x3FAD] =	sst s0  }
0x18: {  	s0 =	sld [smem:$0x3F90];
	_ =	swait.ge [sflag:s4], $0x0  }
0x19: {  	s7 =	sld [smem:$0x3F91]  }
0x1a: {  	s8 =	sadd.s32 $0xFFFFE003, lr  }
0x1b: {  	s9 =	sadd.s32 $0xFFFFFEF7, lr;
	s5 =	simm.s32 $0xFFFFFFFF;
	p2 =	slt.u32 s8, $0xFFFFF086  }
0x1c: {  	p1 =	slt.u32 s9, $0xF7A;
	s5 =	simm.s32 @!p2 $0x0  }
0x1d: {  	s5 =	simm.s32 @p1 $0x1;
	p0 =	seq.s32 s7, s2  }
0x1e: {  	s7 =	smul.u32 @!p0 $0xF7A, s2;
	p2 =	seq.s32 @!p0 s5, $0x0  }
0x1f: {  	s9 =	smul.u32 $0xF7A, s1;
	s8 =	simm.s32 @!p0 $0x1BF5;
	p2 =	por !p2, p0  }
0x20: {  	[sflag:s8] =	ssyncset.s32 @!p0 $0xFFFFF086;
	s6 =	sadd.s32 @!p0 s3, s7;
	s7 =	simm.s32 @!p0 $0x108  }
0x21: {  	s3 =	sadd.s32 s3, s9;
	s6 =	sadd.s32 @!p0 $0x88, s6;
	s7 =	simm.s32 @p2 $0x1082  }
0x22: {  	[simem:s7], [sflag:s8] =	dma.local @!p0 [hbm:s6], $0xF7A  }
0x23: {  	s9 =	sor.u32 $0xD0000000, s2;
	s6 =	simm.s32 $0x108;
	_ =	swait.ge @!p0 [sflag:s8], $0x0  }
0x24: {  	s3 =	sadd.s32 $0x88, s3;
	s6 =	simm.s32 @!p1 $0x1082;
	[sflag:s4] =	ssyncset.s32 $0xFFFFF086  }
0x25: {  	[simem:s6], [sflag:s4] =	dma.local [hbm:s3], $0xF7A  }
0x26: {  	[smem:$0x3F91] =	sst s1;
	(tag) =	ssettag s2;
	_ =	strace s9  }
0x27: {  	s1 =	sld [smem:$0x3FA1]  }
0x28: {  	s2 =	sld [smem:$0x3FA2]  }
0x29: {  	s4 =	sld [smem:$0x3FA4]  }
0x2a: {  	p0 =	seq.s32 s5, $0x0;
	s5 =	sld [smem:$0x3FA5]  }
0x2b: {  	s6 =	sld [smem:$0x3FA6]  }
0x2c: {  	s7 =	sld [smem:$0x3FA7]  }
0x2d: {  	s3 =	simm.s32 $0x108;
	s8 =	sld [smem:$0x3FA8]  }
0x2e: {  	s3 =	simm.s32 @!p0 $0x1082;
	s9 =	sld [smem:$0x3FA9]  }
0x2f: {  	lr =	sadd.s32 s0, s3;
	s0 =	sld [smem:$0x3FA0]  }
0x30: {  	s3 =	sld [smem:$0x3FA3]  }
0x31: {  	[smem:$0x3FAC] =	sst s10  }
0x32: {  	s10 =	sld [smem:$0x3FAA];
	_ =	sdelay $0x3  }
0x33: {  	p0 =	seq.s32 s10, $0x1;
	s10 =	sld [smem:$0x3FAC];
	_ =	sdelay $0x3  }
0x34: {  	[smem:$0x3FAC] =	sst s10  }
0x35: {  	s10 =	sld [smem:$0x3FAB];
	_ =	sdelay $0x3  }
0x36: {  	p1 =	seq.s32 s10, $0x1;
	s10 =	sld [smem:$0x3FAC];
	_ =	sdelay $0x3  }
0x37: {  	[smem:$0x3FAC] =	sst s10  }
0x38: {  	s10 =	sld [smem:$0x3FAD]  }
0x39: {  	_ = 	snop;
	(pc) =	sbr.ind lr, $3  }
0x3a: {  	_ = 	snop  }
0x3b: {  	_ = 	snop  }
0x3c: {  	p2 =	seq.s32 s10, $0x1;
	s10 =	sld [smem:$0x3FAC]  }
0x3d: {  	_ =	shalt  }
0x3e: {  	_ =	shalt  }
0x3f: {  	_ =	shalt  }
0x40: {  	_ =	shalt  }
0x41: {  	_ =	shalt  }
0x42: {  	_ =	shalt  }
0x43: {  	_ =	shalt  }
0x44: {  	_ =	shalt  }
0x45: {  	_ =	shalt  }
0x46: {  	_ =	shalt  }
0x47: {  	_ =	shalt  }
0x48: {  	_ =	shalt  }
0x49: {  	_ =	shalt  }
0x4a: {  	_ =	shalt  }
0x4b: {  	_ =	shalt  }
0x4c: {  	_ =	shalt  }
0x4d: {  	_ =	shalt  }
0x4e: {  	_ =	shalt  }
0x4f: {  	_ =	shalt  }
0x50: {  	_ =	shalt  }
0x51: {  	_ =	shalt  }
0x52: {  	_ =	shalt  }
0x53: {  	_ =	shalt  }
0x54: {  	_ =	shalt  }
0x55: {  	_ =	shalt  }
0x56: {  	_ =	shalt  }
0x57: {  	_ =	shalt  }
0x58: {  	_ =	shalt  }
0x59: {  	_ =	shalt  }
0x5a: {  	_ =	shalt  }
0x5b: {  	_ =	shalt  }
0x5c: {  	_ =	shalt  }
0x5d: {  	_ =	shalt  }
0x5e: {  	_ =	shalt  }
0x5f: {  	_ =	shalt  }
0x60: {  	_ =	shalt  }
0x61: {  	_ =	shalt  }
0x62: {  	_ =	shalt  }
0x63: {  	_ =	shalt  }
0x64: {  	_ =	shalt  }
0x65: {  	_ =	shalt  }
0x66: {  	_ =	shalt  }
0x67: {  	_ =	shalt  }
0x68: {  	_ =	shalt  }
0x69: {  	_ =	shalt  }
0x6a: {  	_ =	shalt  }
0x6b: {  	_ =	shalt  }
0x6c: {  	_ =	shalt  }
0x6d: {  	_ =	shalt  }
0x6e: {  	_ =	shalt  }
0x6f: {  	_ =	shalt  }
0x70: {  	_ =	shalt  }
0x71: {  	_ =	shalt  }
0x72: {  	_ =	shalt  }
0x73: {  	_ =	shalt  }
0x74: {  	_ =	shalt  }
0x75: {  	_ =	shalt  }
0x76: {  	_ =	shalt  }
0x77: {  	_ =	shalt  }
0x78: {  	_ =	shalt  }
0x79: {  	_ =	shalt  }
0x7a: {  	_ =	shalt  }
0x7b: {  	_ =	shalt  }
0x7c: {  	_ =	shalt  }
0x7d: {  	_ =	shalt  }
0x7e: {  	_ =	shalt  }
0x7f: {  	_ =	shalt  }
0x80: {  	_ =	shalt  }
0x81: {  	_ =	shalt  }
0x82: {  	_ =	shalt  }
0x83: {  	_ =	shalt  }
0x84: {  	_ =	shalt  }
0x85: {  	_ =	shalt  }
0x86: {  	_ =	shalt  }
0x87: {  	_ =	shalt  }
.Lfunc_end0:
.L_simem_size_0:
called_computation.3_lowered:
.L_overlay_start_0:
0x88: {  	s2 =	sld [smem:$0x3FD9]  }
0x89: {  	s3 =	sld [smem:$0x3FFE];
	_ =	sdelay $0x1  }
0x8a: {  	s1 =	srdreg.scid  }
0x8b: {  	s0 =	sand.u32 $0x1, s1  }
0x8c: {  	s17 =	sshll.u32 s0, $0xA;
	s2 =	sadd.s32 s3, s2  }
0x8d: {  	s2 =	sadd.s32 s2, s17  }
0x8e: {  	[smem:$0x3FB8] =	sst s2  }
0x8f: {  	_ = 	snop  }
0x90: {  	(tm) =	ssettm $0x1  }
0x91: {  	s18 =	sld [smem:$0x3FFB];
	_ =	sdelay $0x3  }
0x92: {  	_ =	strace s18  }
0x93: {  	s2 =	sld [smem:$0x3FFC];
	_ =	sdelay $0x3  }
0x94: {  	_ =	strace s2  }
0x95: {  	s2 =	sld [smem:$0x3FFD];
	_ =	sdelay $0x3  }
0x96: {  	_ =	strace s2  }
0x97: {  	_ =	strace $0x8FFFFFFF  }
0x98: {  	s19 =	sld [smem:$0x3FDB];
	_ =	sdelay $0x1  }
0x99: {  	s20 =	simm.s32 $_scs_section_size  }
0x9a: {  	s4 =	simm.s32 $_size__tile_overlayer_lowered;
	s5 =	simm.s32 $_tile_overlayer_lowered  }
0x9b: {  	s6 =	simm.s32 $0x1BFF;
	s21 =	sshll.u32 s5, $0x1;
	s3 =	sadd.s32 s20, s19  }
0x9c: {  	s22 =	simm.s32 $0x0;
	s4 =	sshll.u32 s4, $0x1;
	s5 =	sadd.s32 s21, s3  }
0x9d: {  	[timem:s22], [sflag:s6] =	dma.local [hbm:s5], s4  }
0x9e: {  	_ =	swait.ge [sflag:s6], s4  }
0x9f: {  	s4 =	ssub.s32 $0x0, s4;
	[sflag:s6] =	ssyncset.done $0x0  }
0xa0: {  	[sflag:s6] =	ssyncadd.s32 s4;
	_ =	sdelay $0x1  }
0xa1: {  	s23 =	simm.s32 $0x1B8B  }
0xa2: {  	_ =	swait.ge [sflag:s23], $0x1  }
0xa3: {  	[sflag:s23] =	ssyncset.done $0x0  }
0xa4: {  	[sflag:s23] =	ssyncadd.s32 $0xFFFFFFFF  }
0xa5: {  	s4 =	sld [smem:$0x0]  }
0xa6: {  	s5 =	sand.u32 $0xFFFFFFFE, s1  }
0xa7: {  	p0 =	sne.s32 s1, s5  }
0xa8: {  	s5 =	sshll.u32 @p0 s5, $0xE  }
0xa9: {  	s5 =	sadd.s32 @p0 $0x11B8D, s5;
	s6 =	sshll.u32 @p0 s4, $0x11  }
0xaa: {  	s5 =	sor.u32 @p0 s6, s5  }
0xab: {  	[sflag:s5] =	ssyncadd.remote.s32 @p0 $0x1;
	_ =	sdelay $0x1  }
0xac: {  	s5 =	simm.s32 @p0 $0x1B8D  }
0xad: {  	_ =	swait.eq @p0 [sflag:s5], $0x1  }
0xae: {  	[sflag:s5] =	ssyncadd.s32 @p0 $0xFFFFFFFF  }
0xaf: {  	s6 =	sshll.u32 @!p0 s1, $0xE  }
0xb0: {  	s6 =	sor.u32 @!p0 $0x4000, s6;
	s5 =	simm.s32 @!p0 $0x1B8D  }
0xb1: {  	s4 =	sshll.u32 @!p0 s4, $0x11;
	s6 =	sadd.s32 @!p0 $0x11B8D, s6;
	_ =	swait.eq @!p0 [sflag:s5], $0x1  }
0xb2: {  	s4 =	sor.u32 @!p0 s4, s6;
	[sflag:s5] =	ssyncadd.s32 @!p0 $0xFFFFFFFF  }
0xb3: {  	s25 =	simm.s32 $0x1B8E;
	s24 =	sld [smem:$0x3FFE];
	[sflag:s4] =	ssyncadd.remote.s32 @!p0 $0x1  }
0xb4: {  	s26 =	simm.s32 $execute0_lowered;
	[smem:$0x3FD2] =	sst s25  }
0xb5: {  	s5 =	sshll.u32 s26, $0x1;
	_ =	strace $0x8000004C;
	[dreg:$0x1] =	wrdreg $0xFFFFFFFF  }
0xb6: {  	s28 =	simm.s32 $_size_execute0_lowered;
	s3 =	sadd.s32 s3, s5;
	[dreg:$0x0] =	wrdreg $0x0  }
0xb7: {  	s5 =	sshll.u32 s28, $0x1;
	[dreg:$0x2] =	wrdreg s3  }
0xb8: {  	[dreg:$0x3] =	wrdreg s5  }
0xb9: {  	[dreg:$0x4] =	wrdreg $0xC0  }
0xba: {  	_ =	task [dreg:s22], $0x5FFFF  }
0xbb: {  	[dreg:$0x1] =	wrdreg $0xFFFFFFFF  }
0xbc: {  	[dreg:$0x0] =	wrdreg $0x60  }
0xbd: {  	[dreg:$0x2] =	wrdreg s24  }
0xbe: {  	[dreg:$0x3] =	wrdreg $0x66800  }
0xbf: {  	[dreg:$0x4] =	wrdreg $0xA  }
0xc0: {  	_ =	task.clear_ibuf [dreg:s22], $0x5FFFF;
	_ =	strace $0x9000004C  }
0xc1: {  	s29 =	simm.s32 $0xA;
	_ =	strace $0x8000004E  }
0xc2: {  	_ =	swait.ge [sflag:s29], $0x1  }
0xc3: {  	[sflag:s29] =	ssyncadd.s32 $0xFFFFFFFF  }
0xc4: {  	_ =	strace $0x9000004E  }
0xc5: {  	_ =	sfence  }
0xc6: {  	s30 =	sld [smem:$0x0];
	_ =	sdelay $0x2  }
0xc7: {  	s31 =	sshll.u32 s1, $0xD;
	s1 =	sshrl.u32 s1, $0x2  }
0xc8: {  	s4 =	sand.u32 $0x4000, s31;
	s1 =	sadd.s32 s1, s30  }
0xc9: {  	s0 =	sor.u32 s4, s0;
	s1 =	sshll.u32 s1, $0x11  }
0xca: {  	s0 =	sor.u32 s1, s0  }
0xcb: {  	s0 =	sadd.s32 $0x8F2B, s0  }
0xcc: {  	[sflag:s0] =	ssyncadd.remote.s32 $0x1  }
0xcd: {  	_ =	sfence.sel $0xFFFF  }
0xce: {  	[dreg:$0x0] =	wrdreg $0xFFFFFFFF;
	(pc) =	sbr.abs _section_cstart, $3  }
0xcf: {  	[dreg:$0x1] =	wrdreg $0xFFFFFFFF  }
0xd0: {  	_ =	task.clear_ibuf [dreg:s22], $0x2FFFF;
	_ =	strace $0x9FFFFFFF  }
0xd1: {  	(tm) =	ssettm $0x7FFFFFFF  }
tec
execute0_lowered:
.L_overlay_start_1:
0x0: {  	(tag) =	ssettag $0x1  }
0x1: {  	s0 =	rddreg [dreg:$0x0]  }
0x2: {  	s1 =	rddreg [dreg:$0x1];
	s3 =	simm.s32 $0x0;
	s12 =	stileid.u32  }
0x3: {  	s2 =	srdreg.scid;
	s30 =	simm.s32 $0x100;
	s5 =	smul.u32 $0x27800, s12  }
0x4: {  	[smem:$0x7FF] =	sst s3;
	s2 =	sand.u32 $0x1, s2;
	s21 =	smul.u32 $0x4F000, s12  }
0x5: {  	s4 =	sadd.s32 $0x789800, s0;
	s7 =	sadd.s32 $0x8C00, s0;
	s9 =	smul.u32 $0x15E0, s12  }
0x6: {  	s8 =	sadd.s32 $0x36800, s0;
	s24 =	smul.u32 $0x15E000, s12;
	s25 =	sshll.u32 s12, $0x6  }
0x7: {  	_ =	strace $0x8000004D;
	s6 =	sshll.u32 s2, $0xA;
	[dreg:$0x3] =	wrdreg s8  }
0x8: {  	s2 =	ssub.s32 $0x2, s2;
	s15 =	sor.u32 $0x1C0B, s25;
	s5 =	sor.u32 s6, s5  }
0x9: {  	s22 =	sshrl.u32 s2, $0x1;
	s23 =	sshrl.u32 s21, $0x2;
	s10 =	sshrl.u32 s9, $0x3  }
0xa: {  	s6 =	sor.u32 s6, s24;
	s29 =	sadd.s32 $0x11328, s9;
	s9 =	sadd.s32 $0x11378, s9  }
0xb: {  	[dreg:$0x5] =	wrdreg s15;
	s5 =	sshrl.u32 s5, $0x3;
	s2 =	ssub.s32 s2, s22  }
0xc: {  	s26 =	sadd.s32 s7, s10;
	s31 =	sadd.s32 $0x2800, s6;
	s11 =	sshrl.u32 s6, $0x3  }
0xd: {  	s8 =	sshrl.u32 s29, $0x3;
	s16 =	sadd.s32 $0x5000, s6;
	s9 =	sshrl.u32 s9, $0x3  }
0xe: {  	s17 =	sadd.s32 $0x7800, s6;
	s20 =	sadd.s32 $0xA000, s6;
	s21 =	sadd.s32 $0x16800, s6  }
0xf: {  	s22 =	smul.u32 $0x2BC, s12;
	s24 =	sadd.s32 $0x14000, s6;
	s25 =	sadd.s32 $0x11800, s6  }
0x10: {  	s12 =	simm.s32 $0x8;
	s0 =	sadd.s32 s5, s0;
	s5 =	sadd.s32 s23, s1  }
0x11: {  	s28 =	sadd.s32 $0x2260, s26;
	s10 =	sshrl.u32 s31, $0x3;
	s11 =	sadd.s32 s4, s11  }
0x12: {  	s8 =	sadd.s32 s7, s8;
	s14 =	sadd.s32 $0x226A, s26;
	[dreg:$0x4] =	wrdreg s5  }
0x13: {  	s18 =	sadd.s32 s7, s9;
	s19 =	sshrl.u32 s17, $0x3;
	[dreg:$0x6] =	wrdreg s28  }
0x14: {  	s23 =	sshrl.u32 s21, $0x3;
	s2 =	smax.u32 s2, $0x1;
	[dreg:$0x7] =	wrdreg s11  }
0x15: {  	s31 =	sadd.s32 $0xC800, s6;
	s9 =	simm.s32 $0x6;
	[dreg:$0x8] =	wrdreg s8  }
0x16: {  	s13 =	sadd.s32 s4, s10;
	[dreg:$0xa] =	wrdreg s14;
	s8 =	sshrl.u32 s16, $0x3  }
0x17: {  	[dreg:$0xc] =	wrdreg s18;
	s5 =	sadd.s32 $0x2274, s26;
	s0 =	sadd.s32 $0x39000, s0  }
0x18: {  	[dreg:$0x11] =	wrdreg s2;
	s21 =	sadd.s32 s22, s7;
	s26 =	sadd.s32 $0xF000, s6  }
0x19: {  	s2 =	sshrl.u32 s25, $0x3;
	[dreg:$0x16] =	wrdreg s31;
	s16 =	simm.s32 $0x80  }
0x1a: {  	s6 =	simm.s32 $0x5280;
	s10 =	simm.s32 $0x28;
	[dreg:$0x9] =	wrdreg s13  }
0x1b: {  	s11 =	simm.s32 $0x3;
	s14 =	simm.s32 $0xA;
	[dreg:$0xe] =	wrdreg s5  }
0x1c: {  	s8 =	sadd.s32 s4, s8;
	s5 =	sshrl.u32 s20, $0x3;
	[dreg:$0x10] =	wrdreg s0  }
0x1d: {  	s0 =	sadd.s32 s23, s4;
	s28 =	sadd.s32 s2, s4;
	[dreg:$0xb] =	wrdreg s8  }
0x1e: {  	s13 =	simm.s32 $0x5;
	s2 =	simm.s32 $0x0;
	[dreg:$0x12] =	wrdreg s0  }
.Ltmp0:
0x1f: {  	s8 =	sadd.s32 s4, s19;
	[dreg:$0x14] =	wrdreg s28;
	(pc) =	sbr.rel .LBB2_1-.Ltmp0, $4  }
0x20: {  	s5 =	sadd.s32 s4, s5;
	s0 =	sshrl.u32 s24, $0x3;
	[dreg:$0xd] =	wrdreg s8  }
0x21: {  	[dreg:$0xf] =	wrdreg s5;
	s5 =	sshrl.u32 s26, $0x3;
	s0 =	sadd.s32 s0, s4  }
0x22: {  	s26 =	simm.s32 $0xB;
	[dreg:$0x13] =	wrdreg s0;
	s29 =	sadd.s32 s5, s4  }
0x23: {  	s8 =	simm.s32 $0x1;
	s5 =	simm.s32 $0x200;
	[dreg:$0x15] =	wrdreg s29  }
.LBB2_4:
0x24: {  	[bflag:$0x0] =	sbarrier.arrive $0xFFFF  }
0x25: {  	s15 =	rddreg [dreg:$0x5]  }
0x26: {  	s0 =	rddreg [dreg:$0x10]  }
0x27: {  	s16 =	simm.s32 $0x80;
	s2 =	rddreg [dreg:$0x18]  }
0x28: {  	[hbm:s0@s30], [sflag:s15] =	dma.strided [spmem:s2@s16], $0x2780, s12, $0x10   }
0x29: {  	_ =	swait.ge [sflag:s26], $0x2780  }
0x2a: {  	s29 =	rddreg [dreg:$0x17]  }
0x2b: {  	s31 =	rddreg [dreg:$0x11];
	s2 =	sadd.s32 $0x1, s29  }
0x2c: {  	p0 =	sne.s32 s2, s31  }
.Ltmp1:
0x2d: {  	_ = 	snop;
	(pc) =	sbr.rel @!p0 .LBB2_5-.Ltmp1, $3  }
0x2e: {  	_ =	sdelay $0x1  }
0x2f: {  	[sflag:s26] =	ssyncset.done $0x0  }
0x30: {  	[sflag:s26] =	ssyncadd.s32 $0xFFFFD880  }
.LBB2_1:
0x31: {  	[dreg:$0x17] =	wrdreg s2  }
0x32: {  	s0 =	rddreg [dreg:$0x4]  }
0x33: {  	s25 =	rddreg [dreg:$0x3];
	s24 =	sshrl.u32 s0, $0x3  }
0x34: {  	[dreg:$0x18] =	wrdreg s24  }
0x35: {  	[spmem:s24], [sflag:s15] =	dma.local [hbm:s25], $0x2780  }
0x36: {  	_ =	swait.ge [sflag:s26], $0x2780  }
0x37: {  	[sflag:s26] =	ssyncset.done $0x0  }
0x38: {  	[sflag:s26] =	ssyncadd.s32 $0xFFFFD880  }
0x39: {  	[bflag:$0x0] =	sbarrier.arrive $0xFFFF  }
0x3a: {  	s28 =	rddreg [dreg:$0x6]  }
0x3b: {  	s29 =	rddreg [dreg:$0x7]  }
0x3c: {  	s17 =	rddreg [dreg:$0x8]  }
0x3d: {  	s18 =	rddreg [dreg:$0x9]  }
0x3e: {  	s20 =	rddreg [dreg:$0xa]  }
0x3f: {  	s2 =	simm.s32 $0x400;
	s22 =	rddreg [dreg:$0xb]  }
0x40: {  	[tilespmem:s3], [sflag:$0x1] =	stream.linear.gather [hbm4b:s28+s3], $0x28, $0x38;
	[tilespmem:$0x1A280] =	vst v63  }
0x41: {  	s7 =	simm.s32 $0x800;
	s31 =	simm.s32 $0x280;
	s24 =	rddreg [dreg:$0xc]  }
0x42: {  	[tilespmem:s31], [sflag:$0x6] =	stream.strided.gather [hbm4b:s29+s2], $0x1400, s7, s2, $0x38;
	[tilespmem:$0x1A280] =	vst v63  }
0x43: {  	s28 =	rddreg [dreg:$0xd]  }
0x44: {  	[tilespmem:s16], [sflag:$0x2] =	stream.linear.gather [hbm4b:s17+s3], $0x28, $0x38;
	[tilespmem:$0x1A280] =	vst v63  }
0x45: {  	s19 =	simm.s32 $0x1680;
	s31 =	rddreg [dreg:$0xf]  }
0x46: {  	[tilespmem:s19], [sflag:$0x7] =	stream.strided.gather [hbm4b:s18+s2], $0x1400, s7, s2, $0x38;
	[tilespmem:$0x1A280] =	vst v63  }
0x47: {  	s19 =	rddreg [dreg:$0x12]  }
0x48: {  	[tilespmem:s30], [sflag:$0x3] =	stream.linear.gather [hbm4b:s20+s3], $0x28, $0x38;
	[tilespmem:$0x1A280] =	vst v63  }
0x49: {  	s23 =	simm.s32 $0x2A80;
	s30 =	rddreg [dreg:$0xe]  }
0x4a: {  	[tilespmem:s23], [sflag:$0x8] =	stream.strided.gather [hbm4b:s22+s2], $0x1400, s7, s2, $0x38;
	[tilespmem:$0x1A280] =	vst v63  }
0x4b: {  	s25 =	simm.s32 $0x180;
	s23 =	rddreg [dreg:$0x14]  }
0x4c: {  	[tilespmem:s25], [sflag:$0x4] =	stream.linear.gather [hbm4b:s24+s3], $0x28, $0x38;
	[tilespmem:$0x1A280] =	vst v63  }
0x4d: {  	s29 =	simm.s32 $0x3E80;
	s22 =	rddreg [dreg:$0x13]  }
0x4e: {  	[tilespmem:s29], [sflag:$0x9] =	stream.strided.gather [hbm4b:s28+s2], $0x1400, s7, s2, $0x38;
	[tilespmem:$0x1A280] =	vst v63  }
0x4f: {  	s25 =	rddreg [dreg:$0x16]  }
0x50: {  	[tilespmem:s5], [sflag:$0x5] =	stream.linear.gather [hbm4b:s30+s3], $0x28, $0x38;
	[tilespmem:$0x1A280] =	vst v63  }
0x51: {  	s20 =	simm.s32 $0x0;
	s24 =	rddreg [dreg:$0x15]  }
0x52: {  	[tilespmem:s6], [sflag:$0xA] =	stream.strided.gather [hbm4b:s31+s2], $0x1400, s7, s2, $0x38;
	[tilespmem:$0x1A280] =	vst v63  }
.LBB2_2:
0x53: {  	_ =	swait.ge [sflag:s8], $0x28  }
0x54: {  	[sflag:s8] =	ssyncset.done $0x0  }
0x55: {  	[sflag:s8] =	ssyncadd.s32 $0xFFFFFFD8  }
0x56: {  	_ =	swait.ge [sflag:s9], $0x1400  }
0x57: {  	[sflag:s9] =	ssyncset.done $0x0  }
0x58: {  	s0 =	simm.s32 $0x280;
	[sflag:s9] =	ssyncadd.s32 $0xFFFFEC00  }
0x59: {  	[spmem:s1] =	stream.indirect.scatter.add.f32 [tilespmem:s0], [sflag:$0xB], $0x80, s3, s10, $0xb8;
	[tilespmem:$0x1A280] =	vst v63  }
0x5a: {  	_ =	swait.ge [sflag:s26], $0x1400  }
0x5b: {  	p0 =	seq.s32 s20, $0x2A3;
	[sflag:s26] =	ssyncset.done $0x0  }
0x5c: {  	s7 =	simm.s32 @p0 $0x2;
	[sflag:s26] =	ssyncadd.s32 $0xFFFFEC00  }
0x5d: {  	_ =	swait.ge @p0 [sflag:s7], $0x28  }
0x5e: {  	[sflag:s7] =	ssyncset.done @p0 $0x0  }
0x5f: {  	[sflag:s7] =	ssyncadd.s32 @p0 $0xFFFFFFD8;
	s7 =	simm.s32 @p0 $0x7  }
0x60: {  	_ =	swait.ge @p0 [sflag:s7], $0x1400  }
0x61: {  	s16 =	simm.s32 @p0 $0x28;
	s17 =	simm.s32 @p0 $0x1680;
	[sflag:s7] =	ssyncset.done @p0 $0x0  }
0x62: {  	s15 =	simm.s32 @p0 $0xB;
	[sflag:s7] =	ssyncadd.s32 @p0 $0xFFFFEC00;
	s7 =	simm.s32 @p0 $0x80  }
0x63: {  	[spmem:s1] =	stream.indirect.scatter.add.f32 @p0 [tilespmem:s17], [sflag:$0xB], $0x80, s7, s16, $0xb8;
	[tilespmem:$0x1A280] =	vst v63  }
0x64: {  	_ =	swait.ge @p0 [sflag:s15], $0x1400  }
0x65: {  	s18 =	sadd.s32 @!p0 s20, s21;
	[sflag:s15] =	ssyncset.done @p0 $0x0  }
0x66: {  	s31 =	simm.s32 @!p0 $0x0;
	s7 =	sadd.s32 @!p0 $0x2279, s18;
	[sflag:s15] =	ssyncadd.s32 @p0 $0xFFFFEC00  }
0x67: {  	[tilespmem:s31], [sflag:$0x1] =	stream.linear.gather @!p0 [hbm4b:s7+s31], $0x28, $0x38;
	[tilespmem:$0x1A280] =	vst v63  }
0x68: {  	s0 =	simm.s32 @!p0 $0x280;
	s7 =	sshrl.u32 @!p0 s25, $0x3  }
0x69: {  	s17 =	simm.s32 @!p0 $0x400;
	s30 =	sadd.s32 @!p0 s4, s7;
	s7 =	simm.s32 @!p0 $0x800  }
0x6a: {  	[tilespmem:s0], [sflag:$0x6] =	stream.strided.gather @!p0 [hbm4b:s30+s17], $0x1400, s7, s17, $0x38;
	[tilespmem:$0x1A280] =	vst v63  }
0x6b: {  	s0 =	simm.s32 @!p0 $0x2  }
0x6c: {  	_ =	swait.ge @!p0 [sflag:s0], $0x28  }
0x6d: {  	[sflag:s0] =	ssyncset.done @!p0 $0x0  }
0x6e: {  	[sflag:s0] =	ssyncadd.s32 @!p0 $0xFFFFFFD8;
	s0 =	simm.s32 @!p0 $0x7  }
0x6f: {  	_ =	swait.ge @!p0 [sflag:s0], $0x1400  }
0x70: {  	s2 =	simm.s32 @!p0 $0x1680;
	s28 =	simm.s32 @!p0 $0xB;
	[sflag:s0] =	ssyncset.done @!p0 $0x0  }
0x71: {  	s30 =	simm.s32 @!p0 $0x80;
	[sflag:s0] =	ssyncadd.s32 @!p0 $0xFFFFEC00;
	s0 =	simm.s32 @!p0 $0x28  }
0x72: {  	[spmem:s1] =	stream.indirect.scatter.add.f32 @!p0 [tilespmem:s2], [sflag:$0xB], $0x80, s30, s0, $0xb8;
	[tilespmem:$0x1A280] =	vst v63  }
0x73: {  	_ =	swait.ge @!p0 [sflag:s28], $0x1400  }
0x74: {  	[sflag:s28] =	ssyncset.done @!p0 $0x0  }
0x75: {  	s29 =	sadd.s32 @!p0 $0x227E, s18;
	[sflag:s28] =	ssyncadd.s32 @!p0 $0xFFFFEC00  }
0x76: {  	[tilespmem:s30], [sflag:$0x2] =	stream.linear.gather @!p0 [hbm4b:s29+s31], $0x28, $0x38;
	[tilespmem:$0x1A280] =	vst v63  }
0x77: {  	_ = 	snop  }
0x78: {  	[tilespmem:s2], [sflag:$0x7] =	stream.strided.gather @!p0 [hbm4b:s24+s17], $0x1400, s7, s17, $0x38;
	[tilespmem:$0x1A280] =	vst v63  }
0x79: {  	_ =	swait.ge [sflag:s11], $0x28  }
0x7a: {  	[sflag:s11] =	ssyncset.done $0x0  }
0x7b: {  	[sflag:s11] =	ssyncadd.s32 $0xFFFFFFD8  }
0x7c: {  	_ =	swait.ge [sflag:s12], $0x1400  }
0x7d: {  	[sflag:s12] =	ssyncset.done $0x0  }
0x7e: {  	s30 =	simm.s32 $0x100;
	s29 =	simm.s32 $0x2A80;
	[sflag:s12] =	ssyncadd.s32 $0xFFFFEC00  }
0x7f: {  	[spmem:s1] =	stream.indirect.scatter.add.f32 [tilespmem:s29], [sflag:$0xB], $0x80, s30, s10, $0xb8;
	[tilespmem:$0x1A280] =	vst v63  }
0x80: {  	_ =	swait.ge [sflag:s26], $0x1400  }
0x81: {  	[sflag:s26] =	ssyncset.done $0x0  }
0x82: {  	s2 =	simm.s32 @p0 $0x4;
	[sflag:s26] =	ssyncadd.s32 $0xFFFFEC00  }
0x83: {  	_ =	swait.ge @p0 [sflag:s2], $0x28  }
0x84: {  	[sflag:s2] =	ssyncset.done @p0 $0x0  }
0x85: {  	[sflag:s2] =	ssyncadd.s32 @p0 $0xFFFFFFD8;
	s2 =	simm.s32 @p0 $0x9  }
0x86: {  	_ =	swait.ge @p0 [sflag:s2], $0x1400  }
0x87: {  	[sflag:s2] =	ssyncset.done @p0 $0x0  }
0x88: {  	s29 =	simm.s32 @p0 $0x3E80;
	[sflag:s2] =	ssyncadd.s32 @p0 $0xFFFFEC00;
	s2 =	simm.s32 @p0 $0x180  }
0x89: {  	[spmem:s1] =	stream.indirect.scatter.add.f32 @p0 [tilespmem:s29], [sflag:$0xB], $0x80, s2, s16, $0xb8;
	[tilespmem:$0x1A280] =	vst v63  }
0x8a: {  	_ =	swait.ge @p0 [sflag:s15], $0x1400  }
0x8b: {  	[sflag:s15] =	ssyncset.done @p0 $0x0  }
0x8c: {  	s2 =	sadd.s32 @!p0 $0x2283, s18;
	[sflag:s15] =	ssyncadd.s32 @p0 $0xFFFFEC00;
	s15 =	simm.s32 @!p0 $0x100  }
0x8d: {  	[tilespmem:s15], [sflag:$0x3] =	stream.linear.gather @!p0 [hbm4b:s2+s31], $0x28, $0x38;
	[tilespmem:$0x1A280] =	vst v63  }
0x8e: {  	s2 =	simm.s32 @!p0 $0x2A80  }
0x8f: {  	[tilespmem:s2], [sflag:$0x8] =	stream.strided.gather @!p0 [hbm4b:s23+s17], $0x1400, s7, s17, $0x38;
	[tilespmem:$0x1A280] =	vst v63  }
0x90: {  	s2 =	simm.s32 @!p0 $0x4  }
0x91: {  	_ =	swait.ge @!p0 [sflag:s2], $0x28  }
0x92: {  	[sflag:s2] =	ssyncset.done @!p0 $0x0  }
0x93: {  	[sflag:s2] =	ssyncadd.s32 @!p0 $0xFFFFFFD8;
	s2 =	simm.s32 @!p0 $0x9  }
0x94: {  	_ =	swait.ge @!p0 [sflag:s2], $0x1400  }
0x95: {  	[sflag:s2] =	ssyncset.done @!p0 $0x0  }
0x96: {  	s15 =	simm.s32 @!p0 $0x3E80;
	[sflag:s2] =	ssyncadd.s32 @!p0 $0xFFFFEC00;
	s2 =	simm.s32 @!p0 $0x180  }
0x97: {  	[spmem:s1] =	stream.indirect.scatter.add.f32 @!p0 [tilespmem:s15], [sflag:$0xB], $0x80, s2, s0, $0xb8;
	[tilespmem:$0x1A280] =	vst v63  }
0x98: {  	_ =	swait.ge @!p0 [sflag:s28], $0x1400  }
0x99: {  	[sflag:s28] =	ssyncset.done @!p0 $0x0  }
0x9a: {  	s0 =	sadd.s32 @!p0 $0x2288, s18;
	[sflag:s28] =	ssyncadd.s32 @!p0 $0xFFFFEC00  }
0x9b: {  	[tilespmem:s2], [sflag:$0x4] =	stream.linear.gather @!p0 [hbm4b:s0+s31], $0x28, $0x38;
	[tilespmem:$0x1A280] =	vst v63  }
0x9c: {  	_ = 	snop  }
0x9d: {  	[tilespmem:s15], [sflag:$0x9] =	stream.strided.gather @!p0 [hbm4b:s22+s17], $0x1400, s7, s17, $0x38;
	[tilespmem:$0x1A280] =	vst v63  }
0x9e: {  	_ =	swait.ge [sflag:s13], $0x28  }
0x9f: {  	[sflag:s13] =	ssyncset.done $0x0  }
0xa0: {  	[sflag:s13] =	ssyncadd.s32 $0xFFFFFFD8  }
0xa1: {  	_ =	swait.ge [sflag:s14], $0x1400  }
0xa2: {  	[sflag:s14] =	ssyncset.done $0x0  }
.Ltmp2:
0xa3: {  	[sflag:s14] =	ssyncadd.s32 $0xFFFFEC00;
	(pc) =	sbr.rel @p0 .LBB2_4-.Ltmp2, $4  }
0xa4: {  	[spmem:s1] =	stream.indirect.scatter.add.f32 [tilespmem:s6], [sflag:$0xB], $0x80, s5, s10, $0xb8;
	[tilespmem:$0x1A280] =	vst v63  }
0xa5: {  	_ =	swait.ge [sflag:s26], $0x1400  }
0xa6: {  	[sflag:s26] =	ssyncset.done $0x0  }
0xa7: {  	[sflag:s26] =	ssyncadd.s32 $0xFFFFEC00  }
0xa8: {  	s0 =	sadd.s32 s20, s21;
	s31 =	simm.s32 $0x400  }
.Ltmp3:
0xa9: {  	s2 =	simm.s32 $0x800;
	s0 =	sadd.s32 $0x228D, s0;
	(pc) =	sbr.rel .LBB2_2-.Ltmp3, $4  }
0xaa: {  	[tilespmem:s5], [sflag:$0x5] =	stream.linear.gather [hbm4b:s0+s3], $0x28, $0x38;
	[tilespmem:$0x1A280] =	vst v63  }
0xab: {  	s20 =	sadd.s32 $0x19, s20;
	s22 =	sadd.s32 $0x1900, s22;
	s23 =	sadd.s32 $0x1900, s23  }
0xac: {  	[tilespmem:s6], [sflag:$0xA] =	stream.strided.gather [hbm4b:s19+s31], $0x1400, s2, s31, $0x38;
	[tilespmem:$0x1A280] =	vst v63  }
0xad: {  	s24 =	sadd.s32 $0x1900, s24;
	s25 =	sadd.s32 $0xC800, s25;
	s19 =	sadd.s32 $0x1900, s19  }
.LBB2_5:
0xae: {  	_ =	sfence.sel $0x180000  }
0xaf: {  	[bflag:$0x0] =	sbarrier.arrive $0xFFFF  }
0xb0: {  	_ =	strace $0x9000004D  }
0xb1: {  	s0 =	stileid.u32;
	[bflag:$0x2] =	sbarrier.arrive $0xFFFF  }
0xb2: {  	p0 =	sne.s32 s0, $0x0;
	s0 =	rddreg [dreg:$0x2]  }
0xb3: {  	s0 =	sadd.s32 @!p0 $0x100000, s0  }
0xb4: {  	[sflag:s0] =	ssyncadd.tile.s32 @!p0 $0x1;
	_ =	shalt  }
.Lfunc_end2:
_tile_overlayer_lowered:
.L_overlay_start_2:
0xb5: {  	(tag) =	ssettag $0x2  }
0xb6: {  	s0 =	rddreg [dreg:$0x0];
	s2 =	stileid.u32  }
0xb7: {  	s1 =	rddreg [dreg:$0x1];
	p0 =	sne.s32 s2, $0x0  }
0xb8: {  	s3 =	rddreg [dreg:$0x2];
	[bflag:$0x3] =	sbarrier.arrive $0xFFFF;
	s2 =	simm.s32 @!p0 $0x1C0B  }
0xb9: {  	[timem:s3], [sflag:s2] =	dma.local @!p0 [hbm:s0], s1  }
0xba: {  	s0 =	simm.s32 @!p0 $0xB  }
0xbb: {  	_ =	swait.ge @!p0 [sflag:s0], s1  }
0xbc: {  	s1 =	ssub.s32 @!p0 $0x0, s1;
	[sflag:s0] =	ssyncset.done @!p0 $0x0  }
0xbd: {  	[sflag:s0] =	ssyncadd.s32 @!p0 s1  }
0xbe: {  	[bflag:$0x3] =	sbarrier.arrive $0xFFFF  }
0xbf: {  	_ =	shalt  }

</sc_bundles>
